<compile_context>
chip_gen: v7x
topology: tpu7x:2x2x1
jax: 0.10.2.dev20260603
libtpu: 0.0.44.dev20260713+nightly
codegen_flags: <defaults>
</compile_context>

<pallas_src>
import functools

import jax
import jax.numpy as jnp
from jax import lax
from jax.experimental import pallas as pl
from jax.experimental.pallas import tpu as pltpu
from jax.experimental.pallas import tpu_sc as plsc

_N_CLASS = 20
_S = 96
_CELLS = _S * _S
_ROWS = _CELLS // 128
_MAX_OUT = 30
_IOU_T = 0.4
_SCORE_T = 0.1
_NEG_INF = float("-inf")
_BIG = 1 << 30

_BD1 = _N_CLASS * _CELLS
_BD2 = _BD1 + 2 * _CELLS
_HALF = _CELLS // 2
_GROUPS = _HALF // 16



def _sc_body(net_hbm, out_hbm, inbuf, outbuf, insem, outsems):
    cid = lax.axis_index("c")
    sid = lax.axis_index("s")
    wid = sid * 2 + cid
    img = wid // 2
    half = wid % 2
    lanes = lax.broadcasted_iota(jnp.int32, (16,), 0)

    regions = ((0, _N_CLASS, 0, 0),
               (_BD1, 2, _N_CLASS, _HALF * _N_CLASS),
               (_BD2, 8, _N_CLASS + 2, 0))

    def in_copy(ridx):
        base, nch, _, ioff = regions[ridx]
        nwords = _HALF * nch
        cp = pltpu.make_async_copy(
            net_hbm.at[img, pl.ds(base + half * nwords, nwords)],
            inbuf.at[pl.ds(ioff, nwords)], insem)
        cp.start()
        return cp

    incps = [in_copy(0), in_copy(1), None]
    pending = [None, None]

    for ridx, (base, nch, chbase, ioff) in enumerate(regions):
        if ridx == 1:
            incps[2] = in_copy(2)
        incps[ridx].wait()
        for c in range(nch):
            gc = chbase + c
            par = gc % 2
            step = jnp.int32(16 * nch)
            if pending[par] is not None:
                pending[par].wait()
                pending[par] = None

            def gbody(g, idx, _par=par):
                v = plsc.load_gather(inbuf, [idx])
                outbuf[_par, pl.ds(g * 16, 16)] = v
                return idx + step

            lax.fori_loop(0, _GROUPS, gbody, lanes * nch + c + ioff)
            cp = pltpu.make_async_copy(
                outbuf.at[par],
                out_hbm.at[img, gc, pl.ds(half * _HALF, _HALF)],
                outsems.at[par])
            cp.start()
            pending[par] = cp
    for par in range(2):
        if pending[par] is not None:
            pending[par].wait()


def _sc_deinterleave(net_outs):
    B = net_outs.shape[0]
    mesh = plsc.VectorSubcoreMesh(core_axis_name="c", subcore_axis_name="s")
    k = functools.partial(
        pl.kernel, mesh=mesh,
        compiler_params=pltpu.CompilerParams(needs_layout_passes=False),
        out_type=jax.ShapeDtypeStruct((B, 30, _CELLS), jnp.float32),
        scratch_types=[
            pltpu.VMEM((_HALF * (_N_CLASS + 2),), jnp.float32),
            pltpu.VMEM((2, _HALF), jnp.float32),
            pltpu.SemaphoreType.DMA,
            pltpu.SemaphoreType.DMA((2,)),
        ],
    )(_sc_body)
    return k(net_outs)



def _rmax(a):
    return jnp.max(jnp.max(a, axis=2, keepdims=True), axis=1, keepdims=True)


def _rmin_i(a):
    return jnp.min(jnp.min(a, axis=2, keepdims=True), axis=1, keepdims=True)


def _rsum(a):
    return jnp.sum(jnp.sum(a, axis=2, keepdims=True), axis=1, keepdims=True)


def _nms_kernel(feat_ref, wf_ref, hf_ref, out_ref, rows_scr):
    B = feat_ref.shape[0]
    wf = wf_ref[...][None]
    hf = hf_ref[...][None]

    def split_decode(s):
        conf = feat_ref[:, _N_CLASS + s]
        tx = feat_ref[:, _N_CLASS + 2 + 4 * s + 0]
        ty = feat_ref[:, _N_CLASS + 2 + 4 * s + 1]
        tw = feat_ref[:, _N_CLASS + 2 + 4 * s + 2]
        th = feat_ref[:, _N_CLASS + 2 + 4 * s + 3]
        xc = (tx + wf) / jnp.float32(_S)
        yc = (ty + hf) / jnp.float32(_S)
        wb = tw * tw
        hb = th * th
        y1 = yc - hb / 2.0
        x1 = xc - wb / 2.0
        y2 = yc + hb / 2.0
        x2 = xc + wb / 2.0
        best = conf * feat_ref[:, 0]
        cls = jnp.zeros_like(best)
        for c in range(1, _N_CLASS):
            p = conf * feat_ref[:, c]
            cls = jnp.where(p > best, jnp.float32(c), cls)
            best = jnp.maximum(best, p)
        score = jnp.where(best >= _SCORE_T, best, jnp.float32(0.0))
        area = (y2 - y1) * (x2 - x1)
        return y1, x1, y2, x2, score, cls, area

    y1_0, x1_0, y2_0, x2_0, sc0, cl0, ar0 = split_decode(0)
    y1_1, x1_1, y2_1, x2_1, sc1, cl1, ar1 = split_decode(1)

    rowi = jax.lax.broadcasted_iota(jnp.int32, (1, _ROWS, 1), 1)
    lanei = jax.lax.broadcasted_iota(jnp.int32, (1, 1, 128), 2)

    rows_scr[...] = jnp.zeros((B, 32, 128), jnp.float32)

    def argmax2(w):
        rowmax = jnp.max(w, axis=2, keepdims=True)
        bst = jnp.max(rowmax, axis=1, keepdims=True)
        r = jnp.min(jnp.where(rowmax == bst, rowi, _BIG),
                    axis=1, keepdims=True)
        rowsel = rowi == r
        lanevals = jnp.sum(jnp.where(rowsel, w, 0.0),
                           axis=1, keepdims=True)
        lane = jnp.min(jnp.where(lanevals == bst, lanei, _BIG),
                       axis=2, keepdims=True)
        return bst, r, lane, rowsel

    def body(i, carry):
        w0, w1 = carry
        best0, r0, l0, rowsel0 = argmax2(w0)
        best1, r1, l1, rowsel1 = argmax2(w1)
        best = jnp.maximum(best0, best1)
        n0 = jnp.where(best0 == best, (r0 * 128 + l0) * 2, _BIG)
        n1 = jnp.where(best1 == best, (r1 * 128 + l1) * 2 + 1, _BIG)
        nwin = jnp.minimum(n0, n1)
        pick0 = nwin == n0
        valid = best > _NEG_INF
        lanesel0 = lanei == l0
        lanesel1 = lanei == l1

        def ext(a0, a1):
            rv0 = jnp.sum(jnp.where(rowsel0, a0, 0.0), axis=1, keepdims=True)
            rv1 = jnp.sum(jnp.where(rowsel1, a1, 0.0), axis=1, keepdims=True)
            v0 = jnp.sum(jnp.where(lanesel0, rv0, 0.0), axis=2, keepdims=True)
            v1 = jnp.sum(jnp.where(lanesel1, rv1, 0.0), axis=2, keepdims=True)
            return jnp.where(pick0, v0, v1)

        y1b = ext(y1_0, y1_1)
        x1b = ext(x1_0, x1_1)
        y2b = ext(y2_0, y2_1)
        x2b = ext(x2_0, x2_1)
        clb = ext(cl0, cl1)
        a1b = (y2b - y1b) * (x2b - x1b)

        def supp(w, ys1, xs1, ys2, xs2, a2, picks, rowsel, lanesel):
            yi1 = jnp.maximum(y1b, ys1)
            xi1 = jnp.maximum(x1b, xs1)
            yi2 = jnp.minimum(y2b, ys2)
            xi2 = jnp.minimum(x2b, xs2)
            inter = (jnp.maximum(yi2 - yi1, 0.0)
                     * jnp.maximum(xi2 - xi1, 0.0))
            denom = jnp.maximum(a1b + a2 - inter, jnp.float32(1e-9))
            iou = inter / denom
            selfm = jnp.logical_and(picks,
                                    jnp.logical_and(rowsel, lanesel))
            kill = jnp.logical_and(valid,
                                   jnp.logical_or(iou > _IOU_T, selfm))
            return jnp.where(kill, _NEG_INF, w)

        w0 = supp(w0, y1_0, x1_0, y2_0, x2_0, ar0,
                  pick0, rowsel0, lanesel0)
        w1 = supp(w1, y1_1, x1_1, y2_1, x2_1, ar1,
                  jnp.logical_not(pick0), rowsel1, lanesel1)

        scb = jnp.where(valid, best, jnp.float32(0.0))
        row6 = jnp.concatenate([y1b, x1b, y2b, x2b, scb, clb], axis=2)
        row6 = jnp.where(valid, row6, jnp.float32(0.0))
        rowp = jnp.concatenate(
            [row6, jnp.zeros((B, 1, 122), jnp.float32)], axis=2)
        rows_scr[:, pl.ds(i, 1), :] = rowp
        return (w0, w1)

    jax.lax.fori_loop(0, _MAX_OUT, body, (sc0, sc1))

    rows_all = rows_scr[...]
    lane = jax.lax.broadcasted_iota(jnp.int32, (1, 1, 128), 2)
    scores = jnp.sum(jnp.where(lane == 4, rows_all, 0.0),
                     axis=2, keepdims=True)
    col = jax.lax.broadcasted_iota(jnp.int32, (1, 32, 1), 1)

    def sbody(k, sc):
        smax = jnp.max(sc, axis=1, keepdims=True)
        kidx = jnp.min(jnp.where(sc == smax, col, jnp.int32(99)),
                       axis=1, keepdims=True)
        selk = col == kidx
        outrow = jnp.sum(jnp.where(selk, rows_all, 0.0),
                         axis=1, keepdims=True)
        out_ref[:, pl.ds(k, 1), :] = outrow
        return jnp.where(selk, jnp.float32(-1.0), sc)

    jax.lax.fori_loop(0, _MAX_OUT, sbody, scores)


def _mesh_consts():
    cellv = jnp.arange(_CELLS, dtype=jnp.int32)
    wf = (cellv % _S).astype(jnp.float32).reshape(_ROWS, 128)
    hf = (cellv // _S).astype(jnp.float32).reshape(_ROWS, 128)
    return wf, hf


def kernel(net_outs):
    B = net_outs.shape[0]
    feat = _sc_deinterleave(net_outs).reshape(B, 30, _ROWS, 128)
    wf, hf = _mesh_consts()
    out = pl.pallas_call(
        _nms_kernel,
        out_shape=jax.ShapeDtypeStruct((B, 32, 128), jnp.float32),
        scratch_shapes=[pltpu.VMEM((B, 32, 128), jnp.float32)],
    )(feat, wf, hf)
    return out[:, :_MAX_OUT, :6]

# --- scband reference (transcript-rebuilt; emitter-appended) ---
"""Pipeline reference for scband-detection-13056700580348 (READ-ONLY COPY).

The authoritative reference and input builder live on the scoring server;
editing this copy changes nothing except your own understanding.
"""

import jax, jax.numpy as jnp
import numpy as np

N_CLASS = 20
N_BOX = 2
S = 96
BATCH = 16
MAX_OUT = 30
IOU_T = 0.4
SCORE_T = 0.1
D = S * S * (5 * N_BOX + N_CLASS)


def setup_inputs(seed: int = 0) -> dict:
    key = jax.random.key(seed)
    net_outs = jax.random.uniform(key, (BATCH, D), dtype=jnp.float32)
    return {"net_outs": net_outs}


def _parse(net_outs):
    B = net_outs.shape[0]
    bd1 = N_CLASS * S * S
    bd2 = bd1 + N_BOX * S * S
    cell_c = net_outs[:, :bd1].reshape(B, S, S, N_CLASS)
    boxes_conf = net_outs[:, bd1:bd2].reshape(B, S, S, N_BOX)
    boxes_coord = net_outs[:, bd2:].reshape(B, S, S, N_BOX, 4)
    t_xy = boxes_coord[..., 0:2]
    t_wh = boxes_coord[..., 2:4]
    w_index = jnp.tile(jnp.arange(S).reshape(1, -1), (S, 1))
    h_index = jnp.tile(jnp.arange(S).reshape(-1, 1), (1, S))
    mesh = jnp.stack([w_index, h_index], axis=-1).astype(jnp.float32)
    mesh = jnp.tile(mesh[:, :, None, :], (1, 1, N_BOX, 1))
    mesh = jnp.broadcast_to(mesh[None], (B, S, S, N_BOX, 2))
    boxes_xy = (t_xy + mesh) / float(S)
    boxes_wh = jnp.square(t_wh)  # wh_sqrt=True
    bmin = boxes_xy - boxes_wh / 2.0
    bmax = boxes_xy + boxes_wh / 2.0
    corner = jnp.concatenate([bmin[..., 1:2], bmin[..., 0:1], bmax[..., 1:2], bmax[..., 0:1]], axis=-1)
    conf = boxes_conf[..., None]
    probs = jnp.tile(cell_c[..., None, :], (1, 1, 1, N_BOX, 1))
    return jnp.concatenate([corner, conf, probs], axis=-1)


def _iou_vec(box, boxes):
    y1 = jnp.maximum(box[0], boxes[:, 0])
    x1 = jnp.maximum(box[1], boxes[:, 1])
    y2 = jnp.minimum(box[2], boxes[:, 2])
    x2 = jnp.minimum(box[3], boxes[:, 3])
    inter = jnp.maximum(y2 - y1, 0.0) * jnp.maximum(x2 - x1, 0.0)
    a1 = (box[2] - box[0]) * (box[3] - box[1])
    a2 = (boxes[:, 2] - boxes[:, 0]) * (boxes[:, 3] - boxes[:, 1])
    return inter / jnp.maximum(a1 + a2 - inter, 1e-9)


def _nms_single(batch_item):
    # batch_item: [N, 6] = (y1, x1, y2, x2, score, class)
    boxes = batch_item[:, 0:4]
    n = boxes.shape[0]
    neg_inf = jnp.float32(-jnp.inf)

    def body(work, _):
        idx = jnp.argmax(work)
        best = work[idx]
        valid = best > neg_inf
        row = jnp.where(valid, batch_item[idx], jnp.zeros((6,), jnp.float32))
        iou = _iou_vec(boxes[idx], boxes)
        suppress = jnp.logical_or(iou > IOU_T, jnp.arange(n) == idx)
        work = jnp.where(jnp.logical_and(valid, suppress), neg_inf, work)
        return work, row

    _, rows = jax.lax.scan(body, batch_item[:, 4], None, length=MAX_OUT)
    # pad2max_output_size branch: re-sort padded rows by score (top_k sorted)
    vals, tidx = jax.lax.top_k(rows[:, 4], MAX_OUT)
    return jnp.take(rows, tidx, axis=0)


def reference(net_outs):
    # inference branch of K.in_train_phase: _get_dets
    preds = _parse(net_outs)
    boxes_c_score = preds[..., 4:5] * preds[..., 5:]
    boxes_c = jnp.argmax(boxes_c_score, axis=-1).astype(jnp.float32)
    boxes_score = jnp.max(boxes_c_score, axis=-1)
    score_mask = boxes_score >= SCORE_T
    boxes_score = score_mask.astype(jnp.float32) * boxes_score
    pst = jnp.concatenate([preds[..., :4], boxes_score[..., None], boxes_c[..., None]], axis=-1)
    pst = pst.reshape(net_outs.shape[0], S * S * N_BOX, 6)
    dets = jax.vmap(_nms_single)(pst)
    return dets

if __name__ == "__main__":
    import jax
    _d = setup_inputs()
    print(jax.jit(kernel)(*tuple(_d.values())))

</pallas_src>

<mosaic_0001>
#map = affine_map<(d0, d1) -> (0, 0)>
#map1 = affine_map<(d0, d1) -> (0, 0, 0)>
module attributes {stable_mosaic.version = 14 : i64} {
  func.func @_sc_body(%arg0: i32, %arg1: i32, %arg2: memref<16x276480xf32, #tpu.memory_space<hbm>>, %arg3: memref<16x30x9216xf32, #tpu.memory_space<hbm>>, %arg4: memref<101376xf32, #tpu.memory_space<vmem>>, %arg5: memref<2x4608xf32, #tpu.memory_space<vmem>>, %arg6: memref<!tpu.dma_semaphore, #tpu.memory_space<semaphore_mem>>, %arg7: memref<2x!tpu.dma_semaphore, #tpu.memory_space<semaphore_mem>>) attributes {dimension_semantics = [#tpu.dimension_semantics<core_parallel>, #tpu.dimension_semantics<subcore_parallel>], iteration_bounds = array<i64: 2, 16>, scalar_prefetch = 0 : i64, scratch_operands = 4 : i64, tpu.core_type = #tpu.core_type<sc_vector_subcore>, window_params = [{transform_indices = #map}, {transform_indices = #map1}]} {
    %mul3A = arith.constant 2 : i32
    %mul3A_0 = arith.muli %arg1, %mul3A : i32
    %add3A = arith.addi %mul3A_0, %arg0 : i32
    %jit3A = arith.constant 2 : i32
    %div3A = arith.divsi %add3A, %jit3A : i32
    %sign3A = arith.constant 0 : i32
    %sign3A_1 = arith.cmpi sgt, %add3A, %sign3A : i32
    %sign3A_2 = arith.extui %sign3A_1 : i1 to i32
    %sign3A_3 = arith.constant 0 : i32
    %sign3A_4 = arith.cmpi slt, %add3A, %sign3A_3 : i32
    %sign3A_5 = arith.extui %sign3A_4 : i1 to i32
    %sign3A_6 = arith.subi %sign3A_2, %sign3A_5 : i32
    %sign3A_7 = arith.constant 0 : i32
    %sign3A_8 = arith.cmpi sgt, %jit3A, %sign3A_7 : i32
    %sign3A_9 = arith.extui %sign3A_8 : i1 to i32
    %sign3A_10 = arith.constant 0 : i32
    %sign3A_11 = arith.cmpi slt, %jit3A, %sign3A_10 : i32
    %sign3A_12 = arith.extui %sign3A_11 : i1 to i32
    %sign3A_13 = arith.subi %sign3A_9, %sign3A_12 : i32
    %ne3A = arith.cmpi ne, %sign3A_6, %sign3A_13 : i32
    %rem3A = arith.remsi %add3A, %jit3A : i32
    %ne3A_14 = arith.constant 0 : i32
    %ne3A_15 = arith.cmpi ne, %rem3A, %ne3A_14 : i32
    %and3A = arith.andi %ne3A, %ne3A_15 : i1
    %sub3A = arith.constant 1 : i32
    %sub3A_16 = arith.subi %div3A, %sub3A : i32
    %select_n3A = arith.select %and3A, %sub3A_16, %div3A : i32
    %jit3A_17 = arith.constant 2 : i32
    %eq3A = arith.constant 0 : i32
    %eq3A_18 = arith.cmpi eq, %jit3A_17, %eq3A : i32
    %jit3A_19 = arith.constant 1 : i32
    %select_n3A_20 = arith.select %eq3A_18, %jit3A_19, %jit3A_17 : i32
    %rem3A_21 = arith.remsi %add3A, %select_n3A_20 : i32
    %ne3A_22 = arith.constant 0 : i32
    %ne3A_23 = arith.cmpi ne, %rem3A_21, %ne3A_22 : i32
    %lt3A = arith.constant 0 : i32
    %lt3A_24 = arith.cmpi slt, %rem3A_21, %lt3A : i32
    %lt3A_25 = arith.constant 0 : i32
    %lt3A_26 = arith.cmpi slt, %select_n3A_20, %lt3A_25 : i32
    %ne3A_27 = arith.xori %lt3A_24, %lt3A_26 : i1
    %and3A_28 = arith.andi %ne3A_27, %ne3A_23 : i1
    %add3A_29 = arith.addi %rem3A_21, %select_n3A_20 : i32
    %select_n3A_30 = arith.select %and3A_28, %add3A_29, %rem3A_21 : i32
    %iota3A = tpu.iota {dimensions = array<i32: 0>} : vector<16xi32>
    %mul3A_31 = arith.constant 92160 : i32
    %mul3A_32 = arith.muli %select_n3A_30, %mul3A_31 : i32
    %add3A_33 = arith.constant 0 : i32
    %add3A_34 = arith.addi %add3A_33, %mul3A_32 : i32
    %dma_start3A = arith.constant 0 : i32
    %dma_start3A_35 = tpu.memref_slice %arg4[%dma_start3A] : memref<101376xf32, #tpu.memory_space<vmem>> -> memref<92160xf32, #tpu.memory_space<vmem>>
    %dma_start3A_36 = tpu.memref_slice %arg2[%select_n3A, %add3A_34] : memref<16x276480xf32, #tpu.memory_space<hbm>> -> memref<1x92160xf32, #tpu.memory_space<hbm>>
    %dma_start3A_37 = tpu.memref_squeeze %dma_start3A_36 : memref<1x92160xf32, #tpu.memory_space<hbm>> -> memref<92160xf32, #tpu.memory_space<hbm>>
    %dma_start3A_38 = arith.constant 0 : i32
    %dma_start3A_39 = tpu.memref_slice %arg4[%dma_start3A_38] : memref<101376xf32, #tpu.memory_space<vmem>> -> memref<92160xf32, #tpu.memory_space<vmem>>
    %dma_start3A_40 = tpu.memref_slice %arg2[%select_n3A, %add3A_34] : memref<16x276480xf32, #tpu.memory_space<hbm>> -> memref<1x92160xf32, #tpu.memory_space<hbm>>
    %dma_start3A_41 = tpu.memref_squeeze %dma_start3A_40 : memref<1x92160xf32, #tpu.memory_space<hbm>> -> memref<92160xf32, #tpu.memory_space<hbm>>
    tpu.enqueue_dma source(%dma_start3A_41 : memref<92160xf32, #tpu.memory_space<hbm>>) target(%dma_start3A_39 : memref<92160xf32, #tpu.memory_space<vmem>>) target_semaphore(%arg6 : memref<!tpu.dma_semaphore, #tpu.memory_space<semaphore_mem>>)
    %mul3A_42 = arith.constant 9216 : i32
    %mul3A_43 = arith.muli %select_n3A_30, %mul3A_42 : i32
    %add3A_44 = arith.constant 184320 : i32
    %add3A_45 = arith.addi %add3A_44, %mul3A_43 : i32
    %dma_start3A_46 = arith.constant 92160 : i32
    %dma_start3A_47 = tpu.memref_slice %arg4[%dma_start3A_46] : memref<101376xf32, #tpu.memory_space<vmem>> -> memref<9216xf32, #tpu.memory_space<vmem>>
    %dma_start3A_48 = tpu.memref_slice %arg2[%select_n3A, %add3A_45] : memref<16x276480xf32, #tpu.memory_space<hbm>> -> memref<1x9216xf32, #tpu.memory_space<hbm>>
    %dma_start3A_49 = tpu.memref_squeeze %dma_start3A_48 : memref<1x9216xf32, #tpu.memory_space<hbm>> -> memref<9216xf32, #tpu.memory_space<hbm>>
    %dma_start3A_50 = arith.constant 92160 : i32
    %dma_start3A_51 = tpu.memref_slice %arg4[%dma_start3A_50] : memref<101376xf32, #tpu.memory_space<vmem>> -> memref<9216xf32, #tpu.memory_space<vmem>>
    %dma_start3A_52 = tpu.memref_slice %arg2[%select_n3A, %add3A_45] : memref<16x276480xf32, #tpu.memory_space<hbm>> -> memref<1x9216xf32, #tpu.memory_space<hbm>>
    %dma_start3A_53 = tpu.memref_squeeze %dma_start3A_52 : memref<1x9216xf32, #tpu.memory_space<hbm>> -> memref<9216xf32, #tpu.memory_space<hbm>>
    tpu.enqueue_dma source(%dma_start3A_53 : memref<9216xf32, #tpu.memory_space<hbm>>) target(%dma_start3A_51 : memref<9216xf32, #tpu.memory_space<vmem>>) target_semaphore(%arg6 : memref<!tpu.dma_semaphore, #tpu.memory_space<semaphore_mem>>)
    %dma_wait3A = arith.constant 0 : i32
    %dma_wait3A_54 = tpu.memref_slice %arg4[%dma_wait3A] : memref<101376xf32, #tpu.memory_space<vmem>> -> memref<92160xf32, #tpu.memory_space<vmem>>
    %dma_wait3A_55 = tpu.memref_slice %arg2[%select_n3A, %add3A_34] : memref<16x276480xf32, #tpu.memory_space<hbm>> -> memref<1x92160xf32, #tpu.memory_space<hbm>>
    %dma_wait3A_56 = tpu.memref_squeeze %dma_wait3A_55 : memref<1x92160xf32, #tpu.memory_space<hbm>> -> memref<92160xf32, #tpu.memory_space<hbm>>
    %dma_wait3A_57 = arith.constant 0 : i32
    %dma_wait3A_58 = tpu.memref_slice %arg4[%dma_wait3A_57] : memref<101376xf32, #tpu.memory_space<vmem>> -> memref<92160xf32, #tpu.memory_space<vmem>>
    %dma_wait3A_59 = tpu.memref_slice %arg2[%select_n3A, %add3A_34] : memref<16x276480xf32, #tpu.memory_space<hbm>> -> memref<1x92160xf32, #tpu.memory_space<hbm>>
    %dma_wait3A_60 = tpu.memref_squeeze %dma_wait3A_59 : memref<1x92160xf32, #tpu.memory_space<hbm>> -> memref<92160xf32, #tpu.memory_space<hbm>>
    tpu.wait_dma2 semaphore(%arg6 : memref<!tpu.dma_semaphore, #tpu.memory_space<semaphore_mem>>) src(%dma_wait3A_60 : memref<92160xf32, #tpu.memory_space<hbm>>) dst(%dma_wait3A_58 : memref<92160xf32, #tpu.memory_space<vmem>>)
    %mul3A_61 = arith.constant 20 : i32
    %mul3A_62 = vector.broadcast %mul3A_61 : i32 to vector<16xi32>
    %mul3A_63 = arith.muli %iota3A, %mul3A_62 : vector<16xi32>
    %add3A_64 = arith.constant 0 : i32
    %add3A_65 = vector.broadcast %add3A_64 : i32 to vector<16xi32>
    %add3A_66 = arith.addi %mul3A_63, %add3A_65 : vector<16xi32>
    %add3A_67 = arith.constant 0 : i32
    %add3A_68 = vector.broadcast %add3A_67 : i32 to vector<16xi32>
    %add3A_69 = arith.addi %add3A_66, %add3A_68 : vector<16xi32>
    %scan3A = arith.constant 320 : i32
    %scan3A_70 = arith.constant 0 : i32
    %scan3A_71 = arith.constant 288 : i32
    %scan3A_72 = arith.addi %scan3A_70, %scan3A_71 : i32
    %scan3A_73 = arith.constant 1 : i32
    %scan3A_74 = scf.for %scan3A_1528 = %scan3A_70 to %scan3A_72 step %scan3A_73 iter_args(%scan3A_1529 = %add3A_69) -> (vector<16xi32>)  : i32 {
      %gather3A = tpu.vector_load_idx %arg4[%scan3A_1529] : memref<101376xf32, #tpu.memory_space<vmem>>[vector<16xi32>], vector<16xf32>,
      %mul3A_1530 = arith.constant 16 : i32
      %mul3A_1531 = arith.muli %scan3A_1528, %mul3A_1530 : i32
      %swap3A = arith.constant 0 : i32
      %swap3A_1532 = arith.index_cast %swap3A : i32 to index
      %swap3A_1533 = arith.index_cast %mul3A_1531 : i32 to index
      %swap3A_1534 = tpu.vector_load %arg5[%swap3A_1532, %swap3A_1533] {strides = array<i32>} : memref<2x4608xf32, #tpu.memory_space<vmem>>, vector<16xf32>,
      tpu.vector_store %arg5[%swap3A_1532, %swap3A_1533], %gather3A {strides = array<i32>} : memref<2x4608xf32, #tpu.memory_space<vmem>>, vector<16xf32>,
      %add3A_1535 = vector.broadcast %scan3A : i32 to vector<16xi32>
      %add3A_1536 = arith.addi %scan3A_1529, %add3A_1535 : vector<16xi32>
      scf.yield %add3A_1536 : vector<16xi32>
    }
    %scan3A_75 = arith.constant 288 : i32
    %mul3A_76 = arith.constant 4608 : i32
    %mul3A_77 = arith.muli %select_n3A_30, %mul3A_76 : i32
    %dma_start3A_78 = arith.constant 0 : i32
    %dma_start3A_79 = arith.constant 0 : i32
    %dma_start3A_80 = arith.constant 0 : i32
    %dma_start3A_81 = arith.constant 0 : i32
    %dma_start3A_82 = tpu.memref_slice %arg5[%dma_start3A_78, %dma_start3A_81] : memref<2x4608xf32, #tpu.memory_space<vmem>> -> memref<1x4608xf32, #tpu.memory_space<vmem>>
    %dma_start3A_83 = tpu.memref_squeeze %dma_start3A_82 : memref<1x4608xf32, #tpu.memory_space<vmem>> -> memref<4608xf32, #tpu.memory_space<vmem>>
    %dma_start3A_84 = tpu.memref_slice %arg3[%select_n3A, %dma_start3A_79, %mul3A_77] : memref<16x30x9216xf32, #tpu.memory_space<hbm>> -> memref<1x1x4608xf32, #tpu.memory_space<hbm>>
    %dma_start3A_85 = tpu.memref_squeeze %dma_start3A_84 : memref<1x1x4608xf32, #tpu.memory_space<hbm>> -> memref<4608xf32, #tpu.memory_space<hbm>>
    %dma_start3A_86 = tpu.memref_slice %arg7[%dma_start3A_80] : memref<2x!tpu.dma_semaphore, #tpu.memory_space<semaphore_mem>> -> memref<1x!tpu.dma_semaphore, #tpu.memory_space<semaphore_mem>>
    %dma_start3A_87 = tpu.memref_squeeze %dma_start3A_86 : memref<1x!tpu.dma_semaphore, #tpu.memory_space<semaphore_mem>> -> memref<!tpu.dma_semaphore, #tpu.memory_space<semaphore_mem>>
    %dma_start3A_88 = tpu.memref_slice %arg3[%select_n3A, %dma_start3A_79, %mul3A_77] : memref<16x30x9216xf32, #tpu.memory_space<hbm>> -> memref<1x1x4608xf32, #tpu.memory_space<hbm>>
    %dma_start3A_89 = tpu.memref_squeeze %dma_start3A_88 : memref<1x1x4608xf32, #tpu.memory_space<hbm>> -> memref<4608xf32, #tpu.memory_space<hbm>>
    %dma_start3A_90 = arith.constant 0 : i32
    %dma_start3A_91 = tpu.memref_slice %arg5[%dma_start3A_78, %dma_start3A_90] : memref<2x4608xf32, #tpu.memory_space<vmem>> -> memref<1x4608xf32, #tpu.memory_space<vmem>>
    %dma_start3A_92 = tpu.memref_squeeze %dma_start3A_91 : memref<1x4608xf32, #tpu.memory_space<vmem>> -> memref<4608xf32, #tpu.memory_space<vmem>>
    tpu.enqueue_dma source(%dma_start3A_92 : memref<4608xf32, #tpu.memory_space<vmem>>) target(%dma_start3A_89 : memref<4608xf32, #tpu.memory_space<hbm>>) target_semaphore(%dma_start3A_87 : memref<!tpu.dma_semaphore, #tpu.memory_space<semaphore_mem>>)
    %mul3A_93 = arith.constant 20 : i32
    %mul3A_94 = vector.broadcast %mul3A_93 : i32 to vector<16xi32>
    %mul3A_95 = arith.muli %iota3A, %mul3A_94 : vector<16xi32>
    %add3A_96 = arith.constant 1 : i32
    %add3A_97 = vector.broadcast %add3A_96 : i32 to vector<16xi32>
    %add3A_98 = arith.addi %mul3A_95, %add3A_97 : vector<16xi32>
    %add3A_99 = arith.constant 0 : i32
    %add3A_100 = vector.broadcast %add3A_99 : i32 to vector<16xi32>
    %add3A_101 = arith.addi %add3A_98, %add3A_100 : vector<16xi32>
    %scan3A_102 = arith.constant 320 : i32
    %scan3A_103 = arith.constant 0 : i32
    %scan3A_104 = arith.constant 288 : i32
    %scan3A_105 = arith.addi %scan3A_103, %scan3A_104 : i32
    %scan3A_106 = arith.constant 1 : i32
    %scan3A_107 = scf.for %scan3A_1528 = %scan3A_103 to %scan3A_105 step %scan3A_106 iter_args(%scan3A_1529 = %add3A_101) -> (vector<16xi32>)  : i32 {
      %gather3A = tpu.vector_load_idx %arg4[%scan3A_1529] : memref<101376xf32, #tpu.memory_space<vmem>>[vector<16xi32>], vector<16xf32>,
      %mul3A_1530 = arith.constant 16 : i32
      %mul3A_1531 = arith.muli %scan3A_1528, %mul3A_1530 : i32
      %swap3A = arith.constant 1 : i32
      %swap3A_1532 = arith.index_cast %swap3A : i32 to index
      %swap3A_1533 = arith.index_cast %mul3A_1531 : i32 to index
      %swap3A_1534 = tpu.vector_load %arg5[%swap3A_1532, %swap3A_1533] {strides = array<i32>} : memref<2x4608xf32, #tpu.memory_space<vmem>>, vector<16xf32>,
      tpu.vector_store %arg5[%swap3A_1532, %swap3A_1533], %gather3A {strides = array<i32>} : memref<2x4608xf32, #tpu.memory_space<vmem>>, vector<16xf32>,
      %add3A_1535 = vector.broadcast %scan3A_102 : i32 to vector<16xi32>
      %add3A_1536 = arith.addi %scan3A_1529, %add3A_1535 : vector<16xi32>
      scf.yield %add3A_1536 : vector<16xi32>
    }
    %scan3A_108 = arith.constant 288 : i32
    %mul3A_109 = arith.constant 4608 : i32
    %mul3A_110 = arith.muli %select_n3A_30, %mul3A_109 : i32
    %dma_start3A_111 = arith.constant 1 : i32
    %dma_start3A_112 = arith.constant 1 : i32
    %dma_start3A_113 = arith.constant 1 : i32
    %dma_start3A_114 = arith.constant 0 : i32
    %dma_start3A_115 = tpu.memref_slice %arg5[%dma_start3A_111, %dma_start3A_114] : memref<2x4608xf32, #tpu.memory_space<vmem>> -> memref<1x4608xf32, #tpu.memory_space<vmem>>
    %dma_start3A_116 = tpu.memref_squeeze %dma_start3A_115 : memref<1x4608xf32, #tpu.memory_space<vmem>> -> memref<4608xf32, #tpu.memory_space<vmem>>
    %dma_start3A_117 = tpu.memref_slice %arg3[%select_n3A, %dma_start3A_112, %mul3A_110] : memref<16x30x9216xf32, #tpu.memory_space<hbm>> -> memref<1x1x4608xf32, #tpu.memory_space<hbm>>
    %dma_start3A_118 = tpu.memref_squeeze %dma_start3A_117 : memref<1x1x4608xf32, #tpu.memory_space<hbm>> -> memref<4608xf32, #tpu.memory_space<hbm>>
    %dma_start3A_119 = tpu.memref_slice %arg7[%dma_start3A_113] : memref<2x!tpu.dma_semaphore, #tpu.memory_space<semaphore_mem>> -> memref<1x!tpu.dma_semaphore, #tpu.memory_space<semaphore_mem>>
    %dma_start3A_120 = tpu.memref_squeeze %dma_start3A_119 : memref<1x!tpu.dma_semaphore, #tpu.memory_space<semaphore_mem>> -> memref<!tpu.dma_semaphore, #tpu.memory_space<semaphore_mem>>
    %dma_start3A_121 = tpu.memref_slice %arg3[%select_n3A, %dma_start3A_112, %mul3A_110] : memref<16x30x9216xf32, #tpu.memory_space<hbm>> -> memref<1x1x4608xf32, #tpu.memory_space<hbm>>
    %dma_start3A_122 = tpu.memref_squeeze %dma_start3A_121 : memref<1x1x4608xf32, #tpu.memory_space<hbm>> -> memref<4608xf32, #tpu.memory_space<hbm>>
    %dma_start3A_123 = arith.constant 0 : i32
    %dma_start3A_124 = tpu.memref_slice %arg5[%dma_start3A_111, %dma_start3A_123] : memref<2x4608xf32, #tpu.memory_space<vmem>> -> memref<1x4608xf32, #tpu.memory_space<vmem>>
    %dma_start3A_125 = tpu.memref_squeeze %dma_start3A_124 : memref<1x4608xf32, #tpu.memory_space<vmem>> -> memref<4608xf32, #tpu.memory_space<vmem>>
    tpu.enqueue_dma source(%dma_start3A_125 : memref<4608xf32, #tpu.memory_space<vmem>>) target(%dma_start3A_122 : memref<4608xf32, #tpu.memory_space<hbm>>) target_semaphore(%dma_start3A_120 : memref<!tpu.dma_semaphore, #tpu.memory_space<semaphore_mem>>)
    %dma_wait3A_126 = arith.constant 0 : i32
    %dma_wait3A_127 = arith.constant 0 : i32
    %dma_wait3A_128 = arith.constant 0 : i32
    %dma_wait3A_129 = arith.constant 0 : i32
    %dma_wait3A_130 = tpu.memref_slice %arg5[%dma_wait3A_126, %dma_wait3A_129] : memref<2x4608xf32, #tpu.memory_space<vmem>> -> memref<1x4608xf32, #tpu.memory_space<vmem>>
    %dma_wait3A_131 = tpu.memref_squeeze %dma_wait3A_130 : memref<1x4608xf32, #tpu.memory_space<vmem>> -> memref<4608xf32, #tpu.memory_space<vmem>>
    %dma_wait3A_132 = tpu.memref_slice %arg3[%select_n3A, %dma_wait3A_127, %mul3A_77] : memref<16x30x9216xf32, #tpu.memory_space<hbm>> -> memref<1x1x4608xf32, #tpu.memory_space<hbm>>
    %dma_wait3A_133 = tpu.memref_squeeze %dma_wait3A_132 : memref<1x1x4608xf32, #tpu.memory_space<hbm>> -> memref<4608xf32, #tpu.memory_space<hbm>>
    %dma_wait3A_134 = tpu.memref_slice %arg7[%dma_wait3A_128] : memref<2x!tpu.dma_semaphore, #tpu.memory_space<semaphore_mem>> -> memref<1x!tpu.dma_semaphore, #tpu.memory_space<semaphore_mem>>
    %dma_wait3A_135 = tpu.memref_squeeze %dma_wait3A_134 : memref<1x!tpu.dma_semaphore, #tpu.memory_space<semaphore_mem>> -> memref<!tpu.dma_semaphore, #tpu.memory_space<semaphore_mem>>
    %dma_wait3A_136 = tpu.memref_slice %arg3[%select_n3A, %dma_wait3A_127, %mul3A_77] : memref<16x30x9216xf32, #tpu.memory_space<hbm>> -> memref<1x1x4608xf32, #tpu.memory_space<hbm>>
    %dma_wait3A_137 = tpu.memref_squeeze %dma_wait3A_136 : memref<1x1x4608xf32, #tpu.memory_space<hbm>> -> memref<4608xf32, #tpu.memory_space<hbm>>
    %dma_wait3A_138 = arith.constant 0 : i32
    %dma_wait3A_139 = tpu.memref_slice %arg5[%dma_wait3A_126, %dma_wait3A_138] : memref<2x4608xf32, #tpu.memory_space<vmem>> -> memref<1x4608xf32, #tpu.memory_space<vmem>>
    %dma_wait3A_140 = tpu.memref_squeeze %dma_wait3A_139 : memref<1x4608xf32, #tpu.memory_space<vmem>> -> memref<4608xf32, #tpu.memory_space<vmem>>
    tpu.wait_dma2 semaphore(%dma_wait3A_135 : memref<!tpu.dma_semaphore, #tpu.memory_space<semaphore_mem>>) src(%dma_wait3A_140 : memref<4608xf32, #tpu.memory_space<vmem>>) dst(%dma_wait3A_137 : memref<4608xf32, #tpu.memory_space<hbm>>)
    %mul3A_141 = arith.constant 20 : i32
    %mul3A_142 = vector.broadcast %mul3A_141 : i32 to vector<16xi32>
    %mul3A_143 = arith.muli %iota3A, %mul3A_142 : vector<16xi32>
    %add3A_144 = arith.constant 2 : i32
    %add3A_145 = vector.broadcast %add3A_144 : i32 to vector<16xi32>
    %add3A_146 = arith.addi %mul3A_143, %add3A_145 : vector<16xi32>
    %add3A_147 = arith.constant 0 : i32
    %add3A_148 = vector.broadcast %add3A_147 : i32 to vector<16xi32>
    %add3A_149 = arith.addi %add3A_146, %add3A_148 : vector<16xi32>
    %scan3A_150 = arith.constant 320 : i32
    %scan3A_151 = arith.constant 0 : i32
    %scan3A_152 = arith.constant 288 : i32
    %scan3A_153 = arith.addi %scan3A_151, %scan3A_152 : i32
    %scan3A_154 = arith.constant 1 : i32
    %scan3A_155 = scf.for %scan3A_1528 = %scan3A_151 to %scan3A_153 step %scan3A_154 iter_args(%scan3A_1529 = %add3A_149) -> (vector<16xi32>)  : i32 {
      %gather3A = tpu.vector_load_idx %arg4[%scan3A_1529] : memref<101376xf32, #tpu.memory_space<vmem>>[vector<16xi32>], vector<16xf32>,
      %mul3A_1530 = arith.constant 16 : i32
      %mul3A_1531 = arith.muli %scan3A_1528, %mul3A_1530 : i32
      %swap3A = arith.constant 0 : i32
      %swap3A_1532 = arith.index_cast %swap3A : i32 to index
      %swap3A_1533 = arith.index_cast %mul3A_1531 : i32 to index
      %swap3A_1534 = tpu.vector_load %arg5[%swap3A_1532, %swap3A_1533] {strides = array<i32>} : memref<2x4608xf32, #tpu.memory_space<vmem>>, vector<16xf32>,
      tpu.vector_store %arg5[%swap3A_1532, %swap3A_1533], %gather3A {strides = array<i32>} : memref<2x4608xf32, #tpu.memory_space<vmem>>, vector<16xf32>,
      %add3A_1535 = vector.broadcast %scan3A_150 : i32 to vector<16xi32>
      %add3A_1536 = arith.addi %scan3A_1529, %add3A_1535 : vector<16xi32>
      scf.yield %add3A_1536 : vector<16xi32>
    }
    %scan3A_156 = arith.constant 288 : i32
    %mul3A_157 = arith.constant 4608 : i32
    %mul3A_158 = arith.muli %select_n3A_30, %mul3A_157 : i32
    %dma_start3A_159 = arith.constant 0 : i32
    %dma_start3A_160 = arith.constant 2 : i32
    %dma_start3A_161 = arith.constant 0 : i32
    %dma_start3A_162 = arith.constant 0 : i32
    %dma_start3A_163 = tpu.memref_slice %arg5[%dma_start3A_159, %dma_start3A_162] : memref<2x4608xf32, #tpu.memory_space<vmem>> -> memref<1x4608xf32, #tpu.memory_space<vmem>>
    %dma_start3A_164 = tpu.memref_squeeze %dma_start3A_163 : memref<1x4608xf32, #tpu.memory_space<vmem>> -> memref<4608xf32, #tpu.memory_space<vmem>>
    %dma_start3A_165 = tpu.memref_slice %arg3[%select_n3A, %dma_start3A_160, %mul3A_158] : memref<16x30x9216xf32, #tpu.memory_space<hbm>> -> memref<1x1x4608xf32, #tpu.memory_space<hbm>>
    %dma_start3A_166 = tpu.memref_squeeze %dma_start3A_165 : memref<1x1x4608xf32, #tpu.memory_space<hbm>> -> memref<4608xf32, #tpu.memory_space<hbm>>
    %dma_start3A_167 = tpu.memref_slice %arg7[%dma_start3A_161] : memref<2x!tpu.dma_semaphore, #tpu.memory_space<semaphore_mem>> -> memref<1x!tpu.dma_semaphore, #tpu.memory_space<semaphore_mem>>
    %dma_start3A_168 = tpu.memref_squeeze %dma_start3A_167 : memref<1x!tpu.dma_semaphore, #tpu.memory_space<semaphore_mem>> -> memref<!tpu.dma_semaphore, #tpu.memory_space<semaphore_mem>>
    %dma_start3A_169 = tpu.memref_slice %arg3[%select_n3A, %dma_start3A_160, %mul3A_158] : memref<16x30x9216xf32, #tpu.memory_space<hbm>> -> memref<1x1x4608xf32, #tpu.memory_space<hbm>>
    %dma_start3A_170 = tpu.memref_squeeze %dma_start3A_169 : memref<1x1x4608xf32, #tpu.memory_space<hbm>> -> memref<4608xf32, #tpu.memory_space<hbm>>
    %dma_start3A_171 = arith.constant 0 : i32
    %dma_start3A_172 = tpu.memref_slice %arg5[%dma_start3A_159, %dma_start3A_171] : memref<2x4608xf32, #tpu.memory_space<vmem>> -> memref<1x4608xf32, #tpu.memory_space<vmem>>
    %dma_start3A_173 = tpu.memref_squeeze %dma_start3A_172 : memref<1x4608xf32, #tpu.memory_space<vmem>> -> memref<4608xf32, #tpu.memory_space<vmem>>
    tpu.enqueue_dma source(%dma_start3A_173 : memref<4608xf32, #tpu.memory_space<vmem>>) target(%dma_start3A_170 : memref<4608xf32, #tpu.memory_space<hbm>>) target_semaphore(%dma_start3A_168 : memref<!tpu.dma_semaphore, #tpu.memory_space<semaphore_mem>>)
    %dma_wait3A_174 = arith.constant 1 : i32
    %dma_wait3A_175 = arith.constant 1 : i32
    %dma_wait3A_176 = arith.constant 1 : i32
    %dma_wait3A_177 = arith.constant 0 : i32
    %dma_wait3A_178 = tpu.memref_slice %arg5[%dma_wait3A_174, %dma_wait3A_177] : memref<2x4608xf32, #tpu.memory_space<vmem>> -> memref<1x4608xf32, #tpu.memory_space<vmem>>
    %dma_wait3A_179 = tpu.memref_squeeze %dma_wait3A_178 : memref<1x4608xf32, #tpu.memory_space<vmem>> -> memref<4608xf32, #tpu.memory_space<vmem>>
    %dma_wait3A_180 = tpu.memref_slice %arg3[%select_n3A, %dma_wait3A_175, %mul3A_110] : memref<16x30x9216xf32, #tpu.memory_space<hbm>> -> memref<1x1x4608xf32, #tpu.memory_space<hbm>>
    %dma_wait3A_181 = tpu.memref_squeeze %dma_wait3A_180 : memref<1x1x4608xf32, #tpu.memory_space<hbm>> -> memref<4608xf32, #tpu.memory_space<hbm>>
    %dma_wait3A_182 = tpu.memref_slice %arg7[%dma_wait3A_176] : memref<2x!tpu.dma_semaphore, #tpu.memory_space<semaphore_mem>> -> memref<1x!tpu.dma_semaphore, #tpu.memory_space<semaphore_mem>>
    %dma_wait3A_183 = tpu.memref_squeeze %dma_wait3A_182 : memref<1x!tpu.dma_semaphore, #tpu.memory_space<semaphore_mem>> -> memref<!tpu.dma_semaphore, #tpu.memory_space<semaphore_mem>>
    %dma_wait3A_184 = tpu.memref_slice %arg3[%select_n3A, %dma_wait3A_175, %mul3A_110] : memref<16x30x9216xf32, #tpu.memory_space<hbm>> -> memref<1x1x4608xf32, #tpu.memory_space<hbm>>
    %dma_wait3A_185 = tpu.memref_squeeze %dma_wait3A_184 : memref<1x1x4608xf32, #tpu.memory_space<hbm>> -> memref<4608xf32, #tpu.memory_space<hbm>>
    %dma_wait3A_186 = arith.constant 0 : i32
    %dma_wait3A_187 = tpu.memref_slice %arg5[%dma_wait3A_174, %dma_wait3A_186] : memref<2x4608xf32, #tpu.memory_space<vmem>> -> memref<1x4608xf32, #tpu.memory_space<vmem>>
    %dma_wait3A_188 = tpu.memref_squeeze %dma_wait3A_187 : memref<1x4608xf32, #tpu.memory_space<vmem>> -> memref<4608xf32, #tpu.memory_space<vmem>>
    tpu.wait_dma2 semaphore(%dma_wait3A_183 : memref<!tpu.dma_semaphore, #tpu.memory_space<semaphore_mem>>) src(%dma_wait3A_188 : memref<4608xf32, #tpu.memory_space<vmem>>) dst(%dma_wait3A_185 : memref<4608xf32, #tpu.memory_space<hbm>>)
    %mul3A_189 = arith.constant 20 : i32
    %mul3A_190 = vector.broadcast %mul3A_189 : i32 to vector<16xi32>
    %mul3A_191 = arith.muli %iota3A, %mul3A_190 : vector<16xi32>
    %add3A_192 = arith.constant 3 : i32
    %add3A_193 = vector.broadcast %add3A_192 : i32 to vector<16xi32>
    %add3A_194 = arith.addi %mul3A_191, %add3A_193 : vector<16xi32>
    %add3A_195 = arith.constant 0 : i32
    %add3A_196 = vector.broadcast %add3A_195 : i32 to vector<16xi32>
    %add3A_197 = arith.addi %add3A_194, %add3A_196 : vector<16xi32>
    %scan3A_198 = arith.constant 320 : i32
    %scan3A_199 = arith.constant 0 : i32
    %scan3A_200 = arith.constant 288 : i32
    %scan3A_201 = arith.addi %scan3A_199, %scan3A_200 : i32
    %scan3A_202 = arith.constant 1 : i32
    %scan3A_203 = scf.for %scan3A_1528 = %scan3A_199 to %scan3A_201 step %scan3A_202 iter_args(%scan3A_1529 = %add3A_197) -> (vector<16xi32>)  : i32 {
      %gather3A = tpu.vector_load_idx %arg4[%scan3A_1529] : memref<101376xf32, #tpu.memory_space<vmem>>[vector<16xi32>], vector<16xf32>,
      %mul3A_1530 = arith.constant 16 : i32
      %mul3A_1531 = arith.muli %scan3A_1528, %mul3A_1530 : i32
      %swap3A = arith.constant 1 : i32
      %swap3A_1532 = arith.index_cast %swap3A : i32 to index
      %swap3A_1533 = arith.index_cast %mul3A_1531 : i32 to index
      %swap3A_1534 = tpu.vector_load %arg5[%swap3A_1532, %swap3A_1533] {strides = array<i32>} : memref<2x4608xf32, #tpu.memory_space<vmem>>, vector<16xf32>,
      tpu.vector_store %arg5[%swap3A_1532, %swap3A_1533], %gather3A {strides = array<i32>} : memref<2x4608xf32, #tpu.memory_space<vmem>>, vector<16xf32>,
      %add3A_1535 = vector.broadcast %scan3A_198 : i32 to vector<16xi32>
      %add3A_1536 = arith.addi %scan3A_1529, %add3A_1535 : vector<16xi32>
      scf.yield %add3A_1536 : vector<16xi32>
    }
    %scan3A_204 = arith.constant 288 : i32
    %mul3A_205 = arith.constant 4608 : i32
    %mul3A_206 = arith.muli %select_n3A_30, %mul3A_205 : i32
    %dma_start3A_207 = arith.constant 1 : i32
    %dma_start3A_208 = arith.constant 3 : i32
    %dma_start3A_209 = arith.constant 1 : i32
    %dma_start3A_210 = arith.constant 0 : i32
    %dma_start3A_211 = tpu.memref_slice %arg5[%dma_start3A_207, %dma_start3A_210] : memref<2x4608xf32, #tpu.memory_space<vmem>> -> memref<1x4608xf32, #tpu.memory_space<vmem>>
    %dma_start3A_212 = tpu.memref_squeeze %dma_start3A_211 : memref<1x4608xf32, #tpu.memory_space<vmem>> -> memref<4608xf32, #tpu.memory_space<vmem>>
    %dma_start3A_213 = tpu.memref_slice %arg3[%select_n3A, %dma_start3A_208, %mul3A_206] : memref<16x30x9216xf32, #tpu.memory_space<hbm>> -> memref<1x1x4608xf32, #tpu.memory_space<hbm>>
    %dma_start3A_214 = tpu.memref_squeeze %dma_start3A_213 : memref<1x1x4608xf32, #tpu.memory_space<hbm>> -> memref<4608xf32, #tpu.memory_space<hbm>>
    %dma_start3A_215 = tpu.memref_slice %arg7[%dma_start3A_209] : memref<2x!tpu.dma_semaphore, #tpu.memory_space<semaphore_mem>> -> memref<1x!tpu.dma_semaphore, #tpu.memory_space<semaphore_mem>>
    %dma_start3A_216 = tpu.memref_squeeze %dma_start3A_215 : memref<1x!tpu.dma_semaphore, #tpu.memory_space<semaphore_mem>> -> memref<!tpu.dma_semaphore, #tpu.memory_space<semaphore_mem>>
    %dma_start3A_217 = tpu.memref_slice %arg3[%select_n3A, %dma_start3A_208, %mul3A_206] : memref<16x30x9216xf32, #tpu.memory_space<hbm>> -> memref<1x1x4608xf32, #tpu.memory_space<hbm>>
    %dma_start3A_218 = tpu.memref_squeeze %dma_start3A_217 : memref<1x1x4608xf32, #tpu.memory_space<hbm>> -> memref<4608xf32, #tpu.memory_space<hbm>>
    %dma_start3A_219 = arith.constant 0 : i32
    %dma_start3A_220 = tpu.memref_slice %arg5[%dma_start3A_207, %dma_start3A_219] : memref<2x4608xf32, #tpu.memory_space<vmem>> -> memref<1x4608xf32, #tpu.memory_space<vmem>>
    %dma_start3A_221 = tpu.memref_squeeze %dma_start3A_220 : memref<1x4608xf32, #tpu.memory_space<vmem>> -> memref<4608xf32, #tpu.memory_space<vmem>>
    tpu.enqueue_dma source(%dma_start3A_221 : memref<4608xf32, #tpu.memory_space<vmem>>) target(%dma_start3A_218 : memref<4608xf32, #tpu.memory_space<hbm>>) target_semaphore(%dma_start3A_216 : memref<!tpu.dma_semaphore, #tpu.memory_space<semaphore_mem>>)
    %dma_wait3A_222 = arith.constant 0 : i32
    %dma_wait3A_223 = arith.constant 2 : i32
    %dma_wait3A_224 = arith.constant 0 : i32
    %dma_wait3A_225 = arith.constant 0 : i32
    %dma_wait3A_226 = tpu.memref_slice %arg5[%dma_wait3A_222, %dma_wait3A_225] : memref<2x4608xf32, #tpu.memory_space<vmem>> -> memref<1x4608xf32, #tpu.memory_space<vmem>>
    %dma_wait3A_227 = tpu.memref_squeeze %dma_wait3A_226 : memref<1x4608xf32, #tpu.memory_space<vmem>> -> memref<4608xf32, #tpu.memory_space<vmem>>
    %dma_wait3A_228 = tpu.memref_slice %arg3[%select_n3A, %dma_wait3A_223, %mul3A_158] : memref<16x30x9216xf32, #tpu.memory_space<hbm>> -> memref<1x1x4608xf32, #tpu.memory_space<hbm>>
    %dma_wait3A_229 = tpu.memref_squeeze %dma_wait3A_228 : memref<1x1x4608xf32, #tpu.memory_space<hbm>> -> memref<4608xf32, #tpu.memory_space<hbm>>
    %dma_wait3A_230 = tpu.memref_slice %arg7[%dma_wait3A_224] : memref<2x!tpu.dma_semaphore, #tpu.memory_space<semaphore_mem>> -> memref<1x!tpu.dma_semaphore, #tpu.memory_space<semaphore_mem>>
    %dma_wait3A_231 = tpu.memref_squeeze %dma_wait3A_230 : memref<1x!tpu.dma_semaphore, #tpu.memory_space<semaphore_mem>> -> memref<!tpu.dma_semaphore, #tpu.memory_space<semaphore_mem>>
    %dma_wait3A_232 = tpu.memref_slice %arg3[%select_n3A, %dma_wait3A_223, %mul3A_158] : memref<16x30x9216xf32, #tpu.memory_space<hbm>> -> memref<1x1x4608xf32, #tpu.memory_space<hbm>>
    %dma_wait3A_233 = tpu.memref_squeeze %dma_wait3A_232 : memref<1x1x4608xf32, #tpu.memory_space<hbm>> -> memref<4608xf32, #tpu.memory_space<hbm>>
    %dma_wait3A_234 = arith.constant 0 : i32
    %dma_wait3A_235 = tpu.memref_slice %arg5[%dma_wait3A_222, %dma_wait3A_234] : memref<2x4608xf32, #tpu.memory_space<vmem>> -> memref<1x4608xf32, #tpu.memory_space<vmem>>
    %dma_wait3A_236 = tpu.memref_squeeze %dma_wait3A_235 : memref<1x4608xf32, #tpu.memory_space<vmem>> -> memref<4608xf32, #tpu.memory_space<vmem>>
    tpu.wait_dma2 semaphore(%dma_wait3A_231 : memref<!tpu.dma_semaphore, #tpu.memory_space<semaphore_mem>>) src(%dma_wait3A_236 : memref<4608xf32, #tpu.memory_space<vmem>>) dst(%dma_wait3A_233 : memref<4608xf32, #tpu.memory_space<hbm>>)
    %mul3A_237 = arith.constant 20 : i32
    %mul3A_238 = vector.broadcast %mul3A_237 : i32 to vector<16xi32>
    %mul3A_239 = arith.muli %iota3A, %mul3A_238 : vector<16xi32>
    %add3A_240 = arith.constant 4 : i32
    %add3A_241 = vector.broadcast %add3A_240 : i32 to vector<16xi32>
    %add3A_242 = arith.addi %mul3A_239, %add3A_241 : vector<16xi32>
    %add3A_243 = arith.constant 0 : i32
    %add3A_244 = vector.broadcast %add3A_243 : i32 to vector<16xi32>
    %add3A_245 = arith.addi %add3A_242, %add3A_244 : vector<16xi32>
    %scan3A_246 = arith.constant 320 : i32
    %scan3A_247 = arith.constant 0 : i32
    %scan3A_248 = arith.constant 288 : i32
    %scan3A_249 = arith.addi %scan3A_247, %scan3A_248 : i32
    %scan3A_250 = arith.constant 1 : i32
    %scan3A_251 = scf.for %scan3A_1528 = %scan3A_247 to %scan3A_249 step %scan3A_250 iter_args(%scan3A_1529 = %add3A_245) -> (vector<16xi32>)  : i32 {
      %gather3A = tpu.vector_load_idx %arg4[%scan3A_1529] : memref<101376xf32, #tpu.memory_space<vmem>>[vector<16xi32>], vector<16xf32>,
      %mul3A_1530 = arith.constant 16 : i32
      %mul3A_1531 = arith.muli %scan3A_1528, %mul3A_1530 : i32
      %swap3A = arith.constant 0 : i32
      %swap3A_1532 = arith.index_cast %swap3A : i32 to index
      %swap3A_1533 = arith.index_cast %mul3A_1531 : i32 to index
      %swap3A_1534 = tpu.vector_load %arg5[%swap3A_1532, %swap3A_1533] {strides = array<i32>} : memref<2x4608xf32, #tpu.memory_space<vmem>>, vector<16xf32>,
      tpu.vector_store %arg5[%swap3A_1532, %swap3A_1533], %gather3A {strides = array<i32>} : memref<2x4608xf32, #tpu.memory_space<vmem>>, vector<16xf32>,
      %add3A_1535 = vector.broadcast %scan3A_246 : i32 to vector<16xi32>
      %add3A_1536 = arith.addi %scan3A_1529, %add3A_1535 : vector<16xi32>
      scf.yield %add3A_1536 : vector<16xi32>
    }
    %scan3A_252 = arith.constant 288 : i32
    %mul3A_253 = arith.constant 4608 : i32
    %mul3A_254 = arith.muli %select_n3A_30, %mul3A_253 : i32
    %dma_start3A_255 = arith.constant 0 : i32
    %dma_start3A_256 = arith.constant 4 : i32
    %dma_start3A_257 = arith.constant 0 : i32
    %dma_start3A_258 = arith.constant 0 : i32
    %dma_start3A_259 = tpu.memref_slice %arg5[%dma_start3A_255, %dma_start3A_258] : memref<2x4608xf32, #tpu.memory_space<vmem>> -> memref<1x4608xf32, #tpu.memory_space<vmem>>
    %dma_start3A_260 = tpu.memref_squeeze %dma_start3A_259 : memref<1x4608xf32, #tpu.memory_space<vmem>> -> memref<4608xf32, #tpu.memory_space<vmem>>
    %dma_start3A_261 = tpu.memref_slice %arg3[%select_n3A, %dma_start3A_256, %mul3A_254] : memref<16x30x9216xf32, #tpu.memory_space<hbm>> -> memref<1x1x4608xf32, #tpu.memory_space<hbm>>
    %dma_start3A_262 = tpu.memref_squeeze %dma_start3A_261 : memref<1x1x4608xf32, #tpu.memory_space<hbm>> -> memref<4608xf32, #tpu.memory_space<hbm>>
    %dma_start3A_263 = tpu.memref_slice %arg7[%dma_start3A_257] : memref<2x!tpu.dma_semaphore, #tpu.memory_space<semaphore_mem>> -> memref<1x!tpu.dma_semaphore, #tpu.memory_space<semaphore_mem>>
    %dma_start3A_264 = tpu.memref_squeeze %dma_start3A_263 : memref<1x!tpu.dma_semaphore, #tpu.memory_space<semaphore_mem>> -> memref<!tpu.dma_semaphore, #tpu.memory_space<semaphore_mem>>
    %dma_start3A_265 = tpu.memref_slice %arg3[%select_n3A, %dma_start3A_256, %mul3A_254] : memref<16x30x9216xf32, #tpu.memory_space<hbm>> -> memref<1x1x4608xf32, #tpu.memory_space<hbm>>
    %dma_start3A_266 = tpu.memref_squeeze %dma_start3A_265 : memref<1x1x4608xf32, #tpu.memory_space<hbm>> -> memref<4608xf32, #tpu.memory_space<hbm>>
    %dma_start3A_267 = arith.constant 0 : i32
    %dma_start3A_268 = tpu.memref_slice %arg5[%dma_start3A_255, %dma_start3A_267] : memref<2x4608xf32, #tpu.memory_space<vmem>> -> memref<1x4608xf32, #tpu.memory_space<vmem>>
    %dma_start3A_269 = tpu.memref_squeeze %dma_start3A_268 : memref<1x4608xf32, #tpu.memory_space<vmem>> -> memref<4608xf32, #tpu.memory_space<vmem>>
    tpu.enqueue_dma source(%dma_start3A_269 : memref<4608xf32, #tpu.memory_space<vmem>>) target(%dma_start3A_266 : memref<4608xf32, #tpu.memory_space<hbm>>) target_semaphore(%dma_start3A_264 : memref<!tpu.dma_semaphore, #tpu.memory_space<semaphore_mem>>)
    %dma_wait3A_270 = arith.constant 1 : i32
    %dma_wait3A_271 = arith.constant 3 : i32
    %dma_wait3A_272 = arith.constant 1 : i32
    %dma_wait3A_273 = arith.constant 0 : i32
    %dma_wait3A_274 = tpu.memref_slice %arg5[%dma_wait3A_270, %dma_wait3A_273] : memref<2x4608xf32, #tpu.memory_space<vmem>> -> memref<1x4608xf32, #tpu.memory_space<vmem>>
    %dma_wait3A_275 = tpu.memref_squeeze %dma_wait3A_274 : memref<1x4608xf32, #tpu.memory_space<vmem>> -> memref<4608xf32, #tpu.memory_space<vmem>>
    %dma_wait3A_276 = tpu.memref_slice %arg3[%select_n3A, %dma_wait3A_271, %mul3A_206] : memref<16x30x9216xf32, #tpu.memory_space<hbm>> -> memref<1x1x4608xf32, #tpu.memory_space<hbm>>
    %dma_wait3A_277 = tpu.memref_squeeze %dma_wait3A_276 : memref<1x1x4608xf32, #tpu.memory_space<hbm>> -> memref<4608xf32, #tpu.memory_space<hbm>>
    %dma_wait3A_278 = tpu.memref_slice %arg7[%dma_wait3A_272] : memref<2x!tpu.dma_semaphore, #tpu.memory_space<semaphore_mem>> -> memref<1x!tpu.dma_semaphore, #tpu.memory_space<semaphore_mem>>
    %dma_wait3A_279 = tpu.memref_squeeze %dma_wait3A_278 : memref<1x!tpu.dma_semaphore, #tpu.memory_space<semaphore_mem>> -> memref<!tpu.dma_semaphore, #tpu.memory_space<semaphore_mem>>
    %dma_wait3A_280 = tpu.memref_slice %arg3[%select_n3A, %dma_wait3A_271, %mul3A_206] : memref<16x30x9216xf32, #tpu.memory_space<hbm>> -> memref<1x1x4608xf32, #tpu.memory_space<hbm>>
    %dma_wait3A_281 = tpu.memref_squeeze %dma_wait3A_280 : memref<1x1x4608xf32, #tpu.memory_space<hbm>> -> memref<4608xf32, #tpu.memory_space<hbm>>
    %dma_wait3A_282 = arith.constant 0 : i32
    %dma_wait3A_283 = tpu.memref_slice %arg5[%dma_wait3A_270, %dma_wait3A_282] : memref<2x4608xf32, #tpu.memory_space<vmem>> -> memref<1x4608xf32, #tpu.memory_space<vmem>>
    %dma_wait3A_284 = tpu.memref_squeeze %dma_wait3A_283 : memref<1x4608xf32, #tpu.memory_space<vmem>> -> memref<4608xf32, #tpu.memory_space<vmem>>
    tpu.wait_dma2 semaphore(%dma_wait3A_279 : memref<!tpu.dma_semaphore, #tpu.memory_space<semaphore_mem>>) src(%dma_wait3A_284 : memref<4608xf32, #tpu.memory_space<vmem>>) dst(%dma_wait3A_281 : memref<4608xf32, #tpu.memory_space<hbm>>)
    %mul3A_285 = arith.constant 20 : i32
    %mul3A_286 = vector.broadcast %mul3A_285 : i32 to vector<16xi32>
    %mul3A_287 = arith.muli %iota3A, %mul3A_286 : vector<16xi32>
    %add3A_288 = arith.constant 5 : i32
    %add3A_289 = vector.broadcast %add3A_288 : i32 to vector<16xi32>
    %add3A_290 = arith.addi %mul3A_287, %add3A_289 : vector<16xi32>
    %add3A_291 = arith.constant 0 : i32
    %add3A_292 = vector.broadcast %add3A_291 : i32 to vector<16xi32>
    %add3A_293 = arith.addi %add3A_290, %add3A_292 : vector<16xi32>
    %scan3A_294 = arith.constant 320 : i32
    %scan3A_295 = arith.constant 0 : i32
    %scan3A_296 = arith.constant 288 : i32
    %scan3A_297 = arith.addi %scan3A_295, %scan3A_296 : i32
    %scan3A_298 = arith.constant 1 : i32
    %scan3A_299 = scf.for %scan3A_1528 = %scan3A_295 to %scan3A_297 step %scan3A_298 iter_args(%scan3A_1529 = %add3A_293) -> (vector<16xi32>)  : i32 {
      %gather3A = tpu.vector_load_idx %arg4[%scan3A_1529] : memref<101376xf32, #tpu.memory_space<vmem>>[vector<16xi32>], vector<16xf32>,
      %mul3A_1530 = arith.constant 16 : i32
      %mul3A_1531 = arith.muli %scan3A_1528, %mul3A_1530 : i32
      %swap3A = arith.constant 1 : i32
      %swap3A_1532 = arith.index_cast %swap3A : i32 to index
      %swap3A_1533 = arith.index_cast %mul3A_1531 : i32 to index
      %swap3A_1534 = tpu.vector_load %arg5[%swap3A_1532, %swap3A_1533] {strides = array<i32>} : memref<2x4608xf32, #tpu.memory_space<vmem>>, vector<16xf32>,
      tpu.vector_store %arg5[%swap3A_1532, %swap3A_1533], %gather3A {strides = array<i32>} : memref<2x4608xf32, #tpu.memory_space<vmem>>, vector<16xf32>,
      %add3A_1535 = vector.broadcast %scan3A_294 : i32 to vector<16xi32>
      %add3A_1536 = arith.addi %scan3A_1529, %add3A_1535 : vector<16xi32>
      scf.yield %add3A_1536 : vector<16xi32>
    }
    %scan3A_300 = arith.constant 288 : i32
    %mul3A_301 = arith.constant 4608 : i32
    %mul3A_302 = arith.muli %select_n3A_30, %mul3A_301 : i32
    %dma_start3A_303 = arith.constant 1 : i32
    %dma_start3A_304 = arith.constant 5 : i32
    %dma_start3A_305 = arith.constant 1 : i32
    %dma_start3A_306 = arith.constant 0 : i32
    %dma_start3A_307 = tpu.memref_slice %arg5[%dma_start3A_303, %dma_start3A_306] : memref<2x4608xf32, #tpu.memory_space<vmem>> -> memref<1x4608xf32, #tpu.memory_space<vmem>>
    %dma_start3A_308 = tpu.memref_squeeze %dma_start3A_307 : memref<1x4608xf32, #tpu.memory_space<vmem>> -> memref<4608xf32, #tpu.memory_space<vmem>>
    %dma_start3A_309 = tpu.memref_slice %arg3[%select_n3A, %dma_start3A_304, %mul3A_302] : memref<16x30x9216xf32, #tpu.memory_space<hbm>> -> memref<1x1x4608xf32, #tpu.memory_space<hbm>>
    %dma_start3A_310 = tpu.memref_squeeze %dma_start3A_309 : memref<1x1x4608xf32, #tpu.memory_space<hbm>> -> memref<4608xf32, #tpu.memory_space<hbm>>
    %dma_start3A_311 = tpu.memref_slice %arg7[%dma_start3A_305] : memref<2x!tpu.dma_semaphore, #tpu.memory_space<semaphore_mem>> -> memref<1x!tpu.dma_semaphore, #tpu.memory_space<semaphore_mem>>
    %dma_start3A_312 = tpu.memref_squeeze %dma_start3A_311 : memref<1x!tpu.dma_semaphore, #tpu.memory_space<semaphore_mem>> -> memref<!tpu.dma_semaphore, #tpu.memory_space<semaphore_mem>>
    %dma_start3A_313 = tpu.memref_slice %arg3[%select_n3A, %dma_start3A_304, %mul3A_302] : memref<16x30x9216xf32, #tpu.memory_space<hbm>> -> memref<1x1x4608xf32, #tpu.memory_space<hbm>>
    %dma_start3A_314 = tpu.memref_squeeze %dma_start3A_313 : memref<1x1x4608xf32, #tpu.memory_space<hbm>> -> memref<4608xf32, #tpu.memory_space<hbm>>
    %dma_start3A_315 = arith.constant 0 : i32
    %dma_start3A_316 = tpu.memref_slice %arg5[%dma_start3A_303, %dma_start3A_315] : memref<2x4608xf32, #tpu.memory_space<vmem>> -> memref<1x4608xf32, #tpu.memory_space<vmem>>
    %dma_start3A_317 = tpu.memref_squeeze %dma_start3A_316 : memref<1x4608xf32, #tpu.memory_space<vmem>> -> memref<4608xf32, #tpu.memory_space<vmem>>
    tpu.enqueue_dma source(%dma_start3A_317 : memref<4608xf32, #tpu.memory_space<vmem>>) target(%dma_start3A_314 : memref<4608xf32, #tpu.memory_space<hbm>>) target_semaphore(%dma_start3A_312 : memref<!tpu.dma_semaphore, #tpu.memory_space<semaphore_mem>>)
    %dma_wait3A_318 = arith.constant 0 : i32
    %dma_wait3A_319 = arith.constant 4 : i32
    %dma_wait3A_320 = arith.constant 0 : i32
    %dma_wait3A_321 = arith.constant 0 : i32
    %dma_wait3A_322 = tpu.memref_slice %arg5[%dma_wait3A_318, %dma_wait3A_321] : memref<2x4608xf32, #tpu.memory_space<vmem>> -> memref<1x4608xf32, #tpu.memory_space<vmem>>
    %dma_wait3A_323 = tpu.memref_squeeze %dma_wait3A_322 : memref<1x4608xf32, #tpu.memory_space<vmem>> -> memref<4608xf32, #tpu.memory_space<vmem>>
    %dma_wait3A_324 = tpu.memref_slice %arg3[%select_n3A, %dma_wait3A_319, %mul3A_254] : memref<16x30x9216xf32, #tpu.memory_space<hbm>> -> memref<1x1x4608xf32, #tpu.memory_space<hbm>>
    %dma_wait3A_325 = tpu.memref_squeeze %dma_wait3A_324 : memref<1x1x4608xf32, #tpu.memory_space<hbm>> -> memref<4608xf32, #tpu.memory_space<hbm>>
    %dma_wait3A_326 = tpu.memref_slice %arg7[%dma_wait3A_320] : memref<2x!tpu.dma_semaphore, #tpu.memory_space<semaphore_mem>> -> memref<1x!tpu.dma_semaphore, #tpu.memory_space<semaphore_mem>>
    %dma_wait3A_327 = tpu.memref_squeeze %dma_wait3A_326 : memref<1x!tpu.dma_semaphore, #tpu.memory_space<semaphore_mem>> -> memref<!tpu.dma_semaphore, #tpu.memory_space<semaphore_mem>>
    %dma_wait3A_328 = tpu.memref_slice %arg3[%select_n3A, %dma_wait3A_319, %mul3A_254] : memref<16x30x9216xf32, #tpu.memory_space<hbm>> -> memref<1x1x4608xf32, #tpu.memory_space<hbm>>
    %dma_wait3A_329 = tpu.memref_squeeze %dma_wait3A_328 : memref<1x1x4608xf32, #tpu.memory_space<hbm>> -> memref<4608xf32, #tpu.memory_space<hbm>>
    %dma_wait3A_330 = arith.constant 0 : i32
    %dma_wait3A_331 = tpu.memref_slice %arg5[%dma_wait3A_318, %dma_wait3A_330] : memref<2x4608xf32, #tpu.memory_space<vmem>> -> memref<1x4608xf32, #tpu.memory_space<vmem>>
    %dma_wait3A_332 = tpu.memref_squeeze %dma_wait3A_331 : memref<1x4608xf32, #tpu.memory_space<vmem>> -> memref<4608xf32, #tpu.memory_space<vmem>>
    tpu.wait_dma2 semaphore(%dma_wait3A_327 : memref<!tpu.dma_semaphore, #tpu.memory_space<semaphore_mem>>) src(%dma_wait3A_332 : memref<4608xf32, #tpu.memory_space<vmem>>) dst(%dma_wait3A_329 : memref<4608xf32, #tpu.memory_space<hbm>>)
    %mul3A_333 = arith.constant 20 : i32
    %mul3A_334 = vector.broadcast %mul3A_333 : i32 to vector<16xi32>
    %mul3A_335 = arith.muli %iota3A, %mul3A_334 : vector<16xi32>
    %add3A_336 = arith.constant 6 : i32
    %add3A_337 = vector.broadcast %add3A_336 : i32 to vector<16xi32>
    %add3A_338 = arith.addi %mul3A_335, %add3A_337 : vector<16xi32>
    %add3A_339 = arith.constant 0 : i32
    %add3A_340 = vector.broadcast %add3A_339 : i32 to vector<16xi32>
    %add3A_341 = arith.addi %add3A_338, %add3A_340 : vector<16xi32>
    %scan3A_342 = arith.constant 320 : i32
    %scan3A_343 = arith.constant 0 : i32
    %scan3A_344 = arith.constant 288 : i32
    %scan3A_345 = arith.addi %scan3A_343, %scan3A_344 : i32
    %scan3A_346 = arith.constant 1 : i32
    %scan3A_347 = scf.for %scan3A_1528 = %scan3A_343 to %scan3A_345 step %scan3A_346 iter_args(%scan3A_1529 = %add3A_341) -> (vector<16xi32>)  : i32 {
      %gather3A = tpu.vector_load_idx %arg4[%scan3A_1529] : memref<101376xf32, #tpu.memory_space<vmem>>[vector<16xi32>], vector<16xf32>,
      %mul3A_1530 = arith.constant 16 : i32
      %mul3A_1531 = arith.muli %scan3A_1528, %mul3A_1530 : i32
      %swap3A = arith.constant 0 : i32
      %swap3A_1532 = arith.index_cast %swap3A : i32 to index
      %swap3A_1533 = arith.index_cast %mul3A_1531 : i32 to index
      %swap3A_1534 = tpu.vector_load %arg5[%swap3A_1532, %swap3A_1533] {strides = array<i32>} : memref<2x4608xf32, #tpu.memory_space<vmem>>, vector<16xf32>,
      tpu.vector_store %arg5[%swap3A_1532, %swap3A_1533], %gather3A {strides = array<i32>} : memref<2x4608xf32, #tpu.memory_space<vmem>>, vector<16xf32>,
      %add3A_1535 = vector.broadcast %scan3A_342 : i32 to vector<16xi32>
      %add3A_1536 = arith.addi %scan3A_1529, %add3A_1535 : vector<16xi32>
      scf.yield %add3A_1536 : vector<16xi32>
    }
    %scan3A_348 = arith.constant 288 : i32
    %mul3A_349 = arith.constant 4608 : i32
    %mul3A_350 = arith.muli %select_n3A_30, %mul3A_349 : i32
    %dma_start3A_351 = arith.constant 0 : i32
    %dma_start3A_352 = arith.constant 6 : i32
    %dma_start3A_353 = arith.constant 0 : i32
    %dma_start3A_354 = arith.constant 0 : i32
    %dma_start3A_355 = tpu.memref_slice %arg5[%dma_start3A_351, %dma_start3A_354] : memref<2x4608xf32, #tpu.memory_space<vmem>> -> memref<1x4608xf32, #tpu.memory_space<vmem>>
    %dma_start3A_356 = tpu.memref_squeeze %dma_start3A_355 : memref<1x4608xf32, #tpu.memory_space<vmem>> -> memref<4608xf32, #tpu.memory_space<vmem>>
    %dma_start3A_357 = tpu.memref_slice %arg3[%select_n3A, %dma_start3A_352, %mul3A_350] : memref<16x30x9216xf32, #tpu.memory_space<hbm>> -> memref<1x1x4608xf32, #tpu.memory_space<hbm>>
    %dma_start3A_358 = tpu.memref_squeeze %dma_start3A_357 : memref<1x1x4608xf32, #tpu.memory_space<hbm>> -> memref<4608xf32, #tpu.memory_space<hbm>>
    %dma_start3A_359 = tpu.memref_slice %arg7[%dma_start3A_353] : memref<2x!tpu.dma_semaphore, #tpu.memory_space<semaphore_mem>> -> memref<1x!tpu.dma_semaphore, #tpu.memory_space<semaphore_mem>>
    %dma_start3A_360 = tpu.memref_squeeze %dma_start3A_359 : memref<1x!tpu.dma_semaphore, #tpu.memory_space<semaphore_mem>> -> memref<!tpu.dma_semaphore, #tpu.memory_space<semaphore_mem>>
    %dma_start3A_361 = tpu.memref_slice %arg3[%select_n3A, %dma_start3A_352, %mul3A_350] : memref<16x30x9216xf32, #tpu.memory_space<hbm>> -> memref<1x1x4608xf32, #tpu.memory_space<hbm>>
    %dma_start3A_362 = tpu.memref_squeeze %dma_start3A_361 : memref<1x1x4608xf32, #tpu.memory_space<hbm>> -> memref<4608xf32, #tpu.memory_space<hbm>>
    %dma_start3A_363 = arith.constant 0 : i32
    %dma_start3A_364 = tpu.memref_slice %arg5[%dma_start3A_351, %dma_start3A_363] : memref<2x4608xf32, #tpu.memory_space<vmem>> -> memref<1x4608xf32, #tpu.memory_space<vmem>>
    %dma_start3A_365 = tpu.memref_squeeze %dma_start3A_364 : memref<1x4608xf32, #tpu.memory_space<vmem>> -> memref<4608xf32, #tpu.memory_space<vmem>>
    tpu.enqueue_dma source(%dma_start3A_365 : memref<4608xf32, #tpu.memory_space<vmem>>) target(%dma_start3A_362 : memref<4608xf32, #tpu.memory_space<hbm>>) target_semaphore(%dma_start3A_360 : memref<!tpu.dma_semaphore, #tpu.memory_space<semaphore_mem>>)
    %dma_wait3A_366 = arith.constant 1 : i32
    %dma_wait3A_367 = arith.constant 5 : i32
    %dma_wait3A_368 = arith.constant 1 : i32
    %dma_wait3A_369 = arith.constant 0 : i32
    %dma_wait3A_370 = tpu.memref_slice %arg5[%dma_wait3A_366, %dma_wait3A_369] : memref<2x4608xf32, #tpu.memory_space<vmem>> -> memref<1x4608xf32, #tpu.memory_space<vmem>>
    %dma_wait3A_371 = tpu.memref_squeeze %dma_wait3A_370 : memref<1x4608xf32, #tpu.memory_space<vmem>> -> memref<4608xf32, #tpu.memory_space<vmem>>
    %dma_wait3A_372 = tpu.memref_slice %arg3[%select_n3A, %dma_wait3A_367, %mul3A_302] : memref<16x30x9216xf32, #tpu.memory_space<hbm>> -> memref<1x1x4608xf32, #tpu.memory_space<hbm>>
    %dma_wait3A_373 = tpu.memref_squeeze %dma_wait3A_372 : memref<1x1x4608xf32, #tpu.memory_space<hbm>> -> memref<4608xf32, #tpu.memory_space<hbm>>
    %dma_wait3A_374 = tpu.memref_slice %arg7[%dma_wait3A_368] : memref<2x!tpu.dma_semaphore, #tpu.memory_space<semaphore_mem>> -> memref<1x!tpu.dma_semaphore, #tpu.memory_space<semaphore_mem>>
    %dma_wait3A_375 = tpu.memref_squeeze %dma_wait3A_374 : memref<1x!tpu.dma_semaphore, #tpu.memory_space<semaphore_mem>> -> memref<!tpu.dma_semaphore, #tpu.memory_space<semaphore_mem>>
    %dma_wait3A_376 = tpu.memref_slice %arg3[%select_n3A, %dma_wait3A_367, %mul3A_302] : memref<16x30x9216xf32, #tpu.memory_space<hbm>> -> memref<1x1x4608xf32, #tpu.memory_space<hbm>>
    %dma_wait3A_377 = tpu.memref_squeeze %dma_wait3A_376 : memref<1x1x4608xf32, #tpu.memory_space<hbm>> -> memref<4608xf32, #tpu.memory_space<hbm>>
    %dma_wait3A_378 = arith.constant 0 : i32
    %dma_wait3A_379 = tpu.memref_slice %arg5[%dma_wait3A_366, %dma_wait3A_378] : memref<2x4608xf32, #tpu.memory_space<vmem>> -> memref<1x4608xf32, #tpu.memory_space<vmem>>
    %dma_wait3A_380 = tpu.memref_squeeze %dma_wait3A_379 : memref<1x4608xf32, #tpu.memory_space<vmem>> -> memref<4608xf32, #tpu.memory_space<vmem>>
    tpu.wait_dma2 semaphore(%dma_wait3A_375 : memref<!tpu.dma_semaphore, #tpu.memory_space<semaphore_mem>>) src(%dma_wait3A_380 : memref<4608xf32, #tpu.memory_space<vmem>>) dst(%dma_wait3A_377 : memref<4608xf32, #tpu.memory_space<hbm>>)
    %mul3A_381 = arith.constant 20 : i32
    %mul3A_382 = vector.broadcast %mul3A_381 : i32 to vector<16xi32>
    %mul3A_383 = arith.muli %iota3A, %mul3A_382 : vector<16xi32>
    %add3A_384 = arith.constant 7 : i32
    %add3A_385 = vector.broadcast %add3A_384 : i32 to vector<16xi32>
    %add3A_386 = arith.addi %mul3A_383, %add3A_385 : vector<16xi32>
    %add3A_387 = arith.constant 0 : i32
    %add3A_388 = vector.broadcast %add3A_387 : i32 to vector<16xi32>
    %add3A_389 = arith.addi %add3A_386, %add3A_388 : vector<16xi32>
    %scan3A_390 = arith.constant 320 : i32
    %scan3A_391 = arith.constant 0 : i32
    %scan3A_392 = arith.constant 288 : i32
    %scan3A_393 = arith.addi %scan3A_391, %scan3A_392 : i32
    %scan3A_394 = arith.constant 1 : i32
    %scan3A_395 = scf.for %scan3A_1528 = %scan3A_391 to %scan3A_393 step %scan3A_394 iter_args(%scan3A_1529 = %add3A_389) -> (vector<16xi32>)  : i32 {
      %gather3A = tpu.vector_load_idx %arg4[%scan3A_1529] : memref<101376xf32, #tpu.memory_space<vmem>>[vector<16xi32>], vector<16xf32>,
      %mul3A_1530 = arith.constant 16 : i32
      %mul3A_1531 = arith.muli %scan3A_1528, %mul3A_1530 : i32
      %swap3A = arith.constant 1 : i32
      %swap3A_1532 = arith.index_cast %swap3A : i32 to index
      %swap3A_1533 = arith.index_cast %mul3A_1531 : i32 to index
      %swap3A_1534 = tpu.vector_load %arg5[%swap3A_1532, %swap3A_1533] {strides = array<i32>} : memref<2x4608xf32, #tpu.memory_space<vmem>>, vector<16xf32>,
      tpu.vector_store %arg5[%swap3A_1532, %swap3A_1533], %gather3A {strides = array<i32>} : memref<2x4608xf32, #tpu.memory_space<vmem>>, vector<16xf32>,
      %add3A_1535 = vector.broadcast %scan3A_390 : i32 to vector<16xi32>
      %add3A_1536 = arith.addi %scan3A_1529, %add3A_1535 : vector<16xi32>
      scf.yield %add3A_1536 : vector<16xi32>
    }
    %scan3A_396 = arith.constant 288 : i32
    %mul3A_397 = arith.constant 4608 : i32
    %mul3A_398 = arith.muli %select_n3A_30, %mul3A_397 : i32
    %dma_start3A_399 = arith.constant 1 : i32
    %dma_start3A_400 = arith.constant 7 : i32
    %dma_start3A_401 = arith.constant 1 : i32
    %dma_start3A_402 = arith.constant 0 : i32
    %dma_start3A_403 = tpu.memref_slice %arg5[%dma_start3A_399, %dma_start3A_402] : memref<2x4608xf32, #tpu.memory_space<vmem>> -> memref<1x4608xf32, #tpu.memory_space<vmem>>
    %dma_start3A_404 = tpu.memref_squeeze %dma_start3A_403 : memref<1x4608xf32, #tpu.memory_space<vmem>> -> memref<4608xf32, #tpu.memory_space<vmem>>
    %dma_start3A_405 = tpu.memref_slice %arg3[%select_n3A, %dma_start3A_400, %mul3A_398] : memref<16x30x9216xf32, #tpu.memory_space<hbm>> -> memref<1x1x4608xf32, #tpu.memory_space<hbm>>
    %dma_start3A_406 = tpu.memref_squeeze %dma_start3A_405 : memref<1x1x4608xf32, #tpu.memory_space<hbm>> -> memref<4608xf32, #tpu.memory_space<hbm>>
    %dma_start3A_407 = tpu.memref_slice %arg7[%dma_start3A_401] : memref<2x!tpu.dma_semaphore, #tpu.memory_space<semaphore_mem>> -> memref<1x!tpu.dma_semaphore, #tpu.memory_space<semaphore_mem>>
    %dma_start3A_408 = tpu.memref_squeeze %dma_start3A_407 : memref<1x!tpu.dma_semaphore, #tpu.memory_space<semaphore_mem>> -> memref<!tpu.dma_semaphore, #tpu.memory_space<semaphore_mem>>
    %dma_start3A_409 = tpu.memref_slice %arg3[%select_n3A, %dma_start3A_400, %mul3A_398] : memref<16x30x9216xf32, #tpu.memory_space<hbm>> -> memref<1x1x4608xf32, #tpu.memory_space<hbm>>
    %dma_start3A_410 = tpu.memref_squeeze %dma_start3A_409 : memref<1x1x4608xf32, #tpu.memory_space<hbm>> -> memref<4608xf32, #tpu.memory_space<hbm>>
    %dma_start3A_411 = arith.constant 0 : i32
    %dma_start3A_412 = tpu.memref_slice %arg5[%dma_start3A_399, %dma_start3A_411] : memref<2x4608xf32, #tpu.memory_space<vmem>> -> memref<1x4608xf32, #tpu.memory_space<vmem>>
    %dma_start3A_413 = tpu.memref_squeeze %dma_start3A_412 : memref<1x4608xf32, #tpu.memory_space<vmem>> -> memref<4608xf32, #tpu.memory_space<vmem>>
    tpu.enqueue_dma source(%dma_start3A_413 : memref<4608xf32, #tpu.memory_space<vmem>>) target(%dma_start3A_410 : memref<4608xf32, #tpu.memory_space<hbm>>) target_semaphore(%dma_start3A_408 : memref<!tpu.dma_semaphore, #tpu.memory_space<semaphore_mem>>)
    %dma_wait3A_414 = arith.constant 0 : i32
    %dma_wait3A_415 = arith.constant 6 : i32
    %dma_wait3A_416 = arith.constant 0 : i32
    %dma_wait3A_417 = arith.constant 0 : i32
    %dma_wait3A_418 = tpu.memref_slice %arg5[%dma_wait3A_414, %dma_wait3A_417] : memref<2x4608xf32, #tpu.memory_space<vmem>> -> memref<1x4608xf32, #tpu.memory_space<vmem>>
    %dma_wait3A_419 = tpu.memref_squeeze %dma_wait3A_418 : memref<1x4608xf32, #tpu.memory_space<vmem>> -> memref<4608xf32, #tpu.memory_space<vmem>>
    %dma_wait3A_420 = tpu.memref_slice %arg3[%select_n3A, %dma_wait3A_415, %mul3A_350] : memref<16x30x9216xf32, #tpu.memory_space<hbm>> -> memref<1x1x4608xf32, #tpu.memory_space<hbm>>
    %dma_wait3A_421 = tpu.memref_squeeze %dma_wait3A_420 : memref<1x1x4608xf32, #tpu.memory_space<hbm>> -> memref<4608xf32, #tpu.memory_space<hbm>>
    %dma_wait3A_422 = tpu.memref_slice %arg7[%dma_wait3A_416] : memref<2x!tpu.dma_semaphore, #tpu.memory_space<semaphore_mem>> -> memref<1x!tpu.dma_semaphore, #tpu.memory_space<semaphore_mem>>
    %dma_wait3A_423 = tpu.memref_squeeze %dma_wait3A_422 : memref<1x!tpu.dma_semaphore, #tpu.memory_space<semaphore_mem>> -> memref<!tpu.dma_semaphore, #tpu.memory_space<semaphore_mem>>
    %dma_wait3A_424 = tpu.memref_slice %arg3[%select_n3A, %dma_wait3A_415, %mul3A_350] : memref<16x30x9216xf32, #tpu.memory_space<hbm>> -> memref<1x1x4608xf32, #tpu.memory_space<hbm>>
    %dma_wait3A_425 = tpu.memref_squeeze %dma_wait3A_424 : memref<1x1x4608xf32, #tpu.memory_space<hbm>> -> memref<4608xf32, #tpu.memory_space<hbm>>
    %dma_wait3A_426 = arith.constant 0 : i32
    %dma_wait3A_427 = tpu.memref_slice %arg5[%dma_wait3A_414, %dma_wait3A_426] : memref<2x4608xf32, #tpu.memory_space<vmem>> -> memref<1x4608xf32, #tpu.memory_space<vmem>>
    %dma_wait3A_428 = tpu.memref_squeeze %dma_wait3A_427 : memref<1x4608xf32, #tpu.memory_space<vmem>> -> memref<4608xf32, #tpu.memory_space<vmem>>
    tpu.wait_dma2 semaphore(%dma_wait3A_423 : memref<!tpu.dma_semaphore, #tpu.memory_space<semaphore_mem>>) src(%dma_wait3A_428 : memref<4608xf32, #tpu.memory_space<vmem>>) dst(%dma_wait3A_425 : memref<4608xf32, #tpu.memory_space<hbm>>)
    %mul3A_429 = arith.constant 20 : i32
    %mul3A_430 = vector.broadcast %mul3A_429 : i32 to vector<16xi32>
    %mul3A_431 = arith.muli %iota3A, %mul3A_430 : vector<16xi32>
    %add3A_432 = arith.constant 8 : i32
    %add3A_433 = vector.broadcast %add3A_432 : i32 to vector<16xi32>
    %add3A_434 = arith.addi %mul3A_431, %add3A_433 : vector<16xi32>
    %add3A_435 = arith.constant 0 : i32
    %add3A_436 = vector.broadcast %add3A_435 : i32 to vector<16xi32>
    %add3A_437 = arith.addi %add3A_434, %add3A_436 : vector<16xi32>
    %scan3A_438 = arith.constant 320 : i32
    %scan3A_439 = arith.constant 0 : i32
    %scan3A_440 = arith.constant 288 : i32
    %scan3A_441 = arith.addi %scan3A_439, %scan3A_440 : i32
    %scan3A_442 = arith.constant 1 : i32
    %scan3A_443 = scf.for %scan3A_1528 = %scan3A_439 to %scan3A_441 step %scan3A_442 iter_args(%scan3A_1529 = %add3A_437) -> (vector<16xi32>)  : i32 {
      %gather3A = tpu.vector_load_idx %arg4[%scan3A_1529] : memref<101376xf32, #tpu.memory_space<vmem>>[vector<16xi32>], vector<16xf32>,
      %mul3A_1530 = arith.constant 16 : i32
      %mul3A_1531 = arith.muli %scan3A_1528, %mul3A_1530 : i32
      %swap3A = arith.constant 0 : i32
      %swap3A_1532 = arith.index_cast %swap3A : i32 to index
      %swap3A_1533 = arith.index_cast %mul3A_1531 : i32 to index
      %swap3A_1534 = tpu.vector_load %arg5[%swap3A_1532, %swap3A_1533] {strides = array<i32>} : memref<2x4608xf32, #tpu.memory_space<vmem>>, vector<16xf32>,
      tpu.vector_store %arg5[%swap3A_1532, %swap3A_1533], %gather3A {strides = array<i32>} : memref<2x4608xf32, #tpu.memory_space<vmem>>, vector<16xf32>,
      %add3A_1535 = vector.broadcast %scan3A_438 : i32 to vector<16xi32>
      %add3A_1536 = arith.addi %scan3A_1529, %add3A_1535 : vector<16xi32>
      scf.yield %add3A_1536 : vector<16xi32>
    }
    %scan3A_444 = arith.constant 288 : i32
    %mul3A_445 = arith.constant 4608 : i32
    %mul3A_446 = arith.muli %select_n3A_30, %mul3A_445 : i32
    %dma_start3A_447 = arith.constant 0 : i32
    %dma_start3A_448 = arith.constant 8 : i32
    %dma_start3A_449 = arith.constant 0 : i32
    %dma_start3A_450 = arith.constant 0 : i32
    %dma_start3A_451 = tpu.memref_slice %arg5[%dma_start3A_447, %dma_start3A_450] : memref<2x4608xf32, #tpu.memory_space<vmem>> -> memref<1x4608xf32, #tpu.memory_space<vmem>>
    %dma_start3A_452 = tpu.memref_squeeze %dma_start3A_451 : memref<1x4608xf32, #tpu.memory_space<vmem>> -> memref<4608xf32, #tpu.memory_space<vmem>>
    %dma_start3A_453 = tpu.memref_slice %arg3[%select_n3A, %dma_start3A_448, %mul3A_446] : memref<16x30x9216xf32, #tpu.memory_space<hbm>> -> memref<1x1x4608xf32, #tpu.memory_space<hbm>>
    %dma_start3A_454 = tpu.memref_squeeze %dma_start3A_453 : memref<1x1x4608xf32, #tpu.memory_space<hbm>> -> memref<4608xf32, #tpu.memory_space<hbm>>
    %dma_start3A_455 = tpu.memref_slice %arg7[%dma_start3A_449] : memref<2x!tpu.dma_semaphore, #tpu.memory_space<semaphore_mem>> -> memref<1x!tpu.dma_semaphore, #tpu.memory_space<semaphore_mem>>
    %dma_start3A_456 = tpu.memref_squeeze %dma_start3A_455 : memref<1x!tpu.dma_semaphore, #tpu.memory_space<semaphore_mem>> -> memref<!tpu.dma_semaphore, #tpu.memory_space<semaphore_mem>>
    %dma_start3A_457 = tpu.memref_slice %arg3[%select_n3A, %dma_start3A_448, %mul3A_446] : memref<16x30x9216xf32, #tpu.memory_space<hbm>> -> memref<1x1x4608xf32, #tpu.memory_space<hbm>>
    %dma_start3A_458 = tpu.memref_squeeze %dma_start3A_457 : memref<1x1x4608xf32, #tpu.memory_space<hbm>> -> memref<4608xf32, #tpu.memory_space<hbm>>
    %dma_start3A_459 = arith.constant 0 : i32
    %dma_start3A_460 = tpu.memref_slice %arg5[%dma_start3A_447, %dma_start3A_459] : memref<2x4608xf32, #tpu.memory_space<vmem>> -> memref<1x4608xf32, #tpu.memory_space<vmem>>
    %dma_start3A_461 = tpu.memref_squeeze %dma_start3A_460 : memref<1x4608xf32, #tpu.memory_space<vmem>> -> memref<4608xf32, #tpu.memory_space<vmem>>
    tpu.enqueue_dma source(%dma_start3A_461 : memref<4608xf32, #tpu.memory_space<vmem>>) target(%dma_start3A_458 : memref<4608xf32, #tpu.memory_space<hbm>>) target_semaphore(%dma_start3A_456 : memref<!tpu.dma_semaphore, #tpu.memory_space<semaphore_mem>>)
    %dma_wait3A_462 = arith.constant 1 : i32
    %dma_wait3A_463 = arith.constant 7 : i32
    %dma_wait3A_464 = arith.constant 1 : i32
    %dma_wait3A_465 = arith.constant 0 : i32
    %dma_wait3A_466 = tpu.memref_slice %arg5[%dma_wait3A_462, %dma_wait3A_465] : memref<2x4608xf32, #tpu.memory_space<vmem>> -> memref<1x4608xf32, #tpu.memory_space<vmem>>
    %dma_wait3A_467 = tpu.memref_squeeze %dma_wait3A_466 : memref<1x4608xf32, #tpu.memory_space<vmem>> -> memref<4608xf32, #tpu.memory_space<vmem>>
    %dma_wait3A_468 = tpu.memref_slice %arg3[%select_n3A, %dma_wait3A_463, %mul3A_398] : memref<16x30x9216xf32, #tpu.memory_space<hbm>> -> memref<1x1x4608xf32, #tpu.memory_space<hbm>>
    %dma_wait3A_469 = tpu.memref_squeeze %dma_wait3A_468 : memref<1x1x4608xf32, #tpu.memory_space<hbm>> -> memref<4608xf32, #tpu.memory_space<hbm>>
    %dma_wait3A_470 = tpu.memref_slice %arg7[%dma_wait3A_464] : memref<2x!tpu.dma_semaphore, #tpu.memory_space<semaphore_mem>> -> memref<1x!tpu.dma_semaphore, #tpu.memory_space<semaphore_mem>>
    %dma_wait3A_471 = tpu.memref_squeeze %dma_wait3A_470 : memref<1x!tpu.dma_semaphore, #tpu.memory_space<semaphore_mem>> -> memref<!tpu.dma_semaphore, #tpu.memory_space<semaphore_mem>>
    %dma_wait3A_472 = tpu.memref_slice %arg3[%select_n3A, %dma_wait3A_463, %mul3A_398] : memref<16x30x9216xf32, #tpu.memory_space<hbm>> -> memref<1x1x4608xf32, #tpu.memory_space<hbm>>
    %dma_wait3A_473 = tpu.memref_squeeze %dma_wait3A_472 : memref<1x1x4608xf32, #tpu.memory_space<hbm>> -> memref<4608xf32, #tpu.memory_space<hbm>>
    %dma_wait3A_474 = arith.constant 0 : i32
    %dma_wait3A_475 = tpu.memref_slice %arg5[%dma_wait3A_462, %dma_wait3A_474] : memref<2x4608xf32, #tpu.memory_space<vmem>> -> memref<1x4608xf32, #tpu.memory_space<vmem>>
    %dma_wait3A_476 = tpu.memref_squeeze %dma_wait3A_475 : memref<1x4608xf32, #tpu.memory_space<vmem>> -> memref<4608xf32, #tpu.memory_space<vmem>>
    tpu.wait_dma2 semaphore(%dma_wait3A_471 : memref<!tpu.dma_semaphore, #tpu.memory_space<semaphore_mem>>) src(%dma_wait3A_476 : memref<4608xf32, #tpu.memory_space<vmem>>) dst(%dma_wait3A_473 : memref<4608xf32, #tpu.memory_space<hbm>>)
    %mul3A_477 = arith.constant 20 : i32
    %mul3A_478 = vector.broadcast %mul3A_477 : i32 to vector<16xi32>
    %mul3A_479 = arith.muli %iota3A, %mul3A_478 : vector<16xi32>
    %add3A_480 = arith.constant 9 : i32
    %add3A_481 = vector.broadcast %add3A_480 : i32 to vector<16xi32>
    %add3A_482 = arith.addi %mul3A_479, %add3A_481 : vector<16xi32>
    %add3A_483 = arith.constant 0 : i32
    %add3A_484 = vector.broadcast %add3A_483 : i32 to vector<16xi32>
    %add3A_485 = arith.addi %add3A_482, %add3A_484 : vector<16xi32>
    %scan3A_486 = arith.constant 320 : i32
    %scan3A_487 = arith.constant 0 : i32
    %scan3A_488 = arith.constant 288 : i32
    %scan3A_489 = arith.addi %scan3A_487, %scan3A_488 : i32
    %scan3A_490 = arith.constant 1 : i32
    %scan3A_491 = scf.for %scan3A_1528 = %scan3A_487 to %scan3A_489 step %scan3A_490 iter_args(%scan3A_1529 = %add3A_485) -> (vector<16xi32>)  : i32 {
      %gather3A = tpu.vector_load_idx %arg4[%scan3A_1529] : memref<101376xf32, #tpu.memory_space<vmem>>[vector<16xi32>], vector<16xf32>,
      %mul3A_1530 = arith.constant 16 : i32
      %mul3A_1531 = arith.muli %scan3A_1528, %mul3A_1530 : i32
      %swap3A = arith.constant 1 : i32
      %swap3A_1532 = arith.index_cast %swap3A : i32 to index
      %swap3A_1533 = arith.index_cast %mul3A_1531 : i32 to index
      %swap3A_1534 = tpu.vector_load %arg5[%swap3A_1532, %swap3A_1533] {strides = array<i32>} : memref<2x4608xf32, #tpu.memory_space<vmem>>, vector<16xf32>,
      tpu.vector_store %arg5[%swap3A_1532, %swap3A_1533], %gather3A {strides = array<i32>} : memref<2x4608xf32, #tpu.memory_space<vmem>>, vector<16xf32>,
      %add3A_1535 = vector.broadcast %scan3A_486 : i32 to vector<16xi32>
      %add3A_1536 = arith.addi %scan3A_1529, %add3A_1535 : vector<16xi32>
      scf.yield %add3A_1536 : vector<16xi32>
    }
    %scan3A_492 = arith.constant 288 : i32
    %mul3A_493 = arith.constant 4608 : i32
    %mul3A_494 = arith.muli %select_n3A_30, %mul3A_493 : i32
    %dma_start3A_495 = arith.constant 1 : i32
    %dma_start3A_496 = arith.constant 9 : i32
    %dma_start3A_497 = arith.constant 1 : i32
    %dma_start3A_498 = arith.constant 0 : i32
    %dma_start3A_499 = tpu.memref_slice %arg5[%dma_start3A_495, %dma_start3A_498] : memref<2x4608xf32, #tpu.memory_space<vmem>> -> memref<1x4608xf32, #tpu.memory_space<vmem>>
    %dma_start3A_500 = tpu.memref_squeeze %dma_start3A_499 : memref<1x4608xf32, #tpu.memory_space<vmem>> -> memref<4608xf32, #tpu.memory_space<vmem>>
    %dma_start3A_501 = tpu.memref_slice %arg3[%select_n3A, %dma_start3A_496, %mul3A_494] : memref<16x30x9216xf32, #tpu.memory_space<hbm>> -> memref<1x1x4608xf32, #tpu.memory_space<hbm>>
    %dma_start3A_502 = tpu.memref_squeeze %dma_start3A_501 : memref<1x1x4608xf32, #tpu.memory_space<hbm>> -> memref<4608xf32, #tpu.memory_space<hbm>>
    %dma_start3A_503 = tpu.memref_slice %arg7[%dma_start3A_497] : memref<2x!tpu.dma_semaphore, #tpu.memory_space<semaphore_mem>> -> memref<1x!tpu.dma_semaphore, #tpu.memory_space<semaphore_mem>>
    %dma_start3A_504 = tpu.memref_squeeze %dma_start3A_503 : memref<1x!tpu.dma_semaphore, #tpu.memory_space<semaphore_mem>> -> memref<!tpu.dma_semaphore, #tpu.memory_space<semaphore_mem>>
    %dma_start3A_505 = tpu.memref_slice %arg3[%select_n3A, %dma_start3A_496, %mul3A_494] : memref<16x30x9216xf32, #tpu.memory_space<hbm>> -> memref<1x1x4608xf32, #tpu.memory_space<hbm>>
    %dma_start3A_506 = tpu.memref_squeeze %dma_start3A_505 : memref<1x1x4608xf32, #tpu.memory_space<hbm>> -> memref<4608xf32, #tpu.memory_space<hbm>>
    %dma_start3A_507 = arith.constant 0 : i32
    %dma_start3A_508 = tpu.memref_slice %arg5[%dma_start3A_495, %dma_start3A_507] : memref<2x4608xf32, #tpu.memory_space<vmem>> -> memref<1x4608xf32, #tpu.memory_space<vmem>>
    %dma_start3A_509 = tpu.memref_squeeze %dma_start3A_508 : memref<1x4608xf32, #tpu.memory_space<vmem>> -> memref<4608xf32, #tpu.memory_space<vmem>>
    tpu.enqueue_dma source(%dma_start3A_509 : memref<4608xf32, #tpu.memory_space<vmem>>) target(%dma_start3A_506 : memref<4608xf32, #tpu.memory_space<hbm>>) target_semaphore(%dma_start3A_504 : memref<!tpu.dma_semaphore, #tpu.memory_space<semaphore_mem>>)
    %dma_wait3A_510 = arith.constant 0 : i32
    %dma_wait3A_511 = arith.constant 8 : i32
    %dma_wait3A_512 = arith.constant 0 : i32
    %dma_wait3A_513 = arith.constant 0 : i32
    %dma_wait3A_514 = tpu.memref_slice %arg5[%dma_wait3A_510, %dma_wait3A_513] : memref<2x4608xf32, #tpu.memory_space<vmem>> -> memref<1x4608xf32, #tpu.memory_space<vmem>>
    %dma_wait3A_515 = tpu.memref_squeeze %dma_wait3A_514 : memref<1x4608xf32, #tpu.memory_space<vmem>> -> memref<4608xf32, #tpu.memory_space<vmem>>
    %dma_wait3A_516 = tpu.memref_slice %arg3[%select_n3A, %dma_wait3A_511, %mul3A_446] : memref<16x30x9216xf32, #tpu.memory_space<hbm>> -> memref<1x1x4608xf32, #tpu.memory_space<hbm>>
    %dma_wait3A_517 = tpu.memref_squeeze %dma_wait3A_516 : memref<1x1x4608xf32, #tpu.memory_space<hbm>> -> memref<4608xf32, #tpu.memory_space<hbm>>
    %dma_wait3A_518 = tpu.memref_slice %arg7[%dma_wait3A_512] : memref<2x!tpu.dma_semaphore, #tpu.memory_space<semaphore_mem>> -> memref<1x!tpu.dma_semaphore, #tpu.memory_space<semaphore_mem>>
    %dma_wait3A_519 = tpu.memref_squeeze %dma_wait3A_518 : memref<1x!tpu.dma_semaphore, #tpu.memory_space<semaphore_mem>> -> memref<!tpu.dma_semaphore, #tpu.memory_space<semaphore_mem>>
    %dma_wait3A_520 = tpu.memref_slice %arg3[%select_n3A, %dma_wait3A_511, %mul3A_446] : memref<16x30x9216xf32, #tpu.memory_space<hbm>> -> memref<1x1x4608xf32, #tpu.memory_space<hbm>>
    %dma_wait3A_521 = tpu.memref_squeeze %dma_wait3A_520 : memref<1x1x4608xf32, #tpu.memory_space<hbm>> -> memref<4608xf32, #tpu.memory_space<hbm>>
    %dma_wait3A_522 = arith.constant 0 : i32
    %dma_wait3A_523 = tpu.memref_slice %arg5[%dma_wait3A_510, %dma_wait3A_522] : memref<2x4608xf32, #tpu.memory_space<vmem>> -> memref<1x4608xf32, #tpu.memory_space<vmem>>
    %dma_wait3A_524 = tpu.memref_squeeze %dma_wait3A_523 : memref<1x4608xf32, #tpu.memory_space<vmem>> -> memref<4608xf32, #tpu.memory_space<vmem>>
    tpu.wait_dma2 semaphore(%dma_wait3A_519 : memref<!tpu.dma_semaphore, #tpu.memory_space<semaphore_mem>>) src(%dma_wait3A_524 : memref<4608xf32, #tpu.memory_space<vmem>>) dst(%dma_wait3A_521 : memref<4608xf32, #tpu.memory_space<hbm>>)
    %mul3A_525 = arith.constant 20 : i32
    %mul3A_526 = vector.broadcast %mul3A_525 : i32 to vector<16xi32>
    %mul3A_527 = arith.muli %iota3A, %mul3A_526 : vector<16xi32>
    %add3A_528 = arith.constant 10 : i32
    %add3A_529 = vector.broadcast %add3A_528 : i32 to vector<16xi32>
    %add3A_530 = arith.addi %mul3A_527, %add3A_529 : vector<16xi32>
    %add3A_531 = arith.constant 0 : i32
    %add3A_532 = vector.broadcast %add3A_531 : i32 to vector<16xi32>
    %add3A_533 = arith.addi %add3A_530, %add3A_532 : vector<16xi32>
    %scan3A_534 = arith.constant 320 : i32
    %scan3A_535 = arith.constant 0 : i32
    %scan3A_536 = arith.constant 288 : i32
    %scan3A_537 = arith.addi %scan3A_535, %scan3A_536 : i32
    %scan3A_538 = arith.constant 1 : i32
    %scan3A_539 = scf.for %scan3A_1528 = %scan3A_535 to %scan3A_537 step %scan3A_538 iter_args(%scan3A_1529 = %add3A_533) -> (vector<16xi32>)  : i32 {
      %gather3A = tpu.vector_load_idx %arg4[%scan3A_1529] : memref<101376xf32, #tpu.memory_space<vmem>>[vector<16xi32>], vector<16xf32>,
      %mul3A_1530 = arith.constant 16 : i32
      %mul3A_1531 = arith.muli %scan3A_1528, %mul3A_1530 : i32
      %swap3A = arith.constant 0 : i32
      %swap3A_1532 = arith.index_cast %swap3A : i32 to index
      %swap3A_1533 = arith.index_cast %mul3A_1531 : i32 to index
      %swap3A_1534 = tpu.vector_load %arg5[%swap3A_1532, %swap3A_1533] {strides = array<i32>} : memref<2x4608xf32, #tpu.memory_space<vmem>>, vector<16xf32>,
      tpu.vector_store %arg5[%swap3A_1532, %swap3A_1533], %gather3A {strides = array<i32>} : memref<2x4608xf32, #tpu.memory_space<vmem>>, vector<16xf32>,
      %add3A_1535 = vector.broadcast %scan3A_534 : i32 to vector<16xi32>
      %add3A_1536 = arith.addi %scan3A_1529, %add3A_1535 : vector<16xi32>
      scf.yield %add3A_1536 : vector<16xi32>
    }
    %scan3A_540 = arith.constant 288 : i32
    %mul3A_541 = arith.constant 4608 : i32
    %mul3A_542 = arith.muli %select_n3A_30, %mul3A_541 : i32
    %dma_start3A_543 = arith.constant 0 : i32
    %dma_start3A_544 = arith.constant 10 : i32
    %dma_start3A_545 = arith.constant 0 : i32
    %dma_start3A_546 = arith.constant 0 : i32
    %dma_start3A_547 = tpu.memref_slice %arg5[%dma_start3A_543, %dma_start3A_546] : memref<2x4608xf32, #tpu.memory_space<vmem>> -> memref<1x4608xf32, #tpu.memory_space<vmem>>
    %dma_start3A_548 = tpu.memref_squeeze %dma_start3A_547 : memref<1x4608xf32, #tpu.memory_space<vmem>> -> memref<4608xf32, #tpu.memory_space<vmem>>
    %dma_start3A_549 = tpu.memref_slice %arg3[%select_n3A, %dma_start3A_544, %mul3A_542] : memref<16x30x9216xf32, #tpu.memory_space<hbm>> -> memref<1x1x4608xf32, #tpu.memory_space<hbm>>
    %dma_start3A_550 = tpu.memref_squeeze %dma_start3A_549 : memref<1x1x4608xf32, #tpu.memory_space<hbm>> -> memref<4608xf32, #tpu.memory_space<hbm>>
    %dma_start3A_551 = tpu.memref_slice %arg7[%dma_start3A_545] : memref<2x!tpu.dma_semaphore, #tpu.memory_space<semaphore_mem>> -> memref<1x!tpu.dma_semaphore, #tpu.memory_space<semaphore_mem>>
    %dma_start3A_552 = tpu.memref_squeeze %dma_start3A_551 : memref<1x!tpu.dma_semaphore, #tpu.memory_space<semaphore_mem>> -> memref<!tpu.dma_semaphore, #tpu.memory_space<semaphore_mem>>
    %dma_start3A_553 = tpu.memref_slice %arg3[%select_n3A, %dma_start3A_544, %mul3A_542] : memref<16x30x9216xf32, #tpu.memory_space<hbm>> -> memref<1x1x4608xf32, #tpu.memory_space<hbm>>
    %dma_start3A_554 = tpu.memref_squeeze %dma_start3A_553 : memref<1x1x4608xf32, #tpu.memory_space<hbm>> -> memref<4608xf32, #tpu.memory_space<hbm>>
    %dma_start3A_555 = arith.constant 0 : i32
    %dma_start3A_556 = tpu.memref_slice %arg5[%dma_start3A_543, %dma_start3A_555] : memref<2x4608xf32, #tpu.memory_space<vmem>> -> memref<1x4608xf32, #tpu.memory_space<vmem>>
    %dma_start3A_557 = tpu.memref_squeeze %dma_start3A_556 : memref<1x4608xf32, #tpu.memory_space<vmem>> -> memref<4608xf32, #tpu.memory_space<vmem>>
    tpu.enqueue_dma source(%dma_start3A_557 : memref<4608xf32, #tpu.memory_space<vmem>>) target(%dma_start3A_554 : memref<4608xf32, #tpu.memory_space<hbm>>) target_semaphore(%dma_start3A_552 : memref<!tpu.dma_semaphore, #tpu.memory_space<semaphore_mem>>)
    %dma_wait3A_558 = arith.constant 1 : i32
    %dma_wait3A_559 = arith.constant 9 : i32
    %dma_wait3A_560 = arith.constant 1 : i32
    %dma_wait3A_561 = arith.constant 0 : i32
    %dma_wait3A_562 = tpu.memref_slice %arg5[%dma_wait3A_558, %dma_wait3A_561] : memref<2x4608xf32, #tpu.memory_space<vmem>> -> memref<1x4608xf32, #tpu.memory_space<vmem>>
    %dma_wait3A_563 = tpu.memref_squeeze %dma_wait3A_562 : memref<1x4608xf32, #tpu.memory_space<vmem>> -> memref<4608xf32, #tpu.memory_space<vmem>>
    %dma_wait3A_564 = tpu.memref_slice %arg3[%select_n3A, %dma_wait3A_559, %mul3A_494] : memref<16x30x9216xf32, #tpu.memory_space<hbm>> -> memref<1x1x4608xf32, #tpu.memory_space<hbm>>
    %dma_wait3A_565 = tpu.memref_squeeze %dma_wait3A_564 : memref<1x1x4608xf32, #tpu.memory_space<hbm>> -> memref<4608xf32, #tpu.memory_space<hbm>>
    %dma_wait3A_566 = tpu.memref_slice %arg7[%dma_wait3A_560] : memref<2x!tpu.dma_semaphore, #tpu.memory_space<semaphore_mem>> -> memref<1x!tpu.dma_semaphore, #tpu.memory_space<semaphore_mem>>
    %dma_wait3A_567 = tpu.memref_squeeze %dma_wait3A_566 : memref<1x!tpu.dma_semaphore, #tpu.memory_space<semaphore_mem>> -> memref<!tpu.dma_semaphore, #tpu.memory_space<semaphore_mem>>
    %dma_wait3A_568 = tpu.memref_slice %arg3[%select_n3A, %dma_wait3A_559, %mul3A_494] : memref<16x30x9216xf32, #tpu.memory_space<hbm>> -> memref<1x1x4608xf32, #tpu.memory_space<hbm>>
    %dma_wait3A_569 = tpu.memref_squeeze %dma_wait3A_568 : memref<1x1x4608xf32, #tpu.memory_space<hbm>> -> memref<4608xf32, #tpu.memory_space<hbm>>
    %dma_wait3A_570 = arith.constant 0 : i32
    %dma_wait3A_571 = tpu.memref_slice %arg5[%dma_wait3A_558, %dma_wait3A_570] : memref<2x4608xf32, #tpu.memory_space<vmem>> -> memref<1x4608xf32, #tpu.memory_space<vmem>>
    %dma_wait3A_572 = tpu.memref_squeeze %dma_wait3A_571 : memref<1x4608xf32, #tpu.memory_space<vmem>> -> memref<4608xf32, #tpu.memory_space<vmem>>
    tpu.wait_dma2 semaphore(%dma_wait3A_567 : memref<!tpu.dma_semaphore, #tpu.memory_space<semaphore_mem>>) src(%dma_wait3A_572 : memref<4608xf32, #tpu.memory_space<vmem>>) dst(%dma_wait3A_569 : memref<4608xf32, #tpu.memory_space<hbm>>)
    %mul3A_573 = arith.constant 20 : i32
    %mul3A_574 = vector.broadcast %mul3A_573 : i32 to vector<16xi32>
    %mul3A_575 = arith.muli %iota3A, %mul3A_574 : vector<16xi32>
    %add3A_576 = arith.constant 11 : i32
    %add3A_577 = vector.broadcast %add3A_576 : i32 to vector<16xi32>
    %add3A_578 = arith.addi %mul3A_575, %add3A_577 : vector<16xi32>
    %add3A_579 = arith.constant 0 : i32
    %add3A_580 = vector.broadcast %add3A_579 : i32 to vector<16xi32>
    %add3A_581 = arith.addi %add3A_578, %add3A_580 : vector<16xi32>
    %scan3A_582 = arith.constant 320 : i32
    %scan3A_583 = arith.constant 0 : i32
    %scan3A_584 = arith.constant 288 : i32
    %scan3A_585 = arith.addi %scan3A_583, %scan3A_584 : i32
    %scan3A_586 = arith.constant 1 : i32
    %scan3A_587 = scf.for %scan3A_1528 = %scan3A_583 to %scan3A_585 step %scan3A_586 iter_args(%scan3A_1529 = %add3A_581) -> (vector<16xi32>)  : i32 {
      %gather3A = tpu.vector_load_idx %arg4[%scan3A_1529] : memref<101376xf32, #tpu.memory_space<vmem>>[vector<16xi32>], vector<16xf32>,
      %mul3A_1530 = arith.constant 16 : i32
      %mul3A_1531 = arith.muli %scan3A_1528, %mul3A_1530 : i32
      %swap3A = arith.constant 1 : i32
      %swap3A_1532 = arith.index_cast %swap3A : i32 to index
      %swap3A_1533 = arith.index_cast %mul3A_1531 : i32 to index
      %swap3A_1534 = tpu.vector_load %arg5[%swap3A_1532, %swap3A_1533] {strides = array<i32>} : memref<2x4608xf32, #tpu.memory_space<vmem>>, vector<16xf32>,
      tpu.vector_store %arg5[%swap3A_1532, %swap3A_1533], %gather3A {strides = array<i32>} : memref<2x4608xf32, #tpu.memory_space<vmem>>, vector<16xf32>,
      %add3A_1535 = vector.broadcast %scan3A_582 : i32 to vector<16xi32>
      %add3A_1536 = arith.addi %scan3A_1529, %add3A_1535 : vector<16xi32>
      scf.yield %add3A_1536 : vector<16xi32>
    }
    %scan3A_588 = arith.constant 288 : i32
    %mul3A_589 = arith.constant 4608 : i32
    %mul3A_590 = arith.muli %select_n3A_30, %mul3A_589 : i32
    %dma_start3A_591 = arith.constant 1 : i32
    %dma_start3A_592 = arith.constant 11 : i32
    %dma_start3A_593 = arith.constant 1 : i32
    %dma_start3A_594 = arith.constant 0 : i32
    %dma_start3A_595 = tpu.memref_slice %arg5[%dma_start3A_591, %dma_start3A_594] : memref<2x4608xf32, #tpu.memory_space<vmem>> -> memref<1x4608xf32, #tpu.memory_space<vmem>>
    %dma_start3A_596 = tpu.memref_squeeze %dma_start3A_595 : memref<1x4608xf32, #tpu.memory_space<vmem>> -> memref<4608xf32, #tpu.memory_space<vmem>>
    %dma_start3A_597 = tpu.memref_slice %arg3[%select_n3A, %dma_start3A_592, %mul3A_590] : memref<16x30x9216xf32, #tpu.memory_space<hbm>> -> memref<1x1x4608xf32, #tpu.memory_space<hbm>>
    %dma_start3A_598 = tpu.memref_squeeze %dma_start3A_597 : memref<1x1x4608xf32, #tpu.memory_space<hbm>> -> memref<4608xf32, #tpu.memory_space<hbm>>
    %dma_start3A_599 = tpu.memref_slice %arg7[%dma_start3A_593] : memref<2x!tpu.dma_semaphore, #tpu.memory_space<semaphore_mem>> -> memref<1x!tpu.dma_semaphore, #tpu.memory_space<semaphore_mem>>
    %dma_start3A_600 = tpu.memref_squeeze %dma_start3A_599 : memref<1x!tpu.dma_semaphore, #tpu.memory_space<semaphore_mem>> -> memref<!tpu.dma_semaphore, #tpu.memory_space<semaphore_mem>>
    %dma_start3A_601 = tpu.memref_slice %arg3[%select_n3A, %dma_start3A_592, %mul3A_590] : memref<16x30x9216xf32, #tpu.memory_space<hbm>> -> memref<1x1x4608xf32, #tpu.memory_space<hbm>>
    %dma_start3A_602 = tpu.memref_squeeze %dma_start3A_601 : memref<1x1x4608xf32, #tpu.memory_space<hbm>> -> memref<4608xf32, #tpu.memory_space<hbm>>
    %dma_start3A_603 = arith.constant 0 : i32
    %dma_start3A_604 = tpu.memref_slice %arg5[%dma_start3A_591, %dma_start3A_603] : memref<2x4608xf32, #tpu.memory_space<vmem>> -> memref<1x4608xf32, #tpu.memory_space<vmem>>
    %dma_start3A_605 = tpu.memref_squeeze %dma_start3A_604 : memref<1x4608xf32, #tpu.memory_space<vmem>> -> memref<4608xf32, #tpu.memory_space<vmem>>
    tpu.enqueue_dma source(%dma_start3A_605 : memref<4608xf32, #tpu.memory_space<vmem>>) target(%dma_start3A_602 : memref<4608xf32, #tpu.memory_space<hbm>>) target_semaphore(%dma_start3A_600 : memref<!tpu.dma_semaphore, #tpu.memory_space<semaphore_mem>>)
    %dma_wait3A_606 = arith.constant 0 : i32
    %dma_wait3A_607 = arith.constant 10 : i32
    %dma_wait3A_608 = arith.constant 0 : i32
    %dma_wait3A_609 = arith.constant 0 : i32
    %dma_wait3A_610 = tpu.memref_slice %arg5[%dma_wait3A_606, %dma_wait3A_609] : memref<2x4608xf32, #tpu.memory_space<vmem>> -> memref<1x4608xf32, #tpu.memory_space<vmem>>
    %dma_wait3A_611 = tpu.memref_squeeze %dma_wait3A_610 : memref<1x4608xf32, #tpu.memory_space<vmem>> -> memref<4608xf32, #tpu.memory_space<vmem>>
    %dma_wait3A_612 = tpu.memref_slice %arg3[%select_n3A, %dma_wait3A_607, %mul3A_542] : memref<16x30x9216xf32, #tpu.memory_space<hbm>> -> memref<1x1x4608xf32, #tpu.memory_space<hbm>>
    %dma_wait3A_613 = tpu.memref_squeeze %dma_wait3A_612 : memref<1x1x4608xf32, #tpu.memory_space<hbm>> -> memref<4608xf32, #tpu.memory_space<hbm>>
    %dma_wait3A_614 = tpu.memref_slice %arg7[%dma_wait3A_608] : memref<2x!tpu.dma_semaphore, #tpu.memory_space<semaphore_mem>> -> memref<1x!tpu.dma_semaphore, #tpu.memory_space<semaphore_mem>>
    %dma_wait3A_615 = tpu.memref_squeeze %dma_wait3A_614 : memref<1x!tpu.dma_semaphore, #tpu.memory_space<semaphore_mem>> -> memref<!tpu.dma_semaphore, #tpu.memory_space<semaphore_mem>>
    %dma_wait3A_616 = tpu.memref_slice %arg3[%select_n3A, %dma_wait3A_607, %mul3A_542] : memref<16x30x9216xf32, #tpu.memory_space<hbm>> -> memref<1x1x4608xf32, #tpu.memory_space<hbm>>
    %dma_wait3A_617 = tpu.memref_squeeze %dma_wait3A_616 : memref<1x1x4608xf32, #tpu.memory_space<hbm>> -> memref<4608xf32, #tpu.memory_space<hbm>>
    %dma_wait3A_618 = arith.constant 0 : i32
    %dma_wait3A_619 = tpu.memref_slice %arg5[%dma_wait3A_606, %dma_wait3A_618] : memref<2x4608xf32, #tpu.memory_space<vmem>> -> memref<1x4608xf32, #tpu.memory_space<vmem>>
    %dma_wait3A_620 = tpu.memref_squeeze %dma_wait3A_619 : memref<1x4608xf32, #tpu.memory_space<vmem>> -> memref<4608xf32, #tpu.memory_space<vmem>>
    tpu.wait_dma2 semaphore(%dma_wait3A_615 : memref<!tpu.dma_semaphore, #tpu.memory_space<semaphore_mem>>) src(%dma_wait3A_620 : memref<4608xf32, #tpu.memory_space<vmem>>) dst(%dma_wait3A_617 : memref<4608xf32, #tpu.memory_space<hbm>>)
    %mul3A_621 = arith.constant 20 : i32
    %mul3A_622 = vector.broadcast %mul3A_621 : i32 to vector<16xi32>
    %mul3A_623 = arith.muli %iota3A, %mul3A_622 : vector<16xi32>
    %add3A_624 = arith.constant 12 : i32
    %add3A_625 = vector.broadcast %add3A_624 : i32 to vector<16xi32>
    %add3A_626 = arith.addi %mul3A_623, %add3A_625 : vector<16xi32>
    %add3A_627 = arith.constant 0 : i32
    %add3A_628 = vector.broadcast %add3A_627 : i32 to vector<16xi32>
    %add3A_629 = arith.addi %add3A_626, %add3A_628 : vector<16xi32>
    %scan3A_630 = arith.constant 320 : i32
    %scan3A_631 = arith.constant 0 : i32
    %scan3A_632 = arith.constant 288 : i32
    %scan3A_633 = arith.addi %scan3A_631, %scan3A_632 : i32
    %scan3A_634 = arith.constant 1 : i32
    %scan3A_635 = scf.for %scan3A_1528 = %scan3A_631 to %scan3A_633 step %scan3A_634 iter_args(%scan3A_1529 = %add3A_629) -> (vector<16xi32>)  : i32 {
      %gather3A = tpu.vector_load_idx %arg4[%scan3A_1529] : memref<101376xf32, #tpu.memory_space<vmem>>[vector<16xi32>], vector<16xf32>,
      %mul3A_1530 = arith.constant 16 : i32
      %mul3A_1531 = arith.muli %scan3A_1528, %mul3A_1530 : i32
      %swap3A = arith.constant 0 : i32
      %swap3A_1532 = arith.index_cast %swap3A : i32 to index
      %swap3A_1533 = arith.index_cast %mul3A_1531 : i32 to index
      %swap3A_1534 = tpu.vector_load %arg5[%swap3A_1532, %swap3A_1533] {strides = array<i32>} : memref<2x4608xf32, #tpu.memory_space<vmem>>, vector<16xf32>,
      tpu.vector_store %arg5[%swap3A_1532, %swap3A_1533], %gather3A {strides = array<i32>} : memref<2x4608xf32, #tpu.memory_space<vmem>>, vector<16xf32>,
      %add3A_1535 = vector.broadcast %scan3A_630 : i32 to vector<16xi32>
      %add3A_1536 = arith.addi %scan3A_1529, %add3A_1535 : vector<16xi32>
      scf.yield %add3A_1536 : vector<16xi32>
    }
    %scan3A_636 = arith.constant 288 : i32
    %mul3A_637 = arith.constant 4608 : i32
    %mul3A_638 = arith.muli %select_n3A_30, %mul3A_637 : i32
    %dma_start3A_639 = arith.constant 0 : i32
    %dma_start3A_640 = arith.constant 12 : i32
    %dma_start3A_641 = arith.constant 0 : i32
    %dma_start3A_642 = arith.constant 0 : i32
    %dma_start3A_643 = tpu.memref_slice %arg5[%dma_start3A_639, %dma_start3A_642] : memref<2x4608xf32, #tpu.memory_space<vmem>> -> memref<1x4608xf32, #tpu.memory_space<vmem>>
    %dma_start3A_644 = tpu.memref_squeeze %dma_start3A_643 : memref<1x4608xf32, #tpu.memory_space<vmem>> -> memref<4608xf32, #tpu.memory_space<vmem>>
    %dma_start3A_645 = tpu.memref_slice %arg3[%select_n3A, %dma_start3A_640, %mul3A_638] : memref<16x30x9216xf32, #tpu.memory_space<hbm>> -> memref<1x1x4608xf32, #tpu.memory_space<hbm>>
    %dma_start3A_646 = tpu.memref_squeeze %dma_start3A_645 : memref<1x1x4608xf32, #tpu.memory_space<hbm>> -> memref<4608xf32, #tpu.memory_space<hbm>>
    %dma_start3A_647 = tpu.memref_slice %arg7[%dma_start3A_641] : memref<2x!tpu.dma_semaphore, #tpu.memory_space<semaphore_mem>> -> memref<1x!tpu.dma_semaphore, #tpu.memory_space<semaphore_mem>>
    %dma_start3A_648 = tpu.memref_squeeze %dma_start3A_647 : memref<1x!tpu.dma_semaphore, #tpu.memory_space<semaphore_mem>> -> memref<!tpu.dma_semaphore, #tpu.memory_space<semaphore_mem>>
    %dma_start3A_649 = tpu.memref_slice %arg3[%select_n3A, %dma_start3A_640, %mul3A_638] : memref<16x30x9216xf32, #tpu.memory_space<hbm>> -> memref<1x1x4608xf32, #tpu.memory_space<hbm>>
    %dma_start3A_650 = tpu.memref_squeeze %dma_start3A_649 : memref<1x1x4608xf32, #tpu.memory_space<hbm>> -> memref<4608xf32, #tpu.memory_space<hbm>>
    %dma_start3A_651 = arith.constant 0 : i32
    %dma_start3A_652 = tpu.memref_slice %arg5[%dma_start3A_639, %dma_start3A_651] : memref<2x4608xf32, #tpu.memory_space<vmem>> -> memref<1x4608xf32, #tpu.memory_space<vmem>>
    %dma_start3A_653 = tpu.memref_squeeze %dma_start3A_652 : memref<1x4608xf32, #tpu.memory_space<vmem>> -> memref<4608xf32, #tpu.memory_space<vmem>>
    tpu.enqueue_dma source(%dma_start3A_653 : memref<4608xf32, #tpu.memory_space<vmem>>) target(%dma_start3A_650 : memref<4608xf32, #tpu.memory_space<hbm>>) target_semaphore(%dma_start3A_648 : memref<!tpu.dma_semaphore, #tpu.memory_space<semaphore_mem>>)
    %dma_wait3A_654 = arith.constant 1 : i32
    %dma_wait3A_655 = arith.constant 11 : i32
    %dma_wait3A_656 = arith.constant 1 : i32
    %dma_wait3A_657 = arith.constant 0 : i32
    %dma_wait3A_658 = tpu.memref_slice %arg5[%dma_wait3A_654, %dma_wait3A_657] : memref<2x4608xf32, #tpu.memory_space<vmem>> -> memref<1x4608xf32, #tpu.memory_space<vmem>>
    %dma_wait3A_659 = tpu.memref_squeeze %dma_wait3A_658 : memref<1x4608xf32, #tpu.memory_space<vmem>> -> memref<4608xf32, #tpu.memory_space<vmem>>
    %dma_wait3A_660 = tpu.memref_slice %arg3[%select_n3A, %dma_wait3A_655, %mul3A_590] : memref<16x30x9216xf32, #tpu.memory_space<hbm>> -> memref<1x1x4608xf32, #tpu.memory_space<hbm>>
    %dma_wait3A_661 = tpu.memref_squeeze %dma_wait3A_660 : memref<1x1x4608xf32, #tpu.memory_space<hbm>> -> memref<4608xf32, #tpu.memory_space<hbm>>
    %dma_wait3A_662 = tpu.memref_slice %arg7[%dma_wait3A_656] : memref<2x!tpu.dma_semaphore, #tpu.memory_space<semaphore_mem>> -> memref<1x!tpu.dma_semaphore, #tpu.memory_space<semaphore_mem>>
    %dma_wait3A_663 = tpu.memref_squeeze %dma_wait3A_662 : memref<1x!tpu.dma_semaphore, #tpu.memory_space<semaphore_mem>> -> memref<!tpu.dma_semaphore, #tpu.memory_space<semaphore_mem>>
    %dma_wait3A_664 = tpu.memref_slice %arg3[%select_n3A, %dma_wait3A_655, %mul3A_590] : memref<16x30x9216xf32, #tpu.memory_space<hbm>> -> memref<1x1x4608xf32, #tpu.memory_space<hbm>>
    %dma_wait3A_665 = tpu.memref_squeeze %dma_wait3A_664 : memref<1x1x4608xf32, #tpu.memory_space<hbm>> -> memref<4608xf32, #tpu.memory_space<hbm>>
    %dma_wait3A_666 = arith.constant 0 : i32
    %dma_wait3A_667 = tpu.memref_slice %arg5[%dma_wait3A_654, %dma_wait3A_666] : memref<2x4608xf32, #tpu.memory_space<vmem>> -> memref<1x4608xf32, #tpu.memory_space<vmem>>
    %dma_wait3A_668 = tpu.memref_squeeze %dma_wait3A_667 : memref<1x4608xf32, #tpu.memory_space<vmem>> -> memref<4608xf32, #tpu.memory_space<vmem>>
    tpu.wait_dma2 semaphore(%dma_wait3A_663 : memref<!tpu.dma_semaphore, #tpu.memory_space<semaphore_mem>>) src(%dma_wait3A_668 : memref<4608xf32, #tpu.memory_space<vmem>>) dst(%dma_wait3A_665 : memref<4608xf32, #tpu.memory_space<hbm>>)
    %mul3A_669 = arith.constant 20 : i32
    %mul3A_670 = vector.broadcast %mul3A_669 : i32 to vector<16xi32>
    %mul3A_671 = arith.muli %iota3A, %mul3A_670 : vector<16xi32>
    %add3A_672 = arith.constant 13 : i32
    %add3A_673 = vector.broadcast %add3A_672 : i32 to vector<16xi32>
    %add3A_674 = arith.addi %mul3A_671, %add3A_673 : vector<16xi32>
    %add3A_675 = arith.constant 0 : i32
    %add3A_676 = vector.broadcast %add3A_675 : i32 to vector<16xi32>
    %add3A_677 = arith.addi %add3A_674, %add3A_676 : vector<16xi32>
    %scan3A_678 = arith.constant 320 : i32
    %scan3A_679 = arith.constant 0 : i32
    %scan3A_680 = arith.constant 288 : i32
    %scan3A_681 = arith.addi %scan3A_679, %scan3A_680 : i32
    %scan3A_682 = arith.constant 1 : i32
    %scan3A_683 = scf.for %scan3A_1528 = %scan3A_679 to %scan3A_681 step %scan3A_682 iter_args(%scan3A_1529 = %add3A_677) -> (vector<16xi32>)  : i32 {
      %gather3A = tpu.vector_load_idx %arg4[%scan3A_1529] : memref<101376xf32, #tpu.memory_space<vmem>>[vector<16xi32>], vector<16xf32>,
      %mul3A_1530 = arith.constant 16 : i32
      %mul3A_1531 = arith.muli %scan3A_1528, %mul3A_1530 : i32
      %swap3A = arith.constant 1 : i32
      %swap3A_1532 = arith.index_cast %swap3A : i32 to index
      %swap3A_1533 = arith.index_cast %mul3A_1531 : i32 to index
      %swap3A_1534 = tpu.vector_load %arg5[%swap3A_1532, %swap3A_1533] {strides = array<i32>} : memref<2x4608xf32, #tpu.memory_space<vmem>>, vector<16xf32>,
      tpu.vector_store %arg5[%swap3A_1532, %swap3A_1533], %gather3A {strides = array<i32>} : memref<2x4608xf32, #tpu.memory_space<vmem>>, vector<16xf32>,
      %add3A_1535 = vector.broadcast %scan3A_678 : i32 to vector<16xi32>
      %add3A_1536 = arith.addi %scan3A_1529, %add3A_1535 : vector<16xi32>
      scf.yield %add3A_1536 : vector<16xi32>
    }
    %scan3A_684 = arith.constant 288 : i32
    %mul3A_685 = arith.constant 4608 : i32
    %mul3A_686 = arith.muli %select_n3A_30, %mul3A_685 : i32
    %dma_start3A_687 = arith.constant 1 : i32
    %dma_start3A_688 = arith.constant 13 : i32
    %dma_start3A_689 = arith.constant 1 : i32
    %dma_start3A_690 = arith.constant 0 : i32
    %dma_start3A_691 = tpu.memref_slice %arg5[%dma_start3A_687, %dma_start3A_690] : memref<2x4608xf32, #tpu.memory_space<vmem>> -> memref<1x4608xf32, #tpu.memory_space<vmem>>
    %dma_start3A_692 = tpu.memref_squeeze %dma_start3A_691 : memref<1x4608xf32, #tpu.memory_space<vmem>> -> memref<4608xf32, #tpu.memory_space<vmem>>
    %dma_start3A_693 = tpu.memref_slice %arg3[%select_n3A, %dma_start3A_688, %mul3A_686] : memref<16x30x9216xf32, #tpu.memory_space<hbm>> -> memref<1x1x4608xf32, #tpu.memory_space<hbm>>
    %dma_start3A_694 = tpu.memref_squeeze %dma_start3A_693 : memref<1x1x4608xf32, #tpu.memory_space<hbm>> -> memref<4608xf32, #tpu.memory_space<hbm>>
    %dma_start3A_695 = tpu.memref_slice %arg7[%dma_start3A_689] : memref<2x!tpu.dma_semaphore, #tpu.memory_space<semaphore_mem>> -> memref<1x!tpu.dma_semaphore, #tpu.memory_space<semaphore_mem>>
    %dma_start3A_696 = tpu.memref_squeeze %dma_start3A_695 : memref<1x!tpu.dma_semaphore, #tpu.memory_space<semaphore_mem>> -> memref<!tpu.dma_semaphore, #tpu.memory_space<semaphore_mem>>
    %dma_start3A_697 = tpu.memref_slice %arg3[%select_n3A, %dma_start3A_688, %mul3A_686] : memref<16x30x9216xf32, #tpu.memory_space<hbm>> -> memref<1x1x4608xf32, #tpu.memory_space<hbm>>
    %dma_start3A_698 = tpu.memref_squeeze %dma_start3A_697 : memref<1x1x4608xf32, #tpu.memory_space<hbm>> -> memref<4608xf32, #tpu.memory_space<hbm>>
    %dma_start3A_699 = arith.constant 0 : i32
    %dma_start3A_700 = tpu.memref_slice %arg5[%dma_start3A_687, %dma_start3A_699] : memref<2x4608xf32, #tpu.memory_space<vmem>> -> memref<1x4608xf32, #tpu.memory_space<vmem>>
    %dma_start3A_701 = tpu.memref_squeeze %dma_start3A_700 : memref<1x4608xf32, #tpu.memory_space<vmem>> -> memref<4608xf32, #tpu.memory_space<vmem>>
    tpu.enqueue_dma source(%dma_start3A_701 : memref<4608xf32, #tpu.memory_space<vmem>>) target(%dma_start3A_698 : memref<4608xf32, #tpu.memory_space<hbm>>) target_semaphore(%dma_start3A_696 : memref<!tpu.dma_semaphore, #tpu.memory_space<semaphore_mem>>)
    %dma_wait3A_702 = arith.constant 0 : i32
    %dma_wait3A_703 = arith.constant 12 : i32
    %dma_wait3A_704 = arith.constant 0 : i32
    %dma_wait3A_705 = arith.constant 0 : i32
    %dma_wait3A_706 = tpu.memref_slice %arg5[%dma_wait3A_702, %dma_wait3A_705] : memref<2x4608xf32, #tpu.memory_space<vmem>> -> memref<1x4608xf32, #tpu.memory_space<vmem>>
    %dma_wait3A_707 = tpu.memref_squeeze %dma_wait3A_706 : memref<1x4608xf32, #tpu.memory_space<vmem>> -> memref<4608xf32, #tpu.memory_space<vmem>>
    %dma_wait3A_708 = tpu.memref_slice %arg3[%select_n3A, %dma_wait3A_703, %mul3A_638] : memref<16x30x9216xf32, #tpu.memory_space<hbm>> -> memref<1x1x4608xf32, #tpu.memory_space<hbm>>
    %dma_wait3A_709 = tpu.memref_squeeze %dma_wait3A_708 : memref<1x1x4608xf32, #tpu.memory_space<hbm>> -> memref<4608xf32, #tpu.memory_space<hbm>>
    %dma_wait3A_710 = tpu.memref_slice %arg7[%dma_wait3A_704] : memref<2x!tpu.dma_semaphore, #tpu.memory_space<semaphore_mem>> -> memref<1x!tpu.dma_semaphore, #tpu.memory_space<semaphore_mem>>
    %dma_wait3A_711 = tpu.memref_squeeze %dma_wait3A_710 : memref<1x!tpu.dma_semaphore, #tpu.memory_space<semaphore_mem>> -> memref<!tpu.dma_semaphore, #tpu.memory_space<semaphore_mem>>
    %dma_wait3A_712 = tpu.memref_slice %arg3[%select_n3A, %dma_wait3A_703, %mul3A_638] : memref<16x30x9216xf32, #tpu.memory_space<hbm>> -> memref<1x1x4608xf32, #tpu.memory_space<hbm>>
    %dma_wait3A_713 = tpu.memref_squeeze %dma_wait3A_712 : memref<1x1x4608xf32, #tpu.memory_space<hbm>> -> memref<4608xf32, #tpu.memory_space<hbm>>
    %dma_wait3A_714 = arith.constant 0 : i32
    %dma_wait3A_715 = tpu.memref_slice %arg5[%dma_wait3A_702, %dma_wait3A_714] : memref<2x4608xf32, #tpu.memory_space<vmem>> -> memref<1x4608xf32, #tpu.memory_space<vmem>>
    %dma_wait3A_716 = tpu.memref_squeeze %dma_wait3A_715 : memref<1x4608xf32, #tpu.memory_space<vmem>> -> memref<4608xf32, #tpu.memory_space<vmem>>
    tpu.wait_dma2 semaphore(%dma_wait3A_711 : memref<!tpu.dma_semaphore, #tpu.memory_space<semaphore_mem>>) src(%dma_wait3A_716 : memref<4608xf32, #tpu.memory_space<vmem>>) dst(%dma_wait3A_713 : memref<4608xf32, #tpu.memory_space<hbm>>)
    %mul3A_717 = arith.constant 20 : i32
    %mul3A_718 = vector.broadcast %mul3A_717 : i32 to vector<16xi32>
    %mul3A_719 = arith.muli %iota3A, %mul3A_718 : vector<16xi32>
    %add3A_720 = arith.constant 14 : i32
    %add3A_721 = vector.broadcast %add3A_720 : i32 to vector<16xi32>
    %add3A_722 = arith.addi %mul3A_719, %add3A_721 : vector<16xi32>
    %add3A_723 = arith.constant 0 : i32
    %add3A_724 = vector.broadcast %add3A_723 : i32 to vector<16xi32>
    %add3A_725 = arith.addi %add3A_722, %add3A_724 : vector<16xi32>
    %scan3A_726 = arith.constant 320 : i32
    %scan3A_727 = arith.constant 0 : i32
    %scan3A_728 = arith.constant 288 : i32
    %scan3A_729 = arith.addi %scan3A_727, %scan3A_728 : i32
    %scan3A_730 = arith.constant 1 : i32
    %scan3A_731 = scf.for %scan3A_1528 = %scan3A_727 to %scan3A_729 step %scan3A_730 iter_args(%scan3A_1529 = %add3A_725) -> (vector<16xi32>)  : i32 {
      %gather3A = tpu.vector_load_idx %arg4[%scan3A_1529] : memref<101376xf32, #tpu.memory_space<vmem>>[vector<16xi32>], vector<16xf32>,
      %mul3A_1530 = arith.constant 16 : i32
      %mul3A_1531 = arith.muli %scan3A_1528, %mul3A_1530 : i32
      %swap3A = arith.constant 0 : i32
      %swap3A_1532 = arith.index_cast %swap3A : i32 to index
      %swap3A_1533 = arith.index_cast %mul3A_1531 : i32 to index
      %swap3A_1534 = tpu.vector_load %arg5[%swap3A_1532, %swap3A_1533] {strides = array<i32>} : memref<2x4608xf32, #tpu.memory_space<vmem>>, vector<16xf32>,
      tpu.vector_store %arg5[%swap3A_1532, %swap3A_1533], %gather3A {strides = array<i32>} : memref<2x4608xf32, #tpu.memory_space<vmem>>, vector<16xf32>,
      %add3A_1535 = vector.broadcast %scan3A_726 : i32 to vector<16xi32>
      %add3A_1536 = arith.addi %scan3A_1529, %add3A_1535 : vector<16xi32>
      scf.yield %add3A_1536 : vector<16xi32>
    }
    %scan3A_732 = arith.constant 288 : i32
    %mul3A_733 = arith.constant 4608 : i32
    %mul3A_734 = arith.muli %select_n3A_30, %mul3A_733 : i32
    %dma_start3A_735 = arith.constant 0 : i32
    %dma_start3A_736 = arith.constant 14 : i32
    %dma_start3A_737 = arith.constant 0 : i32
    %dma_start3A_738 = arith.constant 0 : i32
    %dma_start3A_739 = tpu.memref_slice %arg5[%dma_start3A_735, %dma_start3A_738] : memref<2x4608xf32, #tpu.memory_space<vmem>> -> memref<1x4608xf32, #tpu.memory_space<vmem>>
    %dma_start3A_740 = tpu.memref_squeeze %dma_start3A_739 : memref<1x4608xf32, #tpu.memory_space<vmem>> -> memref<4608xf32, #tpu.memory_space<vmem>>
    %dma_start3A_741 = tpu.memref_slice %arg3[%select_n3A, %dma_start3A_736, %mul3A_734] : memref<16x30x9216xf32, #tpu.memory_space<hbm>> -> memref<1x1x4608xf32, #tpu.memory_space<hbm>>
    %dma_start3A_742 = tpu.memref_squeeze %dma_start3A_741 : memref<1x1x4608xf32, #tpu.memory_space<hbm>> -> memref<4608xf32, #tpu.memory_space<hbm>>
    %dma_start3A_743 = tpu.memref_slice %arg7[%dma_start3A_737] : memref<2x!tpu.dma_semaphore, #tpu.memory_space<semaphore_mem>> -> memref<1x!tpu.dma_semaphore, #tpu.memory_space<semaphore_mem>>
    %dma_start3A_744 = tpu.memref_squeeze %dma_start3A_743 : memref<1x!tpu.dma_semaphore, #tpu.memory_space<semaphore_mem>> -> memref<!tpu.dma_semaphore, #tpu.memory_space<semaphore_mem>>
    %dma_start3A_745 = tpu.memref_slice %arg3[%select_n3A, %dma_start3A_736, %mul3A_734] : memref<16x30x9216xf32, #tpu.memory_space<hbm>> -> memref<1x1x4608xf32, #tpu.memory_space<hbm>>
    %dma_start3A_746 = tpu.memref_squeeze %dma_start3A_745 : memref<1x1x4608xf32, #tpu.memory_space<hbm>> -> memref<4608xf32, #tpu.memory_space<hbm>>
    %dma_start3A_747 = arith.constant 0 : i32
    %dma_start3A_748 = tpu.memref_slice %arg5[%dma_start3A_735, %dma_start3A_747] : memref<2x4608xf32, #tpu.memory_space<vmem>> -> memref<1x4608xf32, #tpu.memory_space<vmem>>
    %dma_start3A_749 = tpu.memref_squeeze %dma_start3A_748 : memref<1x4608xf32, #tpu.memory_space<vmem>> -> memref<4608xf32, #tpu.memory_space<vmem>>
    tpu.enqueue_dma source(%dma_start3A_749 : memref<4608xf32, #tpu.memory_space<vmem>>) target(%dma_start3A_746 : memref<4608xf32, #tpu.memory_space<hbm>>) target_semaphore(%dma_start3A_744 : memref<!tpu.dma_semaphore, #tpu.memory_space<semaphore_mem>>)
    %dma_wait3A_750 = arith.constant 1 : i32
    %dma_wait3A_751 = arith.constant 13 : i32
    %dma_wait3A_752 = arith.constant 1 : i32
    %dma_wait3A_753 = arith.constant 0 : i32
    %dma_wait3A_754 = tpu.memref_slice %arg5[%dma_wait3A_750, %dma_wait3A_753] : memref<2x4608xf32, #tpu.memory_space<vmem>> -> memref<1x4608xf32, #tpu.memory_space<vmem>>
    %dma_wait3A_755 = tpu.memref_squeeze %dma_wait3A_754 : memref<1x4608xf32, #tpu.memory_space<vmem>> -> memref<4608xf32, #tpu.memory_space<vmem>>
    %dma_wait3A_756 = tpu.memref_slice %arg3[%select_n3A, %dma_wait3A_751, %mul3A_686] : memref<16x30x9216xf32, #tpu.memory_space<hbm>> -> memref<1x1x4608xf32, #tpu.memory_space<hbm>>
    %dma_wait3A_757 = tpu.memref_squeeze %dma_wait3A_756 : memref<1x1x4608xf32, #tpu.memory_space<hbm>> -> memref<4608xf32, #tpu.memory_space<hbm>>
    %dma_wait3A_758 = tpu.memref_slice %arg7[%dma_wait3A_752] : memref<2x!tpu.dma_semaphore, #tpu.memory_space<semaphore_mem>> -> memref<1x!tpu.dma_semaphore, #tpu.memory_space<semaphore_mem>>
    %dma_wait3A_759 = tpu.memref_squeeze %dma_wait3A_758 : memref<1x!tpu.dma_semaphore, #tpu.memory_space<semaphore_mem>> -> memref<!tpu.dma_semaphore, #tpu.memory_space<semaphore_mem>>
    %dma_wait3A_760 = tpu.memref_slice %arg3[%select_n3A, %dma_wait3A_751, %mul3A_686] : memref<16x30x9216xf32, #tpu.memory_space<hbm>> -> memref<1x1x4608xf32, #tpu.memory_space<hbm>>
    %dma_wait3A_761 = tpu.memref_squeeze %dma_wait3A_760 : memref<1x1x4608xf32, #tpu.memory_space<hbm>> -> memref<4608xf32, #tpu.memory_space<hbm>>
    %dma_wait3A_762 = arith.constant 0 : i32
    %dma_wait3A_763 = tpu.memref_slice %arg5[%dma_wait3A_750, %dma_wait3A_762] : memref<2x4608xf32, #tpu.memory_space<vmem>> -> memref<1x4608xf32, #tpu.memory_space<vmem>>
    %dma_wait3A_764 = tpu.memref_squeeze %dma_wait3A_763 : memref<1x4608xf32, #tpu.memory_space<vmem>> -> memref<4608xf32, #tpu.memory_space<vmem>>
    tpu.wait_dma2 semaphore(%dma_wait3A_759 : memref<!tpu.dma_semaphore, #tpu.memory_space<semaphore_mem>>) src(%dma_wait3A_764 : memref<4608xf32, #tpu.memory_space<vmem>>) dst(%dma_wait3A_761 : memref<4608xf32, #tpu.memory_space<hbm>>)
    %mul3A_765 = arith.constant 20 : i32
    %mul3A_766 = vector.broadcast %mul3A_765 : i32 to vector<16xi32>
    %mul3A_767 = arith.muli %iota3A, %mul3A_766 : vector<16xi32>
    %add3A_768 = arith.constant 15 : i32
    %add3A_769 = vector.broadcast %add3A_768 : i32 to vector<16xi32>
    %add3A_770 = arith.addi %mul3A_767, %add3A_769 : vector<16xi32>
    %add3A_771 = arith.constant 0 : i32
    %add3A_772 = vector.broadcast %add3A_771 : i32 to vector<16xi32>
    %add3A_773 = arith.addi %add3A_770, %add3A_772 : vector<16xi32>
    %scan3A_774 = arith.constant 320 : i32
    %scan3A_775 = arith.constant 0 : i32
    %scan3A_776 = arith.constant 288 : i32
    %scan3A_777 = arith.addi %scan3A_775, %scan3A_776 : i32
    %scan3A_778 = arith.constant 1 : i32
    %scan3A_779 = scf.for %scan3A_1528 = %scan3A_775 to %scan3A_777 step %scan3A_778 iter_args(%scan3A_1529 = %add3A_773) -> (vector<16xi32>)  : i32 {
      %gather3A = tpu.vector_load_idx %arg4[%scan3A_1529] : memref<101376xf32, #tpu.memory_space<vmem>>[vector<16xi32>], vector<16xf32>,
      %mul3A_1530 = arith.constant 16 : i32
      %mul3A_1531 = arith.muli %scan3A_1528, %mul3A_1530 : i32
      %swap3A = arith.constant 1 : i32
      %swap3A_1532 = arith.index_cast %swap3A : i32 to index
      %swap3A_1533 = arith.index_cast %mul3A_1531 : i32 to index
      %swap3A_1534 = tpu.vector_load %arg5[%swap3A_1532, %swap3A_1533] {strides = array<i32>} : memref<2x4608xf32, #tpu.memory_space<vmem>>, vector<16xf32>,
      tpu.vector_store %arg5[%swap3A_1532, %swap3A_1533], %gather3A {strides = array<i32>} : memref<2x4608xf32, #tpu.memory_space<vmem>>, vector<16xf32>,
      %add3A_1535 = vector.broadcast %scan3A_774 : i32 to vector<16xi32>
      %add3A_1536 = arith.addi %scan3A_1529, %add3A_1535 : vector<16xi32>
      scf.yield %add3A_1536 : vector<16xi32>
    }
    %scan3A_780 = arith.constant 288 : i32
    %mul3A_781 = arith.constant 4608 : i32
    %mul3A_782 = arith.muli %select_n3A_30, %mul3A_781 : i32
    %dma_start3A_783 = arith.constant 1 : i32
    %dma_start3A_784 = arith.constant 15 : i32
    %dma_start3A_785 = arith.constant 1 : i32
    %dma_start3A_786 = arith.constant 0 : i32
    %dma_start3A_787 = tpu.memref_slice %arg5[%dma_start3A_783, %dma_start3A_786] : memref<2x4608xf32, #tpu.memory_space<vmem>> -> memref<1x4608xf32, #tpu.memory_space<vmem>>
    %dma_start3A_788 = tpu.memref_squeeze %dma_start3A_787 : memref<1x4608xf32, #tpu.memory_space<vmem>> -> memref<4608xf32, #tpu.memory_space<vmem>>
    %dma_start3A_789 = tpu.memref_slice %arg3[%select_n3A, %dma_start3A_784, %mul3A_782] : memref<16x30x9216xf32, #tpu.memory_space<hbm>> -> memref<1x1x4608xf32, #tpu.memory_space<hbm>>
    %dma_start3A_790 = tpu.memref_squeeze %dma_start3A_789 : memref<1x1x4608xf32, #tpu.memory_space<hbm>> -> memref<4608xf32, #tpu.memory_space<hbm>>
    %dma_start3A_791 = tpu.memref_slice %arg7[%dma_start3A_785] : memref<2x!tpu.dma_semaphore, #tpu.memory_space<semaphore_mem>> -> memref<1x!tpu.dma_semaphore, #tpu.memory_space<semaphore_mem>>
    %dma_start3A_792 = tpu.memref_squeeze %dma_start3A_791 : memref<1x!tpu.dma_semaphore, #tpu.memory_space<semaphore_mem>> -> memref<!tpu.dma_semaphore, #tpu.memory_space<semaphore_mem>>
    %dma_start3A_793 = tpu.memref_slice %arg3[%select_n3A, %dma_start3A_784, %mul3A_782] : memref<16x30x9216xf32, #tpu.memory_space<hbm>> -> memref<1x1x4608xf32, #tpu.memory_space<hbm>>
    %dma_start3A_794 = tpu.memref_squeeze %dma_start3A_793 : memref<1x1x4608xf32, #tpu.memory_space<hbm>> -> memref<4608xf32, #tpu.memory_space<hbm>>
    %dma_start3A_795 = arith.constant 0 : i32
    %dma_start3A_796 = tpu.memref_slice %arg5[%dma_start3A_783, %dma_start3A_795] : memref<2x4608xf32, #tpu.memory_space<vmem>> -> memref<1x4608xf32, #tpu.memory_space<vmem>>
    %dma_start3A_797 = tpu.memref_squeeze %dma_start3A_796 : memref<1x4608xf32, #tpu.memory_space<vmem>> -> memref<4608xf32, #tpu.memory_space<vmem>>
    tpu.enqueue_dma source(%dma_start3A_797 : memref<4608xf32, #tpu.memory_space<vmem>>) target(%dma_start3A_794 : memref<4608xf32, #tpu.memory_space<hbm>>) target_semaphore(%dma_start3A_792 : memref<!tpu.dma_semaphore, #tpu.memory_space<semaphore_mem>>)
    %dma_wait3A_798 = arith.constant 0 : i32
    %dma_wait3A_799 = arith.constant 14 : i32
    %dma_wait3A_800 = arith.constant 0 : i32
    %dma_wait3A_801 = arith.constant 0 : i32
    %dma_wait3A_802 = tpu.memref_slice %arg5[%dma_wait3A_798, %dma_wait3A_801] : memref<2x4608xf32, #tpu.memory_space<vmem>> -> memref<1x4608xf32, #tpu.memory_space<vmem>>
    %dma_wait3A_803 = tpu.memref_squeeze %dma_wait3A_802 : memref<1x4608xf32, #tpu.memory_space<vmem>> -> memref<4608xf32, #tpu.memory_space<vmem>>
    %dma_wait3A_804 = tpu.memref_slice %arg3[%select_n3A, %dma_wait3A_799, %mul3A_734] : memref<16x30x9216xf32, #tpu.memory_space<hbm>> -> memref<1x1x4608xf32, #tpu.memory_space<hbm>>
    %dma_wait3A_805 = tpu.memref_squeeze %dma_wait3A_804 : memref<1x1x4608xf32, #tpu.memory_space<hbm>> -> memref<4608xf32, #tpu.memory_space<hbm>>
    %dma_wait3A_806 = tpu.memref_slice %arg7[%dma_wait3A_800] : memref<2x!tpu.dma_semaphore, #tpu.memory_space<semaphore_mem>> -> memref<1x!tpu.dma_semaphore, #tpu.memory_space<semaphore_mem>>
    %dma_wait3A_807 = tpu.memref_squeeze %dma_wait3A_806 : memref<1x!tpu.dma_semaphore, #tpu.memory_space<semaphore_mem>> -> memref<!tpu.dma_semaphore, #tpu.memory_space<semaphore_mem>>
    %dma_wait3A_808 = tpu.memref_slice %arg3[%select_n3A, %dma_wait3A_799, %mul3A_734] : memref<16x30x9216xf32, #tpu.memory_space<hbm>> -> memref<1x1x4608xf32, #tpu.memory_space<hbm>>
    %dma_wait3A_809 = tpu.memref_squeeze %dma_wait3A_808 : memref<1x1x4608xf32, #tpu.memory_space<hbm>> -> memref<4608xf32, #tpu.memory_space<hbm>>
    %dma_wait3A_810 = arith.constant 0 : i32
    %dma_wait3A_811 = tpu.memref_slice %arg5[%dma_wait3A_798, %dma_wait3A_810] : memref<2x4608xf32, #tpu.memory_space<vmem>> -> memref<1x4608xf32, #tpu.memory_space<vmem>>
    %dma_wait3A_812 = tpu.memref_squeeze %dma_wait3A_811 : memref<1x4608xf32, #tpu.memory_space<vmem>> -> memref<4608xf32, #tpu.memory_space<vmem>>
    tpu.wait_dma2 semaphore(%dma_wait3A_807 : memref<!tpu.dma_semaphore, #tpu.memory_space<semaphore_mem>>) src(%dma_wait3A_812 : memref<4608xf32, #tpu.memory_space<vmem>>) dst(%dma_wait3A_809 : memref<4608xf32, #tpu.memory_space<hbm>>)
    %mul3A_813 = arith.constant 20 : i32
    %mul3A_814 = vector.broadcast %mul3A_813 : i32 to vector<16xi32>
    %mul3A_815 = arith.muli %iota3A, %mul3A_814 : vector<16xi32>
    %add3A_816 = arith.constant 16 : i32
    %add3A_817 = vector.broadcast %add3A_816 : i32 to vector<16xi32>
    %add3A_818 = arith.addi %mul3A_815, %add3A_817 : vector<16xi32>
    %add3A_819 = arith.constant 0 : i32
    %add3A_820 = vector.broadcast %add3A_819 : i32 to vector<16xi32>
    %add3A_821 = arith.addi %add3A_818, %add3A_820 : vector<16xi32>
    %scan3A_822 = arith.constant 320 : i32
    %scan3A_823 = arith.constant 0 : i32
    %scan3A_824 = arith.constant 288 : i32
    %scan3A_825 = arith.addi %scan3A_823, %scan3A_824 : i32
    %scan3A_826 = arith.constant 1 : i32
    %scan3A_827 = scf.for %scan3A_1528 = %scan3A_823 to %scan3A_825 step %scan3A_826 iter_args(%scan3A_1529 = %add3A_821) -> (vector<16xi32>)  : i32 {
      %gather3A = tpu.vector_load_idx %arg4[%scan3A_1529] : memref<101376xf32, #tpu.memory_space<vmem>>[vector<16xi32>], vector<16xf32>,
      %mul3A_1530 = arith.constant 16 : i32
      %mul3A_1531 = arith.muli %scan3A_1528, %mul3A_1530 : i32
      %swap3A = arith.constant 0 : i32
      %swap3A_1532 = arith.index_cast %swap3A : i32 to index
      %swap3A_1533 = arith.index_cast %mul3A_1531 : i32 to index
      %swap3A_1534 = tpu.vector_load %arg5[%swap3A_1532, %swap3A_1533] {strides = array<i32>} : memref<2x4608xf32, #tpu.memory_space<vmem>>, vector<16xf32>,
      tpu.vector_store %arg5[%swap3A_1532, %swap3A_1533], %gather3A {strides = array<i32>} : memref<2x4608xf32, #tpu.memory_space<vmem>>, vector<16xf32>,
      %add3A_1535 = vector.broadcast %scan3A_822 : i32 to vector<16xi32>
      %add3A_1536 = arith.addi %scan3A_1529, %add3A_1535 : vector<16xi32>
      scf.yield %add3A_1536 : vector<16xi32>
    }
    %scan3A_828 = arith.constant 288 : i32
    %mul3A_829 = arith.constant 4608 : i32
    %mul3A_830 = arith.muli %select_n3A_30, %mul3A_829 : i32
    %dma_start3A_831 = arith.constant 0 : i32
    %dma_start3A_832 = arith.constant 16 : i32
    %dma_start3A_833 = arith.constant 0 : i32
    %dma_start3A_834 = arith.constant 0 : i32
    %dma_start3A_835 = tpu.memref_slice %arg5[%dma_start3A_831, %dma_start3A_834] : memref<2x4608xf32, #tpu.memory_space<vmem>> -> memref<1x4608xf32, #tpu.memory_space<vmem>>
    %dma_start3A_836 = tpu.memref_squeeze %dma_start3A_835 : memref<1x4608xf32, #tpu.memory_space<vmem>> -> memref<4608xf32, #tpu.memory_space<vmem>>
    %dma_start3A_837 = tpu.memref_slice %arg3[%select_n3A, %dma_start3A_832, %mul3A_830] : memref<16x30x9216xf32, #tpu.memory_space<hbm>> -> memref<1x1x4608xf32, #tpu.memory_space<hbm>>
    %dma_start3A_838 = tpu.memref_squeeze %dma_start3A_837 : memref<1x1x4608xf32, #tpu.memory_space<hbm>> -> memref<4608xf32, #tpu.memory_space<hbm>>
    %dma_start3A_839 = tpu.memref_slice %arg7[%dma_start3A_833] : memref<2x!tpu.dma_semaphore, #tpu.memory_space<semaphore_mem>> -> memref<1x!tpu.dma_semaphore, #tpu.memory_space<semaphore_mem>>
    %dma_start3A_840 = tpu.memref_squeeze %dma_start3A_839 : memref<1x!tpu.dma_semaphore, #tpu.memory_space<semaphore_mem>> -> memref<!tpu.dma_semaphore, #tpu.memory_space<semaphore_mem>>
    %dma_start3A_841 = tpu.memref_slice %arg3[%select_n3A, %dma_start3A_832, %mul3A_830] : memref<16x30x9216xf32, #tpu.memory_space<hbm>> -> memref<1x1x4608xf32, #tpu.memory_space<hbm>>
    %dma_start3A_842 = tpu.memref_squeeze %dma_start3A_841 : memref<1x1x4608xf32, #tpu.memory_space<hbm>> -> memref<4608xf32, #tpu.memory_space<hbm>>
    %dma_start3A_843 = arith.constant 0 : i32
    %dma_start3A_844 = tpu.memref_slice %arg5[%dma_start3A_831, %dma_start3A_843] : memref<2x4608xf32, #tpu.memory_space<vmem>> -> memref<1x4608xf32, #tpu.memory_space<vmem>>
    %dma_start3A_845 = tpu.memref_squeeze %dma_start3A_844 : memref<1x4608xf32, #tpu.memory_space<vmem>> -> memref<4608xf32, #tpu.memory_space<vmem>>
    tpu.enqueue_dma source(%dma_start3A_845 : memref<4608xf32, #tpu.memory_space<vmem>>) target(%dma_start3A_842 : memref<4608xf32, #tpu.memory_space<hbm>>) target_semaphore(%dma_start3A_840 : memref<!tpu.dma_semaphore, #tpu.memory_space<semaphore_mem>>)
    %dma_wait3A_846 = arith.constant 1 : i32
    %dma_wait3A_847 = arith.constant 15 : i32
    %dma_wait3A_848 = arith.constant 1 : i32
    %dma_wait3A_849 = arith.constant 0 : i32
    %dma_wait3A_850 = tpu.memref_slice %arg5[%dma_wait3A_846, %dma_wait3A_849] : memref<2x4608xf32, #tpu.memory_space<vmem>> -> memref<1x4608xf32, #tpu.memory_space<vmem>>
    %dma_wait3A_851 = tpu.memref_squeeze %dma_wait3A_850 : memref<1x4608xf32, #tpu.memory_space<vmem>> -> memref<4608xf32, #tpu.memory_space<vmem>>
    %dma_wait3A_852 = tpu.memref_slice %arg3[%select_n3A, %dma_wait3A_847, %mul3A_782] : memref<16x30x9216xf32, #tpu.memory_space<hbm>> -> memref<1x1x4608xf32, #tpu.memory_space<hbm>>
    %dma_wait3A_853 = tpu.memref_squeeze %dma_wait3A_852 : memref<1x1x4608xf32, #tpu.memory_space<hbm>> -> memref<4608xf32, #tpu.memory_space<hbm>>
    %dma_wait3A_854 = tpu.memref_slice %arg7[%dma_wait3A_848] : memref<2x!tpu.dma_semaphore, #tpu.memory_space<semaphore_mem>> -> memref<1x!tpu.dma_semaphore, #tpu.memory_space<semaphore_mem>>
    %dma_wait3A_855 = tpu.memref_squeeze %dma_wait3A_854 : memref<1x!tpu.dma_semaphore, #tpu.memory_space<semaphore_mem>> -> memref<!tpu.dma_semaphore, #tpu.memory_space<semaphore_mem>>
    %dma_wait3A_856 = tpu.memref_slice %arg3[%select_n3A, %dma_wait3A_847, %mul3A_782] : memref<16x30x9216xf32, #tpu.memory_space<hbm>> -> memref<1x1x4608xf32, #tpu.memory_space<hbm>>
    %dma_wait3A_857 = tpu.memref_squeeze %dma_wait3A_856 : memref<1x1x4608xf32, #tpu.memory_space<hbm>> -> memref<4608xf32, #tpu.memory_space<hbm>>
    %dma_wait3A_858 = arith.constant 0 : i32
    %dma_wait3A_859 = tpu.memref_slice %arg5[%dma_wait3A_846, %dma_wait3A_858] : memref<2x4608xf32, #tpu.memory_space<vmem>> -> memref<1x4608xf32, #tpu.memory_space<vmem>>
    %dma_wait3A_860 = tpu.memref_squeeze %dma_wait3A_859 : memref<1x4608xf32, #tpu.memory_space<vmem>> -> memref<4608xf32, #tpu.memory_space<vmem>>
    tpu.wait_dma2 semaphore(%dma_wait3A_855 : memref<!tpu.dma_semaphore, #tpu.memory_space<semaphore_mem>>) src(%dma_wait3A_860 : memref<4608xf32, #tpu.memory_space<vmem>>) dst(%dma_wait3A_857 : memref<4608xf32, #tpu.memory_space<hbm>>)
    %mul3A_861 = arith.constant 20 : i32
    %mul3A_862 = vector.broadcast %mul3A_861 : i32 to vector<16xi32>
    %mul3A_863 = arith.muli %iota3A, %mul3A_862 : vector<16xi32>
    %add3A_864 = arith.constant 17 : i32
    %add3A_865 = vector.broadcast %add3A_864 : i32 to vector<16xi32>
    %add3A_866 = arith.addi %mul3A_863, %add3A_865 : vector<16xi32>
    %add3A_867 = arith.constant 0 : i32
    %add3A_868 = vector.broadcast %add3A_867 : i32 to vector<16xi32>
    %add3A_869 = arith.addi %add3A_866, %add3A_868 : vector<16xi32>
    %scan3A_870 = arith.constant 320 : i32
    %scan3A_871 = arith.constant 0 : i32
    %scan3A_872 = arith.constant 288 : i32
    %scan3A_873 = arith.addi %scan3A_871, %scan3A_872 : i32
    %scan3A_874 = arith.constant 1 : i32
    %scan3A_875 = scf.for %scan3A_1528 = %scan3A_871 to %scan3A_873 step %scan3A_874 iter_args(%scan3A_1529 = %add3A_869) -> (vector<16xi32>)  : i32 {
      %gather3A = tpu.vector_load_idx %arg4[%scan3A_1529] : memref<101376xf32, #tpu.memory_space<vmem>>[vector<16xi32>], vector<16xf32>,
      %mul3A_1530 = arith.constant 16 : i32
      %mul3A_1531 = arith.muli %scan3A_1528, %mul3A_1530 : i32
      %swap3A = arith.constant 1 : i32
      %swap3A_1532 = arith.index_cast %swap3A : i32 to index
      %swap3A_1533 = arith.index_cast %mul3A_1531 : i32 to index
      %swap3A_1534 = tpu.vector_load %arg5[%swap3A_1532, %swap3A_1533] {strides = array<i32>} : memref<2x4608xf32, #tpu.memory_space<vmem>>, vector<16xf32>,
      tpu.vector_store %arg5[%swap3A_1532, %swap3A_1533], %gather3A {strides = array<i32>} : memref<2x4608xf32, #tpu.memory_space<vmem>>, vector<16xf32>,
      %add3A_1535 = vector.broadcast %scan3A_870 : i32 to vector<16xi32>
      %add3A_1536 = arith.addi %scan3A_1529, %add3A_1535 : vector<16xi32>
      scf.yield %add3A_1536 : vector<16xi32>
    }
    %scan3A_876 = arith.constant 288 : i32
    %mul3A_877 = arith.constant 4608 : i32
    %mul3A_878 = arith.muli %select_n3A_30, %mul3A_877 : i32
    %dma_start3A_879 = arith.constant 1 : i32
    %dma_start3A_880 = arith.constant 17 : i32
    %dma_start3A_881 = arith.constant 1 : i32
    %dma_start3A_882 = arith.constant 0 : i32
    %dma_start3A_883 = tpu.memref_slice %arg5[%dma_start3A_879, %dma_start3A_882] : memref<2x4608xf32, #tpu.memory_space<vmem>> -> memref<1x4608xf32, #tpu.memory_space<vmem>>
    %dma_start3A_884 = tpu.memref_squeeze %dma_start3A_883 : memref<1x4608xf32, #tpu.memory_space<vmem>> -> memref<4608xf32, #tpu.memory_space<vmem>>
    %dma_start3A_885 = tpu.memref_slice %arg3[%select_n3A, %dma_start3A_880, %mul3A_878] : memref<16x30x9216xf32, #tpu.memory_space<hbm>> -> memref<1x1x4608xf32, #tpu.memory_space<hbm>>
    %dma_start3A_886 = tpu.memref_squeeze %dma_start3A_885 : memref<1x1x4608xf32, #tpu.memory_space<hbm>> -> memref<4608xf32, #tpu.memory_space<hbm>>
    %dma_start3A_887 = tpu.memref_slice %arg7[%dma_start3A_881] : memref<2x!tpu.dma_semaphore, #tpu.memory_space<semaphore_mem>> -> memref<1x!tpu.dma_semaphore, #tpu.memory_space<semaphore_mem>>
    %dma_start3A_888 = tpu.memref_squeeze %dma_start3A_887 : memref<1x!tpu.dma_semaphore, #tpu.memory_space<semaphore_mem>> -> memref<!tpu.dma_semaphore, #tpu.memory_space<semaphore_mem>>
    %dma_start3A_889 = tpu.memref_slice %arg3[%select_n3A, %dma_start3A_880, %mul3A_878] : memref<16x30x9216xf32, #tpu.memory_space<hbm>> -> memref<1x1x4608xf32, #tpu.memory_space<hbm>>
    %dma_start3A_890 = tpu.memref_squeeze %dma_start3A_889 : memref<1x1x4608xf32, #tpu.memory_space<hbm>> -> memref<4608xf32, #tpu.memory_space<hbm>>
    %dma_start3A_891 = arith.constant 0 : i32
    %dma_start3A_892 = tpu.memref_slice %arg5[%dma_start3A_879, %dma_start3A_891] : memref<2x4608xf32, #tpu.memory_space<vmem>> -> memref<1x4608xf32, #tpu.memory_space<vmem>>
    %dma_start3A_893 = tpu.memref_squeeze %dma_start3A_892 : memref<1x4608xf32, #tpu.memory_space<vmem>> -> memref<4608xf32, #tpu.memory_space<vmem>>
    tpu.enqueue_dma source(%dma_start3A_893 : memref<4608xf32, #tpu.memory_space<vmem>>) target(%dma_start3A_890 : memref<4608xf32, #tpu.memory_space<hbm>>) target_semaphore(%dma_start3A_888 : memref<!tpu.dma_semaphore, #tpu.memory_space<semaphore_mem>>)
    %dma_wait3A_894 = arith.constant 0 : i32
    %dma_wait3A_895 = arith.constant 16 : i32
    %dma_wait3A_896 = arith.constant 0 : i32
    %dma_wait3A_897 = arith.constant 0 : i32
    %dma_wait3A_898 = tpu.memref_slice %arg5[%dma_wait3A_894, %dma_wait3A_897] : memref<2x4608xf32, #tpu.memory_space<vmem>> -> memref<1x4608xf32, #tpu.memory_space<vmem>>
    %dma_wait3A_899 = tpu.memref_squeeze %dma_wait3A_898 : memref<1x4608xf32, #tpu.memory_space<vmem>> -> memref<4608xf32, #tpu.memory_space<vmem>>
    %dma_wait3A_900 = tpu.memref_slice %arg3[%select_n3A, %dma_wait3A_895, %mul3A_830] : memref<16x30x9216xf32, #tpu.memory_space<hbm>> -> memref<1x1x4608xf32, #tpu.memory_space<hbm>>
    %dma_wait3A_901 = tpu.memref_squeeze %dma_wait3A_900 : memref<1x1x4608xf32, #tpu.memory_space<hbm>> -> memref<4608xf32, #tpu.memory_space<hbm>>
    %dma_wait3A_902 = tpu.memref_slice %arg7[%dma_wait3A_896] : memref<2x!tpu.dma_semaphore, #tpu.memory_space<semaphore_mem>> -> memref<1x!tpu.dma_semaphore, #tpu.memory_space<semaphore_mem>>
    %dma_wait3A_903 = tpu.memref_squeeze %dma_wait3A_902 : memref<1x!tpu.dma_semaphore, #tpu.memory_space<semaphore_mem>> -> memref<!tpu.dma_semaphore, #tpu.memory_space<semaphore_mem>>
    %dma_wait3A_904 = tpu.memref_slice %arg3[%select_n3A, %dma_wait3A_895, %mul3A_830] : memref<16x30x9216xf32, #tpu.memory_space<hbm>> -> memref<1x1x4608xf32, #tpu.memory_space<hbm>>
    %dma_wait3A_905 = tpu.memref_squeeze %dma_wait3A_904 : memref<1x1x4608xf32, #tpu.memory_space<hbm>> -> memref<4608xf32, #tpu.memory_space<hbm>>
    %dma_wait3A_906 = arith.constant 0 : i32
    %dma_wait3A_907 = tpu.memref_slice %arg5[%dma_wait3A_894, %dma_wait3A_906] : memref<2x4608xf32, #tpu.memory_space<vmem>> -> memref<1x4608xf32, #tpu.memory_space<vmem>>
    %dma_wait3A_908 = tpu.memref_squeeze %dma_wait3A_907 : memref<1x4608xf32, #tpu.memory_space<vmem>> -> memref<4608xf32, #tpu.memory_space<vmem>>
    tpu.wait_dma2 semaphore(%dma_wait3A_903 : memref<!tpu.dma_semaphore, #tpu.memory_space<semaphore_mem>>) src(%dma_wait3A_908 : memref<4608xf32, #tpu.memory_space<vmem>>) dst(%dma_wait3A_905 : memref<4608xf32, #tpu.memory_space<hbm>>)
    %mul3A_909 = arith.constant 20 : i32
    %mul3A_910 = vector.broadcast %mul3A_909 : i32 to vector<16xi32>
    %mul3A_911 = arith.muli %iota3A, %mul3A_910 : vector<16xi32>
    %add3A_912 = arith.constant 18 : i32
    %add3A_913 = vector.broadcast %add3A_912 : i32 to vector<16xi32>
    %add3A_914 = arith.addi %mul3A_911, %add3A_913 : vector<16xi32>
    %add3A_915 = arith.constant 0 : i32
    %add3A_916 = vector.broadcast %add3A_915 : i32 to vector<16xi32>
    %add3A_917 = arith.addi %add3A_914, %add3A_916 : vector<16xi32>
    %scan3A_918 = arith.constant 320 : i32
    %scan3A_919 = arith.constant 0 : i32
    %scan3A_920 = arith.constant 288 : i32
    %scan3A_921 = arith.addi %scan3A_919, %scan3A_920 : i32
    %scan3A_922 = arith.constant 1 : i32
    %scan3A_923 = scf.for %scan3A_1528 = %scan3A_919 to %scan3A_921 step %scan3A_922 iter_args(%scan3A_1529 = %add3A_917) -> (vector<16xi32>)  : i32 {
      %gather3A = tpu.vector_load_idx %arg4[%scan3A_1529] : memref<101376xf32, #tpu.memory_space<vmem>>[vector<16xi32>], vector<16xf32>,
      %mul3A_1530 = arith.constant 16 : i32
      %mul3A_1531 = arith.muli %scan3A_1528, %mul3A_1530 : i32
      %swap3A = arith.constant 0 : i32
      %swap3A_1532 = arith.index_cast %swap3A : i32 to index
      %swap3A_1533 = arith.index_cast %mul3A_1531 : i32 to index
      %swap3A_1534 = tpu.vector_load %arg5[%swap3A_1532, %swap3A_1533] {strides = array<i32>} : memref<2x4608xf32, #tpu.memory_space<vmem>>, vector<16xf32>,
      tpu.vector_store %arg5[%swap3A_1532, %swap3A_1533], %gather3A {strides = array<i32>} : memref<2x4608xf32, #tpu.memory_space<vmem>>, vector<16xf32>,
      %add3A_1535 = vector.broadcast %scan3A_918 : i32 to vector<16xi32>
      %add3A_1536 = arith.addi %scan3A_1529, %add3A_1535 : vector<16xi32>
      scf.yield %add3A_1536 : vector<16xi32>
    }
    %scan3A_924 = arith.constant 288 : i32
    %mul3A_925 = arith.constant 4608 : i32
    %mul3A_926 = arith.muli %select_n3A_30, %mul3A_925 : i32
    %dma_start3A_927 = arith.constant 0 : i32
    %dma_start3A_928 = arith.constant 18 : i32
    %dma_start3A_929 = arith.constant 0 : i32
    %dma_start3A_930 = arith.constant 0 : i32
    %dma_start3A_931 = tpu.memref_slice %arg5[%dma_start3A_927, %dma_start3A_930] : memref<2x4608xf32, #tpu.memory_space<vmem>> -> memref<1x4608xf32, #tpu.memory_space<vmem>>
    %dma_start3A_932 = tpu.memref_squeeze %dma_start3A_931 : memref<1x4608xf32, #tpu.memory_space<vmem>> -> memref<4608xf32, #tpu.memory_space<vmem>>
    %dma_start3A_933 = tpu.memref_slice %arg3[%select_n3A, %dma_start3A_928, %mul3A_926] : memref<16x30x9216xf32, #tpu.memory_space<hbm>> -> memref<1x1x4608xf32, #tpu.memory_space<hbm>>
    %dma_start3A_934 = tpu.memref_squeeze %dma_start3A_933 : memref<1x1x4608xf32, #tpu.memory_space<hbm>> -> memref<4608xf32, #tpu.memory_space<hbm>>
    %dma_start3A_935 = tpu.memref_slice %arg7[%dma_start3A_929] : memref<2x!tpu.dma_semaphore, #tpu.memory_space<semaphore_mem>> -> memref<1x!tpu.dma_semaphore, #tpu.memory_space<semaphore_mem>>
    %dma_start3A_936 = tpu.memref_squeeze %dma_start3A_935 : memref<1x!tpu.dma_semaphore, #tpu.memory_space<semaphore_mem>> -> memref<!tpu.dma_semaphore, #tpu.memory_space<semaphore_mem>>
    %dma_start3A_937 = tpu.memref_slice %arg3[%select_n3A, %dma_start3A_928, %mul3A_926] : memref<16x30x9216xf32, #tpu.memory_space<hbm>> -> memref<1x1x4608xf32, #tpu.memory_space<hbm>>
    %dma_start3A_938 = tpu.memref_squeeze %dma_start3A_937 : memref<1x1x4608xf32, #tpu.memory_space<hbm>> -> memref<4608xf32, #tpu.memory_space<hbm>>
    %dma_start3A_939 = arith.constant 0 : i32
    %dma_start3A_940 = tpu.memref_slice %arg5[%dma_start3A_927, %dma_start3A_939] : memref<2x4608xf32, #tpu.memory_space<vmem>> -> memref<1x4608xf32, #tpu.memory_space<vmem>>
    %dma_start3A_941 = tpu.memref_squeeze %dma_start3A_940 : memref<1x4608xf32, #tpu.memory_space<vmem>> -> memref<4608xf32, #tpu.memory_space<vmem>>
    tpu.enqueue_dma source(%dma_start3A_941 : memref<4608xf32, #tpu.memory_space<vmem>>) target(%dma_start3A_938 : memref<4608xf32, #tpu.memory_space<hbm>>) target_semaphore(%dma_start3A_936 : memref<!tpu.dma_semaphore, #tpu.memory_space<semaphore_mem>>)
    %dma_wait3A_942 = arith.constant 1 : i32
    %dma_wait3A_943 = arith.constant 17 : i32
    %dma_wait3A_944 = arith.constant 1 : i32
    %dma_wait3A_945 = arith.constant 0 : i32
    %dma_wait3A_946 = tpu.memref_slice %arg5[%dma_wait3A_942, %dma_wait3A_945] : memref<2x4608xf32, #tpu.memory_space<vmem>> -> memref<1x4608xf32, #tpu.memory_space<vmem>>
    %dma_wait3A_947 = tpu.memref_squeeze %dma_wait3A_946 : memref<1x4608xf32, #tpu.memory_space<vmem>> -> memref<4608xf32, #tpu.memory_space<vmem>>
    %dma_wait3A_948 = tpu.memref_slice %arg3[%select_n3A, %dma_wait3A_943, %mul3A_878] : memref<16x30x9216xf32, #tpu.memory_space<hbm>> -> memref<1x1x4608xf32, #tpu.memory_space<hbm>>
    %dma_wait3A_949 = tpu.memref_squeeze %dma_wait3A_948 : memref<1x1x4608xf32, #tpu.memory_space<hbm>> -> memref<4608xf32, #tpu.memory_space<hbm>>
    %dma_wait3A_950 = tpu.memref_slice %arg7[%dma_wait3A_944] : memref<2x!tpu.dma_semaphore, #tpu.memory_space<semaphore_mem>> -> memref<1x!tpu.dma_semaphore, #tpu.memory_space<semaphore_mem>>
    %dma_wait3A_951 = tpu.memref_squeeze %dma_wait3A_950 : memref<1x!tpu.dma_semaphore, #tpu.memory_space<semaphore_mem>> -> memref<!tpu.dma_semaphore, #tpu.memory_space<semaphore_mem>>
    %dma_wait3A_952 = tpu.memref_slice %arg3[%select_n3A, %dma_wait3A_943, %mul3A_878] : memref<16x30x9216xf32, #tpu.memory_space<hbm>> -> memref<1x1x4608xf32, #tpu.memory_space<hbm>>
    %dma_wait3A_953 = tpu.memref_squeeze %dma_wait3A_952 : memref<1x1x4608xf32, #tpu.memory_space<hbm>> -> memref<4608xf32, #tpu.memory_space<hbm>>
    %dma_wait3A_954 = arith.constant 0 : i32
    %dma_wait3A_955 = tpu.memref_slice %arg5[%dma_wait3A_942, %dma_wait3A_954] : memref<2x4608xf32, #tpu.memory_space<vmem>> -> memref<1x4608xf32, #tpu.memory_space<vmem>>
    %dma_wait3A_956 = tpu.memref_squeeze %dma_wait3A_955 : memref<1x4608xf32, #tpu.memory_space<vmem>> -> memref<4608xf32, #tpu.memory_space<vmem>>
    tpu.wait_dma2 semaphore(%dma_wait3A_951 : memref<!tpu.dma_semaphore, #tpu.memory_space<semaphore_mem>>) src(%dma_wait3A_956 : memref<4608xf32, #tpu.memory_space<vmem>>) dst(%dma_wait3A_953 : memref<4608xf32, #tpu.memory_space<hbm>>)
    %mul3A_957 = arith.constant 20 : i32
    %mul3A_958 = vector.broadcast %mul3A_957 : i32 to vector<16xi32>
    %mul3A_959 = arith.muli %iota3A, %mul3A_958 : vector<16xi32>
    %add3A_960 = arith.constant 19 : i32
    %add3A_961 = vector.broadcast %add3A_960 : i32 to vector<16xi32>
    %add3A_962 = arith.addi %mul3A_959, %add3A_961 : vector<16xi32>
    %add3A_963 = arith.constant 0 : i32
    %add3A_964 = vector.broadcast %add3A_963 : i32 to vector<16xi32>
    %add3A_965 = arith.addi %add3A_962, %add3A_964 : vector<16xi32>
    %scan3A_966 = arith.constant 320 : i32
    %scan3A_967 = arith.constant 0 : i32
    %scan3A_968 = arith.constant 288 : i32
    %scan3A_969 = arith.addi %scan3A_967, %scan3A_968 : i32
    %scan3A_970 = arith.constant 1 : i32
    %scan3A_971 = scf.for %scan3A_1528 = %scan3A_967 to %scan3A_969 step %scan3A_970 iter_args(%scan3A_1529 = %add3A_965) -> (vector<16xi32>)  : i32 {
      %gather3A = tpu.vector_load_idx %arg4[%scan3A_1529] : memref<101376xf32, #tpu.memory_space<vmem>>[vector<16xi32>], vector<16xf32>,
      %mul3A_1530 = arith.constant 16 : i32
      %mul3A_1531 = arith.muli %scan3A_1528, %mul3A_1530 : i32
      %swap3A = arith.constant 1 : i32
      %swap3A_1532 = arith.index_cast %swap3A : i32 to index
      %swap3A_1533 = arith.index_cast %mul3A_1531 : i32 to index
      %swap3A_1534 = tpu.vector_load %arg5[%swap3A_1532, %swap3A_1533] {strides = array<i32>} : memref<2x4608xf32, #tpu.memory_space<vmem>>, vector<16xf32>,
      tpu.vector_store %arg5[%swap3A_1532, %swap3A_1533], %gather3A {strides = array<i32>} : memref<2x4608xf32, #tpu.memory_space<vmem>>, vector<16xf32>,
      %add3A_1535 = vector.broadcast %scan3A_966 : i32 to vector<16xi32>
      %add3A_1536 = arith.addi %scan3A_1529, %add3A_1535 : vector<16xi32>
      scf.yield %add3A_1536 : vector<16xi32>
    }
    %scan3A_972 = arith.constant 288 : i32
    %mul3A_973 = arith.constant 4608 : i32
    %mul3A_974 = arith.muli %select_n3A_30, %mul3A_973 : i32
    %dma_start3A_975 = arith.constant 1 : i32
    %dma_start3A_976 = arith.constant 19 : i32
    %dma_start3A_977 = arith.constant 1 : i32
    %dma_start3A_978 = arith.constant 0 : i32
    %dma_start3A_979 = tpu.memref_slice %arg5[%dma_start3A_975, %dma_start3A_978] : memref<2x4608xf32, #tpu.memory_space<vmem>> -> memref<1x4608xf32, #tpu.memory_space<vmem>>
    %dma_start3A_980 = tpu.memref_squeeze %dma_start3A_979 : memref<1x4608xf32, #tpu.memory_space<vmem>> -> memref<4608xf32, #tpu.memory_space<vmem>>
    %dma_start3A_981 = tpu.memref_slice %arg3[%select_n3A, %dma_start3A_976, %mul3A_974] : memref<16x30x9216xf32, #tpu.memory_space<hbm>> -> memref<1x1x4608xf32, #tpu.memory_space<hbm>>
    %dma_start3A_982 = tpu.memref_squeeze %dma_start3A_981 : memref<1x1x4608xf32, #tpu.memory_space<hbm>> -> memref<4608xf32, #tpu.memory_space<hbm>>
    %dma_start3A_983 = tpu.memref_slice %arg7[%dma_start3A_977] : memref<2x!tpu.dma_semaphore, #tpu.memory_space<semaphore_mem>> -> memref<1x!tpu.dma_semaphore, #tpu.memory_space<semaphore_mem>>
    %dma_start3A_984 = tpu.memref_squeeze %dma_start3A_983 : memref<1x!tpu.dma_semaphore, #tpu.memory_space<semaphore_mem>> -> memref<!tpu.dma_semaphore, #tpu.memory_space<semaphore_mem>>
    %dma_start3A_985 = tpu.memref_slice %arg3[%select_n3A, %dma_start3A_976, %mul3A_974] : memref<16x30x9216xf32, #tpu.memory_space<hbm>> -> memref<1x1x4608xf32, #tpu.memory_space<hbm>>
    %dma_start3A_986 = tpu.memref_squeeze %dma_start3A_985 : memref<1x1x4608xf32, #tpu.memory_space<hbm>> -> memref<4608xf32, #tpu.memory_space<hbm>>
    %dma_start3A_987 = arith.constant 0 : i32
    %dma_start3A_988 = tpu.memref_slice %arg5[%dma_start3A_975, %dma_start3A_987] : memref<2x4608xf32, #tpu.memory_space<vmem>> -> memref<1x4608xf32, #tpu.memory_space<vmem>>
    %dma_start3A_989 = tpu.memref_squeeze %dma_start3A_988 : memref<1x4608xf32, #tpu.memory_space<vmem>> -> memref<4608xf32, #tpu.memory_space<vmem>>
    tpu.enqueue_dma source(%dma_start3A_989 : memref<4608xf32, #tpu.memory_space<vmem>>) target(%dma_start3A_986 : memref<4608xf32, #tpu.memory_space<hbm>>) target_semaphore(%dma_start3A_984 : memref<!tpu.dma_semaphore, #tpu.memory_space<semaphore_mem>>)
    %mul3A_990 = arith.constant 36864 : i32
    %mul3A_991 = arith.muli %select_n3A_30, %mul3A_990 : i32
    %add3A_992 = arith.constant 202752 : i32
    %add3A_993 = arith.addi %add3A_992, %mul3A_991 : i32
    %dma_start3A_994 = arith.constant 0 : i32
    %dma_start3A_995 = tpu.memref_slice %arg4[%dma_start3A_994] : memref<101376xf32, #tpu.memory_space<vmem>> -> memref<36864xf32, #tpu.memory_space<vmem>>
    %dma_start3A_996 = tpu.memref_slice %arg2[%select_n3A, %add3A_993] : memref<16x276480xf32, #tpu.memory_space<hbm>> -> memref<1x36864xf32, #tpu.memory_space<hbm>>
    %dma_start3A_997 = tpu.memref_squeeze %dma_start3A_996 : memref<1x36864xf32, #tpu.memory_space<hbm>> -> memref<36864xf32, #tpu.memory_space<hbm>>
    %dma_start3A_998 = arith.constant 0 : i32
    %dma_start3A_999 = tpu.memref_slice %arg4[%dma_start3A_998] : memref<101376xf32, #tpu.memory_space<vmem>> -> memref<36864xf32, #tpu.memory_space<vmem>>
    %dma_start3A_1000 = tpu.memref_slice %arg2[%select_n3A, %add3A_993] : memref<16x276480xf32, #tpu.memory_space<hbm>> -> memref<1x36864xf32, #tpu.memory_space<hbm>>
    %dma_start3A_1001 = tpu.memref_squeeze %dma_start3A_1000 : memref<1x36864xf32, #tpu.memory_space<hbm>> -> memref<36864xf32, #tpu.memory_space<hbm>>
    tpu.enqueue_dma source(%dma_start3A_1001 : memref<36864xf32, #tpu.memory_space<hbm>>) target(%dma_start3A_999 : memref<36864xf32, #tpu.memory_space<vmem>>) target_semaphore(%arg6 : memref<!tpu.dma_semaphore, #tpu.memory_space<semaphore_mem>>)
    %dma_wait3A_1002 = arith.constant 92160 : i32
    %dma_wait3A_1003 = tpu.memref_slice %arg4[%dma_wait3A_1002] : memref<101376xf32, #tpu.memory_space<vmem>> -> memref<9216xf32, #tpu.memory_space<vmem>>
    %dma_wait3A_1004 = tpu.memref_slice %arg2[%select_n3A, %add3A_45] : memref<16x276480xf32, #tpu.memory_space<hbm>> -> memref<1x9216xf32, #tpu.memory_space<hbm>>
    %dma_wait3A_1005 = tpu.memref_squeeze %dma_wait3A_1004 : memref<1x9216xf32, #tpu.memory_space<hbm>> -> memref<9216xf32, #tpu.memory_space<hbm>>
    %dma_wait3A_1006 = arith.constant 92160 : i32
    %dma_wait3A_1007 = tpu.memref_slice %arg4[%dma_wait3A_1006] : memref<101376xf32, #tpu.memory_space<vmem>> -> memref<9216xf32, #tpu.memory_space<vmem>>
    %dma_wait3A_1008 = tpu.memref_slice %arg2[%select_n3A, %add3A_45] : memref<16x276480xf32, #tpu.memory_space<hbm>> -> memref<1x9216xf32, #tpu.memory_space<hbm>>
    %dma_wait3A_1009 = tpu.memref_squeeze %dma_wait3A_1008 : memref<1x9216xf32, #tpu.memory_space<hbm>> -> memref<9216xf32, #tpu.memory_space<hbm>>
    tpu.wait_dma2 semaphore(%arg6 : memref<!tpu.dma_semaphore, #tpu.memory_space<semaphore_mem>>) src(%dma_wait3A_1009 : memref<9216xf32, #tpu.memory_space<hbm>>) dst(%dma_wait3A_1007 : memref<9216xf32, #tpu.memory_space<vmem>>)
    %dma_wait3A_1010 = arith.constant 0 : i32
    %dma_wait3A_1011 = arith.constant 18 : i32
    %dma_wait3A_1012 = arith.constant 0 : i32
    %dma_wait3A_1013 = arith.constant 0 : i32
    %dma_wait3A_1014 = tpu.memref_slice %arg5[%dma_wait3A_1010, %dma_wait3A_1013] : memref<2x4608xf32, #tpu.memory_space<vmem>> -> memref<1x4608xf32, #tpu.memory_space<vmem>>
    %dma_wait3A_1015 = tpu.memref_squeeze %dma_wait3A_1014 : memref<1x4608xf32, #tpu.memory_space<vmem>> -> memref<4608xf32, #tpu.memory_space<vmem>>
    %dma_wait3A_1016 = tpu.memref_slice %arg3[%select_n3A, %dma_wait3A_1011, %mul3A_926] : memref<16x30x9216xf32, #tpu.memory_space<hbm>> -> memref<1x1x4608xf32, #tpu.memory_space<hbm>>
    %dma_wait3A_1017 = tpu.memref_squeeze %dma_wait3A_1016 : memref<1x1x4608xf32, #tpu.memory_space<hbm>> -> memref<4608xf32, #tpu.memory_space<hbm>>
    %dma_wait3A_1018 = tpu.memref_slice %arg7[%dma_wait3A_1012] : memref<2x!tpu.dma_semaphore, #tpu.memory_space<semaphore_mem>> -> memref<1x!tpu.dma_semaphore, #tpu.memory_space<semaphore_mem>>
    %dma_wait3A_1019 = tpu.memref_squeeze %dma_wait3A_1018 : memref<1x!tpu.dma_semaphore, #tpu.memory_space<semaphore_mem>> -> memref<!tpu.dma_semaphore, #tpu.memory_space<semaphore_mem>>
    %dma_wait3A_1020 = tpu.memref_slice %arg3[%select_n3A, %dma_wait3A_1011, %mul3A_926] : memref<16x30x9216xf32, #tpu.memory_space<hbm>> -> memref<1x1x4608xf32, #tpu.memory_space<hbm>>
    %dma_wait3A_1021 = tpu.memref_squeeze %dma_wait3A_1020 : memref<1x1x4608xf32, #tpu.memory_space<hbm>> -> memref<4608xf32, #tpu.memory_space<hbm>>
    %dma_wait3A_1022 = arith.constant 0 : i32
    %dma_wait3A_1023 = tpu.memref_slice %arg5[%dma_wait3A_1010, %dma_wait3A_1022] : memref<2x4608xf32, #tpu.memory_space<vmem>> -> memref<1x4608xf32, #tpu.memory_space<vmem>>
    %dma_wait3A_1024 = tpu.memref_squeeze %dma_wait3A_1023 : memref<1x4608xf32, #tpu.memory_space<vmem>> -> memref<4608xf32, #tpu.memory_space<vmem>>
    tpu.wait_dma2 semaphore(%dma_wait3A_1019 : memref<!tpu.dma_semaphore, #tpu.memory_space<semaphore_mem>>) src(%dma_wait3A_1024 : memref<4608xf32, #tpu.memory_space<vmem>>) dst(%dma_wait3A_1021 : memref<4608xf32, #tpu.memory_space<hbm>>)
    %mul3A_1025 = arith.constant 2 : i32
    %mul3A_1026 = vector.broadcast %mul3A_1025 : i32 to vector<16xi32>
    %mul3A_1027 = arith.muli %iota3A, %mul3A_1026 : vector<16xi32>
    %add3A_1028 = arith.constant 0 : i32
    %add3A_1029 = vector.broadcast %add3A_1028 : i32 to vector<16xi32>
    %add3A_1030 = arith.addi %mul3A_1027, %add3A_1029 : vector<16xi32>
    %add3A_1031 = arith.constant 92160 : i32
    %add3A_1032 = vector.broadcast %add3A_1031 : i32 to vector<16xi32>
    %add3A_1033 = arith.addi %add3A_1030, %add3A_1032 : vector<16xi32>
    %scan3A_1034 = arith.constant 32 : i32
    %scan3A_1035 = arith.constant 0 : i32
    %scan3A_1036 = arith.constant 288 : i32
    %scan3A_1037 = arith.addi %scan3A_1035, %scan3A_1036 : i32
    %scan3A_1038 = arith.constant 1 : i32
    %scan3A_1039 = scf.for %scan3A_1528 = %scan3A_1035 to %scan3A_1037 step %scan3A_1038 iter_args(%scan3A_1529 = %add3A_1033) -> (vector<16xi32>)  : i32 {
      %gather3A = tpu.vector_load_idx %arg4[%scan3A_1529] : memref<101376xf32, #tpu.memory_space<vmem>>[vector<16xi32>], vector<16xf32>,
      %mul3A_1530 = arith.constant 16 : i32
      %mul3A_1531 = arith.muli %scan3A_1528, %mul3A_1530 : i32
      %swap3A = arith.constant 0 : i32
      %swap3A_1532 = arith.index_cast %swap3A : i32 to index
      %swap3A_1533 = arith.index_cast %mul3A_1531 : i32 to index
      %swap3A_1534 = tpu.vector_load %arg5[%swap3A_1532, %swap3A_1533] {strides = array<i32>} : memref<2x4608xf32, #tpu.memory_space<vmem>>, vector<16xf32>,
      tpu.vector_store %arg5[%swap3A_1532, %swap3A_1533], %gather3A {strides = array<i32>} : memref<2x4608xf32, #tpu.memory_space<vmem>>, vector<16xf32>,
      %add3A_1535 = vector.broadcast %scan3A_1034 : i32 to vector<16xi32>
      %add3A_1536 = arith.addi %scan3A_1529, %add3A_1535 : vector<16xi32>
      scf.yield %add3A_1536 : vector<16xi32>
    }
    %scan3A_1040 = arith.constant 288 : i32
    %mul3A_1041 = arith.constant 4608 : i32
    %mul3A_1042 = arith.muli %select_n3A_30, %mul3A_1041 : i32
    %dma_start3A_1043 = arith.constant 0 : i32
    %dma_start3A_1044 = arith.constant 20 : i32
    %dma_start3A_1045 = arith.constant 0 : i32
    %dma_start3A_1046 = arith.constant 0 : i32
    %dma_start3A_1047 = tpu.memref_slice %arg5[%dma_start3A_1043, %dma_start3A_1046] : memref<2x4608xf32, #tpu.memory_space<vmem>> -> memref<1x4608xf32, #tpu.memory_space<vmem>>
    %dma_start3A_1048 = tpu.memref_squeeze %dma_start3A_1047 : memref<1x4608xf32, #tpu.memory_space<vmem>> -> memref<4608xf32, #tpu.memory_space<vmem>>
    %dma_start3A_1049 = tpu.memref_slice %arg3[%select_n3A, %dma_start3A_1044, %mul3A_1042] : memref<16x30x9216xf32, #tpu.memory_space<hbm>> -> memref<1x1x4608xf32, #tpu.memory_space<hbm>>
    %dma_start3A_1050 = tpu.memref_squeeze %dma_start3A_1049 : memref<1x1x4608xf32, #tpu.memory_space<hbm>> -> memref<4608xf32, #tpu.memory_space<hbm>>
    %dma_start3A_1051 = tpu.memref_slice %arg7[%dma_start3A_1045] : memref<2x!tpu.dma_semaphore, #tpu.memory_space<semaphore_mem>> -> memref<1x!tpu.dma_semaphore, #tpu.memory_space<semaphore_mem>>
    %dma_start3A_1052 = tpu.memref_squeeze %dma_start3A_1051 : memref<1x!tpu.dma_semaphore, #tpu.memory_space<semaphore_mem>> -> memref<!tpu.dma_semaphore, #tpu.memory_space<semaphore_mem>>
    %dma_start3A_1053 = tpu.memref_slice %arg3[%select_n3A, %dma_start3A_1044, %mul3A_1042] : memref<16x30x9216xf32, #tpu.memory_space<hbm>> -> memref<1x1x4608xf32, #tpu.memory_space<hbm>>
    %dma_start3A_1054 = tpu.memref_squeeze %dma_start3A_1053 : memref<1x1x4608xf32, #tpu.memory_space<hbm>> -> memref<4608xf32, #tpu.memory_space<hbm>>
    %dma_start3A_1055 = arith.constant 0 : i32
    %dma_start3A_1056 = tpu.memref_slice %arg5[%dma_start3A_1043, %dma_start3A_1055] : memref<2x4608xf32, #tpu.memory_space<vmem>> -> memref<1x4608xf32, #tpu.memory_space<vmem>>
    %dma_start3A_1057 = tpu.memref_squeeze %dma_start3A_1056 : memref<1x4608xf32, #tpu.memory_space<vmem>> -> memref<4608xf32, #tpu.memory_space<vmem>>
    tpu.enqueue_dma source(%dma_start3A_1057 : memref<4608xf32, #tpu.memory_space<vmem>>) target(%dma_start3A_1054 : memref<4608xf32, #tpu.memory_space<hbm>>) target_semaphore(%dma_start3A_1052 : memref<!tpu.dma_semaphore, #tpu.memory_space<semaphore_mem>>)
    %dma_wait3A_1058 = arith.constant 1 : i32
    %dma_wait3A_1059 = arith.constant 19 : i32
    %dma_wait3A_1060 = arith.constant 1 : i32
    %dma_wait3A_1061 = arith.constant 0 : i32
    %dma_wait3A_1062 = tpu.memref_slice %arg5[%dma_wait3A_1058, %dma_wait3A_1061] : memref<2x4608xf32, #tpu.memory_space<vmem>> -> memref<1x4608xf32, #tpu.memory_space<vmem>>
    %dma_wait3A_1063 = tpu.memref_squeeze %dma_wait3A_1062 : memref<1x4608xf32, #tpu.memory_space<vmem>> -> memref<4608xf32, #tpu.memory_space<vmem>>
    %dma_wait3A_1064 = tpu.memref_slice %arg3[%select_n3A, %dma_wait3A_1059, %mul3A_974] : memref<16x30x9216xf32, #tpu.memory_space<hbm>> -> memref<1x1x4608xf32, #tpu.memory_space<hbm>>
    %dma_wait3A_1065 = tpu.memref_squeeze %dma_wait3A_1064 : memref<1x1x4608xf32, #tpu.memory_space<hbm>> -> memref<4608xf32, #tpu.memory_space<hbm>>
    %dma_wait3A_1066 = tpu.memref_slice %arg7[%dma_wait3A_1060] : memref<2x!tpu.dma_semaphore, #tpu.memory_space<semaphore_mem>> -> memref<1x!tpu.dma_semaphore, #tpu.memory_space<semaphore_mem>>
    %dma_wait3A_1067 = tpu.memref_squeeze %dma_wait3A_1066 : memref<1x!tpu.dma_semaphore, #tpu.memory_space<semaphore_mem>> -> memref<!tpu.dma_semaphore, #tpu.memory_space<semaphore_mem>>
    %dma_wait3A_1068 = tpu.memref_slice %arg3[%select_n3A, %dma_wait3A_1059, %mul3A_974] : memref<16x30x9216xf32, #tpu.memory_space<hbm>> -> memref<1x1x4608xf32, #tpu.memory_space<hbm>>
    %dma_wait3A_1069 = tpu.memref_squeeze %dma_wait3A_1068 : memref<1x1x4608xf32, #tpu.memory_space<hbm>> -> memref<4608xf32, #tpu.memory_space<hbm>>
    %dma_wait3A_1070 = arith.constant 0 : i32
    %dma_wait3A_1071 = tpu.memref_slice %arg5[%dma_wait3A_1058, %dma_wait3A_1070] : memref<2x4608xf32, #tpu.memory_space<vmem>> -> memref<1x4608xf32, #tpu.memory_space<vmem>>
    %dma_wait3A_1072 = tpu.memref_squeeze %dma_wait3A_1071 : memref<1x4608xf32, #tpu.memory_space<vmem>> -> memref<4608xf32, #tpu.memory_space<vmem>>
    tpu.wait_dma2 semaphore(%dma_wait3A_1067 : memref<!tpu.dma_semaphore, #tpu.memory_space<semaphore_mem>>) src(%dma_wait3A_1072 : memref<4608xf32, #tpu.memory_space<vmem>>) dst(%dma_wait3A_1069 : memref<4608xf32, #tpu.memory_space<hbm>>)
    %mul3A_1073 = arith.constant 2 : i32
    %mul3A_1074 = vector.broadcast %mul3A_1073 : i32 to vector<16xi32>
    %mul3A_1075 = arith.muli %iota3A, %mul3A_1074 : vector<16xi32>
    %add3A_1076 = arith.constant 1 : i32
    %add3A_1077 = vector.broadcast %add3A_1076 : i32 to vector<16xi32>
    %add3A_1078 = arith.addi %mul3A_1075, %add3A_1077 : vector<16xi32>
    %add3A_1079 = arith.constant 92160 : i32
    %add3A_1080 = vector.broadcast %add3A_1079 : i32 to vector<16xi32>
    %add3A_1081 = arith.addi %add3A_1078, %add3A_1080 : vector<16xi32>
    %scan3A_1082 = arith.constant 32 : i32
    %scan3A_1083 = arith.constant 0 : i32
    %scan3A_1084 = arith.constant 288 : i32
    %scan3A_1085 = arith.addi %scan3A_1083, %scan3A_1084 : i32
    %scan3A_1086 = arith.constant 1 : i32
    %scan3A_1087 = scf.for %scan3A_1528 = %scan3A_1083 to %scan3A_1085 step %scan3A_1086 iter_args(%scan3A_1529 = %add3A_1081) -> (vector<16xi32>)  : i32 {
      %gather3A = tpu.vector_load_idx %arg4[%scan3A_1529] : memref<101376xf32, #tpu.memory_space<vmem>>[vector<16xi32>], vector<16xf32>,
      %mul3A_1530 = arith.constant 16 : i32
      %mul3A_1531 = arith.muli %scan3A_1528, %mul3A_1530 : i32
      %swap3A = arith.constant 1 : i32
      %swap3A_1532 = arith.index_cast %swap3A : i32 to index
      %swap3A_1533 = arith.index_cast %mul3A_1531 : i32 to index
      %swap3A_1534 = tpu.vector_load %arg5[%swap3A_1532, %swap3A_1533] {strides = array<i32>} : memref<2x4608xf32, #tpu.memory_space<vmem>>, vector<16xf32>,
      tpu.vector_store %arg5[%swap3A_1532, %swap3A_1533], %gather3A {strides = array<i32>} : memref<2x4608xf32, #tpu.memory_space<vmem>>, vector<16xf32>,
      %add3A_1535 = vector.broadcast %scan3A_1082 : i32 to vector<16xi32>
      %add3A_1536 = arith.addi %scan3A_1529, %add3A_1535 : vector<16xi32>
      scf.yield %add3A_1536 : vector<16xi32>
    }
    %scan3A_1088 = arith.constant 288 : i32
    %mul3A_1089 = arith.constant 4608 : i32
    %mul3A_1090 = arith.muli %select_n3A_30, %mul3A_1089 : i32
    %dma_start3A_1091 = arith.constant 1 : i32
    %dma_start3A_1092 = arith.constant 21 : i32
    %dma_start3A_1093 = arith.constant 1 : i32
    %dma_start3A_1094 = arith.constant 0 : i32
    %dma_start3A_1095 = tpu.memref_slice %arg5[%dma_start3A_1091, %dma_start3A_1094] : memref<2x4608xf32, #tpu.memory_space<vmem>> -> memref<1x4608xf32, #tpu.memory_space<vmem>>
    %dma_start3A_1096 = tpu.memref_squeeze %dma_start3A_1095 : memref<1x4608xf32, #tpu.memory_space<vmem>> -> memref<4608xf32, #tpu.memory_space<vmem>>
    %dma_start3A_1097 = tpu.memref_slice %arg3[%select_n3A, %dma_start3A_1092, %mul3A_1090] : memref<16x30x9216xf32, #tpu.memory_space<hbm>> -> memref<1x1x4608xf32, #tpu.memory_space<hbm>>
    %dma_start3A_1098 = tpu.memref_squeeze %dma_start3A_1097 : memref<1x1x4608xf32, #tpu.memory_space<hbm>> -> memref<4608xf32, #tpu.memory_space<hbm>>
    %dma_start3A_1099 = tpu.memref_slice %arg7[%dma_start3A_1093] : memref<2x!tpu.dma_semaphore, #tpu.memory_space<semaphore_mem>> -> memref<1x!tpu.dma_semaphore, #tpu.memory_space<semaphore_mem>>
    %dma_start3A_1100 = tpu.memref_squeeze %dma_start3A_1099 : memref<1x!tpu.dma_semaphore, #tpu.memory_space<semaphore_mem>> -> memref<!tpu.dma_semaphore, #tpu.memory_space<semaphore_mem>>
    %dma_start3A_1101 = tpu.memref_slice %arg3[%select_n3A, %dma_start3A_1092, %mul3A_1090] : memref<16x30x9216xf32, #tpu.memory_space<hbm>> -> memref<1x1x4608xf32, #tpu.memory_space<hbm>>
    %dma_start3A_1102 = tpu.memref_squeeze %dma_start3A_1101 : memref<1x1x4608xf32, #tpu.memory_space<hbm>> -> memref<4608xf32, #tpu.memory_space<hbm>>
    %dma_start3A_1103 = arith.constant 0 : i32
    %dma_start3A_1104 = tpu.memref_slice %arg5[%dma_start3A_1091, %dma_start3A_1103] : memref<2x4608xf32, #tpu.memory_space<vmem>> -> memref<1x4608xf32, #tpu.memory_space<vmem>>
    %dma_start3A_1105 = tpu.memref_squeeze %dma_start3A_1104 : memref<1x4608xf32, #tpu.memory_space<vmem>> -> memref<4608xf32, #tpu.memory_space<vmem>>
    tpu.enqueue_dma source(%dma_start3A_1105 : memref<4608xf32, #tpu.memory_space<vmem>>) target(%dma_start3A_1102 : memref<4608xf32, #tpu.memory_space<hbm>>) target_semaphore(%dma_start3A_1100 : memref<!tpu.dma_semaphore, #tpu.memory_space<semaphore_mem>>)
    %dma_wait3A_1106 = arith.constant 0 : i32
    %dma_wait3A_1107 = tpu.memref_slice %arg4[%dma_wait3A_1106] : memref<101376xf32, #tpu.memory_space<vmem>> -> memref<36864xf32, #tpu.memory_space<vmem>>
    %dma_wait3A_1108 = tpu.memref_slice %arg2[%select_n3A, %add3A_993] : memref<16x276480xf32, #tpu.memory_space<hbm>> -> memref<1x36864xf32, #tpu.memory_space<hbm>>
    %dma_wait3A_1109 = tpu.memref_squeeze %dma_wait3A_1108 : memref<1x36864xf32, #tpu.memory_space<hbm>> -> memref<36864xf32, #tpu.memory_space<hbm>>
    %dma_wait3A_1110 = arith.constant 0 : i32
    %dma_wait3A_1111 = tpu.memref_slice %arg4[%dma_wait3A_1110] : memref<101376xf32, #tpu.memory_space<vmem>> -> memref<36864xf32, #tpu.memory_space<vmem>>
    %dma_wait3A_1112 = tpu.memref_slice %arg2[%select_n3A, %add3A_993] : memref<16x276480xf32, #tpu.memory_space<hbm>> -> memref<1x36864xf32, #tpu.memory_space<hbm>>
    %dma_wait3A_1113 = tpu.memref_squeeze %dma_wait3A_1112 : memref<1x36864xf32, #tpu.memory_space<hbm>> -> memref<36864xf32, #tpu.memory_space<hbm>>
    tpu.wait_dma2 semaphore(%arg6 : memref<!tpu.dma_semaphore, #tpu.memory_space<semaphore_mem>>) src(%dma_wait3A_1113 : memref<36864xf32, #tpu.memory_space<hbm>>) dst(%dma_wait3A_1111 : memref<36864xf32, #tpu.memory_space<vmem>>)
    %dma_wait3A_1114 = arith.constant 0 : i32
    %dma_wait3A_1115 = arith.constant 20 : i32
    %dma_wait3A_1116 = arith.constant 0 : i32
    %dma_wait3A_1117 = arith.constant 0 : i32
    %dma_wait3A_1118 = tpu.memref_slice %arg5[%dma_wait3A_1114, %dma_wait3A_1117] : memref<2x4608xf32, #tpu.memory_space<vmem>> -> memref<1x4608xf32, #tpu.memory_space<vmem>>
    %dma_wait3A_1119 = tpu.memref_squeeze %dma_wait3A_1118 : memref<1x4608xf32, #tpu.memory_space<vmem>> -> memref<4608xf32, #tpu.memory_space<vmem>>
    %dma_wait3A_1120 = tpu.memref_slice %arg3[%select_n3A, %dma_wait3A_1115, %mul3A_1042] : memref<16x30x9216xf32, #tpu.memory_space<hbm>> -> memref<1x1x4608xf32, #tpu.memory_space<hbm>>
    %dma_wait3A_1121 = tpu.memref_squeeze %dma_wait3A_1120 : memref<1x1x4608xf32, #tpu.memory_space<hbm>> -> memref<4608xf32, #tpu.memory_space<hbm>>
    %dma_wait3A_1122 = tpu.memref_slice %arg7[%dma_wait3A_1116] : memref<2x!tpu.dma_semaphore, #tpu.memory_space<semaphore_mem>> -> memref<1x!tpu.dma_semaphore, #tpu.memory_space<semaphore_mem>>
    %dma_wait3A_1123 = tpu.memref_squeeze %dma_wait3A_1122 : memref<1x!tpu.dma_semaphore, #tpu.memory_space<semaphore_mem>> -> memref<!tpu.dma_semaphore, #tpu.memory_space<semaphore_mem>>
    %dma_wait3A_1124 = tpu.memref_slice %arg3[%select_n3A, %dma_wait3A_1115, %mul3A_1042] : memref<16x30x9216xf32, #tpu.memory_space<hbm>> -> memref<1x1x4608xf32, #tpu.memory_space<hbm>>
    %dma_wait3A_1125 = tpu.memref_squeeze %dma_wait3A_1124 : memref<1x1x4608xf32, #tpu.memory_space<hbm>> -> memref<4608xf32, #tpu.memory_space<hbm>>
    %dma_wait3A_1126 = arith.constant 0 : i32
    %dma_wait3A_1127 = tpu.memref_slice %arg5[%dma_wait3A_1114, %dma_wait3A_1126] : memref<2x4608xf32, #tpu.memory_space<vmem>> -> memref<1x4608xf32, #tpu.memory_space<vmem>>
    %dma_wait3A_1128 = tpu.memref_squeeze %dma_wait3A_1127 : memref<1x4608xf32, #tpu.memory_space<vmem>> -> memref<4608xf32, #tpu.memory_space<vmem>>
    tpu.wait_dma2 semaphore(%dma_wait3A_1123 : memref<!tpu.dma_semaphore, #tpu.memory_space<semaphore_mem>>) src(%dma_wait3A_1128 : memref<4608xf32, #tpu.memory_space<vmem>>) dst(%dma_wait3A_1125 : memref<4608xf32, #tpu.memory_space<hbm>>)
    %mul3A_1129 = arith.constant 8 : i32
    %mul3A_1130 = vector.broadcast %mul3A_1129 : i32 to vector<16xi32>
    %mul3A_1131 = arith.muli %iota3A, %mul3A_1130 : vector<16xi32>
    %add3A_1132 = arith.constant 0 : i32
    %add3A_1133 = vector.broadcast %add3A_1132 : i32 to vector<16xi32>
    %add3A_1134 = arith.addi %mul3A_1131, %add3A_1133 : vector<16xi32>
    %add3A_1135 = arith.constant 0 : i32
    %add3A_1136 = vector.broadcast %add3A_1135 : i32 to vector<16xi32>
    %add3A_1137 = arith.addi %add3A_1134, %add3A_1136 : vector<16xi32>
    %scan3A_1138 = arith.constant 128 : i32
    %scan3A_1139 = arith.constant 0 : i32
    %scan3A_1140 = arith.constant 288 : i32
    %scan3A_1141 = arith.addi %scan3A_1139, %scan3A_1140 : i32
    %scan3A_1142 = arith.constant 1 : i32
    %scan3A_1143 = scf.for %scan3A_1528 = %scan3A_1139 to %scan3A_1141 step %scan3A_1142 iter_args(%scan3A_1529 = %add3A_1137) -> (vector<16xi32>)  : i32 {
      %gather3A = tpu.vector_load_idx %arg4[%scan3A_1529] : memref<101376xf32, #tpu.memory_space<vmem>>[vector<16xi32>], vector<16xf32>,
      %mul3A_1530 = arith.constant 16 : i32
      %mul3A_1531 = arith.muli %scan3A_1528, %mul3A_1530 : i32
      %swap3A = arith.constant 0 : i32
      %swap3A_1532 = arith.index_cast %swap3A : i32 to index
      %swap3A_1533 = arith.index_cast %mul3A_1531 : i32 to index
      %swap3A_1534 = tpu.vector_load %arg5[%swap3A_1532, %swap3A_1533] {strides = array<i32>} : memref<2x4608xf32, #tpu.memory_space<vmem>>, vector<16xf32>,
      tpu.vector_store %arg5[%swap3A_1532, %swap3A_1533], %gather3A {strides = array<i32>} : memref<2x4608xf32, #tpu.memory_space<vmem>>, vector<16xf32>,
      %add3A_1535 = vector.broadcast %scan3A_1138 : i32 to vector<16xi32>
      %add3A_1536 = arith.addi %scan3A_1529, %add3A_1535 : vector<16xi32>
      scf.yield %add3A_1536 : vector<16xi32>
    }
    %scan3A_1144 = arith.constant 288 : i32
    %mul3A_1145 = arith.constant 4608 : i32
    %mul3A_1146 = arith.muli %select_n3A_30, %mul3A_1145 : i32
    %dma_start3A_1147 = arith.constant 0 : i32
    %dma_start3A_1148 = arith.constant 22 : i32
    %dma_start3A_1149 = arith.constant 0 : i32
    %dma_start3A_1150 = arith.constant 0 : i32
    %dma_start3A_1151 = tpu.memref_slice %arg5[%dma_start3A_1147, %dma_start3A_1150] : memref<2x4608xf32, #tpu.memory_space<vmem>> -> memref<1x4608xf32, #tpu.memory_space<vmem>>
    %dma_start3A_1152 = tpu.memref_squeeze %dma_start3A_1151 : memref<1x4608xf32, #tpu.memory_space<vmem>> -> memref<4608xf32, #tpu.memory_space<vmem>>
    %dma_start3A_1153 = tpu.memref_slice %arg3[%select_n3A, %dma_start3A_1148, %mul3A_1146] : memref<16x30x9216xf32, #tpu.memory_space<hbm>> -> memref<1x1x4608xf32, #tpu.memory_space<hbm>>
    %dma_start3A_1154 = tpu.memref_squeeze %dma_start3A_1153 : memref<1x1x4608xf32, #tpu.memory_space<hbm>> -> memref<4608xf32, #tpu.memory_space<hbm>>
    %dma_start3A_1155 = tpu.memref_slice %arg7[%dma_start3A_1149] : memref<2x!tpu.dma_semaphore, #tpu.memory_space<semaphore_mem>> -> memref<1x!tpu.dma_semaphore, #tpu.memory_space<semaphore_mem>>
    %dma_start3A_1156 = tpu.memref_squeeze %dma_start3A_1155 : memref<1x!tpu.dma_semaphore, #tpu.memory_space<semaphore_mem>> -> memref<!tpu.dma_semaphore, #tpu.memory_space<semaphore_mem>>
    %dma_start3A_1157 = tpu.memref_slice %arg3[%select_n3A, %dma_start3A_1148, %mul3A_1146] : memref<16x30x9216xf32, #tpu.memory_space<hbm>> -> memref<1x1x4608xf32, #tpu.memory_space<hbm>>
    %dma_start3A_1158 = tpu.memref_squeeze %dma_start3A_1157 : memref<1x1x4608xf32, #tpu.memory_space<hbm>> -> memref<4608xf32, #tpu.memory_space<hbm>>
    %dma_start3A_1159 = arith.constant 0 : i32
    %dma_start3A_1160 = tpu.memref_slice %arg5[%dma_start3A_1147, %dma_start3A_1159] : memref<2x4608xf32, #tpu.memory_space<vmem>> -> memref<1x4608xf32, #tpu.memory_space<vmem>>
    %dma_start3A_1161 = tpu.memref_squeeze %dma_start3A_1160 : memref<1x4608xf32, #tpu.memory_space<vmem>> -> memref<4608xf32, #tpu.memory_space<vmem>>
    tpu.enqueue_dma source(%dma_start3A_1161 : memref<4608xf32, #tpu.memory_space<vmem>>) target(%dma_start3A_1158 : memref<4608xf32, #tpu.memory_space<hbm>>) target_semaphore(%dma_start3A_1156 : memref<!tpu.dma_semaphore, #tpu.memory_space<semaphore_mem>>)
    %dma_wait3A_1162 = arith.constant 1 : i32
    %dma_wait3A_1163 = arith.constant 21 : i32
    %dma_wait3A_1164 = arith.constant 1 : i32
    %dma_wait3A_1165 = arith.constant 0 : i32
    %dma_wait3A_1166 = tpu.memref_slice %arg5[%dma_wait3A_1162, %dma_wait3A_1165] : memref<2x4608xf32, #tpu.memory_space<vmem>> -> memref<1x4608xf32, #tpu.memory_space<vmem>>
    %dma_wait3A_1167 = tpu.memref_squeeze %dma_wait3A_1166 : memref<1x4608xf32, #tpu.memory_space<vmem>> -> memref<4608xf32, #tpu.memory_space<vmem>>
    %dma_wait3A_1168 = tpu.memref_slice %arg3[%select_n3A, %dma_wait3A_1163, %mul3A_1090] : memref<16x30x9216xf32, #tpu.memory_space<hbm>> -> memref<1x1x4608xf32, #tpu.memory_space<hbm>>
    %dma_wait3A_1169 = tpu.memref_squeeze %dma_wait3A_1168 : memref<1x1x4608xf32, #tpu.memory_space<hbm>> -> memref<4608xf32, #tpu.memory_space<hbm>>
    %dma_wait3A_1170 = tpu.memref_slice %arg7[%dma_wait3A_1164] : memref<2x!tpu.dma_semaphore, #tpu.memory_space<semaphore_mem>> -> memref<1x!tpu.dma_semaphore, #tpu.memory_space<semaphore_mem>>
    %dma_wait3A_1171 = tpu.memref_squeeze %dma_wait3A_1170 : memref<1x!tpu.dma_semaphore, #tpu.memory_space<semaphore_mem>> -> memref<!tpu.dma_semaphore, #tpu.memory_space<semaphore_mem>>
    %dma_wait3A_1172 = tpu.memref_slice %arg3[%select_n3A, %dma_wait3A_1163, %mul3A_1090] : memref<16x30x9216xf32, #tpu.memory_space<hbm>> -> memref<1x1x4608xf32, #tpu.memory_space<hbm>>
    %dma_wait3A_1173 = tpu.memref_squeeze %dma_wait3A_1172 : memref<1x1x4608xf32, #tpu.memory_space<hbm>> -> memref<4608xf32, #tpu.memory_space<hbm>>
    %dma_wait3A_1174 = arith.constant 0 : i32
    %dma_wait3A_1175 = tpu.memref_slice %arg5[%dma_wait3A_1162, %dma_wait3A_1174] : memref<2x4608xf32, #tpu.memory_space<vmem>> -> memref<1x4608xf32, #tpu.memory_space<vmem>>
    %dma_wait3A_1176 = tpu.memref_squeeze %dma_wait3A_1175 : memref<1x4608xf32, #tpu.memory_space<vmem>> -> memref<4608xf32, #tpu.memory_space<vmem>>
    tpu.wait_dma2 semaphore(%dma_wait3A_1171 : memref<!tpu.dma_semaphore, #tpu.memory_space<semaphore_mem>>) src(%dma_wait3A_1176 : memref<4608xf32, #tpu.memory_space<vmem>>) dst(%dma_wait3A_1173 : memref<4608xf32, #tpu.memory_space<hbm>>)
    %mul3A_1177 = arith.constant 8 : i32
    %mul3A_1178 = vector.broadcast %mul3A_1177 : i32 to vector<16xi32>
    %mul3A_1179 = arith.muli %iota3A, %mul3A_1178 : vector<16xi32>
    %add3A_1180 = arith.constant 1 : i32
    %add3A_1181 = vector.broadcast %add3A_1180 : i32 to vector<16xi32>
    %add3A_1182 = arith.addi %mul3A_1179, %add3A_1181 : vector<16xi32>
    %add3A_1183 = arith.constant 0 : i32
    %add3A_1184 = vector.broadcast %add3A_1183 : i32 to vector<16xi32>
    %add3A_1185 = arith.addi %add3A_1182, %add3A_1184 : vector<16xi32>
    %scan3A_1186 = arith.constant 128 : i32
    %scan3A_1187 = arith.constant 0 : i32
    %scan3A_1188 = arith.constant 288 : i32
    %scan3A_1189 = arith.addi %scan3A_1187, %scan3A_1188 : i32
    %scan3A_1190 = arith.constant 1 : i32
    %scan3A_1191 = scf.for %scan3A_1528 = %scan3A_1187 to %scan3A_1189 step %scan3A_1190 iter_args(%scan3A_1529 = %add3A_1185) -> (vector<16xi32>)  : i32 {
      %gather3A = tpu.vector_load_idx %arg4[%scan3A_1529] : memref<101376xf32, #tpu.memory_space<vmem>>[vector<16xi32>], vector<16xf32>,
      %mul3A_1530 = arith.constant 16 : i32
      %mul3A_1531 = arith.muli %scan3A_1528, %mul3A_1530 : i32
      %swap3A = arith.constant 1 : i32
      %swap3A_1532 = arith.index_cast %swap3A : i32 to index
      %swap3A_1533 = arith.index_cast %mul3A_1531 : i32 to index
      %swap3A_1534 = tpu.vector_load %arg5[%swap3A_1532, %swap3A_1533] {strides = array<i32>} : memref<2x4608xf32, #tpu.memory_space<vmem>>, vector<16xf32>,
      tpu.vector_store %arg5[%swap3A_1532, %swap3A_1533], %gather3A {strides = array<i32>} : memref<2x4608xf32, #tpu.memory_space<vmem>>, vector<16xf32>,
      %add3A_1535 = vector.broadcast %scan3A_1186 : i32 to vector<16xi32>
      %add3A_1536 = arith.addi %scan3A_1529, %add3A_1535 : vector<16xi32>
      scf.yield %add3A_1536 : vector<16xi32>
    }
    %scan3A_1192 = arith.constant 288 : i32
    %mul3A_1193 = arith.constant 4608 : i32
    %mul3A_1194 = arith.muli %select_n3A_30, %mul3A_1193 : i32
    %dma_start3A_1195 = arith.constant 1 : i32
    %dma_start3A_1196 = arith.constant 23 : i32
    %dma_start3A_1197 = arith.constant 1 : i32
    %dma_start3A_1198 = arith.constant 0 : i32
    %dma_start3A_1199 = tpu.memref_slice %arg5[%dma_start3A_1195, %dma_start3A_1198] : memref<2x4608xf32, #tpu.memory_space<vmem>> -> memref<1x4608xf32, #tpu.memory_space<vmem>>
    %dma_start3A_1200 = tpu.memref_squeeze %dma_start3A_1199 : memref<1x4608xf32, #tpu.memory_space<vmem>> -> memref<4608xf32, #tpu.memory_space<vmem>>
    %dma_start3A_1201 = tpu.memref_slice %arg3[%select_n3A, %dma_start3A_1196, %mul3A_1194] : memref<16x30x9216xf32, #tpu.memory_space<hbm>> -> memref<1x1x4608xf32, #tpu.memory_space<hbm>>
    %dma_start3A_1202 = tpu.memref_squeeze %dma_start3A_1201 : memref<1x1x4608xf32, #tpu.memory_space<hbm>> -> memref<4608xf32, #tpu.memory_space<hbm>>
    %dma_start3A_1203 = tpu.memref_slice %arg7[%dma_start3A_1197] : memref<2x!tpu.dma_semaphore, #tpu.memory_space<semaphore_mem>> -> memref<1x!tpu.dma_semaphore, #tpu.memory_space<semaphore_mem>>
    %dma_start3A_1204 = tpu.memref_squeeze %dma_start3A_1203 : memref<1x!tpu.dma_semaphore, #tpu.memory_space<semaphore_mem>> -> memref<!tpu.dma_semaphore, #tpu.memory_space<semaphore_mem>>
    %dma_start3A_1205 = tpu.memref_slice %arg3[%select_n3A, %dma_start3A_1196, %mul3A_1194] : memref<16x30x9216xf32, #tpu.memory_space<hbm>> -> memref<1x1x4608xf32, #tpu.memory_space<hbm>>
    %dma_start3A_1206 = tpu.memref_squeeze %dma_start3A_1205 : memref<1x1x4608xf32, #tpu.memory_space<hbm>> -> memref<4608xf32, #tpu.memory_space<hbm>>
    %dma_start3A_1207 = arith.constant 0 : i32
    %dma_start3A_1208 = tpu.memref_slice %arg5[%dma_start3A_1195, %dma_start3A_1207] : memref<2x4608xf32, #tpu.memory_space<vmem>> -> memref<1x4608xf32, #tpu.memory_space<vmem>>
    %dma_start3A_1209 = tpu.memref_squeeze %dma_start3A_1208 : memref<1x4608xf32, #tpu.memory_space<vmem>> -> memref<4608xf32, #tpu.memory_space<vmem>>
    tpu.enqueue_dma source(%dma_start3A_1209 : memref<4608xf32, #tpu.memory_space<vmem>>) target(%dma_start3A_1206 : memref<4608xf32, #tpu.memory_space<hbm>>) target_semaphore(%dma_start3A_1204 : memref<!tpu.dma_semaphore, #tpu.memory_space<semaphore_mem>>)
    %dma_wait3A_1210 = arith.constant 0 : i32
    %dma_wait3A_1211 = arith.constant 22 : i32
    %dma_wait3A_1212 = arith.constant 0 : i32
    %dma_wait3A_1213 = arith.constant 0 : i32
    %dma_wait3A_1214 = tpu.memref_slice %arg5[%dma_wait3A_1210, %dma_wait3A_1213] : memref<2x4608xf32, #tpu.memory_space<vmem>> -> memref<1x4608xf32, #tpu.memory_space<vmem>>
    %dma_wait3A_1215 = tpu.memref_squeeze %dma_wait3A_1214 : memref<1x4608xf32, #tpu.memory_space<vmem>> -> memref<4608xf32, #tpu.memory_space<vmem>>
    %dma_wait3A_1216 = tpu.memref_slice %arg3[%select_n3A, %dma_wait3A_1211, %mul3A_1146] : memref<16x30x9216xf32, #tpu.memory_space<hbm>> -> memref<1x1x4608xf32, #tpu.memory_space<hbm>>
    %dma_wait3A_1217 = tpu.memref_squeeze %dma_wait3A_1216 : memref<1x1x4608xf32, #tpu.memory_space<hbm>> -> memref<4608xf32, #tpu.memory_space<hbm>>
    %dma_wait3A_1218 = tpu.memref_slice %arg7[%dma_wait3A_1212] : memref<2x!tpu.dma_semaphore, #tpu.memory_space<semaphore_mem>> -> memref<1x!tpu.dma_semaphore, #tpu.memory_space<semaphore_mem>>
    %dma_wait3A_1219 = tpu.memref_squeeze %dma_wait3A_1218 : memref<1x!tpu.dma_semaphore, #tpu.memory_space<semaphore_mem>> -> memref<!tpu.dma_semaphore, #tpu.memory_space<semaphore_mem>>
    %dma_wait3A_1220 = tpu.memref_slice %arg3[%select_n3A, %dma_wait3A_1211, %mul3A_1146] : memref<16x30x9216xf32, #tpu.memory_space<hbm>> -> memref<1x1x4608xf32, #tpu.memory_space<hbm>>
    %dma_wait3A_1221 = tpu.memref_squeeze %dma_wait3A_1220 : memref<1x1x4608xf32, #tpu.memory_space<hbm>> -> memref<4608xf32, #tpu.memory_space<hbm>>
    %dma_wait3A_1222 = arith.constant 0 : i32
    %dma_wait3A_1223 = tpu.memref_slice %arg5[%dma_wait3A_1210, %dma_wait3A_1222] : memref<2x4608xf32, #tpu.memory_space<vmem>> -> memref<1x4608xf32, #tpu.memory_space<vmem>>
    %dma_wait3A_1224 = tpu.memref_squeeze %dma_wait3A_1223 : memref<1x4608xf32, #tpu.memory_space<vmem>> -> memref<4608xf32, #tpu.memory_space<vmem>>
    tpu.wait_dma2 semaphore(%dma_wait3A_1219 : memref<!tpu.dma_semaphore, #tpu.memory_space<semaphore_mem>>) src(%dma_wait3A_1224 : memref<4608xf32, #tpu.memory_space<vmem>>) dst(%dma_wait3A_1221 : memref<4608xf32, #tpu.memory_space<hbm>>)
    %mul3A_1225 = arith.constant 8 : i32
    %mul3A_1226 = vector.broadcast %mul3A_1225 : i32 to vector<16xi32>
    %mul3A_1227 = arith.muli %iota3A, %mul3A_1226 : vector<16xi32>
    %add3A_1228 = arith.constant 2 : i32
    %add3A_1229 = vector.broadcast %add3A_1228 : i32 to vector<16xi32>
    %add3A_1230 = arith.addi %mul3A_1227, %add3A_1229 : vector<16xi32>
    %add3A_1231 = arith.constant 0 : i32
    %add3A_1232 = vector.broadcast %add3A_1231 : i32 to vector<16xi32>
    %add3A_1233 = arith.addi %add3A_1230, %add3A_1232 : vector<16xi32>
    %scan3A_1234 = arith.constant 128 : i32
    %scan3A_1235 = arith.constant 0 : i32
    %scan3A_1236 = arith.constant 288 : i32
    %scan3A_1237 = arith.addi %scan3A_1235, %scan3A_1236 : i32
    %scan3A_1238 = arith.constant 1 : i32
    %scan3A_1239 = scf.for %scan3A_1528 = %scan3A_1235 to %scan3A_1237 step %scan3A_1238 iter_args(%scan3A_1529 = %add3A_1233) -> (vector<16xi32>)  : i32 {
      %gather3A = tpu.vector_load_idx %arg4[%scan3A_1529] : memref<101376xf32, #tpu.memory_space<vmem>>[vector<16xi32>], vector<16xf32>,
      %mul3A_1530 = arith.constant 16 : i32
      %mul3A_1531 = arith.muli %scan3A_1528, %mul3A_1530 : i32
      %swap3A = arith.constant 0 : i32
      %swap3A_1532 = arith.index_cast %swap3A : i32 to index
      %swap3A_1533 = arith.index_cast %mul3A_1531 : i32 to index
      %swap3A_1534 = tpu.vector_load %arg5[%swap3A_1532, %swap3A_1533] {strides = array<i32>} : memref<2x4608xf32, #tpu.memory_space<vmem>>, vector<16xf32>,
      tpu.vector_store %arg5[%swap3A_1532, %swap3A_1533], %gather3A {strides = array<i32>} : memref<2x4608xf32, #tpu.memory_space<vmem>>, vector<16xf32>,
      %add3A_1535 = vector.broadcast %scan3A_1234 : i32 to vector<16xi32>
      %add3A_1536 = arith.addi %scan3A_1529, %add3A_1535 : vector<16xi32>
      scf.yield %add3A_1536 : vector<16xi32>
    }
    %scan3A_1240 = arith.constant 288 : i32
    %mul3A_1241 = arith.constant 4608 : i32
    %mul3A_1242 = arith.muli %select_n3A_30, %mul3A_1241 : i32
    %dma_start3A_1243 = arith.constant 0 : i32
    %dma_start3A_1244 = arith.constant 24 : i32
    %dma_start3A_1245 = arith.constant 0 : i32
    %dma_start3A_1246 = arith.constant 0 : i32
    %dma_start3A_1247 = tpu.memref_slice %arg5[%dma_start3A_1243, %dma_start3A_1246] : memref<2x4608xf32, #tpu.memory_space<vmem>> -> memref<1x4608xf32, #tpu.memory_space<vmem>>
    %dma_start3A_1248 = tpu.memref_squeeze %dma_start3A_1247 : memref<1x4608xf32, #tpu.memory_space<vmem>> -> memref<4608xf32, #tpu.memory_space<vmem>>
    %dma_start3A_1249 = tpu.memref_slice %arg3[%select_n3A, %dma_start3A_1244, %mul3A_1242] : memref<16x30x9216xf32, #tpu.memory_space<hbm>> -> memref<1x1x4608xf32, #tpu.memory_space<hbm>>
    %dma_start3A_1250 = tpu.memref_squeeze %dma_start3A_1249 : memref<1x1x4608xf32, #tpu.memory_space<hbm>> -> memref<4608xf32, #tpu.memory_space<hbm>>
    %dma_start3A_1251 = tpu.memref_slice %arg7[%dma_start3A_1245] : memref<2x!tpu.dma_semaphore, #tpu.memory_space<semaphore_mem>> -> memref<1x!tpu.dma_semaphore, #tpu.memory_space<semaphore_mem>>
    %dma_start3A_1252 = tpu.memref_squeeze %dma_start3A_1251 : memref<1x!tpu.dma_semaphore, #tpu.memory_space<semaphore_mem>> -> memref<!tpu.dma_semaphore, #tpu.memory_space<semaphore_mem>>
    %dma_start3A_1253 = tpu.memref_slice %arg3[%select_n3A, %dma_start3A_1244, %mul3A_1242] : memref<16x30x9216xf32, #tpu.memory_space<hbm>> -> memref<1x1x4608xf32, #tpu.memory_space<hbm>>
    %dma_start3A_1254 = tpu.memref_squeeze %dma_start3A_1253 : memref<1x1x4608xf32, #tpu.memory_space<hbm>> -> memref<4608xf32, #tpu.memory_space<hbm>>
    %dma_start3A_1255 = arith.constant 0 : i32
    %dma_start3A_1256 = tpu.memref_slice %arg5[%dma_start3A_1243, %dma_start3A_1255] : memref<2x4608xf32, #tpu.memory_space<vmem>> -> memref<1x4608xf32, #tpu.memory_space<vmem>>
    %dma_start3A_1257 = tpu.memref_squeeze %dma_start3A_1256 : memref<1x4608xf32, #tpu.memory_space<vmem>> -> memref<4608xf32, #tpu.memory_space<vmem>>
    tpu.enqueue_dma source(%dma_start3A_1257 : memref<4608xf32, #tpu.memory_space<vmem>>) target(%dma_start3A_1254 : memref<4608xf32, #tpu.memory_space<hbm>>) target_semaphore(%dma_start3A_1252 : memref<!tpu.dma_semaphore, #tpu.memory_space<semaphore_mem>>)
    %dma_wait3A_1258 = arith.constant 1 : i32
    %dma_wait3A_1259 = arith.constant 23 : i32
    %dma_wait3A_1260 = arith.constant 1 : i32
    %dma_wait3A_1261 = arith.constant 0 : i32
    %dma_wait3A_1262 = tpu.memref_slice %arg5[%dma_wait3A_1258, %dma_wait3A_1261] : memref<2x4608xf32, #tpu.memory_space<vmem>> -> memref<1x4608xf32, #tpu.memory_space<vmem>>
    %dma_wait3A_1263 = tpu.memref_squeeze %dma_wait3A_1262 : memref<1x4608xf32, #tpu.memory_space<vmem>> -> memref<4608xf32, #tpu.memory_space<vmem>>
    %dma_wait3A_1264 = tpu.memref_slice %arg3[%select_n3A, %dma_wait3A_1259, %mul3A_1194] : memref<16x30x9216xf32, #tpu.memory_space<hbm>> -> memref<1x1x4608xf32, #tpu.memory_space<hbm>>
    %dma_wait3A_1265 = tpu.memref_squeeze %dma_wait3A_1264 : memref<1x1x4608xf32, #tpu.memory_space<hbm>> -> memref<4608xf32, #tpu.memory_space<hbm>>
    %dma_wait3A_1266 = tpu.memref_slice %arg7[%dma_wait3A_1260] : memref<2x!tpu.dma_semaphore, #tpu.memory_space<semaphore_mem>> -> memref<1x!tpu.dma_semaphore, #tpu.memory_space<semaphore_mem>>
    %dma_wait3A_1267 = tpu.memref_squeeze %dma_wait3A_1266 : memref<1x!tpu.dma_semaphore, #tpu.memory_space<semaphore_mem>> -> memref<!tpu.dma_semaphore, #tpu.memory_space<semaphore_mem>>
    %dma_wait3A_1268 = tpu.memref_slice %arg3[%select_n3A, %dma_wait3A_1259, %mul3A_1194] : memref<16x30x9216xf32, #tpu.memory_space<hbm>> -> memref<1x1x4608xf32, #tpu.memory_space<hbm>>
    %dma_wait3A_1269 = tpu.memref_squeeze %dma_wait3A_1268 : memref<1x1x4608xf32, #tpu.memory_space<hbm>> -> memref<4608xf32, #tpu.memory_space<hbm>>
    %dma_wait3A_1270 = arith.constant 0 : i32
    %dma_wait3A_1271 = tpu.memref_slice %arg5[%dma_wait3A_1258, %dma_wait3A_1270] : memref<2x4608xf32, #tpu.memory_space<vmem>> -> memref<1x4608xf32, #tpu.memory_space<vmem>>
    %dma_wait3A_1272 = tpu.memref_squeeze %dma_wait3A_1271 : memref<1x4608xf32, #tpu.memory_space<vmem>> -> memref<4608xf32, #tpu.memory_space<vmem>>
    tpu.wait_dma2 semaphore(%dma_wait3A_1267 : memref<!tpu.dma_semaphore, #tpu.memory_space<semaphore_mem>>) src(%dma_wait3A_1272 : memref<4608xf32, #tpu.memory_space<vmem>>) dst(%dma_wait3A_1269 : memref<4608xf32, #tpu.memory_space<hbm>>)
    %mul3A_1273 = arith.constant 8 : i32
    %mul3A_1274 = vector.broadcast %mul3A_1273 : i32 to vector<16xi32>
    %mul3A_1275 = arith.muli %iota3A, %mul3A_1274 : vector<16xi32>
    %add3A_1276 = arith.constant 3 : i32
    %add3A_1277 = vector.broadcast %add3A_1276 : i32 to vector<16xi32>
    %add3A_1278 = arith.addi %mul3A_1275, %add3A_1277 : vector<16xi32>
    %add3A_1279 = arith.constant 0 : i32
    %add3A_1280 = vector.broadcast %add3A_1279 : i32 to vector<16xi32>
    %add3A_1281 = arith.addi %add3A_1278, %add3A_1280 : vector<16xi32>
    %scan3A_1282 = arith.constant 128 : i32
    %scan3A_1283 = arith.constant 0 : i32
    %scan3A_1284 = arith.constant 288 : i32
    %scan3A_1285 = arith.addi %scan3A_1283, %scan3A_1284 : i32
    %scan3A_1286 = arith.constant 1 : i32
    %scan3A_1287 = scf.for %scan3A_1528 = %scan3A_1283 to %scan3A_1285 step %scan3A_1286 iter_args(%scan3A_1529 = %add3A_1281) -> (vector<16xi32>)  : i32 {
      %gather3A = tpu.vector_load_idx %arg4[%scan3A_1529] : memref<101376xf32, #tpu.memory_space<vmem>>[vector<16xi32>], vector<16xf32>,
      %mul3A_1530 = arith.constant 16 : i32
      %mul3A_1531 = arith.muli %scan3A_1528, %mul3A_1530 : i32
      %swap3A = arith.constant 1 : i32
      %swap3A_1532 = arith.index_cast %swap3A : i32 to index
      %swap3A_1533 = arith.index_cast %mul3A_1531 : i32 to index
      %swap3A_1534 = tpu.vector_load %arg5[%swap3A_1532, %swap3A_1533] {strides = array<i32>} : memref<2x4608xf32, #tpu.memory_space<vmem>>, vector<16xf32>,
      tpu.vector_store %arg5[%swap3A_1532, %swap3A_1533], %gather3A {strides = array<i32>} : memref<2x4608xf32, #tpu.memory_space<vmem>>, vector<16xf32>,
      %add3A_1535 = vector.broadcast %scan3A_1282 : i32 to vector<16xi32>
      %add3A_1536 = arith.addi %scan3A_1529, %add3A_1535 : vector<16xi32>
      scf.yield %add3A_1536 : vector<16xi32>
    }
    %scan3A_1288 = arith.constant 288 : i32
    %mul3A_1289 = arith.constant 4608 : i32
    %mul3A_1290 = arith.muli %select_n3A_30, %mul3A_1289 : i32
    %dma_start3A_1291 = arith.constant 1 : i32
    %dma_start3A_1292 = arith.constant 25 : i32
    %dma_start3A_1293 = arith.constant 1 : i32
    %dma_start3A_1294 = arith.constant 0 : i32
    %dma_start3A_1295 = tpu.memref_slice %arg5[%dma_start3A_1291, %dma_start3A_1294] : memref<2x4608xf32, #tpu.memory_space<vmem>> -> memref<1x4608xf32, #tpu.memory_space<vmem>>
    %dma_start3A_1296 = tpu.memref_squeeze %dma_start3A_1295 : memref<1x4608xf32, #tpu.memory_space<vmem>> -> memref<4608xf32, #tpu.memory_space<vmem>>
    %dma_start3A_1297 = tpu.memref_slice %arg3[%select_n3A, %dma_start3A_1292, %mul3A_1290] : memref<16x30x9216xf32, #tpu.memory_space<hbm>> -> memref<1x1x4608xf32, #tpu.memory_space<hbm>>
    %dma_start3A_1298 = tpu.memref_squeeze %dma_start3A_1297 : memref<1x1x4608xf32, #tpu.memory_space<hbm>> -> memref<4608xf32, #tpu.memory_space<hbm>>
    %dma_start3A_1299 = tpu.memref_slice %arg7[%dma_start3A_1293] : memref<2x!tpu.dma_semaphore, #tpu.memory_space<semaphore_mem>> -> memref<1x!tpu.dma_semaphore, #tpu.memory_space<semaphore_mem>>
    %dma_start3A_1300 = tpu.memref_squeeze %dma_start3A_1299 : memref<1x!tpu.dma_semaphore, #tpu.memory_space<semaphore_mem>> -> memref<!tpu.dma_semaphore, #tpu.memory_space<semaphore_mem>>
    %dma_start3A_1301 = tpu.memref_slice %arg3[%select_n3A, %dma_start3A_1292, %mul3A_1290] : memref<16x30x9216xf32, #tpu.memory_space<hbm>> -> memref<1x1x4608xf32, #tpu.memory_space<hbm>>
    %dma_start3A_1302 = tpu.memref_squeeze %dma_start3A_1301 : memref<1x1x4608xf32, #tpu.memory_space<hbm>> -> memref<4608xf32, #tpu.memory_space<hbm>>
    %dma_start3A_1303 = arith.constant 0 : i32
    %dma_start3A_1304 = tpu.memref_slice %arg5[%dma_start3A_1291, %dma_start3A_1303] : memref<2x4608xf32, #tpu.memory_space<vmem>> -> memref<1x4608xf32, #tpu.memory_space<vmem>>
    %dma_start3A_1305 = tpu.memref_squeeze %dma_start3A_1304 : memref<1x4608xf32, #tpu.memory_space<vmem>> -> memref<4608xf32, #tpu.memory_space<vmem>>
    tpu.enqueue_dma source(%dma_start3A_1305 : memref<4608xf32, #tpu.memory_space<vmem>>) target(%dma_start3A_1302 : memref<4608xf32, #tpu.memory_space<hbm>>) target_semaphore(%dma_start3A_1300 : memref<!tpu.dma_semaphore, #tpu.memory_space<semaphore_mem>>)
    %dma_wait3A_1306 = arith.constant 0 : i32
    %dma_wait3A_1307 = arith.constant 24 : i32
    %dma_wait3A_1308 = arith.constant 0 : i32
    %dma_wait3A_1309 = arith.constant 0 : i32
    %dma_wait3A_1310 = tpu.memref_slice %arg5[%dma_wait3A_1306, %dma_wait3A_1309] : memref<2x4608xf32, #tpu.memory_space<vmem>> -> memref<1x4608xf32, #tpu.memory_space<vmem>>
    %dma_wait3A_1311 = tpu.memref_squeeze %dma_wait3A_1310 : memref<1x4608xf32, #tpu.memory_space<vmem>> -> memref<4608xf32, #tpu.memory_space<vmem>>
    %dma_wait3A_1312 = tpu.memref_slice %arg3[%select_n3A, %dma_wait3A_1307, %mul3A_1242] : memref<16x30x9216xf32, #tpu.memory_space<hbm>> -> memref<1x1x4608xf32, #tpu.memory_space<hbm>>
    %dma_wait3A_1313 = tpu.memref_squeeze %dma_wait3A_1312 : memref<1x1x4608xf32, #tpu.memory_space<hbm>> -> memref<4608xf32, #tpu.memory_space<hbm>>
    %dma_wait3A_1314 = tpu.memref_slice %arg7[%dma_wait3A_1308] : memref<2x!tpu.dma_semaphore, #tpu.memory_space<semaphore_mem>> -> memref<1x!tpu.dma_semaphore, #tpu.memory_space<semaphore_mem>>
    %dma_wait3A_1315 = tpu.memref_squeeze %dma_wait3A_1314 : memref<1x!tpu.dma_semaphore, #tpu.memory_space<semaphore_mem>> -> memref<!tpu.dma_semaphore, #tpu.memory_space<semaphore_mem>>
    %dma_wait3A_1316 = tpu.memref_slice %arg3[%select_n3A, %dma_wait3A_1307, %mul3A_1242] : memref<16x30x9216xf32, #tpu.memory_space<hbm>> -> memref<1x1x4608xf32, #tpu.memory_space<hbm>>
    %dma_wait3A_1317 = tpu.memref_squeeze %dma_wait3A_1316 : memref<1x1x4608xf32, #tpu.memory_space<hbm>> -> memref<4608xf32, #tpu.memory_space<hbm>>
    %dma_wait3A_1318 = arith.constant 0 : i32
    %dma_wait3A_1319 = tpu.memref_slice %arg5[%dma_wait3A_1306, %dma_wait3A_1318] : memref<2x4608xf32, #tpu.memory_space<vmem>> -> memref<1x4608xf32, #tpu.memory_space<vmem>>
    %dma_wait3A_1320 = tpu.memref_squeeze %dma_wait3A_1319 : memref<1x4608xf32, #tpu.memory_space<vmem>> -> memref<4608xf32, #tpu.memory_space<vmem>>
    tpu.wait_dma2 semaphore(%dma_wait3A_1315 : memref<!tpu.dma_semaphore, #tpu.memory_space<semaphore_mem>>) src(%dma_wait3A_1320 : memref<4608xf32, #tpu.memory_space<vmem>>) dst(%dma_wait3A_1317 : memref<4608xf32, #tpu.memory_space<hbm>>)
    %mul3A_1321 = arith.constant 8 : i32
    %mul3A_1322 = vector.broadcast %mul3A_1321 : i32 to vector<16xi32>
    %mul3A_1323 = arith.muli %iota3A, %mul3A_1322 : vector<16xi32>
    %add3A_1324 = arith.constant 4 : i32
    %add3A_1325 = vector.broadcast %add3A_1324 : i32 to vector<16xi32>
    %add3A_1326 = arith.addi %mul3A_1323, %add3A_1325 : vector<16xi32>
    %add3A_1327 = arith.constant 0 : i32
    %add3A_1328 = vector.broadcast %add3A_1327 : i32 to vector<16xi32>
    %add3A_1329 = arith.addi %add3A_1326, %add3A_1328 : vector<16xi32>
    %scan3A_1330 = arith.constant 128 : i32
    %scan3A_1331 = arith.constant 0 : i32
    %scan3A_1332 = arith.constant 288 : i32
    %scan3A_1333 = arith.addi %scan3A_1331, %scan3A_1332 : i32
    %scan3A_1334 = arith.constant 1 : i32
    %scan3A_1335 = scf.for %scan3A_1528 = %scan3A_1331 to %scan3A_1333 step %scan3A_1334 iter_args(%scan3A_1529 = %add3A_1329) -> (vector<16xi32>)  : i32 {
      %gather3A = tpu.vector_load_idx %arg4[%scan3A_1529] : memref<101376xf32, #tpu.memory_space<vmem>>[vector<16xi32>], vector<16xf32>,
      %mul3A_1530 = arith.constant 16 : i32
      %mul3A_1531 = arith.muli %scan3A_1528, %mul3A_1530 : i32
      %swap3A = arith.constant 0 : i32
      %swap3A_1532 = arith.index_cast %swap3A : i32 to index
      %swap3A_1533 = arith.index_cast %mul3A_1531 : i32 to index
      %swap3A_1534 = tpu.vector_load %arg5[%swap3A_1532, %swap3A_1533] {strides = array<i32>} : memref<2x4608xf32, #tpu.memory_space<vmem>>, vector<16xf32>,
      tpu.vector_store %arg5[%swap3A_1532, %swap3A_1533], %gather3A {strides = array<i32>} : memref<2x4608xf32, #tpu.memory_space<vmem>>, vector<16xf32>,
      %add3A_1535 = vector.broadcast %scan3A_1330 : i32 to vector<16xi32>
      %add3A_1536 = arith.addi %scan3A_1529, %add3A_1535 : vector<16xi32>
      scf.yield %add3A_1536 : vector<16xi32>
    }
    %scan3A_1336 = arith.constant 288 : i32
    %mul3A_1337 = arith.constant 4608 : i32
    %mul3A_1338 = arith.muli %select_n3A_30, %mul3A_1337 : i32
    %dma_start3A_1339 = arith.constant 0 : i32
    %dma_start3A_1340 = arith.constant 26 : i32
    %dma_start3A_1341 = arith.constant 0 : i32
    %dma_start3A_1342 = arith.constant 0 : i32
    %dma_start3A_1343 = tpu.memref_slice %arg5[%dma_start3A_1339, %dma_start3A_1342] : memref<2x4608xf32, #tpu.memory_space<vmem>> -> memref<1x4608xf32, #tpu.memory_space<vmem>>
    %dma_start3A_1344 = tpu.memref_squeeze %dma_start3A_1343 : memref<1x4608xf32, #tpu.memory_space<vmem>> -> memref<4608xf32, #tpu.memory_space<vmem>>
    %dma_start3A_1345 = tpu.memref_slice %arg3[%select_n3A, %dma_start3A_1340, %mul3A_1338] : memref<16x30x9216xf32, #tpu.memory_space<hbm>> -> memref<1x1x4608xf32, #tpu.memory_space<hbm>>
    %dma_start3A_1346 = tpu.memref_squeeze %dma_start3A_1345 : memref<1x1x4608xf32, #tpu.memory_space<hbm>> -> memref<4608xf32, #tpu.memory_space<hbm>>
    %dma_start3A_1347 = tpu.memref_slice %arg7[%dma_start3A_1341] : memref<2x!tpu.dma_semaphore, #tpu.memory_space<semaphore_mem>> -> memref<1x!tpu.dma_semaphore, #tpu.memory_space<semaphore_mem>>
    %dma_start3A_1348 = tpu.memref_squeeze %dma_start3A_1347 : memref<1x!tpu.dma_semaphore, #tpu.memory_space<semaphore_mem>> -> memref<!tpu.dma_semaphore, #tpu.memory_space<semaphore_mem>>
    %dma_start3A_1349 = tpu.memref_slice %arg3[%select_n3A, %dma_start3A_1340, %mul3A_1338] : memref<16x30x9216xf32, #tpu.memory_space<hbm>> -> memref<1x1x4608xf32, #tpu.memory_space<hbm>>
    %dma_start3A_1350 = tpu.memref_squeeze %dma_start3A_1349 : memref<1x1x4608xf32, #tpu.memory_space<hbm>> -> memref<4608xf32, #tpu.memory_space<hbm>>
    %dma_start3A_1351 = arith.constant 0 : i32
    %dma_start3A_1352 = tpu.memref_slice %arg5[%dma_start3A_1339, %dma_start3A_1351] : memref<2x4608xf32, #tpu.memory_space<vmem>> -> memref<1x4608xf32, #tpu.memory_space<vmem>>
    %dma_start3A_1353 = tpu.memref_squeeze %dma_start3A_1352 : memref<1x4608xf32, #tpu.memory_space<vmem>> -> memref<4608xf32, #tpu.memory_space<vmem>>
    tpu.enqueue_dma source(%dma_start3A_1353 : memref<4608xf32, #tpu.memory_space<vmem>>) target(%dma_start3A_1350 : memref<4608xf32, #tpu.memory_space<hbm>>) target_semaphore(%dma_start3A_1348 : memref<!tpu.dma_semaphore, #tpu.memory_space<semaphore_mem>>)
    %dma_wait3A_1354 = arith.constant 1 : i32
    %dma_wait3A_1355 = arith.constant 25 : i32
    %dma_wait3A_1356 = arith.constant 1 : i32
    %dma_wait3A_1357 = arith.constant 0 : i32
    %dma_wait3A_1358 = tpu.memref_slice %arg5[%dma_wait3A_1354, %dma_wait3A_1357] : memref<2x4608xf32, #tpu.memory_space<vmem>> -> memref<1x4608xf32, #tpu.memory_space<vmem>>
    %dma_wait3A_1359 = tpu.memref_squeeze %dma_wait3A_1358 : memref<1x4608xf32, #tpu.memory_space<vmem>> -> memref<4608xf32, #tpu.memory_space<vmem>>
    %dma_wait3A_1360 = tpu.memref_slice %arg3[%select_n3A, %dma_wait3A_1355, %mul3A_1290] : memref<16x30x9216xf32, #tpu.memory_space<hbm>> -> memref<1x1x4608xf32, #tpu.memory_space<hbm>>
    %dma_wait3A_1361 = tpu.memref_squeeze %dma_wait3A_1360 : memref<1x1x4608xf32, #tpu.memory_space<hbm>> -> memref<4608xf32, #tpu.memory_space<hbm>>
    %dma_wait3A_1362 = tpu.memref_slice %arg7[%dma_wait3A_1356] : memref<2x!tpu.dma_semaphore, #tpu.memory_space<semaphore_mem>> -> memref<1x!tpu.dma_semaphore, #tpu.memory_space<semaphore_mem>>
    %dma_wait3A_1363 = tpu.memref_squeeze %dma_wait3A_1362 : memref<1x!tpu.dma_semaphore, #tpu.memory_space<semaphore_mem>> -> memref<!tpu.dma_semaphore, #tpu.memory_space<semaphore_mem>>
    %dma_wait3A_1364 = tpu.memref_slice %arg3[%select_n3A, %dma_wait3A_1355, %mul3A_1290] : memref<16x30x9216xf32, #tpu.memory_space<hbm>> -> memref<1x1x4608xf32, #tpu.memory_space<hbm>>
    %dma_wait3A_1365 = tpu.memref_squeeze %dma_wait3A_1364 : memref<1x1x4608xf32, #tpu.memory_space<hbm>> -> memref<4608xf32, #tpu.memory_space<hbm>>
    %dma_wait3A_1366 = arith.constant 0 : i32
    %dma_wait3A_1367 = tpu.memref_slice %arg5[%dma_wait3A_1354, %dma_wait3A_1366] : memref<2x4608xf32, #tpu.memory_space<vmem>> -> memref<1x4608xf32, #tpu.memory_space<vmem>>
    %dma_wait3A_1368 = tpu.memref_squeeze %dma_wait3A_1367 : memref<1x4608xf32, #tpu.memory_space<vmem>> -> memref<4608xf32, #tpu.memory_space<vmem>>
    tpu.wait_dma2 semaphore(%dma_wait3A_1363 : memref<!tpu.dma_semaphore, #tpu.memory_space<semaphore_mem>>) src(%dma_wait3A_1368 : memref<4608xf32, #tpu.memory_space<vmem>>) dst(%dma_wait3A_1365 : memref<4608xf32, #tpu.memory_space<hbm>>)
    %mul3A_1369 = arith.constant 8 : i32
    %mul3A_1370 = vector.broadcast %mul3A_1369 : i32 to vector<16xi32>
    %mul3A_1371 = arith.muli %iota3A, %mul3A_1370 : vector<16xi32>
    %add3A_1372 = arith.constant 5 : i32
    %add3A_1373 = vector.broadcast %add3A_1372 : i32 to vector<16xi32>
    %add3A_1374 = arith.addi %mul3A_1371, %add3A_1373 : vector<16xi32>
    %add3A_1375 = arith.constant 0 : i32
    %add3A_1376 = vector.broadcast %add3A_1375 : i32 to vector<16xi32>
    %add3A_1377 = arith.addi %add3A_1374, %add3A_1376 : vector<16xi32>
    %scan3A_1378 = arith.constant 128 : i32
    %scan3A_1379 = arith.constant 0 : i32
    %scan3A_1380 = arith.constant 288 : i32
    %scan3A_1381 = arith.addi %scan3A_1379, %scan3A_1380 : i32
    %scan3A_1382 = arith.constant 1 : i32
    %scan3A_1383 = scf.for %scan3A_1528 = %scan3A_1379 to %scan3A_1381 step %scan3A_1382 iter_args(%scan3A_1529 = %add3A_1377) -> (vector<16xi32>)  : i32 {
      %gather3A = tpu.vector_load_idx %arg4[%scan3A_1529] : memref<101376xf32, #tpu.memory_space<vmem>>[vector<16xi32>], vector<16xf32>,
      %mul3A_1530 = arith.constant 16 : i32
      %mul3A_1531 = arith.muli %scan3A_1528, %mul3A_1530 : i32
      %swap3A = arith.constant 1 : i32
      %swap3A_1532 = arith.index_cast %swap3A : i32 to index
      %swap3A_1533 = arith.index_cast %mul3A_1531 : i32 to index
      %swap3A_1534 = tpu.vector_load %arg5[%swap3A_1532, %swap3A_1533] {strides = array<i32>} : memref<2x4608xf32, #tpu.memory_space<vmem>>, vector<16xf32>,
      tpu.vector_store %arg5[%swap3A_1532, %swap3A_1533], %gather3A {strides = array<i32>} : memref<2x4608xf32, #tpu.memory_space<vmem>>, vector<16xf32>,
      %add3A_1535 = vector.broadcast %scan3A_1378 : i32 to vector<16xi32>
      %add3A_1536 = arith.addi %scan3A_1529, %add3A_1535 : vector<16xi32>
      scf.yield %add3A_1536 : vector<16xi32>
    }
    %scan3A_1384 = arith.constant 288 : i32
    %mul3A_1385 = arith.constant 4608 : i32
    %mul3A_1386 = arith.muli %select_n3A_30, %mul3A_1385 : i32
    %dma_start3A_1387 = arith.constant 1 : i32
    %dma_start3A_1388 = arith.constant 27 : i32
    %dma_start3A_1389 = arith.constant 1 : i32
    %dma_start3A_1390 = arith.constant 0 : i32
    %dma_start3A_1391 = tpu.memref_slice %arg5[%dma_start3A_1387, %dma_start3A_1390] : memref<2x4608xf32, #tpu.memory_space<vmem>> -> memref<1x4608xf32, #tpu.memory_space<vmem>>
    %dma_start3A_1392 = tpu.memref_squeeze %dma_start3A_1391 : memref<1x4608xf32, #tpu.memory_space<vmem>> -> memref<4608xf32, #tpu.memory_space<vmem>>
    %dma_start3A_1393 = tpu.memref_slice %arg3[%select_n3A, %dma_start3A_1388, %mul3A_1386] : memref<16x30x9216xf32, #tpu.memory_space<hbm>> -> memref<1x1x4608xf32, #tpu.memory_space<hbm>>
    %dma_start3A_1394 = tpu.memref_squeeze %dma_start3A_1393 : memref<1x1x4608xf32, #tpu.memory_space<hbm>> -> memref<4608xf32, #tpu.memory_space<hbm>>
    %dma_start3A_1395 = tpu.memref_slice %arg7[%dma_start3A_1389] : memref<2x!tpu.dma_semaphore, #tpu.memory_space<semaphore_mem>> -> memref<1x!tpu.dma_semaphore, #tpu.memory_space<semaphore_mem>>
    %dma_start3A_1396 = tpu.memref_squeeze %dma_start3A_1395 : memref<1x!tpu.dma_semaphore, #tpu.memory_space<semaphore_mem>> -> memref<!tpu.dma_semaphore, #tpu.memory_space<semaphore_mem>>
    %dma_start3A_1397 = tpu.memref_slice %arg3[%select_n3A, %dma_start3A_1388, %mul3A_1386] : memref<16x30x9216xf32, #tpu.memory_space<hbm>> -> memref<1x1x4608xf32, #tpu.memory_space<hbm>>
    %dma_start3A_1398 = tpu.memref_squeeze %dma_start3A_1397 : memref<1x1x4608xf32, #tpu.memory_space<hbm>> -> memref<4608xf32, #tpu.memory_space<hbm>>
    %dma_start3A_1399 = arith.constant 0 : i32
    %dma_start3A_1400 = tpu.memref_slice %arg5[%dma_start3A_1387, %dma_start3A_1399] : memref<2x4608xf32, #tpu.memory_space<vmem>> -> memref<1x4608xf32, #tpu.memory_space<vmem>>
    %dma_start3A_1401 = tpu.memref_squeeze %dma_start3A_1400 : memref<1x4608xf32, #tpu.memory_space<vmem>> -> memref<4608xf32, #tpu.memory_space<vmem>>
    tpu.enqueue_dma source(%dma_start3A_1401 : memref<4608xf32, #tpu.memory_space<vmem>>) target(%dma_start3A_1398 : memref<4608xf32, #tpu.memory_space<hbm>>) target_semaphore(%dma_start3A_1396 : memref<!tpu.dma_semaphore, #tpu.memory_space<semaphore_mem>>)
    %dma_wait3A_1402 = arith.constant 0 : i32
    %dma_wait3A_1403 = arith.constant 26 : i32
    %dma_wait3A_1404 = arith.constant 0 : i32
    %dma_wait3A_1405 = arith.constant 0 : i32
    %dma_wait3A_1406 = tpu.memref_slice %arg5[%dma_wait3A_1402, %dma_wait3A_1405] : memref<2x4608xf32, #tpu.memory_space<vmem>> -> memref<1x4608xf32, #tpu.memory_space<vmem>>
    %dma_wait3A_1407 = tpu.memref_squeeze %dma_wait3A_1406 : memref<1x4608xf32, #tpu.memory_space<vmem>> -> memref<4608xf32, #tpu.memory_space<vmem>>
    %dma_wait3A_1408 = tpu.memref_slice %arg3[%select_n3A, %dma_wait3A_1403, %mul3A_1338] : memref<16x30x9216xf32, #tpu.memory_space<hbm>> -> memref<1x1x4608xf32, #tpu.memory_space<hbm>>
    %dma_wait3A_1409 = tpu.memref_squeeze %dma_wait3A_1408 : memref<1x1x4608xf32, #tpu.memory_space<hbm>> -> memref<4608xf32, #tpu.memory_space<hbm>>
    %dma_wait3A_1410 = tpu.memref_slice %arg7[%dma_wait3A_1404] : memref<2x!tpu.dma_semaphore, #tpu.memory_space<semaphore_mem>> -> memref<1x!tpu.dma_semaphore, #tpu.memory_space<semaphore_mem>>
    %dma_wait3A_1411 = tpu.memref_squeeze %dma_wait3A_1410 : memref<1x!tpu.dma_semaphore, #tpu.memory_space<semaphore_mem>> -> memref<!tpu.dma_semaphore, #tpu.memory_space<semaphore_mem>>
    %dma_wait3A_1412 = tpu.memref_slice %arg3[%select_n3A, %dma_wait3A_1403, %mul3A_1338] : memref<16x30x9216xf32, #tpu.memory_space<hbm>> -> memref<1x1x4608xf32, #tpu.memory_space<hbm>>
    %dma_wait3A_1413 = tpu.memref_squeeze %dma_wait3A_1412 : memref<1x1x4608xf32, #tpu.memory_space<hbm>> -> memref<4608xf32, #tpu.memory_space<hbm>>
    %dma_wait3A_1414 = arith.constant 0 : i32
    %dma_wait3A_1415 = tpu.memref_slice %arg5[%dma_wait3A_1402, %dma_wait3A_1414] : memref<2x4608xf32, #tpu.memory_space<vmem>> -> memref<1x4608xf32, #tpu.memory_space<vmem>>
    %dma_wait3A_1416 = tpu.memref_squeeze %dma_wait3A_1415 : memref<1x4608xf32, #tpu.memory_space<vmem>> -> memref<4608xf32, #tpu.memory_space<vmem>>
    tpu.wait_dma2 semaphore(%dma_wait3A_1411 : memref<!tpu.dma_semaphore, #tpu.memory_space<semaphore_mem>>) src(%dma_wait3A_1416 : memref<4608xf32, #tpu.memory_space<vmem>>) dst(%dma_wait3A_1413 : memref<4608xf32, #tpu.memory_space<hbm>>)
    %mul3A_1417 = arith.constant 8 : i32
    %mul3A_1418 = vector.broadcast %mul3A_1417 : i32 to vector<16xi32>
    %mul3A_1419 = arith.muli %iota3A, %mul3A_1418 : vector<16xi32>
    %add3A_1420 = arith.constant 6 : i32
    %add3A_1421 = vector.broadcast %add3A_1420 : i32 to vector<16xi32>
    %add3A_1422 = arith.addi %mul3A_1419, %add3A_1421 : vector<16xi32>
    %add3A_1423 = arith.constant 0 : i32
    %add3A_1424 = vector.broadcast %add3A_1423 : i32 to vector<16xi32>
    %add3A_1425 = arith.addi %add3A_1422, %add3A_1424 : vector<16xi32>
    %scan3A_1426 = arith.constant 128 : i32
    %scan3A_1427 = arith.constant 0 : i32
    %scan3A_1428 = arith.constant 288 : i32
    %scan3A_1429 = arith.addi %scan3A_1427, %scan3A_1428 : i32
    %scan3A_1430 = arith.constant 1 : i32
    %scan3A_1431 = scf.for %scan3A_1528 = %scan3A_1427 to %scan3A_1429 step %scan3A_1430 iter_args(%scan3A_1529 = %add3A_1425) -> (vector<16xi32>)  : i32 {
      %gather3A = tpu.vector_load_idx %arg4[%scan3A_1529] : memref<101376xf32, #tpu.memory_space<vmem>>[vector<16xi32>], vector<16xf32>,
      %mul3A_1530 = arith.constant 16 : i32
      %mul3A_1531 = arith.muli %scan3A_1528, %mul3A_1530 : i32
      %swap3A = arith.constant 0 : i32
      %swap3A_1532 = arith.index_cast %swap3A : i32 to index
      %swap3A_1533 = arith.index_cast %mul3A_1531 : i32 to index
      %swap3A_1534 = tpu.vector_load %arg5[%swap3A_1532, %swap3A_1533] {strides = array<i32>} : memref<2x4608xf32, #tpu.memory_space<vmem>>, vector<16xf32>,
      tpu.vector_store %arg5[%swap3A_1532, %swap3A_1533], %gather3A {strides = array<i32>} : memref<2x4608xf32, #tpu.memory_space<vmem>>, vector<16xf32>,
      %add3A_1535 = vector.broadcast %scan3A_1426 : i32 to vector<16xi32>
      %add3A_1536 = arith.addi %scan3A_1529, %add3A_1535 : vector<16xi32>
      scf.yield %add3A_1536 : vector<16xi32>
    }
    %scan3A_1432 = arith.constant 288 : i32
    %mul3A_1433 = arith.constant 4608 : i32
    %mul3A_1434 = arith.muli %select_n3A_30, %mul3A_1433 : i32
    %dma_start3A_1435 = arith.constant 0 : i32
    %dma_start3A_1436 = arith.constant 28 : i32
    %dma_start3A_1437 = arith.constant 0 : i32
    %dma_start3A_1438 = arith.constant 0 : i32
    %dma_start3A_1439 = tpu.memref_slice %arg5[%dma_start3A_1435, %dma_start3A_1438] : memref<2x4608xf32, #tpu.memory_space<vmem>> -> memref<1x4608xf32, #tpu.memory_space<vmem>>
    %dma_start3A_1440 = tpu.memref_squeeze %dma_start3A_1439 : memref<1x4608xf32, #tpu.memory_space<vmem>> -> memref<4608xf32, #tpu.memory_space<vmem>>
    %dma_start3A_1441 = tpu.memref_slice %arg3[%select_n3A, %dma_start3A_1436, %mul3A_1434] : memref<16x30x9216xf32, #tpu.memory_space<hbm>> -> memref<1x1x4608xf32, #tpu.memory_space<hbm>>
    %dma_start3A_1442 = tpu.memref_squeeze %dma_start3A_1441 : memref<1x1x4608xf32, #tpu.memory_space<hbm>> -> memref<4608xf32, #tpu.memory_space<hbm>>
    %dma_start3A_1443 = tpu.memref_slice %arg7[%dma_start3A_1437] : memref<2x!tpu.dma_semaphore, #tpu.memory_space<semaphore_mem>> -> memref<1x!tpu.dma_semaphore, #tpu.memory_space<semaphore_mem>>
    %dma_start3A_1444 = tpu.memref_squeeze %dma_start3A_1443 : memref<1x!tpu.dma_semaphore, #tpu.memory_space<semaphore_mem>> -> memref<!tpu.dma_semaphore, #tpu.memory_space<semaphore_mem>>
    %dma_start3A_1445 = tpu.memref_slice %arg3[%select_n3A, %dma_start3A_1436, %mul3A_1434] : memref<16x30x9216xf32, #tpu.memory_space<hbm>> -> memref<1x1x4608xf32, #tpu.memory_space<hbm>>
    %dma_start3A_1446 = tpu.memref_squeeze %dma_start3A_1445 : memref<1x1x4608xf32, #tpu.memory_space<hbm>> -> memref<4608xf32, #tpu.memory_space<hbm>>
    %dma_start3A_1447 = arith.constant 0 : i32
    %dma_start3A_1448 = tpu.memref_slice %arg5[%dma_start3A_1435, %dma_start3A_1447] : memref<2x4608xf32, #tpu.memory_space<vmem>> -> memref<1x4608xf32, #tpu.memory_space<vmem>>
    %dma_start3A_1449 = tpu.memref_squeeze %dma_start3A_1448 : memref<1x4608xf32, #tpu.memory_space<vmem>> -> memref<4608xf32, #tpu.memory_space<vmem>>
    tpu.enqueue_dma source(%dma_start3A_1449 : memref<4608xf32, #tpu.memory_space<vmem>>) target(%dma_start3A_1446 : memref<4608xf32, #tpu.memory_space<hbm>>) target_semaphore(%dma_start3A_1444 : memref<!tpu.dma_semaphore, #tpu.memory_space<semaphore_mem>>)
    %dma_wait3A_1450 = arith.constant 1 : i32
    %dma_wait3A_1451 = arith.constant 27 : i32
    %dma_wait3A_1452 = arith.constant 1 : i32
    %dma_wait3A_1453 = arith.constant 0 : i32
    %dma_wait3A_1454 = tpu.memref_slice %arg5[%dma_wait3A_1450, %dma_wait3A_1453] : memref<2x4608xf32, #tpu.memory_space<vmem>> -> memref<1x4608xf32, #tpu.memory_space<vmem>>
    %dma_wait3A_1455 = tpu.memref_squeeze %dma_wait3A_1454 : memref<1x4608xf32, #tpu.memory_space<vmem>> -> memref<4608xf32, #tpu.memory_space<vmem>>
    %dma_wait3A_1456 = tpu.memref_slice %arg3[%select_n3A, %dma_wait3A_1451, %mul3A_1386] : memref<16x30x9216xf32, #tpu.memory_space<hbm>> -> memref<1x1x4608xf32, #tpu.memory_space<hbm>>
    %dma_wait3A_1457 = tpu.memref_squeeze %dma_wait3A_1456 : memref<1x1x4608xf32, #tpu.memory_space<hbm>> -> memref<4608xf32, #tpu.memory_space<hbm>>
    %dma_wait3A_1458 = tpu.memref_slice %arg7[%dma_wait3A_1452] : memref<2x!tpu.dma_semaphore, #tpu.memory_space<semaphore_mem>> -> memref<1x!tpu.dma_semaphore, #tpu.memory_space<semaphore_mem>>
    %dma_wait3A_1459 = tpu.memref_squeeze %dma_wait3A_1458 : memref<1x!tpu.dma_semaphore, #tpu.memory_space<semaphore_mem>> -> memref<!tpu.dma_semaphore, #tpu.memory_space<semaphore_mem>>
    %dma_wait3A_1460 = tpu.memref_slice %arg3[%select_n3A, %dma_wait3A_1451, %mul3A_1386] : memref<16x30x9216xf32, #tpu.memory_space<hbm>> -> memref<1x1x4608xf32, #tpu.memory_space<hbm>>
    %dma_wait3A_1461 = tpu.memref_squeeze %dma_wait3A_1460 : memref<1x1x4608xf32, #tpu.memory_space<hbm>> -> memref<4608xf32, #tpu.memory_space<hbm>>
    %dma_wait3A_1462 = arith.constant 0 : i32
    %dma_wait3A_1463 = tpu.memref_slice %arg5[%dma_wait3A_1450, %dma_wait3A_1462] : memref<2x4608xf32, #tpu.memory_space<vmem>> -> memref<1x4608xf32, #tpu.memory_space<vmem>>
    %dma_wait3A_1464 = tpu.memref_squeeze %dma_wait3A_1463 : memref<1x4608xf32, #tpu.memory_space<vmem>> -> memref<4608xf32, #tpu.memory_space<vmem>>
    tpu.wait_dma2 semaphore(%dma_wait3A_1459 : memref<!tpu.dma_semaphore, #tpu.memory_space<semaphore_mem>>) src(%dma_wait3A_1464 : memref<4608xf32, #tpu.memory_space<vmem>>) dst(%dma_wait3A_1461 : memref<4608xf32, #tpu.memory_space<hbm>>)
    %mul3A_1465 = arith.constant 8 : i32
    %mul3A_1466 = vector.broadcast %mul3A_1465 : i32 to vector<16xi32>
    %mul3A_1467 = arith.muli %iota3A, %mul3A_1466 : vector<16xi32>
    %add3A_1468 = arith.constant 7 : i32
    %add3A_1469 = vector.broadcast %add3A_1468 : i32 to vector<16xi32>
    %add3A_1470 = arith.addi %mul3A_1467, %add3A_1469 : vector<16xi32>
    %add3A_1471 = arith.constant 0 : i32
    %add3A_1472 = vector.broadcast %add3A_1471 : i32 to vector<16xi32>
    %add3A_1473 = arith.addi %add3A_1470, %add3A_1472 : vector<16xi32>
    %scan3A_1474 = arith.constant 128 : i32
    %scan3A_1475 = arith.constant 0 : i32
    %scan3A_1476 = arith.constant 288 : i32
    %scan3A_1477 = arith.addi %scan3A_1475, %scan3A_1476 : i32
    %scan3A_1478 = arith.constant 1 : i32
    %scan3A_1479 = scf.for %scan3A_1528 = %scan3A_1475 to %scan3A_1477 step %scan3A_1478 iter_args(%scan3A_1529 = %add3A_1473) -> (vector<16xi32>)  : i32 {
      %gather3A = tpu.vector_load_idx %arg4[%scan3A_1529] : memref<101376xf32, #tpu.memory_space<vmem>>[vector<16xi32>], vector<16xf32>,
      %mul3A_1530 = arith.constant 16 : i32
      %mul3A_1531 = arith.muli %scan3A_1528, %mul3A_1530 : i32
      %swap3A = arith.constant 1 : i32
      %swap3A_1532 = arith.index_cast %swap3A : i32 to index
      %swap3A_1533 = arith.index_cast %mul3A_1531 : i32 to index
      %swap3A_1534 = tpu.vector_load %arg5[%swap3A_1532, %swap3A_1533] {strides = array<i32>} : memref<2x4608xf32, #tpu.memory_space<vmem>>, vector<16xf32>,
      tpu.vector_store %arg5[%swap3A_1532, %swap3A_1533], %gather3A {strides = array<i32>} : memref<2x4608xf32, #tpu.memory_space<vmem>>, vector<16xf32>,
      %add3A_1535 = vector.broadcast %scan3A_1474 : i32 to vector<16xi32>
      %add3A_1536 = arith.addi %scan3A_1529, %add3A_1535 : vector<16xi32>
      scf.yield %add3A_1536 : vector<16xi32>
    }
    %scan3A_1480 = arith.constant 288 : i32
    %mul3A_1481 = arith.constant 4608 : i32
    %mul3A_1482 = arith.muli %select_n3A_30, %mul3A_1481 : i32
    %dma_start3A_1483 = arith.constant 1 : i32
    %dma_start3A_1484 = arith.constant 29 : i32
    %dma_start3A_1485 = arith.constant 1 : i32
    %dma_start3A_1486 = arith.constant 0 : i32
    %dma_start3A_1487 = tpu.memref_slice %arg5[%dma_start3A_1483, %dma_start3A_1486] : memref<2x4608xf32, #tpu.memory_space<vmem>> -> memref<1x4608xf32, #tpu.memory_space<vmem>>
    %dma_start3A_1488 = tpu.memref_squeeze %dma_start3A_1487 : memref<1x4608xf32, #tpu.memory_space<vmem>> -> memref<4608xf32, #tpu.memory_space<vmem>>
    %dma_start3A_1489 = tpu.memref_slice %arg3[%select_n3A, %dma_start3A_1484, %mul3A_1482] : memref<16x30x9216xf32, #tpu.memory_space<hbm>> -> memref<1x1x4608xf32, #tpu.memory_space<hbm>>
    %dma_start3A_1490 = tpu.memref_squeeze %dma_start3A_1489 : memref<1x1x4608xf32, #tpu.memory_space<hbm>> -> memref<4608xf32, #tpu.memory_space<hbm>>
    %dma_start3A_1491 = tpu.memref_slice %arg7[%dma_start3A_1485] : memref<2x!tpu.dma_semaphore, #tpu.memory_space<semaphore_mem>> -> memref<1x!tpu.dma_semaphore, #tpu.memory_space<semaphore_mem>>
    %dma_start3A_1492 = tpu.memref_squeeze %dma_start3A_1491 : memref<1x!tpu.dma_semaphore, #tpu.memory_space<semaphore_mem>> -> memref<!tpu.dma_semaphore, #tpu.memory_space<semaphore_mem>>
    %dma_start3A_1493 = tpu.memref_slice %arg3[%select_n3A, %dma_start3A_1484, %mul3A_1482] : memref<16x30x9216xf32, #tpu.memory_space<hbm>> -> memref<1x1x4608xf32, #tpu.memory_space<hbm>>
    %dma_start3A_1494 = tpu.memref_squeeze %dma_start3A_1493 : memref<1x1x4608xf32, #tpu.memory_space<hbm>> -> memref<4608xf32, #tpu.memory_space<hbm>>
    %dma_start3A_1495 = arith.constant 0 : i32
    %dma_start3A_1496 = tpu.memref_slice %arg5[%dma_start3A_1483, %dma_start3A_1495] : memref<2x4608xf32, #tpu.memory_space<vmem>> -> memref<1x4608xf32, #tpu.memory_space<vmem>>
    %dma_start3A_1497 = tpu.memref_squeeze %dma_start3A_1496 : memref<1x4608xf32, #tpu.memory_space<vmem>> -> memref<4608xf32, #tpu.memory_space<vmem>>
    tpu.enqueue_dma source(%dma_start3A_1497 : memref<4608xf32, #tpu.memory_space<vmem>>) target(%dma_start3A_1494 : memref<4608xf32, #tpu.memory_space<hbm>>) target_semaphore(%dma_start3A_1492 : memref<!tpu.dma_semaphore, #tpu.memory_space<semaphore_mem>>)
    %dma_wait3A_1498 = arith.constant 0 : i32
    %dma_wait3A_1499 = arith.constant 28 : i32
    %dma_wait3A_1500 = arith.constant 0 : i32
    %dma_wait3A_1501 = arith.constant 0 : i32
    %dma_wait3A_1502 = tpu.memref_slice %arg5[%dma_wait3A_1498, %dma_wait3A_1501] : memref<2x4608xf32, #tpu.memory_space<vmem>> -> memref<1x4608xf32, #tpu.memory_space<vmem>>
    %dma_wait3A_1503 = tpu.memref_squeeze %dma_wait3A_1502 : memref<1x4608xf32, #tpu.memory_space<vmem>> -> memref<4608xf32, #tpu.memory_space<vmem>>
    %dma_wait3A_1504 = tpu.memref_slice %arg3[%select_n3A, %dma_wait3A_1499, %mul3A_1434] : memref<16x30x9216xf32, #tpu.memory_space<hbm>> -> memref<1x1x4608xf32, #tpu.memory_space<hbm>>
    %dma_wait3A_1505 = tpu.memref_squeeze %dma_wait3A_1504 : memref<1x1x4608xf32, #tpu.memory_space<hbm>> -> memref<4608xf32, #tpu.memory_space<hbm>>
    %dma_wait3A_1506 = tpu.memref_slice %arg7[%dma_wait3A_1500] : memref<2x!tpu.dma_semaphore, #tpu.memory_space<semaphore_mem>> -> memref<1x!tpu.dma_semaphore, #tpu.memory_space<semaphore_mem>>
    %dma_wait3A_1507 = tpu.memref_squeeze %dma_wait3A_1506 : memref<1x!tpu.dma_semaphore, #tpu.memory_space<semaphore_mem>> -> memref<!tpu.dma_semaphore, #tpu.memory_space<semaphore_mem>>
    %dma_wait3A_1508 = tpu.memref_slice %arg3[%select_n3A, %dma_wait3A_1499, %mul3A_1434] : memref<16x30x9216xf32, #tpu.memory_space<hbm>> -> memref<1x1x4608xf32, #tpu.memory_space<hbm>>
    %dma_wait3A_1509 = tpu.memref_squeeze %dma_wait3A_1508 : memref<1x1x4608xf32, #tpu.memory_space<hbm>> -> memref<4608xf32, #tpu.memory_space<hbm>>
    %dma_wait3A_1510 = arith.constant 0 : i32
    %dma_wait3A_1511 = tpu.memref_slice %arg5[%dma_wait3A_1498, %dma_wait3A_1510] : memref<2x4608xf32, #tpu.memory_space<vmem>> -> memref<1x4608xf32, #tpu.memory_space<vmem>>
    %dma_wait3A_1512 = tpu.memref_squeeze %dma_wait3A_1511 : memref<1x4608xf32, #tpu.memory_space<vmem>> -> memref<4608xf32, #tpu.memory_space<vmem>>
    tpu.wait_dma2 semaphore(%dma_wait3A_1507 : memref<!tpu.dma_semaphore, #tpu.memory_space<semaphore_mem>>) src(%dma_wait3A_1512 : memref<4608xf32, #tpu.memory_space<vmem>>) dst(%dma_wait3A_1509 : memref<4608xf32, #tpu.memory_space<hbm>>)
    %dma_wait3A_1513 = arith.constant 1 : i32
    %dma_wait3A_1514 = arith.constant 29 : i32
    %dma_wait3A_1515 = arith.constant 1 : i32
    %dma_wait3A_1516 = arith.constant 0 : i32
    %dma_wait3A_1517 = tpu.memref_slice %arg5[%dma_wait3A_1513, %dma_wait3A_1516] : memref<2x4608xf32, #tpu.memory_space<vmem>> -> memref<1x4608xf32, #tpu.memory_space<vmem>>
    %dma_wait3A_1518 = tpu.memref_squeeze %dma_wait3A_1517 : memref<1x4608xf32, #tpu.memory_space<vmem>> -> memref<4608xf32, #tpu.memory_space<vmem>>
    %dma_wait3A_1519 = tpu.memref_slice %arg3[%select_n3A, %dma_wait3A_1514, %mul3A_1482] : memref<16x30x9216xf32, #tpu.memory_space<hbm>> -> memref<1x1x4608xf32, #tpu.memory_space<hbm>>
    %dma_wait3A_1520 = tpu.memref_squeeze %dma_wait3A_1519 : memref<1x1x4608xf32, #tpu.memory_space<hbm>> -> memref<4608xf32, #tpu.memory_space<hbm>>
    %dma_wait3A_1521 = tpu.memref_slice %arg7[%dma_wait3A_1515] : memref<2x!tpu.dma_semaphore, #tpu.memory_space<semaphore_mem>> -> memref<1x!tpu.dma_semaphore, #tpu.memory_space<semaphore_mem>>
    %dma_wait3A_1522 = tpu.memref_squeeze %dma_wait3A_1521 : memref<1x!tpu.dma_semaphore, #tpu.memory_space<semaphore_mem>> -> memref<!tpu.dma_semaphore, #tpu.memory_space<semaphore_mem>>
    %dma_wait3A_1523 = tpu.memref_slice %arg3[%select_n3A, %dma_wait3A_1514, %mul3A_1482] : memref<16x30x9216xf32, #tpu.memory_space<hbm>> -> memref<1x1x4608xf32, #tpu.memory_space<hbm>>
    %dma_wait3A_1524 = tpu.memref_squeeze %dma_wait3A_1523 : memref<1x1x4608xf32, #tpu.memory_space<hbm>> -> memref<4608xf32, #tpu.memory_space<hbm>>
    %dma_wait3A_1525 = arith.constant 0 : i32
    %dma_wait3A_1526 = tpu.memref_slice %arg5[%dma_wait3A_1513, %dma_wait3A_1525] : memref<2x4608xf32, #tpu.memory_space<vmem>> -> memref<1x4608xf32, #tpu.memory_space<vmem>>
    %dma_wait3A_1527 = tpu.memref_squeeze %dma_wait3A_1526 : memref<1x4608xf32, #tpu.memory_space<vmem>> -> memref<4608xf32, #tpu.memory_space<vmem>>
    tpu.wait_dma2 semaphore(%dma_wait3A_1522 : memref<!tpu.dma_semaphore, #tpu.memory_space<semaphore_mem>>) src(%dma_wait3A_1527 : memref<4608xf32, #tpu.memory_space<vmem>>) dst(%dma_wait3A_1524 : memref<4608xf32, #tpu.memory_space<hbm>>)
    return
  }
}

module attributes {stable_mosaic.version = 14 : i64} {
  func.func @_nms_kernel(%arg0: memref<16x30x72x128xf32, #tpu.memory_space<vmem>>, %arg1: memref<72x128xf32, #tpu.memory_space<vmem>>, %arg2: memref<72x128xf32, #tpu.memory_space<vmem>>, %arg3: memref<16x32x128xf32, #tpu.memory_space<vmem>>, %arg4: memref<16x32x128xf32, #tpu.memory_space<vmem>>) attributes {dimension_semantics = [], scalar_prefetch = 0 : i64, scratch_operands = 1 : i64, tpu.core_type = #tpu.core_type<tc>} {
    %get3A = arith.constant 0 : index
    %get3A_0 = arith.constant 0 : index
    %get3A_1 = vector.load %arg1[%get3A, %get3A_0] : memref<72x128xf32, #tpu.memory_space<vmem>>, vector<72x128xf32>
    %broadcast_in_dim3A = vector.shape_cast %get3A_1 : vector<72x128xf32> to vector<1x72x128xf32>
    %get3A_2 = arith.constant 0 : index
    %get3A_3 = arith.constant 0 : index
    %get3A_4 = vector.load %arg2[%get3A_2, %get3A_3] : memref<72x128xf32, #tpu.memory_space<vmem>>, vector<72x128xf32>
    %broadcast_in_dim3A_5 = vector.shape_cast %get3A_4 : vector<72x128xf32> to vector<1x72x128xf32>
    %get3A_6 = arith.constant 0 : index
    %get3A_7 = arith.constant 20 : index
    %get3A_8 = arith.constant 0 : index
    %get3A_9 = arith.constant 0 : index
    %get3A_10 = vector.load %arg0[%get3A_6, %get3A_7, %get3A_8, %get3A_9] : memref<16x30x72x128xf32, #tpu.memory_space<vmem>>, vector<16x1x72x128xf32>
    %get3A_11 = vector.shape_cast %get3A_10 : vector<16x1x72x128xf32> to vector<16x72x128xf32>
    %get3A_12 = arith.constant 0 : index
    %get3A_13 = arith.constant 22 : index
    %get3A_14 = arith.constant 0 : index
    %get3A_15 = arith.constant 0 : index
    %get3A_16 = vector.load %arg0[%get3A_12, %get3A_13, %get3A_14, %get3A_15] : memref<16x30x72x128xf32, #tpu.memory_space<vmem>>, vector<16x1x72x128xf32>
    %get3A_17 = vector.shape_cast %get3A_16 : vector<16x1x72x128xf32> to vector<16x72x128xf32>
    %get3A_18 = arith.constant 0 : index
    %get3A_19 = arith.constant 23 : index
    %get3A_20 = arith.constant 0 : index
    %get3A_21 = arith.constant 0 : index
    %get3A_22 = vector.load %arg0[%get3A_18, %get3A_19, %get3A_20, %get3A_21] : memref<16x30x72x128xf32, #tpu.memory_space<vmem>>, vector<16x1x72x128xf32>
    %get3A_23 = vector.shape_cast %get3A_22 : vector<16x1x72x128xf32> to vector<16x72x128xf32>
    %get3A_24 = arith.constant 0 : index
    %get3A_25 = arith.constant 24 : index
    %get3A_26 = arith.constant 0 : index
    %get3A_27 = arith.constant 0 : index
    %get3A_28 = vector.load %arg0[%get3A_24, %get3A_25, %get3A_26, %get3A_27] : memref<16x30x72x128xf32, #tpu.memory_space<vmem>>, vector<16x1x72x128xf32>
    %get3A_29 = vector.shape_cast %get3A_28 : vector<16x1x72x128xf32> to vector<16x72x128xf32>
    %get3A_30 = arith.constant 0 : index
    %get3A_31 = arith.constant 25 : index
    %get3A_32 = arith.constant 0 : index
    %get3A_33 = arith.constant 0 : index
    %get3A_34 = vector.load %arg0[%get3A_30, %get3A_31, %get3A_32, %get3A_33] : memref<16x30x72x128xf32, #tpu.memory_space<vmem>>, vector<16x1x72x128xf32>
    %get3A_35 = vector.shape_cast %get3A_34 : vector<16x1x72x128xf32> to vector<16x72x128xf32>
    %add3A = vector.broadcast %broadcast_in_dim3A : vector<1x72x128xf32> to vector<16x72x128xf32>
    %add3A_36 = arith.addf %get3A_17, %add3A : vector<16x72x128xf32>
    %div3A = arith.constant 9.600000e+01 : f32
    %div3A_37 = vector.broadcast %div3A : f32 to vector<16x72x128xf32>
    %div3A_38 = arith.divf %add3A_36, %div3A_37 : vector<16x72x128xf32>
    %add3A_39 = vector.broadcast %broadcast_in_dim3A_5 : vector<1x72x128xf32> to vector<16x72x128xf32>
    %add3A_40 = arith.addf %get3A_23, %add3A_39 : vector<16x72x128xf32>
    %div3A_41 = arith.constant 9.600000e+01 : f32
    %div3A_42 = vector.broadcast %div3A_41 : f32 to vector<16x72x128xf32>
    %div3A_43 = arith.divf %add3A_40, %div3A_42 : vector<16x72x128xf32>
    %mul3A = arith.mulf %get3A_29, %get3A_29 : vector<16x72x128xf32>
    %mul3A_44 = arith.mulf %get3A_35, %get3A_35 : vector<16x72x128xf32>
    %div3A_45 = arith.constant 2.000000e+00 : f32
    %div3A_46 = vector.broadcast %div3A_45 : f32 to vector<16x72x128xf32>
    %div3A_47 = arith.divf %mul3A_44, %div3A_46 : vector<16x72x128xf32>
    %sub3A = arith.subf %div3A_43, %div3A_47 : vector<16x72x128xf32>
    %div3A_48 = arith.constant 2.000000e+00 : f32
    %div3A_49 = vector.broadcast %div3A_48 : f32 to vector<16x72x128xf32>
    %div3A_50 = arith.divf %mul3A, %div3A_49 : vector<16x72x128xf32>
    %sub3A_51 = arith.subf %div3A_38, %div3A_50 : vector<16x72x128xf32>
    %div3A_52 = arith.constant 2.000000e+00 : f32
    %div3A_53 = vector.broadcast %div3A_52 : f32 to vector<16x72x128xf32>
    %div3A_54 = arith.divf %mul3A_44, %div3A_53 : vector<16x72x128xf32>
    %add3A_55 = arith.addf %div3A_43, %div3A_54 : vector<16x72x128xf32>
    %div3A_56 = arith.constant 2.000000e+00 : f32
    %div3A_57 = vector.broadcast %div3A_56 : f32 to vector<16x72x128xf32>
    %div3A_58 = arith.divf %mul3A, %div3A_57 : vector<16x72x128xf32>
    %add3A_59 = arith.addf %div3A_38, %div3A_58 : vector<16x72x128xf32>
    %get3A_60 = arith.constant 0 : index
    %get3A_61 = arith.constant 0 : index
    %get3A_62 = arith.constant 0 : index
    %get3A_63 = arith.constant 0 : index
    %get3A_64 = vector.load %arg0[%get3A_60, %get3A_61, %get3A_62, %get3A_63] : memref<16x30x72x128xf32, #tpu.memory_space<vmem>>, vector<16x1x72x128xf32>
    %get3A_65 = vector.shape_cast %get3A_64 : vector<16x1x72x128xf32> to vector<16x72x128xf32>
    %mul3A_66 = arith.mulf %get3A_11, %get3A_65 : vector<16x72x128xf32>
    %broadcast_in_dim3A_67 = arith.constant 0.000000e+00 : f32
    %broadcast_in_dim3A_68 = vector.broadcast %broadcast_in_dim3A_67 : f32 to vector<16x72x128xf32>
    %get3A_69 = arith.constant 0 : index
    %get3A_70 = arith.constant 1 : index
    %get3A_71 = arith.constant 0 : index
    %get3A_72 = arith.constant 0 : index
    %get3A_73 = vector.load %arg0[%get3A_69, %get3A_70, %get3A_71, %get3A_72] : memref<16x30x72x128xf32, #tpu.memory_space<vmem>>, vector<16x1x72x128xf32>
    %get3A_74 = vector.shape_cast %get3A_73 : vector<16x1x72x128xf32> to vector<16x72x128xf32>
    %mul3A_75 = arith.mulf %get3A_11, %get3A_74 : vector<16x72x128xf32>
    %gt3A = arith.cmpf ogt, %mul3A_75, %mul3A_66 : vector<16x72x128xf32>
    %jit3A = arith.constant 1.000000e+00 : f32
    %broadcast_in_dim3A_76 = vector.broadcast %jit3A : f32 to vector<16x72x128xf32>
    %select_n3A = arith.select %gt3A, %broadcast_in_dim3A_76, %broadcast_in_dim3A_68 : vector<16x72x128xi1>, vector<16x72x128xf32>
    %max3A = arith.maximumf %mul3A_66, %mul3A_75 : vector<16x72x128xf32>
    %get3A_77 = arith.constant 0 : index
    %get3A_78 = arith.constant 2 : index
    %get3A_79 = arith.constant 0 : index
    %get3A_80 = arith.constant 0 : index
    %get3A_81 = vector.load %arg0[%get3A_77, %get3A_78, %get3A_79, %get3A_80] : memref<16x30x72x128xf32, #tpu.memory_space<vmem>>, vector<16x1x72x128xf32>
    %get3A_82 = vector.shape_cast %get3A_81 : vector<16x1x72x128xf32> to vector<16x72x128xf32>
    %mul3A_83 = arith.mulf %get3A_11, %get3A_82 : vector<16x72x128xf32>
    %gt3A_84 = arith.cmpf ogt, %mul3A_83, %max3A : vector<16x72x128xf32>
    %jit3A_85 = arith.constant 2.000000e+00 : f32
    %broadcast_in_dim3A_86 = vector.broadcast %jit3A_85 : f32 to vector<16x72x128xf32>
    %select_n3A_87 = arith.select %gt3A_84, %broadcast_in_dim3A_86, %select_n3A : vector<16x72x128xi1>, vector<16x72x128xf32>
    %max3A_88 = arith.maximumf %max3A, %mul3A_83 : vector<16x72x128xf32>
    %get3A_89 = arith.constant 0 : index
    %get3A_90 = arith.constant 3 : index
    %get3A_91 = arith.constant 0 : index
    %get3A_92 = arith.constant 0 : index
    %get3A_93 = vector.load %arg0[%get3A_89, %get3A_90, %get3A_91, %get3A_92] : memref<16x30x72x128xf32, #tpu.memory_space<vmem>>, vector<16x1x72x128xf32>
    %get3A_94 = vector.shape_cast %get3A_93 : vector<16x1x72x128xf32> to vector<16x72x128xf32>
    %mul3A_95 = arith.mulf %get3A_11, %get3A_94 : vector<16x72x128xf32>
    %gt3A_96 = arith.cmpf ogt, %mul3A_95, %max3A_88 : vector<16x72x128xf32>
    %jit3A_97 = arith.constant 3.000000e+00 : f32
    %broadcast_in_dim3A_98 = vector.broadcast %jit3A_97 : f32 to vector<16x72x128xf32>
    %select_n3A_99 = arith.select %gt3A_96, %broadcast_in_dim3A_98, %select_n3A_87 : vector<16x72x128xi1>, vector<16x72x128xf32>
    %max3A_100 = arith.maximumf %max3A_88, %mul3A_95 : vector<16x72x128xf32>
    %get3A_101 = arith.constant 0 : index
    %get3A_102 = arith.constant 4 : index
    %get3A_103 = arith.constant 0 : index
    %get3A_104 = arith.constant 0 : index
    %get3A_105 = vector.load %arg0[%get3A_101, %get3A_102, %get3A_103, %get3A_104] : memref<16x30x72x128xf32, #tpu.memory_space<vmem>>, vector<16x1x72x128xf32>
    %get3A_106 = vector.shape_cast %get3A_105 : vector<16x1x72x128xf32> to vector<16x72x128xf32>
    %mul3A_107 = arith.mulf %get3A_11, %get3A_106 : vector<16x72x128xf32>
    %gt3A_108 = arith.cmpf ogt, %mul3A_107, %max3A_100 : vector<16x72x128xf32>
    %jit3A_109 = arith.constant 4.000000e+00 : f32
    %broadcast_in_dim3A_110 = vector.broadcast %jit3A_109 : f32 to vector<16x72x128xf32>
    %select_n3A_111 = arith.select %gt3A_108, %broadcast_in_dim3A_110, %select_n3A_99 : vector<16x72x128xi1>, vector<16x72x128xf32>
    %max3A_112 = arith.maximumf %max3A_100, %mul3A_107 : vector<16x72x128xf32>
    %get3A_113 = arith.constant 0 : index
    %get3A_114 = arith.constant 5 : index
    %get3A_115 = arith.constant 0 : index
    %get3A_116 = arith.constant 0 : index
    %get3A_117 = vector.load %arg0[%get3A_113, %get3A_114, %get3A_115, %get3A_116] : memref<16x30x72x128xf32, #tpu.memory_space<vmem>>, vector<16x1x72x128xf32>
    %get3A_118 = vector.shape_cast %get3A_117 : vector<16x1x72x128xf32> to vector<16x72x128xf32>
    %mul3A_119 = arith.mulf %get3A_11, %get3A_118 : vector<16x72x128xf32>
    %gt3A_120 = arith.cmpf ogt, %mul3A_119, %max3A_112 : vector<16x72x128xf32>
    %jit3A_121 = arith.constant 5.000000e+00 : f32
    %broadcast_in_dim3A_122 = vector.broadcast %jit3A_121 : f32 to vector<16x72x128xf32>
    %select_n3A_123 = arith.select %gt3A_120, %broadcast_in_dim3A_122, %select_n3A_111 : vector<16x72x128xi1>, vector<16x72x128xf32>
    %max3A_124 = arith.maximumf %max3A_112, %mul3A_119 : vector<16x72x128xf32>
    %get3A_125 = arith.constant 0 : index
    %get3A_126 = arith.constant 6 : index
    %get3A_127 = arith.constant 0 : index
    %get3A_128 = arith.constant 0 : index
    %get3A_129 = vector.load %arg0[%get3A_125, %get3A_126, %get3A_127, %get3A_128] : memref<16x30x72x128xf32, #tpu.memory_space<vmem>>, vector<16x1x72x128xf32>
    %get3A_130 = vector.shape_cast %get3A_129 : vector<16x1x72x128xf32> to vector<16x72x128xf32>
    %mul3A_131 = arith.mulf %get3A_11, %get3A_130 : vector<16x72x128xf32>
    %gt3A_132 = arith.cmpf ogt, %mul3A_131, %max3A_124 : vector<16x72x128xf32>
    %jit3A_133 = arith.constant 6.000000e+00 : f32
    %broadcast_in_dim3A_134 = vector.broadcast %jit3A_133 : f32 to vector<16x72x128xf32>
    %select_n3A_135 = arith.select %gt3A_132, %broadcast_in_dim3A_134, %select_n3A_123 : vector<16x72x128xi1>, vector<16x72x128xf32>
    %max3A_136 = arith.maximumf %max3A_124, %mul3A_131 : vector<16x72x128xf32>
    %get3A_137 = arith.constant 0 : index
    %get3A_138 = arith.constant 7 : index
    %get3A_139 = arith.constant 0 : index
    %get3A_140 = arith.constant 0 : index
    %get3A_141 = vector.load %arg0[%get3A_137, %get3A_138, %get3A_139, %get3A_140] : memref<16x30x72x128xf32, #tpu.memory_space<vmem>>, vector<16x1x72x128xf32>
    %get3A_142 = vector.shape_cast %get3A_141 : vector<16x1x72x128xf32> to vector<16x72x128xf32>
    %mul3A_143 = arith.mulf %get3A_11, %get3A_142 : vector<16x72x128xf32>
    %gt3A_144 = arith.cmpf ogt, %mul3A_143, %max3A_136 : vector<16x72x128xf32>
    %jit3A_145 = arith.constant 7.000000e+00 : f32
    %broadcast_in_dim3A_146 = vector.broadcast %jit3A_145 : f32 to vector<16x72x128xf32>
    %select_n3A_147 = arith.select %gt3A_144, %broadcast_in_dim3A_146, %select_n3A_135 : vector<16x72x128xi1>, vector<16x72x128xf32>
    %max3A_148 = arith.maximumf %max3A_136, %mul3A_143 : vector<16x72x128xf32>
    %get3A_149 = arith.constant 0 : index
    %get3A_150 = arith.constant 8 : index
    %get3A_151 = arith.constant 0 : index
    %get3A_152 = arith.constant 0 : index
    %get3A_153 = vector.load %arg0[%get3A_149, %get3A_150, %get3A_151, %get3A_152] : memref<16x30x72x128xf32, #tpu.memory_space<vmem>>, vector<16x1x72x128xf32>
    %get3A_154 = vector.shape_cast %get3A_153 : vector<16x1x72x128xf32> to vector<16x72x128xf32>
    %mul3A_155 = arith.mulf %get3A_11, %get3A_154 : vector<16x72x128xf32>
    %gt3A_156 = arith.cmpf ogt, %mul3A_155, %max3A_148 : vector<16x72x128xf32>
    %jit3A_157 = arith.constant 8.000000e+00 : f32
    %broadcast_in_dim3A_158 = vector.broadcast %jit3A_157 : f32 to vector<16x72x128xf32>
    %select_n3A_159 = arith.select %gt3A_156, %broadcast_in_dim3A_158, %select_n3A_147 : vector<16x72x128xi1>, vector<16x72x128xf32>
    %max3A_160 = arith.maximumf %max3A_148, %mul3A_155 : vector<16x72x128xf32>
    %get3A_161 = arith.constant 0 : index
    %get3A_162 = arith.constant 9 : index
    %get3A_163 = arith.constant 0 : index
    %get3A_164 = arith.constant 0 : index
    %get3A_165 = vector.load %arg0[%get3A_161, %get3A_162, %get3A_163, %get3A_164] : memref<16x30x72x128xf32, #tpu.memory_space<vmem>>, vector<16x1x72x128xf32>
    %get3A_166 = vector.shape_cast %get3A_165 : vector<16x1x72x128xf32> to vector<16x72x128xf32>
    %mul3A_167 = arith.mulf %get3A_11, %get3A_166 : vector<16x72x128xf32>
    %gt3A_168 = arith.cmpf ogt, %mul3A_167, %max3A_160 : vector<16x72x128xf32>
    %jit3A_169 = arith.constant 9.000000e+00 : f32
    %broadcast_in_dim3A_170 = vector.broadcast %jit3A_169 : f32 to vector<16x72x128xf32>
    %select_n3A_171 = arith.select %gt3A_168, %broadcast_in_dim3A_170, %select_n3A_159 : vector<16x72x128xi1>, vector<16x72x128xf32>
    %max3A_172 = arith.maximumf %max3A_160, %mul3A_167 : vector<16x72x128xf32>
    %get3A_173 = arith.constant 0 : index
    %get3A_174 = arith.constant 10 : index
    %get3A_175 = arith.constant 0 : index
    %get3A_176 = arith.constant 0 : index
    %get3A_177 = vector.load %arg0[%get3A_173, %get3A_174, %get3A_175, %get3A_176] : memref<16x30x72x128xf32, #tpu.memory_space<vmem>>, vector<16x1x72x128xf32>
    %get3A_178 = vector.shape_cast %get3A_177 : vector<16x1x72x128xf32> to vector<16x72x128xf32>
    %mul3A_179 = arith.mulf %get3A_11, %get3A_178 : vector<16x72x128xf32>
    %gt3A_180 = arith.cmpf ogt, %mul3A_179, %max3A_172 : vector<16x72x128xf32>
    %jit3A_181 = arith.constant 1.000000e+01 : f32
    %broadcast_in_dim3A_182 = vector.broadcast %jit3A_181 : f32 to vector<16x72x128xf32>
    %select_n3A_183 = arith.select %gt3A_180, %broadcast_in_dim3A_182, %select_n3A_171 : vector<16x72x128xi1>, vector<16x72x128xf32>
    %max3A_184 = arith.maximumf %max3A_172, %mul3A_179 : vector<16x72x128xf32>
    %get3A_185 = arith.constant 0 : index
    %get3A_186 = arith.constant 11 : index
    %get3A_187 = arith.constant 0 : index
    %get3A_188 = arith.constant 0 : index
    %get3A_189 = vector.load %arg0[%get3A_185, %get3A_186, %get3A_187, %get3A_188] : memref<16x30x72x128xf32, #tpu.memory_space<vmem>>, vector<16x1x72x128xf32>
    %get3A_190 = vector.shape_cast %get3A_189 : vector<16x1x72x128xf32> to vector<16x72x128xf32>
    %mul3A_191 = arith.mulf %get3A_11, %get3A_190 : vector<16x72x128xf32>
    %gt3A_192 = arith.cmpf ogt, %mul3A_191, %max3A_184 : vector<16x72x128xf32>
    %jit3A_193 = arith.constant 1.100000e+01 : f32
    %broadcast_in_dim3A_194 = vector.broadcast %jit3A_193 : f32 to vector<16x72x128xf32>
    %select_n3A_195 = arith.select %gt3A_192, %broadcast_in_dim3A_194, %select_n3A_183 : vector<16x72x128xi1>, vector<16x72x128xf32>
    %max3A_196 = arith.maximumf %max3A_184, %mul3A_191 : vector<16x72x128xf32>
    %get3A_197 = arith.constant 0 : index
    %get3A_198 = arith.constant 12 : index
    %get3A_199 = arith.constant 0 : index
    %get3A_200 = arith.constant 0 : index
    %get3A_201 = vector.load %arg0[%get3A_197, %get3A_198, %get3A_199, %get3A_200] : memref<16x30x72x128xf32, #tpu.memory_space<vmem>>, vector<16x1x72x128xf32>
    %get3A_202 = vector.shape_cast %get3A_201 : vector<16x1x72x128xf32> to vector<16x72x128xf32>
    %mul3A_203 = arith.mulf %get3A_11, %get3A_202 : vector<16x72x128xf32>
    %gt3A_204 = arith.cmpf ogt, %mul3A_203, %max3A_196 : vector<16x72x128xf32>
    %jit3A_205 = arith.constant 1.200000e+01 : f32
    %broadcast_in_dim3A_206 = vector.broadcast %jit3A_205 : f32 to vector<16x72x128xf32>
    %select_n3A_207 = arith.select %gt3A_204, %broadcast_in_dim3A_206, %select_n3A_195 : vector<16x72x128xi1>, vector<16x72x128xf32>
    %max3A_208 = arith.maximumf %max3A_196, %mul3A_203 : vector<16x72x128xf32>
    %get3A_209 = arith.constant 0 : index
    %get3A_210 = arith.constant 13 : index
    %get3A_211 = arith.constant 0 : index
    %get3A_212 = arith.constant 0 : index
    %get3A_213 = vector.load %arg0[%get3A_209, %get3A_210, %get3A_211, %get3A_212] : memref<16x30x72x128xf32, #tpu.memory_space<vmem>>, vector<16x1x72x128xf32>
    %get3A_214 = vector.shape_cast %get3A_213 : vector<16x1x72x128xf32> to vector<16x72x128xf32>
    %mul3A_215 = arith.mulf %get3A_11, %get3A_214 : vector<16x72x128xf32>
    %gt3A_216 = arith.cmpf ogt, %mul3A_215, %max3A_208 : vector<16x72x128xf32>
    %jit3A_217 = arith.constant 1.300000e+01 : f32
    %broadcast_in_dim3A_218 = vector.broadcast %jit3A_217 : f32 to vector<16x72x128xf32>
    %select_n3A_219 = arith.select %gt3A_216, %broadcast_in_dim3A_218, %select_n3A_207 : vector<16x72x128xi1>, vector<16x72x128xf32>
    %max3A_220 = arith.maximumf %max3A_208, %mul3A_215 : vector<16x72x128xf32>
    %get3A_221 = arith.constant 0 : index
    %get3A_222 = arith.constant 14 : index
    %get3A_223 = arith.constant 0 : index
    %get3A_224 = arith.constant 0 : index
    %get3A_225 = vector.load %arg0[%get3A_221, %get3A_222, %get3A_223, %get3A_224] : memref<16x30x72x128xf32, #tpu.memory_space<vmem>>, vector<16x1x72x128xf32>
    %get3A_226 = vector.shape_cast %get3A_225 : vector<16x1x72x128xf32> to vector<16x72x128xf32>
    %mul3A_227 = arith.mulf %get3A_11, %get3A_226 : vector<16x72x128xf32>
    %gt3A_228 = arith.cmpf ogt, %mul3A_227, %max3A_220 : vector<16x72x128xf32>
    %jit3A_229 = arith.constant 1.400000e+01 : f32
    %broadcast_in_dim3A_230 = vector.broadcast %jit3A_229 : f32 to vector<16x72x128xf32>
    %select_n3A_231 = arith.select %gt3A_228, %broadcast_in_dim3A_230, %select_n3A_219 : vector<16x72x128xi1>, vector<16x72x128xf32>
    %max3A_232 = arith.maximumf %max3A_220, %mul3A_227 : vector<16x72x128xf32>
    %get3A_233 = arith.constant 0 : index
    %get3A_234 = arith.constant 15 : index
    %get3A_235 = arith.constant 0 : index
    %get3A_236 = arith.constant 0 : index
    %get3A_237 = vector.load %arg0[%get3A_233, %get3A_234, %get3A_235, %get3A_236] : memref<16x30x72x128xf32, #tpu.memory_space<vmem>>, vector<16x1x72x128xf32>
    %get3A_238 = vector.shape_cast %get3A_237 : vector<16x1x72x128xf32> to vector<16x72x128xf32>
    %mul3A_239 = arith.mulf %get3A_11, %get3A_238 : vector<16x72x128xf32>
    %gt3A_240 = arith.cmpf ogt, %mul3A_239, %max3A_232 : vector<16x72x128xf32>
    %jit3A_241 = arith.constant 1.500000e+01 : f32
    %broadcast_in_dim3A_242 = vector.broadcast %jit3A_241 : f32 to vector<16x72x128xf32>
    %select_n3A_243 = arith.select %gt3A_240, %broadcast_in_dim3A_242, %select_n3A_231 : vector<16x72x128xi1>, vector<16x72x128xf32>
    %max3A_244 = arith.maximumf %max3A_232, %mul3A_239 : vector<16x72x128xf32>
    %get3A_245 = arith.constant 0 : index
    %get3A_246 = arith.constant 16 : index
    %get3A_247 = arith.constant 0 : index
    %get3A_248 = arith.constant 0 : index
    %get3A_249 = vector.load %arg0[%get3A_245, %get3A_246, %get3A_247, %get3A_248] : memref<16x30x72x128xf32, #tpu.memory_space<vmem>>, vector<16x1x72x128xf32>
    %get3A_250 = vector.shape_cast %get3A_249 : vector<16x1x72x128xf32> to vector<16x72x128xf32>
    %mul3A_251 = arith.mulf %get3A_11, %get3A_250 : vector<16x72x128xf32>
    %gt3A_252 = arith.cmpf ogt, %mul3A_251, %max3A_244 : vector<16x72x128xf32>
    %jit3A_253 = arith.constant 1.600000e+01 : f32
    %broadcast_in_dim3A_254 = vector.broadcast %jit3A_253 : f32 to vector<16x72x128xf32>
    %select_n3A_255 = arith.select %gt3A_252, %broadcast_in_dim3A_254, %select_n3A_243 : vector<16x72x128xi1>, vector<16x72x128xf32>
    %max3A_256 = arith.maximumf %max3A_244, %mul3A_251 : vector<16x72x128xf32>
    %get3A_257 = arith.constant 0 : index
    %get3A_258 = arith.constant 17 : index
    %get3A_259 = arith.constant 0 : index
    %get3A_260 = arith.constant 0 : index
    %get3A_261 = vector.load %arg0[%get3A_257, %get3A_258, %get3A_259, %get3A_260] : memref<16x30x72x128xf32, #tpu.memory_space<vmem>>, vector<16x1x72x128xf32>
    %get3A_262 = vector.shape_cast %get3A_261 : vector<16x1x72x128xf32> to vector<16x72x128xf32>
    %mul3A_263 = arith.mulf %get3A_11, %get3A_262 : vector<16x72x128xf32>
    %gt3A_264 = arith.cmpf ogt, %mul3A_263, %max3A_256 : vector<16x72x128xf32>
    %jit3A_265 = arith.constant 1.700000e+01 : f32
    %broadcast_in_dim3A_266 = vector.broadcast %jit3A_265 : f32 to vector<16x72x128xf32>
    %select_n3A_267 = arith.select %gt3A_264, %broadcast_in_dim3A_266, %select_n3A_255 : vector<16x72x128xi1>, vector<16x72x128xf32>
    %max3A_268 = arith.maximumf %max3A_256, %mul3A_263 : vector<16x72x128xf32>
    %get3A_269 = arith.constant 0 : index
    %get3A_270 = arith.constant 18 : index
    %get3A_271 = arith.constant 0 : index
    %get3A_272 = arith.constant 0 : index
    %get3A_273 = vector.load %arg0[%get3A_269, %get3A_270, %get3A_271, %get3A_272] : memref<16x30x72x128xf32, #tpu.memory_space<vmem>>, vector<16x1x72x128xf32>
    %get3A_274 = vector.shape_cast %get3A_273 : vector<16x1x72x128xf32> to vector<16x72x128xf32>
    %mul3A_275 = arith.mulf %get3A_11, %get3A_274 : vector<16x72x128xf32>
    %gt3A_276 = arith.cmpf ogt, %mul3A_275, %max3A_268 : vector<16x72x128xf32>
    %jit3A_277 = arith.constant 1.800000e+01 : f32
    %broadcast_in_dim3A_278 = vector.broadcast %jit3A_277 : f32 to vector<16x72x128xf32>
    %select_n3A_279 = arith.select %gt3A_276, %broadcast_in_dim3A_278, %select_n3A_267 : vector<16x72x128xi1>, vector<16x72x128xf32>
    %max3A_280 = arith.maximumf %max3A_268, %mul3A_275 : vector<16x72x128xf32>
    %get3A_281 = arith.constant 0 : index
    %get3A_282 = arith.constant 19 : index
    %get3A_283 = arith.constant 0 : index
    %get3A_284 = arith.constant 0 : index
    %get3A_285 = vector.load %arg0[%get3A_281, %get3A_282, %get3A_283, %get3A_284] : memref<16x30x72x128xf32, #tpu.memory_space<vmem>>, vector<16x1x72x128xf32>
    %get3A_286 = vector.shape_cast %get3A_285 : vector<16x1x72x128xf32> to vector<16x72x128xf32>
    %mul3A_287 = arith.mulf %get3A_11, %get3A_286 : vector<16x72x128xf32>
    %gt3A_288 = arith.cmpf ogt, %mul3A_287, %max3A_280 : vector<16x72x128xf32>
    %jit3A_289 = arith.constant 1.900000e+01 : f32
    %broadcast_in_dim3A_290 = vector.broadcast %jit3A_289 : f32 to vector<16x72x128xf32>
    %select_n3A_291 = arith.select %gt3A_288, %broadcast_in_dim3A_290, %select_n3A_279 : vector<16x72x128xi1>, vector<16x72x128xf32>
    %max3A_292 = arith.maximumf %max3A_280, %mul3A_287 : vector<16x72x128xf32>
    %ge3A = arith.constant 1.000000e-01 : f32
    %ge3A_293 = vector.broadcast %ge3A : f32 to vector<16x72x128xf32>
    %ge3A_294 = arith.cmpf oge, %max3A_292, %ge3A_293 : vector<16x72x128xf32>
    %jit3A_295 = arith.constant 0.000000e+00 : f32
    %broadcast_in_dim3A_296 = vector.broadcast %jit3A_295 : f32 to vector<16x72x128xf32>
    %select_n3A_297 = arith.select %ge3A_294, %max3A_292, %broadcast_in_dim3A_296 : vector<16x72x128xi1>, vector<16x72x128xf32>
    %sub3A_298 = arith.subf %add3A_55, %sub3A : vector<16x72x128xf32>
    %sub3A_299 = arith.subf %add3A_59, %sub3A_51 : vector<16x72x128xf32>
    %mul3A_300 = arith.mulf %sub3A_298, %sub3A_299 : vector<16x72x128xf32>
    %get3A_301 = arith.constant 0 : index
    %get3A_302 = arith.constant 21 : index
    %get3A_303 = arith.constant 0 : index
    %get3A_304 = arith.constant 0 : index
    %get3A_305 = vector.load %arg0[%get3A_301, %get3A_302, %get3A_303, %get3A_304] : memref<16x30x72x128xf32, #tpu.memory_space<vmem>>, vector<16x1x72x128xf32>
    %get3A_306 = vector.shape_cast %get3A_305 : vector<16x1x72x128xf32> to vector<16x72x128xf32>
    %get3A_307 = arith.constant 0 : index
    %get3A_308 = arith.constant 26 : index
    %get3A_309 = arith.constant 0 : index
    %get3A_310 = arith.constant 0 : index
    %get3A_311 = vector.load %arg0[%get3A_307, %get3A_308, %get3A_309, %get3A_310] : memref<16x30x72x128xf32, #tpu.memory_space<vmem>>, vector<16x1x72x128xf32>
    %get3A_312 = vector.shape_cast %get3A_311 : vector<16x1x72x128xf32> to vector<16x72x128xf32>
    %get3A_313 = arith.constant 0 : index
    %get3A_314 = arith.constant 27 : index
    %get3A_315 = arith.constant 0 : index
    %get3A_316 = arith.constant 0 : index
    %get3A_317 = vector.load %arg0[%get3A_313, %get3A_314, %get3A_315, %get3A_316] : memref<16x30x72x128xf32, #tpu.memory_space<vmem>>, vector<16x1x72x128xf32>
    %get3A_318 = vector.shape_cast %get3A_317 : vector<16x1x72x128xf32> to vector<16x72x128xf32>
    %get3A_319 = arith.constant 0 : index
    %get3A_320 = arith.constant 28 : index
    %get3A_321 = arith.constant 0 : index
    %get3A_322 = arith.constant 0 : index
    %get3A_323 = vector.load %arg0[%get3A_319, %get3A_320, %get3A_321, %get3A_322] : memref<16x30x72x128xf32, #tpu.memory_space<vmem>>, vector<16x1x72x128xf32>
    %get3A_324 = vector.shape_cast %get3A_323 : vector<16x1x72x128xf32> to vector<16x72x128xf32>
    %get3A_325 = arith.constant 0 : index
    %get3A_326 = arith.constant 29 : index
    %get3A_327 = arith.constant 0 : index
    %get3A_328 = arith.constant 0 : index
    %get3A_329 = vector.load %arg0[%get3A_325, %get3A_326, %get3A_327, %get3A_328] : memref<16x30x72x128xf32, #tpu.memory_space<vmem>>, vector<16x1x72x128xf32>
    %get3A_330 = vector.shape_cast %get3A_329 : vector<16x1x72x128xf32> to vector<16x72x128xf32>
    %add3A_331 = vector.broadcast %broadcast_in_dim3A : vector<1x72x128xf32> to vector<16x72x128xf32>
    %add3A_332 = arith.addf %get3A_312, %add3A_331 : vector<16x72x128xf32>
    %div3A_333 = arith.constant 9.600000e+01 : f32
    %div3A_334 = vector.broadcast %div3A_333 : f32 to vector<16x72x128xf32>
    %div3A_335 = arith.divf %add3A_332, %div3A_334 : vector<16x72x128xf32>
    %add3A_336 = vector.broadcast %broadcast_in_dim3A_5 : vector<1x72x128xf32> to vector<16x72x128xf32>
    %add3A_337 = arith.addf %get3A_318, %add3A_336 : vector<16x72x128xf32>
    %div3A_338 = arith.constant 9.600000e+01 : f32
    %div3A_339 = vector.broadcast %div3A_338 : f32 to vector<16x72x128xf32>
    %div3A_340 = arith.divf %add3A_337, %div3A_339 : vector<16x72x128xf32>
    %mul3A_341 = arith.mulf %get3A_324, %get3A_324 : vector<16x72x128xf32>
    %mul3A_342 = arith.mulf %get3A_330, %get3A_330 : vector<16x72x128xf32>
    %div3A_343 = arith.constant 2.000000e+00 : f32
    %div3A_344 = vector.broadcast %div3A_343 : f32 to vector<16x72x128xf32>
    %div3A_345 = arith.divf %mul3A_342, %div3A_344 : vector<16x72x128xf32>
    %sub3A_346 = arith.subf %div3A_340, %div3A_345 : vector<16x72x128xf32>
    %div3A_347 = arith.constant 2.000000e+00 : f32
    %div3A_348 = vector.broadcast %div3A_347 : f32 to vector<16x72x128xf32>
    %div3A_349 = arith.divf %mul3A_341, %div3A_348 : vector<16x72x128xf32>
    %sub3A_350 = arith.subf %div3A_335, %div3A_349 : vector<16x72x128xf32>
    %div3A_351 = arith.constant 2.000000e+00 : f32
    %div3A_352 = vector.broadcast %div3A_351 : f32 to vector<16x72x128xf32>
    %div3A_353 = arith.divf %mul3A_342, %div3A_352 : vector<16x72x128xf32>
    %add3A_354 = arith.addf %div3A_340, %div3A_353 : vector<16x72x128xf32>
    %div3A_355 = arith.constant 2.000000e+00 : f32
    %div3A_356 = vector.broadcast %div3A_355 : f32 to vector<16x72x128xf32>
    %div3A_357 = arith.divf %mul3A_341, %div3A_356 : vector<16x72x128xf32>
    %add3A_358 = arith.addf %div3A_335, %div3A_357 : vector<16x72x128xf32>
    %get3A_359 = arith.constant 0 : index
    %get3A_360 = arith.constant 0 : index
    %get3A_361 = arith.constant 0 : index
    %get3A_362 = arith.constant 0 : index
    %get3A_363 = vector.load %arg0[%get3A_359, %get3A_360, %get3A_361, %get3A_362] : memref<16x30x72x128xf32, #tpu.memory_space<vmem>>, vector<16x1x72x128xf32>
    %get3A_364 = vector.shape_cast %get3A_363 : vector<16x1x72x128xf32> to vector<16x72x128xf32>
    %mul3A_365 = arith.mulf %get3A_306, %get3A_364 : vector<16x72x128xf32>
    %broadcast_in_dim3A_366 = arith.constant 0.000000e+00 : f32
    %broadcast_in_dim3A_367 = vector.broadcast %broadcast_in_dim3A_366 : f32 to vector<16x72x128xf32>
    %get3A_368 = arith.constant 0 : index
    %get3A_369 = arith.constant 1 : index
    %get3A_370 = arith.constant 0 : index
    %get3A_371 = arith.constant 0 : index
    %get3A_372 = vector.load %arg0[%get3A_368, %get3A_369, %get3A_370, %get3A_371] : memref<16x30x72x128xf32, #tpu.memory_space<vmem>>, vector<16x1x72x128xf32>
    %get3A_373 = vector.shape_cast %get3A_372 : vector<16x1x72x128xf32> to vector<16x72x128xf32>
    %mul3A_374 = arith.mulf %get3A_306, %get3A_373 : vector<16x72x128xf32>
    %gt3A_375 = arith.cmpf ogt, %mul3A_374, %mul3A_365 : vector<16x72x128xf32>
    %jit3A_376 = arith.constant 1.000000e+00 : f32
    %broadcast_in_dim3A_377 = vector.broadcast %jit3A_376 : f32 to vector<16x72x128xf32>
    %select_n3A_378 = arith.select %gt3A_375, %broadcast_in_dim3A_377, %broadcast_in_dim3A_367 : vector<16x72x128xi1>, vector<16x72x128xf32>
    %max3A_379 = arith.maximumf %mul3A_365, %mul3A_374 : vector<16x72x128xf32>
    %get3A_380 = arith.constant 0 : index
    %get3A_381 = arith.constant 2 : index
    %get3A_382 = arith.constant 0 : index
    %get3A_383 = arith.constant 0 : index
    %get3A_384 = vector.load %arg0[%get3A_380, %get3A_381, %get3A_382, %get3A_383] : memref<16x30x72x128xf32, #tpu.memory_space<vmem>>, vector<16x1x72x128xf32>
    %get3A_385 = vector.shape_cast %get3A_384 : vector<16x1x72x128xf32> to vector<16x72x128xf32>
    %mul3A_386 = arith.mulf %get3A_306, %get3A_385 : vector<16x72x128xf32>
    %gt3A_387 = arith.cmpf ogt, %mul3A_386, %max3A_379 : vector<16x72x128xf32>
    %jit3A_388 = arith.constant 2.000000e+00 : f32
    %broadcast_in_dim3A_389 = vector.broadcast %jit3A_388 : f32 to vector<16x72x128xf32>
    %select_n3A_390 = arith.select %gt3A_387, %broadcast_in_dim3A_389, %select_n3A_378 : vector<16x72x128xi1>, vector<16x72x128xf32>
    %max3A_391 = arith.maximumf %max3A_379, %mul3A_386 : vector<16x72x128xf32>
    %get3A_392 = arith.constant 0 : index
    %get3A_393 = arith.constant 3 : index
    %get3A_394 = arith.constant 0 : index
    %get3A_395 = arith.constant 0 : index
    %get3A_396 = vector.load %arg0[%get3A_392, %get3A_393, %get3A_394, %get3A_395] : memref<16x30x72x128xf32, #tpu.memory_space<vmem>>, vector<16x1x72x128xf32>
    %get3A_397 = vector.shape_cast %get3A_396 : vector<16x1x72x128xf32> to vector<16x72x128xf32>
    %mul3A_398 = arith.mulf %get3A_306, %get3A_397 : vector<16x72x128xf32>
    %gt3A_399 = arith.cmpf ogt, %mul3A_398, %max3A_391 : vector<16x72x128xf32>
    %jit3A_400 = arith.constant 3.000000e+00 : f32
    %broadcast_in_dim3A_401 = vector.broadcast %jit3A_400 : f32 to vector<16x72x128xf32>
    %select_n3A_402 = arith.select %gt3A_399, %broadcast_in_dim3A_401, %select_n3A_390 : vector<16x72x128xi1>, vector<16x72x128xf32>
    %max3A_403 = arith.maximumf %max3A_391, %mul3A_398 : vector<16x72x128xf32>
    %get3A_404 = arith.constant 0 : index
    %get3A_405 = arith.constant 4 : index
    %get3A_406 = arith.constant 0 : index
    %get3A_407 = arith.constant 0 : index
    %get3A_408 = vector.load %arg0[%get3A_404, %get3A_405, %get3A_406, %get3A_407] : memref<16x30x72x128xf32, #tpu.memory_space<vmem>>, vector<16x1x72x128xf32>
    %get3A_409 = vector.shape_cast %get3A_408 : vector<16x1x72x128xf32> to vector<16x72x128xf32>
    %mul3A_410 = arith.mulf %get3A_306, %get3A_409 : vector<16x72x128xf32>
    %gt3A_411 = arith.cmpf ogt, %mul3A_410, %max3A_403 : vector<16x72x128xf32>
    %jit3A_412 = arith.constant 4.000000e+00 : f32
    %broadcast_in_dim3A_413 = vector.broadcast %jit3A_412 : f32 to vector<16x72x128xf32>
    %select_n3A_414 = arith.select %gt3A_411, %broadcast_in_dim3A_413, %select_n3A_402 : vector<16x72x128xi1>, vector<16x72x128xf32>
    %max3A_415 = arith.maximumf %max3A_403, %mul3A_410 : vector<16x72x128xf32>
    %get3A_416 = arith.constant 0 : index
    %get3A_417 = arith.constant 5 : index
    %get3A_418 = arith.constant 0 : index
    %get3A_419 = arith.constant 0 : index
    %get3A_420 = vector.load %arg0[%get3A_416, %get3A_417, %get3A_418, %get3A_419] : memref<16x30x72x128xf32, #tpu.memory_space<vmem>>, vector<16x1x72x128xf32>
    %get3A_421 = vector.shape_cast %get3A_420 : vector<16x1x72x128xf32> to vector<16x72x128xf32>
    %mul3A_422 = arith.mulf %get3A_306, %get3A_421 : vector<16x72x128xf32>
    %gt3A_423 = arith.cmpf ogt, %mul3A_422, %max3A_415 : vector<16x72x128xf32>
    %jit3A_424 = arith.constant 5.000000e+00 : f32
    %broadcast_in_dim3A_425 = vector.broadcast %jit3A_424 : f32 to vector<16x72x128xf32>
    %select_n3A_426 = arith.select %gt3A_423, %broadcast_in_dim3A_425, %select_n3A_414 : vector<16x72x128xi1>, vector<16x72x128xf32>
    %max3A_427 = arith.maximumf %max3A_415, %mul3A_422 : vector<16x72x128xf32>
    %get3A_428 = arith.constant 0 : index
    %get3A_429 = arith.constant 6 : index
    %get3A_430 = arith.constant 0 : index
    %get3A_431 = arith.constant 0 : index
    %get3A_432 = vector.load %arg0[%get3A_428, %get3A_429, %get3A_430, %get3A_431] : memref<16x30x72x128xf32, #tpu.memory_space<vmem>>, vector<16x1x72x128xf32>
    %get3A_433 = vector.shape_cast %get3A_432 : vector<16x1x72x128xf32> to vector<16x72x128xf32>
    %mul3A_434 = arith.mulf %get3A_306, %get3A_433 : vector<16x72x128xf32>
    %gt3A_435 = arith.cmpf ogt, %mul3A_434, %max3A_427 : vector<16x72x128xf32>
    %jit3A_436 = arith.constant 6.000000e+00 : f32
    %broadcast_in_dim3A_437 = vector.broadcast %jit3A_436 : f32 to vector<16x72x128xf32>
    %select_n3A_438 = arith.select %gt3A_435, %broadcast_in_dim3A_437, %select_n3A_426 : vector<16x72x128xi1>, vector<16x72x128xf32>
    %max3A_439 = arith.maximumf %max3A_427, %mul3A_434 : vector<16x72x128xf32>
    %get3A_440 = arith.constant 0 : index
    %get3A_441 = arith.constant 7 : index
    %get3A_442 = arith.constant 0 : index
    %get3A_443 = arith.constant 0 : index
    %get3A_444 = vector.load %arg0[%get3A_440, %get3A_441, %get3A_442, %get3A_443] : memref<16x30x72x128xf32, #tpu.memory_space<vmem>>, vector<16x1x72x128xf32>
    %get3A_445 = vector.shape_cast %get3A_444 : vector<16x1x72x128xf32> to vector<16x72x128xf32>
    %mul3A_446 = arith.mulf %get3A_306, %get3A_445 : vector<16x72x128xf32>
    %gt3A_447 = arith.cmpf ogt, %mul3A_446, %max3A_439 : vector<16x72x128xf32>
    %jit3A_448 = arith.constant 7.000000e+00 : f32
    %broadcast_in_dim3A_449 = vector.broadcast %jit3A_448 : f32 to vector<16x72x128xf32>
    %select_n3A_450 = arith.select %gt3A_447, %broadcast_in_dim3A_449, %select_n3A_438 : vector<16x72x128xi1>, vector<16x72x128xf32>
    %max3A_451 = arith.maximumf %max3A_439, %mul3A_446 : vector<16x72x128xf32>
    %get3A_452 = arith.constant 0 : index
    %get3A_453 = arith.constant 8 : index
    %get3A_454 = arith.constant 0 : index
    %get3A_455 = arith.constant 0 : index
    %get3A_456 = vector.load %arg0[%get3A_452, %get3A_453, %get3A_454, %get3A_455] : memref<16x30x72x128xf32, #tpu.memory_space<vmem>>, vector<16x1x72x128xf32>
    %get3A_457 = vector.shape_cast %get3A_456 : vector<16x1x72x128xf32> to vector<16x72x128xf32>
    %mul3A_458 = arith.mulf %get3A_306, %get3A_457 : vector<16x72x128xf32>
    %gt3A_459 = arith.cmpf ogt, %mul3A_458, %max3A_451 : vector<16x72x128xf32>
    %jit3A_460 = arith.constant 8.000000e+00 : f32
    %broadcast_in_dim3A_461 = vector.broadcast %jit3A_460 : f32 to vector<16x72x128xf32>
    %select_n3A_462 = arith.select %gt3A_459, %broadcast_in_dim3A_461, %select_n3A_450 : vector<16x72x128xi1>, vector<16x72x128xf32>
    %max3A_463 = arith.maximumf %max3A_451, %mul3A_458 : vector<16x72x128xf32>
    %get3A_464 = arith.constant 0 : index
    %get3A_465 = arith.constant 9 : index
    %get3A_466 = arith.constant 0 : index
    %get3A_467 = arith.constant 0 : index
    %get3A_468 = vector.load %arg0[%get3A_464, %get3A_465, %get3A_466, %get3A_467] : memref<16x30x72x128xf32, #tpu.memory_space<vmem>>, vector<16x1x72x128xf32>
    %get3A_469 = vector.shape_cast %get3A_468 : vector<16x1x72x128xf32> to vector<16x72x128xf32>
    %mul3A_470 = arith.mulf %get3A_306, %get3A_469 : vector<16x72x128xf32>
    %gt3A_471 = arith.cmpf ogt, %mul3A_470, %max3A_463 : vector<16x72x128xf32>
    %jit3A_472 = arith.constant 9.000000e+00 : f32
    %broadcast_in_dim3A_473 = vector.broadcast %jit3A_472 : f32 to vector<16x72x128xf32>
    %select_n3A_474 = arith.select %gt3A_471, %broadcast_in_dim3A_473, %select_n3A_462 : vector<16x72x128xi1>, vector<16x72x128xf32>
    %max3A_475 = arith.maximumf %max3A_463, %mul3A_470 : vector<16x72x128xf32>
    %get3A_476 = arith.constant 0 : index
    %get3A_477 = arith.constant 10 : index
    %get3A_478 = arith.constant 0 : index
    %get3A_479 = arith.constant 0 : index
    %get3A_480 = vector.load %arg0[%get3A_476, %get3A_477, %get3A_478, %get3A_479] : memref<16x30x72x128xf32, #tpu.memory_space<vmem>>, vector<16x1x72x128xf32>
    %get3A_481 = vector.shape_cast %get3A_480 : vector<16x1x72x128xf32> to vector<16x72x128xf32>
    %mul3A_482 = arith.mulf %get3A_306, %get3A_481 : vector<16x72x128xf32>
    %gt3A_483 = arith.cmpf ogt, %mul3A_482, %max3A_475 : vector<16x72x128xf32>
    %jit3A_484 = arith.constant 1.000000e+01 : f32
    %broadcast_in_dim3A_485 = vector.broadcast %jit3A_484 : f32 to vector<16x72x128xf32>
    %select_n3A_486 = arith.select %gt3A_483, %broadcast_in_dim3A_485, %select_n3A_474 : vector<16x72x128xi1>, vector<16x72x128xf32>
    %max3A_487 = arith.maximumf %max3A_475, %mul3A_482 : vector<16x72x128xf32>
    %get3A_488 = arith.constant 0 : index
    %get3A_489 = arith.constant 11 : index
    %get3A_490 = arith.constant 0 : index
    %get3A_491 = arith.constant 0 : index
    %get3A_492 = vector.load %arg0[%get3A_488, %get3A_489, %get3A_490, %get3A_491] : memref<16x30x72x128xf32, #tpu.memory_space<vmem>>, vector<16x1x72x128xf32>
    %get3A_493 = vector.shape_cast %get3A_492 : vector<16x1x72x128xf32> to vector<16x72x128xf32>
    %mul3A_494 = arith.mulf %get3A_306, %get3A_493 : vector<16x72x128xf32>
    %gt3A_495 = arith.cmpf ogt, %mul3A_494, %max3A_487 : vector<16x72x128xf32>
    %jit3A_496 = arith.constant 1.100000e+01 : f32
    %broadcast_in_dim3A_497 = vector.broadcast %jit3A_496 : f32 to vector<16x72x128xf32>
    %select_n3A_498 = arith.select %gt3A_495, %broadcast_in_dim3A_497, %select_n3A_486 : vector<16x72x128xi1>, vector<16x72x128xf32>
    %max3A_499 = arith.maximumf %max3A_487, %mul3A_494 : vector<16x72x128xf32>
    %get3A_500 = arith.constant 0 : index
    %get3A_501 = arith.constant 12 : index
    %get3A_502 = arith.constant 0 : index
    %get3A_503 = arith.constant 0 : index
    %get3A_504 = vector.load %arg0[%get3A_500, %get3A_501, %get3A_502, %get3A_503] : memref<16x30x72x128xf32, #tpu.memory_space<vmem>>, vector<16x1x72x128xf32>
    %get3A_505 = vector.shape_cast %get3A_504 : vector<16x1x72x128xf32> to vector<16x72x128xf32>
    %mul3A_506 = arith.mulf %get3A_306, %get3A_505 : vector<16x72x128xf32>
    %gt3A_507 = arith.cmpf ogt, %mul3A_506, %max3A_499 : vector<16x72x128xf32>
    %jit3A_508 = arith.constant 1.200000e+01 : f32
    %broadcast_in_dim3A_509 = vector.broadcast %jit3A_508 : f32 to vector<16x72x128xf32>
    %select_n3A_510 = arith.select %gt3A_507, %broadcast_in_dim3A_509, %select_n3A_498 : vector<16x72x128xi1>, vector<16x72x128xf32>
    %max3A_511 = arith.maximumf %max3A_499, %mul3A_506 : vector<16x72x128xf32>
    %get3A_512 = arith.constant 0 : index
    %get3A_513 = arith.constant 13 : index
    %get3A_514 = arith.constant 0 : index
    %get3A_515 = arith.constant 0 : index
    %get3A_516 = vector.load %arg0[%get3A_512, %get3A_513, %get3A_514, %get3A_515] : memref<16x30x72x128xf32, #tpu.memory_space<vmem>>, vector<16x1x72x128xf32>
    %get3A_517 = vector.shape_cast %get3A_516 : vector<16x1x72x128xf32> to vector<16x72x128xf32>
    %mul3A_518 = arith.mulf %get3A_306, %get3A_517 : vector<16x72x128xf32>
    %gt3A_519 = arith.cmpf ogt, %mul3A_518, %max3A_511 : vector<16x72x128xf32>
    %jit3A_520 = arith.constant 1.300000e+01 : f32
    %broadcast_in_dim3A_521 = vector.broadcast %jit3A_520 : f32 to vector<16x72x128xf32>
    %select_n3A_522 = arith.select %gt3A_519, %broadcast_in_dim3A_521, %select_n3A_510 : vector<16x72x128xi1>, vector<16x72x128xf32>
    %max3A_523 = arith.maximumf %max3A_511, %mul3A_518 : vector<16x72x128xf32>
    %get3A_524 = arith.constant 0 : index
    %get3A_525 = arith.constant 14 : index
    %get3A_526 = arith.constant 0 : index
    %get3A_527 = arith.constant 0 : index
    %get3A_528 = vector.load %arg0[%get3A_524, %get3A_525, %get3A_526, %get3A_527] : memref<16x30x72x128xf32, #tpu.memory_space<vmem>>, vector<16x1x72x128xf32>
    %get3A_529 = vector.shape_cast %get3A_528 : vector<16x1x72x128xf32> to vector<16x72x128xf32>
    %mul3A_530 = arith.mulf %get3A_306, %get3A_529 : vector<16x72x128xf32>
    %gt3A_531 = arith.cmpf ogt, %mul3A_530, %max3A_523 : vector<16x72x128xf32>
    %jit3A_532 = arith.constant 1.400000e+01 : f32
    %broadcast_in_dim3A_533 = vector.broadcast %jit3A_532 : f32 to vector<16x72x128xf32>
    %select_n3A_534 = arith.select %gt3A_531, %broadcast_in_dim3A_533, %select_n3A_522 : vector<16x72x128xi1>, vector<16x72x128xf32>
    %max3A_535 = arith.maximumf %max3A_523, %mul3A_530 : vector<16x72x128xf32>
    %get3A_536 = arith.constant 0 : index
    %get3A_537 = arith.constant 15 : index
    %get3A_538 = arith.constant 0 : index
    %get3A_539 = arith.constant 0 : index
    %get3A_540 = vector.load %arg0[%get3A_536, %get3A_537, %get3A_538, %get3A_539] : memref<16x30x72x128xf32, #tpu.memory_space<vmem>>, vector<16x1x72x128xf32>
    %get3A_541 = vector.shape_cast %get3A_540 : vector<16x1x72x128xf32> to vector<16x72x128xf32>
    %mul3A_542 = arith.mulf %get3A_306, %get3A_541 : vector<16x72x128xf32>
    %gt3A_543 = arith.cmpf ogt, %mul3A_542, %max3A_535 : vector<16x72x128xf32>
    %jit3A_544 = arith.constant 1.500000e+01 : f32
    %broadcast_in_dim3A_545 = vector.broadcast %jit3A_544 : f32 to vector<16x72x128xf32>
    %select_n3A_546 = arith.select %gt3A_543, %broadcast_in_dim3A_545, %select_n3A_534 : vector<16x72x128xi1>, vector<16x72x128xf32>
    %max3A_547 = arith.maximumf %max3A_535, %mul3A_542 : vector<16x72x128xf32>
    %get3A_548 = arith.constant 0 : index
    %get3A_549 = arith.constant 16 : index
    %get3A_550 = arith.constant 0 : index
    %get3A_551 = arith.constant 0 : index
    %get3A_552 = vector.load %arg0[%get3A_548, %get3A_549, %get3A_550, %get3A_551] : memref<16x30x72x128xf32, #tpu.memory_space<vmem>>, vector<16x1x72x128xf32>
    %get3A_553 = vector.shape_cast %get3A_552 : vector<16x1x72x128xf32> to vector<16x72x128xf32>
    %mul3A_554 = arith.mulf %get3A_306, %get3A_553 : vector<16x72x128xf32>
    %gt3A_555 = arith.cmpf ogt, %mul3A_554, %max3A_547 : vector<16x72x128xf32>
    %jit3A_556 = arith.constant 1.600000e+01 : f32
    %broadcast_in_dim3A_557 = vector.broadcast %jit3A_556 : f32 to vector<16x72x128xf32>
    %select_n3A_558 = arith.select %gt3A_555, %broadcast_in_dim3A_557, %select_n3A_546 : vector<16x72x128xi1>, vector<16x72x128xf32>
    %max3A_559 = arith.maximumf %max3A_547, %mul3A_554 : vector<16x72x128xf32>
    %get3A_560 = arith.constant 0 : index
    %get3A_561 = arith.constant 17 : index
    %get3A_562 = arith.constant 0 : index
    %get3A_563 = arith.constant 0 : index
    %get3A_564 = vector.load %arg0[%get3A_560, %get3A_561, %get3A_562, %get3A_563] : memref<16x30x72x128xf32, #tpu.memory_space<vmem>>, vector<16x1x72x128xf32>
    %get3A_565 = vector.shape_cast %get3A_564 : vector<16x1x72x128xf32> to vector<16x72x128xf32>
    %mul3A_566 = arith.mulf %get3A_306, %get3A_565 : vector<16x72x128xf32>
    %gt3A_567 = arith.cmpf ogt, %mul3A_566, %max3A_559 : vector<16x72x128xf32>
    %jit3A_568 = arith.constant 1.700000e+01 : f32
    %broadcast_in_dim3A_569 = vector.broadcast %jit3A_568 : f32 to vector<16x72x128xf32>
    %select_n3A_570 = arith.select %gt3A_567, %broadcast_in_dim3A_569, %select_n3A_558 : vector<16x72x128xi1>, vector<16x72x128xf32>
    %max3A_571 = arith.maximumf %max3A_559, %mul3A_566 : vector<16x72x128xf32>
    %get3A_572 = arith.constant 0 : index
    %get3A_573 = arith.constant 18 : index
    %get3A_574 = arith.constant 0 : index
    %get3A_575 = arith.constant 0 : index
    %get3A_576 = vector.load %arg0[%get3A_572, %get3A_573, %get3A_574, %get3A_575] : memref<16x30x72x128xf32, #tpu.memory_space<vmem>>, vector<16x1x72x128xf32>
    %get3A_577 = vector.shape_cast %get3A_576 : vector<16x1x72x128xf32> to vector<16x72x128xf32>
    %mul3A_578 = arith.mulf %get3A_306, %get3A_577 : vector<16x72x128xf32>
    %gt3A_579 = arith.cmpf ogt, %mul3A_578, %max3A_571 : vector<16x72x128xf32>
    %jit3A_580 = arith.constant 1.800000e+01 : f32
    %broadcast_in_dim3A_581 = vector.broadcast %jit3A_580 : f32 to vector<16x72x128xf32>
    %select_n3A_582 = arith.select %gt3A_579, %broadcast_in_dim3A_581, %select_n3A_570 : vector<16x72x128xi1>, vector<16x72x128xf32>
    %max3A_583 = arith.maximumf %max3A_571, %mul3A_578 : vector<16x72x128xf32>
    %get3A_584 = arith.constant 0 : index
    %get3A_585 = arith.constant 19 : index
    %get3A_586 = arith.constant 0 : index
    %get3A_587 = arith.constant 0 : index
    %get3A_588 = vector.load %arg0[%get3A_584, %get3A_585, %get3A_586, %get3A_587] : memref<16x30x72x128xf32, #tpu.memory_space<vmem>>, vector<16x1x72x128xf32>
    %get3A_589 = vector.shape_cast %get3A_588 : vector<16x1x72x128xf32> to vector<16x72x128xf32>
    %mul3A_590 = arith.mulf %get3A_306, %get3A_589 : vector<16x72x128xf32>
    %gt3A_591 = arith.cmpf ogt, %mul3A_590, %max3A_583 : vector<16x72x128xf32>
    %jit3A_592 = arith.constant 1.900000e+01 : f32
    %broadcast_in_dim3A_593 = vector.broadcast %jit3A_592 : f32 to vector<16x72x128xf32>
    %select_n3A_594 = arith.select %gt3A_591, %broadcast_in_dim3A_593, %select_n3A_582 : vector<16x72x128xi1>, vector<16x72x128xf32>
    %max3A_595 = arith.maximumf %max3A_583, %mul3A_590 : vector<16x72x128xf32>
    %ge3A_596 = arith.constant 1.000000e-01 : f32
    %ge3A_597 = vector.broadcast %ge3A_596 : f32 to vector<16x72x128xf32>
    %ge3A_598 = arith.cmpf oge, %max3A_595, %ge3A_597 : vector<16x72x128xf32>
    %jit3A_599 = arith.constant 0.000000e+00 : f32
    %broadcast_in_dim3A_600 = vector.broadcast %jit3A_599 : f32 to vector<16x72x128xf32>
    %select_n3A_601 = arith.select %ge3A_598, %max3A_595, %broadcast_in_dim3A_600 : vector<16x72x128xi1>, vector<16x72x128xf32>
    %sub3A_602 = arith.subf %add3A_354, %sub3A_346 : vector<16x72x128xf32>
    %sub3A_603 = arith.subf %add3A_358, %sub3A_350 : vector<16x72x128xf32>
    %mul3A_604 = arith.mulf %sub3A_602, %sub3A_603 : vector<16x72x128xf32>
    %iota3A = tpu.iota {dimensions = array<i32: 1>} : vector<1x72x1xi32>
    %iota3A_605 = tpu.iota {dimensions = array<i32: 2>} : vector<1x1x128xi32>
    %broadcast_in_dim3A_606 = arith.constant 0.000000e+00 : f32
    %broadcast_in_dim3A_607 = vector.broadcast %broadcast_in_dim3A_606 : f32 to vector<16x32x128xf32>
    %swap3A = arith.constant 0 : index
    %swap3A_608 = arith.constant 0 : index
    %swap3A_609 = arith.constant 0 : index
    %swap3A_610 = vector.load %arg4[%swap3A, %swap3A_608, %swap3A_609] : memref<16x32x128xf32, #tpu.memory_space<vmem>>, vector<16x32x128xf32>
    tpu.vector_store %arg4[%swap3A, %swap3A_608, %swap3A_609], %broadcast_in_dim3A_607 {strides = array<i32>} : memref<16x32x128xf32, #tpu.memory_space<vmem>>, vector<16x32x128xf32>,
    %scan3A = arith.constant 0 : i32
    %scan3A_611 = arith.constant 30 : i32
    %scan3A_612 = arith.addi %scan3A, %scan3A_611 : i32
    %scan3A_613 = arith.constant 1 : i32
    %scan3A_614:2 = scf.for %scan3A_637 = %scan3A to %scan3A_612 step %scan3A_613 iter_args(%scan3A_638 = %select_n3A_297, %scan3A_639 = %select_n3A_601) -> (vector<16x72x128xf32>, vector<16x72x128xf32>)  : i32 {
      %reduce_max3A = arith.constant dense<0xFF800000> : vector<16x72xf32>
      %reduce_max3A_640 = vector.multi_reduction <maximumf>, %scan3A_638, %reduce_max3A [2] : vector<16x72x128xf32> to vector<16x72xf32>
      %broadcast_in_dim3A_641 = vector.shape_cast %reduce_max3A_640 : vector<16x72xf32> to vector<16x72x1xf32>
      %reduce_max3A_642 = arith.constant dense<0xFF800000> : vector<16x1xf32>
      %reduce_max3A_643 = vector.multi_reduction <maximumf>, %broadcast_in_dim3A_641, %reduce_max3A_642 [1] : vector<16x72x1xf32> to vector<16x1xf32>
      %broadcast_in_dim3A_644 = vector.shape_cast %reduce_max3A_643 : vector<16x1xf32> to vector<16x1x1xf32>
      %eq3A_645 = vector.broadcast %broadcast_in_dim3A_644 : vector<16x1x1xf32> to vector<16x72x1xf32>
      %eq3A_646 = arith.cmpf oeq, %broadcast_in_dim3A_641, %eq3A_645 : vector<16x72x1xf32>
      %jit3A_647 = arith.constant 1073741824 : i32
      %broadcast_in_dim3A_648 = vector.shape_cast %iota3A : vector<1x72x1xi32> to vector<1x72x1xi32>
      %broadcast_in_dim3A_649 = vector.broadcast %broadcast_in_dim3A_648 : vector<1x72x1xi32> to vector<16x72x1xi32>
      %broadcast_in_dim3A_650 = vector.broadcast %jit3A_647 : i32 to vector<16x72x1xi32>
      %select_n3A_651 = arith.select %eq3A_646, %broadcast_in_dim3A_649, %broadcast_in_dim3A_650 : vector<16x72x1xi1>, vector<16x72x1xi32>
      %reduce_min3A = arith.constant dense<2147483647> : vector<16x1xi32>
      %reduce_min3A_652 = vector.multi_reduction <minsi>, %select_n3A_651, %reduce_min3A [1] : vector<16x72x1xi32> to vector<16x1xi32>
      %broadcast_in_dim3A_653 = vector.shape_cast %reduce_min3A_652 : vector<16x1xi32> to vector<16x1x1xi32>
      %eq3A_654 = vector.broadcast %iota3A : vector<1x72x1xi32> to vector<16x72x1xi32>
      %eq3A_655 = vector.broadcast %broadcast_in_dim3A_653 : vector<16x1x1xi32> to vector<16x72x1xi32>
      %eq3A_656 = arith.cmpi eq, %eq3A_654, %eq3A_655 : vector<16x72x1xi32>
      %jit3A_657 = arith.constant 0.000000e+00 : f32
      %broadcast_in_dim3A_658 = vector.shape_cast %eq3A_656 : vector<16x72x1xi1> to vector<16x72x1xi1>
      %broadcast_in_dim3A_659 = vector.broadcast %broadcast_in_dim3A_658 : vector<16x72x1xi1> to vector<16x72x128xi1>
      %broadcast_in_dim3A_660 = vector.broadcast %jit3A_657 : f32 to vector<16x72x128xf32>
      %select_n3A_661 = arith.select %broadcast_in_dim3A_659, %scan3A_638, %broadcast_in_dim3A_660 : vector<16x72x128xi1>, vector<16x72x128xf32>
      %reduce_sum3A_662 = arith.constant dense<0.000000e+00> : vector<16x128xf32>
      %reduce_sum3A_663 = vector.multi_reduction <add>, %select_n3A_661, %reduce_sum3A_662 [1] : vector<16x72x128xf32> to vector<16x128xf32>
      %broadcast_in_dim3A_664 = vector.shape_cast %reduce_sum3A_663 : vector<16x128xf32> to vector<16x1x128xf32>
      %eq3A_665 = vector.broadcast %broadcast_in_dim3A_644 : vector<16x1x1xf32> to vector<16x1x128xf32>
      %eq3A_666 = arith.cmpf oeq, %broadcast_in_dim3A_664, %eq3A_665 : vector<16x1x128xf32>
      %jit3A_667 = arith.constant 1073741824 : i32
      %broadcast_in_dim3A_668 = vector.shape_cast %iota3A_605 : vector<1x1x128xi32> to vector<1x1x128xi32>
      %broadcast_in_dim3A_669 = vector.broadcast %broadcast_in_dim3A_668 : vector<1x1x128xi32> to vector<16x1x128xi32>
      %broadcast_in_dim3A_670 = vector.broadcast %jit3A_667 : i32 to vector<16x1x128xi32>
      %select_n3A_671 = arith.select %eq3A_666, %broadcast_in_dim3A_669, %broadcast_in_dim3A_670 : vector<16x1x128xi1>, vector<16x1x128xi32>
      %reduce_min3A_672 = arith.constant dense<2147483647> : vector<16x1xi32>
      %reduce_min3A_673 = vector.multi_reduction <minsi>, %select_n3A_671, %reduce_min3A_672 [2] : vector<16x1x128xi32> to vector<16x1xi32>
      %broadcast_in_dim3A_674 = vector.shape_cast %reduce_min3A_673 : vector<16x1xi32> to vector<16x1x1xi32>
      %reduce_max3A_675 = arith.constant dense<0xFF800000> : vector<16x72xf32>
      %reduce_max3A_676 = vector.multi_reduction <maximumf>, %scan3A_639, %reduce_max3A_675 [2] : vector<16x72x128xf32> to vector<16x72xf32>
      %broadcast_in_dim3A_677 = vector.shape_cast %reduce_max3A_676 : vector<16x72xf32> to vector<16x72x1xf32>
      %reduce_max3A_678 = arith.constant dense<0xFF800000> : vector<16x1xf32>
      %reduce_max3A_679 = vector.multi_reduction <maximumf>, %broadcast_in_dim3A_677, %reduce_max3A_678 [1] : vector<16x72x1xf32> to vector<16x1xf32>
      %broadcast_in_dim3A_680 = vector.shape_cast %reduce_max3A_679 : vector<16x1xf32> to vector<16x1x1xf32>
      %eq3A_681 = vector.broadcast %broadcast_in_dim3A_680 : vector<16x1x1xf32> to vector<16x72x1xf32>
      %eq3A_682 = arith.cmpf oeq, %broadcast_in_dim3A_677, %eq3A_681 : vector<16x72x1xf32>
      %jit3A_683 = arith.constant 1073741824 : i32
      %broadcast_in_dim3A_684 = vector.shape_cast %iota3A : vector<1x72x1xi32> to vector<1x72x1xi32>
      %broadcast_in_dim3A_685 = vector.broadcast %broadcast_in_dim3A_684 : vector<1x72x1xi32> to vector<16x72x1xi32>
      %broadcast_in_dim3A_686 = vector.broadcast %jit3A_683 : i32 to vector<16x72x1xi32>
      %select_n3A_687 = arith.select %eq3A_682, %broadcast_in_dim3A_685, %broadcast_in_dim3A_686 : vector<16x72x1xi1>, vector<16x72x1xi32>
      %reduce_min3A_688 = arith.constant dense<2147483647> : vector<16x1xi32>
      %reduce_min3A_689 = vector.multi_reduction <minsi>, %select_n3A_687, %reduce_min3A_688 [1] : vector<16x72x1xi32> to vector<16x1xi32>
      %broadcast_in_dim3A_690 = vector.shape_cast %reduce_min3A_689 : vector<16x1xi32> to vector<16x1x1xi32>
      %eq3A_691 = vector.broadcast %iota3A : vector<1x72x1xi32> to vector<16x72x1xi32>
      %eq3A_692 = vector.broadcast %broadcast_in_dim3A_690 : vector<16x1x1xi32> to vector<16x72x1xi32>
      %eq3A_693 = arith.cmpi eq, %eq3A_691, %eq3A_692 : vector<16x72x1xi32>
      %jit3A_694 = arith.constant 0.000000e+00 : f32
      %broadcast_in_dim3A_695 = vector.shape_cast %eq3A_693 : vector<16x72x1xi1> to vector<16x72x1xi1>
      %broadcast_in_dim3A_696 = vector.broadcast %broadcast_in_dim3A_695 : vector<16x72x1xi1> to vector<16x72x128xi1>
      %broadcast_in_dim3A_697 = vector.broadcast %jit3A_694 : f32 to vector<16x72x128xf32>
      %select_n3A_698 = arith.select %broadcast_in_dim3A_696, %scan3A_639, %broadcast_in_dim3A_697 : vector<16x72x128xi1>, vector<16x72x128xf32>
      %reduce_sum3A_699 = arith.constant dense<0.000000e+00> : vector<16x128xf32>
      %reduce_sum3A_700 = vector.multi_reduction <add>, %select_n3A_698, %reduce_sum3A_699 [1] : vector<16x72x128xf32> to vector<16x128xf32>
      %broadcast_in_dim3A_701 = vector.shape_cast %reduce_sum3A_700 : vector<16x128xf32> to vector<16x1x128xf32>
      %eq3A_702 = vector.broadcast %broadcast_in_dim3A_680 : vector<16x1x1xf32> to vector<16x1x128xf32>
      %eq3A_703 = arith.cmpf oeq, %broadcast_in_dim3A_701, %eq3A_702 : vector<16x1x128xf32>
      %jit3A_704 = arith.constant 1073741824 : i32
      %broadcast_in_dim3A_705 = vector.shape_cast %iota3A_605 : vector<1x1x128xi32> to vector<1x1x128xi32>
      %broadcast_in_dim3A_706 = vector.broadcast %broadcast_in_dim3A_705 : vector<1x1x128xi32> to vector<16x1x128xi32>
      %broadcast_in_dim3A_707 = vector.broadcast %jit3A_704 : i32 to vector<16x1x128xi32>
      %select_n3A_708 = arith.select %eq3A_703, %broadcast_in_dim3A_706, %broadcast_in_dim3A_707 : vector<16x1x128xi1>, vector<16x1x128xi32>
      %reduce_min3A_709 = arith.constant dense<2147483647> : vector<16x1xi32>
      %reduce_min3A_710 = vector.multi_reduction <minsi>, %select_n3A_708, %reduce_min3A_709 [2] : vector<16x1x128xi32> to vector<16x1xi32>
      %broadcast_in_dim3A_711 = vector.shape_cast %reduce_min3A_710 : vector<16x1xi32> to vector<16x1x1xi32>
      %max3A_712 = arith.maximumf %broadcast_in_dim3A_644, %broadcast_in_dim3A_680 : vector<16x1x1xf32>
      %eq3A_713 = arith.cmpf oeq, %broadcast_in_dim3A_644, %max3A_712 : vector<16x1x1xf32>
      %mul3A_714 = arith.constant 128 : i32
      %mul3A_715 = vector.broadcast %mul3A_714 : i32 to vector<16x1x1xi32>
      %mul3A_716 = arith.muli %broadcast_in_dim3A_653, %mul3A_715 : vector<16x1x1xi32>
      %add3A_717 = arith.addi %mul3A_716, %broadcast_in_dim3A_674 : vector<16x1x1xi32>
      %mul3A_718 = arith.constant 2 : i32
      %mul3A_719 = vector.broadcast %mul3A_718 : i32 to vector<16x1x1xi32>
      %mul3A_720 = arith.muli %add3A_717, %mul3A_719 : vector<16x1x1xi32>
      %jit3A_721 = arith.constant 1073741824 : i32
      %broadcast_in_dim3A_722 = vector.broadcast %jit3A_721 : i32 to vector<16x1x1xi32>
      %select_n3A_723 = arith.select %eq3A_713, %mul3A_720, %broadcast_in_dim3A_722 : vector<16x1x1xi1>, vector<16x1x1xi32>
      %eq3A_724 = arith.cmpf oeq, %broadcast_in_dim3A_680, %max3A_712 : vector<16x1x1xf32>
      %mul3A_725 = arith.constant 128 : i32
      %mul3A_726 = vector.broadcast %mul3A_725 : i32 to vector<16x1x1xi32>
      %mul3A_727 = arith.muli %broadcast_in_dim3A_690, %mul3A_726 : vector<16x1x1xi32>
      %add3A_728 = arith.addi %mul3A_727, %broadcast_in_dim3A_711 : vector<16x1x1xi32>
      %mul3A_729 = arith.constant 2 : i32
      %mul3A_730 = vector.broadcast %mul3A_729 : i32 to vector<16x1x1xi32>
      %mul3A_731 = arith.muli %add3A_728, %mul3A_730 : vector<16x1x1xi32>
      %add3A_732 = arith.constant 1 : i32
      %add3A_733 = vector.broadcast %add3A_732 : i32 to vector<16x1x1xi32>
      %add3A_734 = arith.addi %mul3A_731, %add3A_733 : vector<16x1x1xi32>
      %jit3A_735 = arith.constant 1073741824 : i32
      %broadcast_in_dim3A_736 = vector.broadcast %jit3A_735 : i32 to vector<16x1x1xi32>
      %select_n3A_737 = arith.select %eq3A_724, %add3A_734, %broadcast_in_dim3A_736 : vector<16x1x1xi1>, vector<16x1x1xi32>
      %min3A = arith.minsi %select_n3A_723, %select_n3A_737 : vector<16x1x1xi32>
      %eq3A_738 = arith.cmpi eq, %min3A, %select_n3A_723 : vector<16x1x1xi32>
      %gt3A_739 = arith.constant 0xFF800000 : f32
      %gt3A_740 = vector.broadcast %gt3A_739 : f32 to vector<16x1x1xf32>
      %gt3A_741 = arith.cmpf ogt, %max3A_712, %gt3A_740 : vector<16x1x1xf32>
      %eq3A_742 = vector.broadcast %iota3A_605 : vector<1x1x128xi32> to vector<16x1x128xi32>
      %eq3A_743 = vector.broadcast %broadcast_in_dim3A_674 : vector<16x1x1xi32> to vector<16x1x128xi32>
      %eq3A_744 = arith.cmpi eq, %eq3A_742, %eq3A_743 : vector<16x1x128xi32>
      %eq3A_745 = vector.broadcast %iota3A_605 : vector<1x1x128xi32> to vector<16x1x128xi32>
      %eq3A_746 = vector.broadcast %broadcast_in_dim3A_711 : vector<16x1x1xi32> to vector<16x1x128xi32>
      %eq3A_747 = arith.cmpi eq, %eq3A_745, %eq3A_746 : vector<16x1x128xi32>
      %jit3A_748 = arith.constant 0.000000e+00 : f32
      %broadcast_in_dim3A_749 = vector.shape_cast %eq3A_656 : vector<16x72x1xi1> to vector<16x72x1xi1>
      %broadcast_in_dim3A_750 = vector.broadcast %broadcast_in_dim3A_749 : vector<16x72x1xi1> to vector<16x72x128xi1>
      %broadcast_in_dim3A_751 = vector.broadcast %jit3A_748 : f32 to vector<16x72x128xf32>
      %select_n3A_752 = arith.select %broadcast_in_dim3A_750, %sub3A, %broadcast_in_dim3A_751 : vector<16x72x128xi1>, vector<16x72x128xf32>
      %reduce_sum3A_753 = arith.constant dense<0.000000e+00> : vector<16x128xf32>
      %reduce_sum3A_754 = vector.multi_reduction <add>, %select_n3A_752, %reduce_sum3A_753 [1] : vector<16x72x128xf32> to vector<16x128xf32>
      %broadcast_in_dim3A_755 = vector.shape_cast %reduce_sum3A_754 : vector<16x128xf32> to vector<16x1x128xf32>
      %jit3A_756 = arith.constant 0.000000e+00 : f32
      %broadcast_in_dim3A_757 = vector.shape_cast %eq3A_693 : vector<16x72x1xi1> to vector<16x72x1xi1>
      %broadcast_in_dim3A_758 = vector.broadcast %broadcast_in_dim3A_757 : vector<16x72x1xi1> to vector<16x72x128xi1>
      %broadcast_in_dim3A_759 = vector.broadcast %jit3A_756 : f32 to vector<16x72x128xf32>
      %select_n3A_760 = arith.select %broadcast_in_dim3A_758, %sub3A_346, %broadcast_in_dim3A_759 : vector<16x72x128xi1>, vector<16x72x128xf32>
      %reduce_sum3A_761 = arith.constant dense<0.000000e+00> : vector<16x128xf32>
      %reduce_sum3A_762 = vector.multi_reduction <add>, %select_n3A_760, %reduce_sum3A_761 [1] : vector<16x72x128xf32> to vector<16x128xf32>
      %broadcast_in_dim3A_763 = vector.shape_cast %reduce_sum3A_762 : vector<16x128xf32> to vector<16x1x128xf32>
      %jit3A_764 = arith.constant 0.000000e+00 : f32
      %broadcast_in_dim3A_765 = vector.broadcast %jit3A_764 : f32 to vector<16x1x128xf32>
      %select_n3A_766 = arith.select %eq3A_744, %broadcast_in_dim3A_755, %broadcast_in_dim3A_765 : vector<16x1x128xi1>, vector<16x1x128xf32>
      %reduce_sum3A_767 = arith.constant dense<0.000000e+00> : vector<16x1xf32>
      %reduce_sum3A_768 = vector.multi_reduction <add>, %select_n3A_766, %reduce_sum3A_767 [2] : vector<16x1x128xf32> to vector<16x1xf32>
      %broadcast_in_dim3A_769 = vector.shape_cast %reduce_sum3A_768 : vector<16x1xf32> to vector<16x1x1xf32>
      %jit3A_770 = arith.constant 0.000000e+00 : f32
      %broadcast_in_dim3A_771 = vector.broadcast %jit3A_770 : f32 to vector<16x1x128xf32>
      %select_n3A_772 = arith.select %eq3A_747, %broadcast_in_dim3A_763, %broadcast_in_dim3A_771 : vector<16x1x128xi1>, vector<16x1x128xf32>
      %reduce_sum3A_773 = arith.constant dense<0.000000e+00> : vector<16x1xf32>
      %reduce_sum3A_774 = vector.multi_reduction <add>, %select_n3A_772, %reduce_sum3A_773 [2] : vector<16x1x128xf32> to vector<16x1xf32>
      %broadcast_in_dim3A_775 = vector.shape_cast %reduce_sum3A_774 : vector<16x1xf32> to vector<16x1x1xf32>
      %select_n3A_776 = arith.select %eq3A_738, %broadcast_in_dim3A_769, %broadcast_in_dim3A_775 : vector<16x1x1xi1>, vector<16x1x1xf32>
      %jit3A_777 = arith.constant 0.000000e+00 : f32
      %broadcast_in_dim3A_778 = vector.shape_cast %eq3A_656 : vector<16x72x1xi1> to vector<16x72x1xi1>
      %broadcast_in_dim3A_779 = vector.broadcast %broadcast_in_dim3A_778 : vector<16x72x1xi1> to vector<16x72x128xi1>
      %broadcast_in_dim3A_780 = vector.broadcast %jit3A_777 : f32 to vector<16x72x128xf32>
      %select_n3A_781 = arith.select %broadcast_in_dim3A_779, %sub3A_51, %broadcast_in_dim3A_780 : vector<16x72x128xi1>, vector<16x72x128xf32>
      %reduce_sum3A_782 = arith.constant dense<0.000000e+00> : vector<16x128xf32>
      %reduce_sum3A_783 = vector.multi_reduction <add>, %select_n3A_781, %reduce_sum3A_782 [1] : vector<16x72x128xf32> to vector<16x128xf32>
      %broadcast_in_dim3A_784 = vector.shape_cast %reduce_sum3A_783 : vector<16x128xf32> to vector<16x1x128xf32>
      %jit3A_785 = arith.constant 0.000000e+00 : f32
      %broadcast_in_dim3A_786 = vector.shape_cast %eq3A_693 : vector<16x72x1xi1> to vector<16x72x1xi1>
      %broadcast_in_dim3A_787 = vector.broadcast %broadcast_in_dim3A_786 : vector<16x72x1xi1> to vector<16x72x128xi1>
      %broadcast_in_dim3A_788 = vector.broadcast %jit3A_785 : f32 to vector<16x72x128xf32>
      %select_n3A_789 = arith.select %broadcast_in_dim3A_787, %sub3A_350, %broadcast_in_dim3A_788 : vector<16x72x128xi1>, vector<16x72x128xf32>
      %reduce_sum3A_790 = arith.constant dense<0.000000e+00> : vector<16x128xf32>
      %reduce_sum3A_791 = vector.multi_reduction <add>, %select_n3A_789, %reduce_sum3A_790 [1] : vector<16x72x128xf32> to vector<16x128xf32>
      %broadcast_in_dim3A_792 = vector.shape_cast %reduce_sum3A_791 : vector<16x128xf32> to vector<16x1x128xf32>
      %jit3A_793 = arith.constant 0.000000e+00 : f32
      %broadcast_in_dim3A_794 = vector.broadcast %jit3A_793 : f32 to vector<16x1x128xf32>
      %select_n3A_795 = arith.select %eq3A_744, %broadcast_in_dim3A_784, %broadcast_in_dim3A_794 : vector<16x1x128xi1>, vector<16x1x128xf32>
      %reduce_sum3A_796 = arith.constant dense<0.000000e+00> : vector<16x1xf32>
      %reduce_sum3A_797 = vector.multi_reduction <add>, %select_n3A_795, %reduce_sum3A_796 [2] : vector<16x1x128xf32> to vector<16x1xf32>
      %broadcast_in_dim3A_798 = vector.shape_cast %reduce_sum3A_797 : vector<16x1xf32> to vector<16x1x1xf32>
      %jit3A_799 = arith.constant 0.000000e+00 : f32
      %broadcast_in_dim3A_800 = vector.broadcast %jit3A_799 : f32 to vector<16x1x128xf32>
      %select_n3A_801 = arith.select %eq3A_747, %broadcast_in_dim3A_792, %broadcast_in_dim3A_800 : vector<16x1x128xi1>, vector<16x1x128xf32>
      %reduce_sum3A_802 = arith.constant dense<0.000000e+00> : vector<16x1xf32>
      %reduce_sum3A_803 = vector.multi_reduction <add>, %select_n3A_801, %reduce_sum3A_802 [2] : vector<16x1x128xf32> to vector<16x1xf32>
      %broadcast_in_dim3A_804 = vector.shape_cast %reduce_sum3A_803 : vector<16x1xf32> to vector<16x1x1xf32>
      %select_n3A_805 = arith.select %eq3A_738, %broadcast_in_dim3A_798, %broadcast_in_dim3A_804 : vector<16x1x1xi1>, vector<16x1x1xf32>
      %jit3A_806 = arith.constant 0.000000e+00 : f32
      %broadcast_in_dim3A_807 = vector.shape_cast %eq3A_656 : vector<16x72x1xi1> to vector<16x72x1xi1>
      %broadcast_in_dim3A_808 = vector.broadcast %broadcast_in_dim3A_807 : vector<16x72x1xi1> to vector<16x72x128xi1>
      %broadcast_in_dim3A_809 = vector.broadcast %jit3A_806 : f32 to vector<16x72x128xf32>
      %select_n3A_810 = arith.select %broadcast_in_dim3A_808, %add3A_55, %broadcast_in_dim3A_809 : vector<16x72x128xi1>, vector<16x72x128xf32>
      %reduce_sum3A_811 = arith.constant dense<0.000000e+00> : vector<16x128xf32>
      %reduce_sum3A_812 = vector.multi_reduction <add>, %select_n3A_810, %reduce_sum3A_811 [1] : vector<16x72x128xf32> to vector<16x128xf32>
      %broadcast_in_dim3A_813 = vector.shape_cast %reduce_sum3A_812 : vector<16x128xf32> to vector<16x1x128xf32>
      %jit3A_814 = arith.constant 0.000000e+00 : f32
      %broadcast_in_dim3A_815 = vector.shape_cast %eq3A_693 : vector<16x72x1xi1> to vector<16x72x1xi1>
      %broadcast_in_dim3A_816 = vector.broadcast %broadcast_in_dim3A_815 : vector<16x72x1xi1> to vector<16x72x128xi1>
      %broadcast_in_dim3A_817 = vector.broadcast %jit3A_814 : f32 to vector<16x72x128xf32>
      %select_n3A_818 = arith.select %broadcast_in_dim3A_816, %add3A_354, %broadcast_in_dim3A_817 : vector<16x72x128xi1>, vector<16x72x128xf32>
      %reduce_sum3A_819 = arith.constant dense<0.000000e+00> : vector<16x128xf32>
      %reduce_sum3A_820 = vector.multi_reduction <add>, %select_n3A_818, %reduce_sum3A_819 [1] : vector<16x72x128xf32> to vector<16x128xf32>
      %broadcast_in_dim3A_821 = vector.shape_cast %reduce_sum3A_820 : vector<16x128xf32> to vector<16x1x128xf32>
      %jit3A_822 = arith.constant 0.000000e+00 : f32
      %broadcast_in_dim3A_823 = vector.broadcast %jit3A_822 : f32 to vector<16x1x128xf32>
      %select_n3A_824 = arith.select %eq3A_744, %broadcast_in_dim3A_813, %broadcast_in_dim3A_823 : vector<16x1x128xi1>, vector<16x1x128xf32>
      %reduce_sum3A_825 = arith.constant dense<0.000000e+00> : vector<16x1xf32>
      %reduce_sum3A_826 = vector.multi_reduction <add>, %select_n3A_824, %reduce_sum3A_825 [2] : vector<16x1x128xf32> to vector<16x1xf32>
      %broadcast_in_dim3A_827 = vector.shape_cast %reduce_sum3A_826 : vector<16x1xf32> to vector<16x1x1xf32>
      %jit3A_828 = arith.constant 0.000000e+00 : f32
      %broadcast_in_dim3A_829 = vector.broadcast %jit3A_828 : f32 to vector<16x1x128xf32>
      %select_n3A_830 = arith.select %eq3A_747, %broadcast_in_dim3A_821, %broadcast_in_dim3A_829 : vector<16x1x128xi1>, vector<16x1x128xf32>
      %reduce_sum3A_831 = arith.constant dense<0.000000e+00> : vector<16x1xf32>
      %reduce_sum3A_832 = vector.multi_reduction <add>, %select_n3A_830, %reduce_sum3A_831 [2] : vector<16x1x128xf32> to vector<16x1xf32>
      %broadcast_in_dim3A_833 = vector.shape_cast %reduce_sum3A_832 : vector<16x1xf32> to vector<16x1x1xf32>
      %select_n3A_834 = arith.select %eq3A_738, %broadcast_in_dim3A_827, %broadcast_in_dim3A_833 : vector<16x1x1xi1>, vector<16x1x1xf32>
      %jit3A_835 = arith.constant 0.000000e+00 : f32
      %broadcast_in_dim3A_836 = vector.shape_cast %eq3A_656 : vector<16x72x1xi1> to vector<16x72x1xi1>
      %broadcast_in_dim3A_837 = vector.broadcast %broadcast_in_dim3A_836 : vector<16x72x1xi1> to vector<16x72x128xi1>
      %broadcast_in_dim3A_838 = vector.broadcast %jit3A_835 : f32 to vector<16x72x128xf32>
      %select_n3A_839 = arith.select %broadcast_in_dim3A_837, %add3A_59, %broadcast_in_dim3A_838 : vector<16x72x128xi1>, vector<16x72x128xf32>
      %reduce_sum3A_840 = arith.constant dense<0.000000e+00> : vector<16x128xf32>
      %reduce_sum3A_841 = vector.multi_reduction <add>, %select_n3A_839, %reduce_sum3A_840 [1] : vector<16x72x128xf32> to vector<16x128xf32>
      %broadcast_in_dim3A_842 = vector.shape_cast %reduce_sum3A_841 : vector<16x128xf32> to vector<16x1x128xf32>
      %jit3A_843 = arith.constant 0.000000e+00 : f32
      %broadcast_in_dim3A_844 = vector.shape_cast %eq3A_693 : vector<16x72x1xi1> to vector<16x72x1xi1>
      %broadcast_in_dim3A_845 = vector.broadcast %broadcast_in_dim3A_844 : vector<16x72x1xi1> to vector<16x72x128xi1>
      %broadcast_in_dim3A_846 = vector.broadcast %jit3A_843 : f32 to vector<16x72x128xf32>
      %select_n3A_847 = arith.select %broadcast_in_dim3A_845, %add3A_358, %broadcast_in_dim3A_846 : vector<16x72x128xi1>, vector<16x72x128xf32>
      %reduce_sum3A_848 = arith.constant dense<0.000000e+00> : vector<16x128xf32>
      %reduce_sum3A_849 = vector.multi_reduction <add>, %select_n3A_847, %reduce_sum3A_848 [1] : vector<16x72x128xf32> to vector<16x128xf32>
      %broadcast_in_dim3A_850 = vector.shape_cast %reduce_sum3A_849 : vector<16x128xf32> to vector<16x1x128xf32>
      %jit3A_851 = arith.constant 0.000000e+00 : f32
      %broadcast_in_dim3A_852 = vector.broadcast %jit3A_851 : f32 to vector<16x1x128xf32>
      %select_n3A_853 = arith.select %eq3A_744, %broadcast_in_dim3A_842, %broadcast_in_dim3A_852 : vector<16x1x128xi1>, vector<16x1x128xf32>
      %reduce_sum3A_854 = arith.constant dense<0.000000e+00> : vector<16x1xf32>
      %reduce_sum3A_855 = vector.multi_reduction <add>, %select_n3A_853, %reduce_sum3A_854 [2] : vector<16x1x128xf32> to vector<16x1xf32>
      %broadcast_in_dim3A_856 = vector.shape_cast %reduce_sum3A_855 : vector<16x1xf32> to vector<16x1x1xf32>
      %jit3A_857 = arith.constant 0.000000e+00 : f32
      %broadcast_in_dim3A_858 = vector.broadcast %jit3A_857 : f32 to vector<16x1x128xf32>
      %select_n3A_859 = arith.select %eq3A_747, %broadcast_in_dim3A_850, %broadcast_in_dim3A_858 : vector<16x1x128xi1>, vector<16x1x128xf32>
      %reduce_sum3A_860 = arith.constant dense<0.000000e+00> : vector<16x1xf32>
      %reduce_sum3A_861 = vector.multi_reduction <add>, %select_n3A_859, %reduce_sum3A_860 [2] : vector<16x1x128xf32> to vector<16x1xf32>
      %broadcast_in_dim3A_862 = vector.shape_cast %reduce_sum3A_861 : vector<16x1xf32> to vector<16x1x1xf32>
      %select_n3A_863 = arith.select %eq3A_738, %broadcast_in_dim3A_856, %broadcast_in_dim3A_862 : vector<16x1x1xi1>, vector<16x1x1xf32>
      %jit3A_864 = arith.constant 0.000000e+00 : f32
      %broadcast_in_dim3A_865 = vector.shape_cast %eq3A_656 : vector<16x72x1xi1> to vector<16x72x1xi1>
      %broadcast_in_dim3A_866 = vector.broadcast %broadcast_in_dim3A_865 : vector<16x72x1xi1> to vector<16x72x128xi1>
      %broadcast_in_dim3A_867 = vector.broadcast %jit3A_864 : f32 to vector<16x72x128xf32>
      %select_n3A_868 = arith.select %broadcast_in_dim3A_866, %select_n3A_291, %broadcast_in_dim3A_867 : vector<16x72x128xi1>, vector<16x72x128xf32>
      %reduce_sum3A_869 = arith.constant dense<0.000000e+00> : vector<16x128xf32>
      %reduce_sum3A_870 = vector.multi_reduction <add>, %select_n3A_868, %reduce_sum3A_869 [1] : vector<16x72x128xf32> to vector<16x128xf32>
      %broadcast_in_dim3A_871 = vector.shape_cast %reduce_sum3A_870 : vector<16x128xf32> to vector<16x1x128xf32>
      %jit3A_872 = arith.constant 0.000000e+00 : f32
      %broadcast_in_dim3A_873 = vector.shape_cast %eq3A_693 : vector<16x72x1xi1> to vector<16x72x1xi1>
      %broadcast_in_dim3A_874 = vector.broadcast %broadcast_in_dim3A_873 : vector<16x72x1xi1> to vector<16x72x128xi1>
      %broadcast_in_dim3A_875 = vector.broadcast %jit3A_872 : f32 to vector<16x72x128xf32>
      %select_n3A_876 = arith.select %broadcast_in_dim3A_874, %select_n3A_594, %broadcast_in_dim3A_875 : vector<16x72x128xi1>, vector<16x72x128xf32>
      %reduce_sum3A_877 = arith.constant dense<0.000000e+00> : vector<16x128xf32>
      %reduce_sum3A_878 = vector.multi_reduction <add>, %select_n3A_876, %reduce_sum3A_877 [1] : vector<16x72x128xf32> to vector<16x128xf32>
      %broadcast_in_dim3A_879 = vector.shape_cast %reduce_sum3A_878 : vector<16x128xf32> to vector<16x1x128xf32>
      %jit3A_880 = arith.constant 0.000000e+00 : f32
      %broadcast_in_dim3A_881 = vector.broadcast %jit3A_880 : f32 to vector<16x1x128xf32>
      %select_n3A_882 = arith.select %eq3A_744, %broadcast_in_dim3A_871, %broadcast_in_dim3A_881 : vector<16x1x128xi1>, vector<16x1x128xf32>
      %reduce_sum3A_883 = arith.constant dense<0.000000e+00> : vector<16x1xf32>
      %reduce_sum3A_884 = vector.multi_reduction <add>, %select_n3A_882, %reduce_sum3A_883 [2] : vector<16x1x128xf32> to vector<16x1xf32>
      %broadcast_in_dim3A_885 = vector.shape_cast %reduce_sum3A_884 : vector<16x1xf32> to vector<16x1x1xf32>
      %jit3A_886 = arith.constant 0.000000e+00 : f32
      %broadcast_in_dim3A_887 = vector.broadcast %jit3A_886 : f32 to vector<16x1x128xf32>
      %select_n3A_888 = arith.select %eq3A_747, %broadcast_in_dim3A_879, %broadcast_in_dim3A_887 : vector<16x1x128xi1>, vector<16x1x128xf32>
      %reduce_sum3A_889 = arith.constant dense<0.000000e+00> : vector<16x1xf32>
      %reduce_sum3A_890 = vector.multi_reduction <add>, %select_n3A_888, %reduce_sum3A_889 [2] : vector<16x1x128xf32> to vector<16x1xf32>
      %broadcast_in_dim3A_891 = vector.shape_cast %reduce_sum3A_890 : vector<16x1xf32> to vector<16x1x1xf32>
      %select_n3A_892 = arith.select %eq3A_738, %broadcast_in_dim3A_885, %broadcast_in_dim3A_891 : vector<16x1x1xi1>, vector<16x1x1xf32>
      %sub3A_893 = arith.subf %select_n3A_834, %select_n3A_776 : vector<16x1x1xf32>
      %sub3A_894 = arith.subf %select_n3A_863, %select_n3A_805 : vector<16x1x1xf32>
      %mul3A_895 = arith.mulf %sub3A_893, %sub3A_894 : vector<16x1x1xf32>
      %max3A_896 = vector.broadcast %select_n3A_776 : vector<16x1x1xf32> to vector<16x72x128xf32>
      %max3A_897 = arith.maximumf %max3A_896, %sub3A : vector<16x72x128xf32>
      %max3A_898 = vector.broadcast %select_n3A_805 : vector<16x1x1xf32> to vector<16x72x128xf32>
      %max3A_899 = arith.maximumf %max3A_898, %sub3A_51 : vector<16x72x128xf32>
      %min3A_900 = vector.broadcast %select_n3A_834 : vector<16x1x1xf32> to vector<16x72x128xf32>
      %min3A_901 = arith.minimumf %min3A_900, %add3A_55 : vector<16x72x128xf32>
      %min3A_902 = vector.broadcast %select_n3A_863 : vector<16x1x1xf32> to vector<16x72x128xf32>
      %min3A_903 = arith.minimumf %min3A_902, %add3A_59 : vector<16x72x128xf32>
      %sub3A_904 = arith.subf %min3A_901, %max3A_897 : vector<16x72x128xf32>
      %max3A_905 = arith.constant 0.000000e+00 : f32
      %max3A_906 = vector.broadcast %max3A_905 : f32 to vector<16x72x128xf32>
      %max3A_907 = arith.maximumf %sub3A_904, %max3A_906 : vector<16x72x128xf32>
      %sub3A_908 = arith.subf %min3A_903, %max3A_899 : vector<16x72x128xf32>
      %max3A_909 = arith.constant 0.000000e+00 : f32
      %max3A_910 = vector.broadcast %max3A_909 : f32 to vector<16x72x128xf32>
      %max3A_911 = arith.maximumf %sub3A_908, %max3A_910 : vector<16x72x128xf32>
      %mul3A_912 = arith.mulf %max3A_907, %max3A_911 : vector<16x72x128xf32>
      %add3A_913 = vector.broadcast %mul3A_895 : vector<16x1x1xf32> to vector<16x72x128xf32>
      %add3A_914 = arith.addf %add3A_913, %mul3A_300 : vector<16x72x128xf32>
      %sub3A_915 = arith.subf %add3A_914, %mul3A_912 : vector<16x72x128xf32>
      %max3A_916 = arith.constant 9.99999971E-10 : f32
      %max3A_917 = vector.broadcast %max3A_916 : f32 to vector<16x72x128xf32>
      %max3A_918 = arith.maximumf %sub3A_915, %max3A_917 : vector<16x72x128xf32>
      %div3A_919 = arith.divf %mul3A_912, %max3A_918 : vector<16x72x128xf32>
      %and3A = vector.broadcast %eq3A_656 : vector<16x72x1xi1> to vector<16x72x128xi1>
      %and3A_920 = vector.broadcast %eq3A_744 : vector<16x1x128xi1> to vector<16x72x128xi1>
      %and3A_921 = arith.andi %and3A, %and3A_920 : vector<16x72x128xi1>
      %and3A_922 = vector.broadcast %eq3A_738 : vector<16x1x1xi1> to vector<16x72x128xi1>
      %and3A_923 = arith.andi %and3A_922, %and3A_921 : vector<16x72x128xi1>
      %gt3A_924 = arith.constant 4.000000e-01 : f32
      %gt3A_925 = vector.broadcast %gt3A_924 : f32 to vector<16x72x128xf32>
      %gt3A_926 = arith.cmpf ogt, %div3A_919, %gt3A_925 : vector<16x72x128xf32>
      %or3A = arith.ori %gt3A_926, %and3A_923 : vector<16x72x128xi1>
      %and3A_927 = vector.broadcast %gt3A_741 : vector<16x1x1xi1> to vector<16x72x128xi1>
      %and3A_928 = arith.andi %and3A_927, %or3A : vector<16x72x128xi1>
      %jit3A_929 = arith.constant 0xFF800000 : f32
      %broadcast_in_dim3A_930 = vector.broadcast %jit3A_929 : f32 to vector<16x72x128xf32>
      %select_n3A_931 = arith.select %and3A_928, %broadcast_in_dim3A_930, %scan3A_638 : vector<16x72x128xi1>, vector<16x72x128xf32>
      %not3A = arith.constant dense<true> : vector<16x1x1xi1>
      %not3A_932 = arith.xori %eq3A_738, %not3A : vector<16x1x1xi1>
      %max3A_933 = vector.broadcast %select_n3A_776 : vector<16x1x1xf32> to vector<16x72x128xf32>
      %max3A_934 = arith.maximumf %max3A_933, %sub3A_346 : vector<16x72x128xf32>
      %max3A_935 = vector.broadcast %select_n3A_805 : vector<16x1x1xf32> to vector<16x72x128xf32>
      %max3A_936 = arith.maximumf %max3A_935, %sub3A_350 : vector<16x72x128xf32>
      %min3A_937 = vector.broadcast %select_n3A_834 : vector<16x1x1xf32> to vector<16x72x128xf32>
      %min3A_938 = arith.minimumf %min3A_937, %add3A_354 : vector<16x72x128xf32>
      %min3A_939 = vector.broadcast %select_n3A_863 : vector<16x1x1xf32> to vector<16x72x128xf32>
      %min3A_940 = arith.minimumf %min3A_939, %add3A_358 : vector<16x72x128xf32>
      %sub3A_941 = arith.subf %min3A_938, %max3A_934 : vector<16x72x128xf32>
      %max3A_942 = arith.constant 0.000000e+00 : f32
      %max3A_943 = vector.broadcast %max3A_942 : f32 to vector<16x72x128xf32>
      %max3A_944 = arith.maximumf %sub3A_941, %max3A_943 : vector<16x72x128xf32>
      %sub3A_945 = arith.subf %min3A_940, %max3A_936 : vector<16x72x128xf32>
      %max3A_946 = arith.constant 0.000000e+00 : f32
      %max3A_947 = vector.broadcast %max3A_946 : f32 to vector<16x72x128xf32>
      %max3A_948 = arith.maximumf %sub3A_945, %max3A_947 : vector<16x72x128xf32>
      %mul3A_949 = arith.mulf %max3A_944, %max3A_948 : vector<16x72x128xf32>
      %add3A_950 = vector.broadcast %mul3A_895 : vector<16x1x1xf32> to vector<16x72x128xf32>
      %add3A_951 = arith.addf %add3A_950, %mul3A_604 : vector<16x72x128xf32>
      %sub3A_952 = arith.subf %add3A_951, %mul3A_949 : vector<16x72x128xf32>
      %max3A_953 = arith.constant 9.99999971E-10 : f32
      %max3A_954 = vector.broadcast %max3A_953 : f32 to vector<16x72x128xf32>
      %max3A_955 = arith.maximumf %sub3A_952, %max3A_954 : vector<16x72x128xf32>
      %div3A_956 = arith.divf %mul3A_949, %max3A_955 : vector<16x72x128xf32>
      %and3A_957 = vector.broadcast %eq3A_693 : vector<16x72x1xi1> to vector<16x72x128xi1>
      %and3A_958 = vector.broadcast %eq3A_747 : vector<16x1x128xi1> to vector<16x72x128xi1>
      %and3A_959 = arith.andi %and3A_957, %and3A_958 : vector<16x72x128xi1>
      %and3A_960 = vector.broadcast %not3A_932 : vector<16x1x1xi1> to vector<16x72x128xi1>
      %and3A_961 = arith.andi %and3A_960, %and3A_959 : vector<16x72x128xi1>
      %gt3A_962 = arith.constant 4.000000e-01 : f32
      %gt3A_963 = vector.broadcast %gt3A_962 : f32 to vector<16x72x128xf32>
      %gt3A_964 = arith.cmpf ogt, %div3A_956, %gt3A_963 : vector<16x72x128xf32>
      %or3A_965 = arith.ori %gt3A_964, %and3A_961 : vector<16x72x128xi1>
      %and3A_966 = vector.broadcast %gt3A_741 : vector<16x1x1xi1> to vector<16x72x128xi1>
      %and3A_967 = arith.andi %and3A_966, %or3A_965 : vector<16x72x128xi1>
      %jit3A_968 = arith.constant 0xFF800000 : f32
      %broadcast_in_dim3A_969 = vector.broadcast %jit3A_968 : f32 to vector<16x72x128xf32>
      %select_n3A_970 = arith.select %and3A_967, %broadcast_in_dim3A_969, %scan3A_639 : vector<16x72x128xi1>, vector<16x72x128xf32>
      %jit3A_971 = arith.constant 0.000000e+00 : f32
      %broadcast_in_dim3A_972 = vector.broadcast %jit3A_971 : f32 to vector<16x1x1xf32>
      %select_n3A_973 = arith.select %gt3A_741, %max3A_712, %broadcast_in_dim3A_972 : vector<16x1x1xi1>, vector<16x1x1xf32>
      %concatenate3A = tpu.concatenate %select_n3A_776, %select_n3A_805, %select_n3A_834, %select_n3A_863, %select_n3A_973, %select_n3A_892 in 2 : vector<16x1x1xf32>, vector<16x1x1xf32>, vector<16x1x1xf32>, vector<16x1x1xf32>, vector<16x1x1xf32>, vector<16x1x1xf32> -> vector<16x1x6xf32>
      %jit3A_974 = arith.constant 0.000000e+00 : f32
      %broadcast_in_dim3A_975 = vector.shape_cast %gt3A_741 : vector<16x1x1xi1> to vector<16x1x1xi1>
      %broadcast_in_dim3A_976 = vector.broadcast %broadcast_in_dim3A_975 : vector<16x1x1xi1> to vector<16x1x6xi1>
      %broadcast_in_dim3A_977 = vector.broadcast %jit3A_974 : f32 to vector<16x1x6xf32>
      %select_n3A_978 = arith.select %broadcast_in_dim3A_976, %concatenate3A, %broadcast_in_dim3A_977 : vector<16x1x6xi1>, vector<16x1x6xf32>
      %broadcast_in_dim3A_979 = arith.constant 0.000000e+00 : f32
      %broadcast_in_dim3A_980 = vector.broadcast %broadcast_in_dim3A_979 : f32 to vector<16x1x122xf32>
      %concatenate3A_981 = tpu.concatenate %select_n3A_978, %broadcast_in_dim3A_980 in 2 : vector<16x1x6xf32>, vector<16x1x122xf32> -> vector<16x1x128xf32>
      %swap3A_982 = arith.constant 0 : index
      %swap3A_983 = arith.index_cast %scan3A_637 : i32 to index
      %swap3A_984 = arith.constant 0 : index
      %swap3A_985 = vector.load %arg4[%swap3A_982, %swap3A_983, %swap3A_984] : memref<16x32x128xf32, #tpu.memory_space<vmem>>, vector<16x1x128xf32>
      tpu.vector_store %arg4[%swap3A_982, %swap3A_983, %swap3A_984], %concatenate3A_981 {strides = array<i32>} : memref<16x32x128xf32, #tpu.memory_space<vmem>>, vector<16x1x128xf32>,
      scf.yield %select_n3A_931, %select_n3A_970 : vector<16x72x128xf32>, vector<16x72x128xf32>
    }
    %scan3A_615 = arith.constant 30 : i32
    %get3A_616 = arith.constant 0 : index
    %get3A_617 = arith.constant 0 : index
    %get3A_618 = arith.constant 0 : index
    %get3A_619 = vector.load %arg4[%get3A_616, %get3A_617, %get3A_618] : memref<16x32x128xf32, #tpu.memory_space<vmem>>, vector<16x32x128xf32>
    %iota3A_620 = tpu.iota {dimensions = array<i32: 2>} : vector<1x1x128xi32>
    %eq3A = arith.constant 4 : i32
    %eq3A_621 = vector.broadcast %eq3A : i32 to vector<1x1x128xi32>
    %eq3A_622 = arith.cmpi eq, %iota3A_620, %eq3A_621 : vector<1x1x128xi32>
    %jit3A_623 = arith.constant 0.000000e+00 : f32
    %broadcast_in_dim3A_624 = vector.shape_cast %eq3A_622 : vector<1x1x128xi1> to vector<1x1x128xi1>
    %broadcast_in_dim3A_625 = vector.broadcast %broadcast_in_dim3A_624 : vector<1x1x128xi1> to vector<16x32x128xi1>
    %broadcast_in_dim3A_626 = vector.broadcast %jit3A_623 : f32 to vector<16x32x128xf32>
    %select_n3A_627 = arith.select %broadcast_in_dim3A_625, %get3A_619, %broadcast_in_dim3A_626 : vector<16x32x128xi1>, vector<16x32x128xf32>
    %reduce_sum3A = arith.constant dense<0.000000e+00> : vector<16x32xf32>
    %reduce_sum3A_628 = vector.multi_reduction <add>, %select_n3A_627, %reduce_sum3A [2] : vector<16x32x128xf32> to vector<16x32xf32>
    %broadcast_in_dim3A_629 = vector.shape_cast %reduce_sum3A_628 : vector<16x32xf32> to vector<16x32x1xf32>
    %iota3A_630 = tpu.iota {dimensions = array<i32: 1>} : vector<1x32x1xi32>
    %scan3A_631 = arith.constant 0 : i32
    %scan3A_632 = arith.constant 30 : i32
    %scan3A_633 = arith.addi %scan3A_631, %scan3A_632 : i32
    %scan3A_634 = arith.constant 1 : i32
    %scan3A_635 = scf.for %scan3A_637 = %scan3A_631 to %scan3A_633 step %scan3A_634 iter_args(%scan3A_638 = %broadcast_in_dim3A_629) -> (vector<16x32x1xf32>)  : i32 {
      %reduce_max3A = arith.constant dense<0xFF800000> : vector<16x1xf32>
      %reduce_max3A_639 = vector.multi_reduction <maximumf>, %scan3A_638, %reduce_max3A [1] : vector<16x32x1xf32> to vector<16x1xf32>
      %broadcast_in_dim3A_640 = vector.shape_cast %reduce_max3A_639 : vector<16x1xf32> to vector<16x1x1xf32>
      %eq3A_641 = vector.broadcast %broadcast_in_dim3A_640 : vector<16x1x1xf32> to vector<16x32x1xf32>
      %eq3A_642 = arith.cmpf oeq, %scan3A_638, %eq3A_641 : vector<16x32x1xf32>
      %jit3A_643 = arith.constant 99 : i32
      %broadcast_in_dim3A_644 = vector.shape_cast %iota3A_630 : vector<1x32x1xi32> to vector<1x32x1xi32>
      %broadcast_in_dim3A_645 = vector.broadcast %broadcast_in_dim3A_644 : vector<1x32x1xi32> to vector<16x32x1xi32>
      %broadcast_in_dim3A_646 = vector.broadcast %jit3A_643 : i32 to vector<16x32x1xi32>
      %select_n3A_647 = arith.select %eq3A_642, %broadcast_in_dim3A_645, %broadcast_in_dim3A_646 : vector<16x32x1xi1>, vector<16x32x1xi32>
      %reduce_min3A = arith.constant dense<2147483647> : vector<16x1xi32>
      %reduce_min3A_648 = vector.multi_reduction <minsi>, %select_n3A_647, %reduce_min3A [1] : vector<16x32x1xi32> to vector<16x1xi32>
      %broadcast_in_dim3A_649 = vector.shape_cast %reduce_min3A_648 : vector<16x1xi32> to vector<16x1x1xi32>
      %eq3A_650 = vector.broadcast %iota3A_630 : vector<1x32x1xi32> to vector<16x32x1xi32>
      %eq3A_651 = vector.broadcast %broadcast_in_dim3A_649 : vector<16x1x1xi32> to vector<16x32x1xi32>
      %eq3A_652 = arith.cmpi eq, %eq3A_650, %eq3A_651 : vector<16x32x1xi32>
      %jit3A_653 = arith.constant 0.000000e+00 : f32
      %broadcast_in_dim3A_654 = vector.shape_cast %eq3A_652 : vector<16x32x1xi1> to vector<16x32x1xi1>
      %broadcast_in_dim3A_655 = vector.broadcast %broadcast_in_dim3A_654 : vector<16x32x1xi1> to vector<16x32x128xi1>
      %broadcast_in_dim3A_656 = vector.broadcast %jit3A_653 : f32 to vector<16x32x128xf32>
      %select_n3A_657 = arith.select %broadcast_in_dim3A_655, %get3A_619, %broadcast_in_dim3A_656 : vector<16x32x128xi1>, vector<16x32x128xf32>
      %reduce_sum3A_658 = arith.constant dense<0.000000e+00> : vector<16x128xf32>
      %reduce_sum3A_659 = vector.multi_reduction <add>, %select_n3A_657, %reduce_sum3A_658 [1] : vector<16x32x128xf32> to vector<16x128xf32>
      %broadcast_in_dim3A_660 = vector.shape_cast %reduce_sum3A_659 : vector<16x128xf32> to vector<16x1x128xf32>
      %swap3A_661 = arith.constant 0 : index
      %swap3A_662 = arith.index_cast %scan3A_637 : i32 to index
      %swap3A_663 = arith.constant 0 : index
      %swap3A_664 = vector.load %arg3[%swap3A_661, %swap3A_662, %swap3A_663] : memref<16x32x128xf32, #tpu.memory_space<vmem>>, vector<16x1x128xf32>
      tpu.vector_store %arg3[%swap3A_661, %swap3A_662, %swap3A_663], %broadcast_in_dim3A_660 {strides = array<i32>} : memref<16x32x128xf32, #tpu.memory_space<vmem>>, vector<16x1x128xf32>,
      %jit3A_665 = arith.constant -1.000000e+00 : f32
      %broadcast_in_dim3A_666 = vector.broadcast %jit3A_665 : f32 to vector<16x32x1xf32>
      %select_n3A_667 = arith.select %eq3A_652, %broadcast_in_dim3A_666, %scan3A_638 : vector<16x32x1xi1>, vector<16x32x1xf32>
      scf.yield %select_n3A_667 : vector<16x32x1xf32>
    }
    %scan3A_636 = arith.constant 30 : i32
    return
  }
}

</mosaic_0001>

<sc_bundles>
// kernel: kernel.4.cloned.1.call-start
scs
__scs_entry_jumppad:
0x0: {  	(pc) =	sbr.rel $0x88, $3  }
0x1: {  	(tag) =	ssettag $0x0;
	lr =	simm.s32 $0x1  }
0x2: {  	[smem:$0x3FA0] =	sst lr;
	_ =	strace $0xD0000000  }
0x3: {  	_ = 	snop  }
0x4: {  	_ = 	snop  }
0x5: {  	_ = 	snop  }
0x6: {  	_ = 	snop  }
0x7: {  	_ = 	snop  }
__scs_overlays_trampoline_lowered:
0x8: {  	[smem:$0x3FAF] =	sst s0  }
0x9: {  	[smem:$0x3FB0] =	sst s1  }
0xa: {  	[smem:$0x3FB1] =	sst s2  }
0xb: {  	[smem:$0x3FB2] =	sst s3  }
0xc: {  	[smem:$0x3FB3] =	sst s4  }
0xd: {  	[smem:$0x3FB4] =	sst s5  }
0xe: {  	[smem:$0x3FB5] =	sst s6  }
0xf: {  	[smem:$0x3FB6] =	sst s7  }
0x10: {  	[smem:$0x3FB7] =	sst s8  }
0x11: {  	[smem:$0x3FB8] =	sst s9;
	s0 =	simm.s32 @!p0 $0x0  }
0x12: {  	s1 =	sld [smem:$0x3F9E];
	s0 =	simm.s32 @p0 $0x1  }
0x13: {  	[smem:$0x3FB9] =	sst s0;
	s0 =	simm.s32 @!p1 $0x0  }
0x14: {  	s2 =	sld [smem:$0x3F9D];
	s0 =	simm.s32 @p1 $0x1  }
0x15: {  	[smem:$0x3FBA] =	sst s0;
	s0 =	simm.s32 @!p2 $0x0  }
0x16: {  	s3 =	sld [smem:$0x3FDB];
	s0 =	simm.s32 @p2 $0x1  }
0x17: {  	s4 =	simm.s32 $0x1BF5;
	[smem:$0x3FBC] =	sst s0  }
0x18: {  	s0 =	sld [smem:$0x3F9F];
	_ =	swait.ge [sflag:s4], $0x0  }
0x19: {  	s7 =	sld [smem:$0x3FA0]  }
0x1a: {  	s8 =	sadd.s32 $0xFFFFE003, lr  }
0x1b: {  	s9 =	sadd.s32 $0xFFFFFEF7, lr;
	s5 =	simm.s32 $0xFFFFFFFF;
	p2 =	slt.u32 s8, $0xFFFFF086  }
0x1c: {  	p1 =	slt.u32 s9, $0xF7A;
	s5 =	simm.s32 @!p2 $0x0  }
0x1d: {  	s5 =	simm.s32 @p1 $0x1;
	p0 =	seq.s32 s7, s2  }
0x1e: {  	s7 =	smul.u32 @!p0 $0xF7A, s2;
	p2 =	seq.s32 @!p0 s5, $0x0  }
0x1f: {  	s9 =	smul.u32 $0xF7A, s1;
	s8 =	simm.s32 @!p0 $0x1BF5;
	p2 =	por !p2, p0  }
0x20: {  	[sflag:s8] =	ssyncset.s32 @!p0 $0xFFFFF086;
	s6 =	sadd.s32 @!p0 s3, s7;
	s7 =	simm.s32 @!p0 $0x108  }
0x21: {  	s3 =	sadd.s32 s3, s9;
	s6 =	sadd.s32 @!p0 $0x88, s6;
	s7 =	simm.s32 @p2 $0x1082  }
0x22: {  	[simem:s7], [sflag:s8] =	dma.local @!p0 [hbm:s6], $0xF7A  }
0x23: {  	s9 =	sor.u32 $0xD0000000, s2;
	s6 =	simm.s32 $0x108;
	_ =	swait.ge @!p0 [sflag:s8], $0x0  }
0x24: {  	s3 =	sadd.s32 $0x88, s3;
	s6 =	simm.s32 @!p1 $0x1082;
	[sflag:s4] =	ssyncset.s32 $0xFFFFF086  }
0x25: {  	[simem:s6], [sflag:s4] =	dma.local [hbm:s3], $0xF7A  }
0x26: {  	[smem:$0x3FA0] =	sst s1;
	(tag) =	ssettag s2;
	_ =	strace s9  }
0x27: {  	s1 =	sld [smem:$0x3FB0]  }
0x28: {  	s2 =	sld [smem:$0x3FB1]  }
0x29: {  	s4 =	sld [smem:$0x3FB3]  }
0x2a: {  	p0 =	seq.s32 s5, $0x0;
	s5 =	sld [smem:$0x3FB4]  }
0x2b: {  	s6 =	sld [smem:$0x3FB5]  }
0x2c: {  	s7 =	sld [smem:$0x3FB6]  }
0x2d: {  	s3 =	simm.s32 $0x108;
	s8 =	sld [smem:$0x3FB7]  }
0x2e: {  	s3 =	simm.s32 @!p0 $0x1082;
	s9 =	sld [smem:$0x3FB8]  }
0x2f: {  	lr =	sadd.s32 s0, s3;
	s0 =	sld [smem:$0x3FAF]  }
0x30: {  	s3 =	sld [smem:$0x3FB2]  }
0x31: {  	[smem:$0x3FBB] =	sst s10  }
0x32: {  	s10 =	sld [smem:$0x3FB9];
	_ =	sdelay $0x3  }
0x33: {  	p0 =	seq.s32 s10, $0x1;
	s10 =	sld [smem:$0x3FBB];
	_ =	sdelay $0x3  }
0x34: {  	[smem:$0x3FBB] =	sst s10  }
0x35: {  	s10 =	sld [smem:$0x3FBA];
	_ =	sdelay $0x3  }
0x36: {  	p1 =	seq.s32 s10, $0x1;
	s10 =	sld [smem:$0x3FBB];
	_ =	sdelay $0x3  }
0x37: {  	[smem:$0x3FBB] =	sst s10  }
0x38: {  	s10 =	sld [smem:$0x3FBC]  }
0x39: {  	_ = 	snop;
	(pc) =	sbr.ind lr, $3  }
0x3a: {  	_ = 	snop  }
0x3b: {  	_ = 	snop  }
0x3c: {  	p2 =	seq.s32 s10, $0x1;
	s10 =	sld [smem:$0x3FBB]  }
0x3d: {  	_ =	shalt  }
0x3e: {  	_ =	shalt  }
0x3f: {  	_ =	shalt  }
0x40: {  	_ =	shalt  }
0x41: {  	_ =	shalt  }
0x42: {  	_ =	shalt  }
0x43: {  	_ =	shalt  }
0x44: {  	_ =	shalt  }
0x45: {  	_ =	shalt  }
0x46: {  	_ =	shalt  }
0x47: {  	_ =	shalt  }
0x48: {  	_ =	shalt  }
0x49: {  	_ =	shalt  }
0x4a: {  	_ =	shalt  }
0x4b: {  	_ =	shalt  }
0x4c: {  	_ =	shalt  }
0x4d: {  	_ =	shalt  }
0x4e: {  	_ =	shalt  }
0x4f: {  	_ =	shalt  }
0x50: {  	_ =	shalt  }
0x51: {  	_ =	shalt  }
0x52: {  	_ =	shalt  }
0x53: {  	_ =	shalt  }
0x54: {  	_ =	shalt  }
0x55: {  	_ =	shalt  }
0x56: {  	_ =	shalt  }
0x57: {  	_ =	shalt  }
0x58: {  	_ =	shalt  }
0x59: {  	_ =	shalt  }
0x5a: {  	_ =	shalt  }
0x5b: {  	_ =	shalt  }
0x5c: {  	_ =	shalt  }
0x5d: {  	_ =	shalt  }
0x5e: {  	_ =	shalt  }
0x5f: {  	_ =	shalt  }
0x60: {  	_ =	shalt  }
0x61: {  	_ =	shalt  }
0x62: {  	_ =	shalt  }
0x63: {  	_ =	shalt  }
0x64: {  	_ =	shalt  }
0x65: {  	_ =	shalt  }
0x66: {  	_ =	shalt  }
0x67: {  	_ =	shalt  }
0x68: {  	_ =	shalt  }
0x69: {  	_ =	shalt  }
0x6a: {  	_ =	shalt  }
0x6b: {  	_ =	shalt  }
0x6c: {  	_ =	shalt  }
0x6d: {  	_ =	shalt  }
0x6e: {  	_ =	shalt  }
0x6f: {  	_ =	shalt  }
0x70: {  	_ =	shalt  }
0x71: {  	_ =	shalt  }
0x72: {  	_ =	shalt  }
0x73: {  	_ =	shalt  }
0x74: {  	_ =	shalt  }
0x75: {  	_ =	shalt  }
0x76: {  	_ =	shalt  }
0x77: {  	_ =	shalt  }
0x78: {  	_ =	shalt  }
0x79: {  	_ =	shalt  }
0x7a: {  	_ =	shalt  }
0x7b: {  	_ =	shalt  }
0x7c: {  	_ =	shalt  }
0x7d: {  	_ =	shalt  }
0x7e: {  	_ =	shalt  }
0x7f: {  	_ =	shalt  }
0x80: {  	_ =	shalt  }
0x81: {  	_ =	shalt  }
0x82: {  	_ =	shalt  }
0x83: {  	_ =	shalt  }
0x84: {  	_ =	shalt  }
0x85: {  	_ =	shalt  }
0x86: {  	_ =	shalt  }
0x87: {  	_ =	shalt  }
.Lfunc_end0:
.L_simem_size_0:
called_computation_lowered:
.L_overlay_start_0:
0x88: {  	s2 =	sld [smem:$0x3FD9]  }
0x89: {  	s3 =	sld [smem:$0x3FFE];
	_ =	sdelay $0x1  }
0x8a: {  	s1 =	srdreg.scid  }
0x8b: {  	s0 =	sand.u32 $0x1, s1  }
0x8c: {  	s17 =	sshll.u32 s0, $0xA;
	s2 =	sadd.s32 s3, s2  }
0x8d: {  	s2 =	sadd.s32 s2, s17  }
0x8e: {  	[smem:$0x3FC7] =	sst s2  }
0x8f: {  	_ = 	snop  }
0x90: {  	s2 =	sld [smem:$0x3FC9];
	(tm) =	ssettm $0x1  }
0x91: {  	s18 =	sld [smem:$0x3FFB];
	_ =	sdelay $0x3  }
0x92: {  	_ =	strace s18  }
0x93: {  	s3 =	sld [smem:$0x3FFC];
	_ =	sdelay $0x3  }
0x94: {  	_ =	strace s3  }
0x95: {  	s3 =	sld [smem:$0x3FFD];
	_ =	sdelay $0x3  }
0x96: {  	_ =	strace s3  }
0x97: {  	_ =	strace $0x8FFFFFFF  }
0x98: {  	s19 =	sld [smem:$0x3FDB];
	_ =	sdelay $0x1  }
0x99: {  	s4 =	simm.s32 $_scs_section_size  }
0x9a: {  	s5 =	simm.s32 $_size__tile_overlayer_lowered;
	s6 =	simm.s32 $_tile_overlayer_lowered  }
0x9b: {  	s22 =	simm.s32 $0x1BFF;
	s21 =	sshll.u32 s6, $0x1;
	s3 =	sadd.s32 s4, s19  }
0x9c: {  	s7 =	simm.s32 $0x0;
	s20 =	sshll.u32 s5, $0x1;
	s5 =	sadd.s32 s21, s3  }
0x9d: {  	[timem:s7], [sflag:s22] =	dma.local [hbm:s5], s20  }
0x9e: {  	_ =	swait.ge [sflag:s22], s20  }
0x9f: {  	s4 =	ssub.s32 $0x0, s20;
	[sflag:s22] =	ssyncset.done $0x0  }
0xa0: {  	[sflag:s22] =	ssyncadd.s32 s4;
	_ =	sdelay $0x1  }
0xa1: {  	s23 =	simm.s32 $0x1B8B  }
0xa2: {  	_ =	swait.ge [sflag:s23], $0x1  }
0xa3: {  	[sflag:s23] =	ssyncset.done $0x0  }
0xa4: {  	s25 =	simm.s32 $0x1B8E;
	s24 =	sld [smem:$0x3FFE];
	[sflag:s23] =	ssyncadd.s32 $0xFFFFFFFF  }
0xa5: {  	s26 =	simm.s32 $execute0_lowered;
	[smem:$0x3FD2] =	sst s25  }
0xa6: {  	s5 =	sshll.u32 s26, $0x1;
	_ =	strace $0x80000046;
	[dreg:$0x1] =	wrdreg $0xFFFFFFFF  }
0xa7: {  	s28 =	simm.s32 $_size_execute0_lowered;
	s3 =	sadd.s32 s3, s5;
	[dreg:$0x0] =	wrdreg $0x0  }
0xa8: {  	s5 =	sshll.u32 s28, $0x1;
	[dreg:$0x2] =	wrdreg s3  }
0xa9: {  	[dreg:$0x3] =	wrdreg s5  }
0xaa: {  	[dreg:$0x4] =	wrdreg $0xC0  }
0xab: {  	_ =	task [dreg:s7], $0x5FFFF  }
0xac: {  	[dreg:$0x1] =	wrdreg $0xFFFFFFFF  }
0xad: {  	[dreg:$0x0] =	wrdreg $0x60  }
0xae: {  	[dreg:$0x2] =	wrdreg s2  }
0xaf: {  	[dreg:$0x3] =	wrdreg s24  }
0xb0: {  	[dreg:$0x4] =	wrdreg $0x9  }
0xb1: {  	_ =	task.clear_ibuf [dreg:s7], $0x5FFFF;
	_ =	strace $0x90000046  }
0xb2: {  	s29 =	simm.s32 $0x9;
	_ =	strace $0x80000048  }
0xb3: {  	_ =	swait.ge [sflag:s29], $0x1  }
0xb4: {  	[sflag:s29] =	ssyncadd.s32 $0xFFFFFFFF  }
0xb5: {  	_ =	strace $0x90000048  }
0xb6: {  	_ =	sfence  }
0xb7: {  	s30 =	sld [smem:$0x0];
	_ =	sdelay $0x2  }
0xb8: {  	s31 =	sshll.u32 s1, $0xD;
	s1 =	sshrl.u32 s1, $0x2  }
0xb9: {  	s3 =	sand.u32 $0x4000, s31;
	s1 =	sadd.s32 s1, s30  }
0xba: {  	s0 =	sor.u32 s3, s0;
	s1 =	sshll.u32 s1, $0x11  }
0xbb: {  	s0 =	sor.u32 s1, s0  }
0xbc: {  	s0 =	sadd.s32 $0x8F2B, s0  }
0xbd: {  	[sflag:s0] =	ssyncadd.remote.s32 $0x1  }
0xbe: {  	_ =	sfence.sel $0xFFFF  }
0xbf: {  	[dreg:$0x0] =	wrdreg $0xFFFFFFFF;
	(pc) =	sbr.abs _section_cstart, $3  }
0xc0: {  	[dreg:$0x1] =	wrdreg $0xFFFFFFFF  }
0xc1: {  	_ =	task.clear_ibuf [dreg:s7], $0x2FFFF;
	_ =	strace $0x9FFFFFFF  }
0xc2: {  	(tm) =	ssettm $0x7FFFFFFF  }
0xc3: {  	_ =	shalt  }
tec
execute0_lowered:
.L_overlay_start_1:
0x0: {  	(tag) =	ssettag $0x1  }
0x1: {  	s0 =	srdreg.scid  }
0x2: {  	s1 =	stileid.u32;
	s5 =	rddreg [dreg:$0x1];
	s2 =	sand.u32 $0x1, s0  }
0x3: {  	s13 =	rddreg [dreg:$0x0];
	s30 =	sadd.s32 $0x600, s5;
	s0 =	sor.u32 s2, s1  }
0x4: {  	s31 =	sadd.s32 $0x610, s5;
	p1 =	seq.s32 s2, $0x1;
	p0 =	seq.s32 s0, $0x0  }
0x5: {  	s7 =	smul.u32 $0x12000, s2;
	s8 =	ssub.s32 $0x2, s2;
	p0 =	por !p0, !p1  }
0x6: {  	s10 =	smul.u32 $0xB4000, s2;
	s0 =	simm.s32 $0x1;
	p0 =	por !p0, !p0  }
0x7: {  	s15 =	smul.u32 $0x9000, s2;
	s11 =	sshrl.u32 s8, $0x1;
	s0 =	simm.s32 @!p0 $0x0  }
0x8: {  	s2 =	smul.u32 $0x48000, s2;
	s16 =	ssub.s32 s8, s11;
	s3 =	ssub.s32 s1, s0  }
0x9: {  	s0 =	sshrl.u32 s3, $0x3;
	s9 =	sshll.u32 s3, $0x7;
	s3 =	smul.u32 $0x48000, s3  }
0xa: {  	[dreg:$0xe] =	wrdreg s16;
	s1 =	simm.s32 $0x0;
	s6 =	smul.u32 $0x21C000, s0  }
0xb: {  	s8 =	sadd.s32 $0x650, s5;
	[smem:$0x7FF] =	sst s1;
	s12 =	sand.u32 $0x380, s9  }
0xc: {  	s0 =	sadd.s32 $0x620, s5;
	s3 =	sadd.s32 s15, s3;
	s7 =	sadd.s32 s6, s7  }
0xd: {  	s14 =	sadd.s32 s10, s6;
	s20 =	sshrl.u32 s3, $0x3;
	s2 =	sadd.s32 s6, s2  }
0xe: {  	s25 =	sadd.s32 $0x12000, s3;
	s26 =	sadd.s32 $0x24000, s3;
	s3 =	sadd.s32 $0x36000, s3  }
0xf: {  	s7 =	sor.u32 s12, s7;
	s9 =	sor.u32 s12, s14;
	s4 =	sadd.s32 s30, s20  }
0x10: {  	s21 =	sadd.s32 s20, s0;
	s24 =	sadd.s32 s20, s8;
	s2 =	sor.u32 s12, s2  }
0x11: {  	s6 =	sshrl.u32 s25, $0x3;
	s7 =	sadd.s32 $0x168000, s7;
	[dreg:$0x5] =	wrdreg s4  }
0x12: {  	s17 =	sshrl.u32 s9, $0x3;
	s9 =	sadd.s32 s20, s31;
	[dreg:$0x7] =	wrdreg s21  }
0x13: {  	s4 =	sadd.s32 $0x630, s5;
	[dreg:$0xa] =	wrdreg s24;
	s21 =	sadd.s32 $0x660, s5  }
0x14: {  	s2 =	sadd.s32 $0x18C000, s2;
	s14 =	sadd.s32 s6, s31;
	s15 =	sadd.s32 s6, s0  }
0x15: {  	s7 =	sshrl.u32 s7, $0x3;
	s18 =	sadd.s32 s13, s17;
	s17 =	sadd.s32 $0x640, s5  }
0x16: {  	s22 =	sadd.s32 s20, s4;
	s10 =	sadd.s32 s20, s21;
	s5 =	sadd.s32 $0x670, s5  }
0x17: {  	s2 =	sshrl.u32 s2, $0x3;
	s16 =	sadd.s32 s6, s4;
	[dreg:$0x3] =	wrdreg s18  }
0x18: {  	s19 =	sadd.s32 s13, s7;
	[dreg:$0x8] =	wrdreg s22;
	s23 =	sadd.s32 s20, s17  }
0x19: {  	s11 =	sadd.s32 s20, s5;
	s2 =	sadd.s32 s13, s2;
	s13 =	sadd.s32 s30, s6  }
0x1a: {  	v0 =	vlaneseq.u32;
	s7 =	sshrl.u32 s26, $0x3;
	s12 =	smov.u32 s17;
	[dreg:$0x4] =	wrdreg s19  }
0x1b: {  	v1 =	vmul.u32 $0x14, v0;
	s17 =	sadd.s32 s6, s17;
	s18 =	sadd.s32 s6, s8;
	[dreg:$0x9] =	wrdreg s23  }
0x1c: {  	v22 =	vmul.u32 $0x2, v0;
	s20 =	sadd.s32 s6, s5;
	[dreg:$0xb] =	wrdreg s2;
	s19 =	sadd.s32 s6, s21  }
0x1d: {  	v2 =	vor.u32 $0x1, v1;
	v3 =	vor.u32 $0x2, v1;
	v4 =	vor.u32 $0x3, v1;
	s21 =	sadd.s32 s7, s21;
	s22 =	sadd.s32 s7, s5;
	s6 =	sshrl.u32 s3, $0x3  }
0x1e: {  	v5 =	vadd.s32 $0x4, v1;
	v6 =	vadd.s32 $0x5, v1;
	v7 =	vadd.s32 $0x6, v1;
	s23 =	sadd.s32 s30, s7;
	s24 =	sadd.s32 s7, s31;
	s25 =	sadd.s32 s7, s0  }
0x1f: {  	v8 =	vadd.s32 $0x7, v1;
	v9 =	vadd.s32 $0x8, v1;
	v10 =	vadd.s32 $0x9, v1;
	s26 =	sadd.s32 s7, s4;
	s28 =	sadd.s32 s7, s12;
	s29 =	sadd.s32 s7, s8  }
0x20: {  	v11 =	vadd.s32 $0xA, v1;
	v12 =	vadd.s32 $0xB, v1;
	v13 =	vadd.s32 $0xC, v1;
	s30 =	sadd.s32 s30, s6;
	s31 =	sadd.s32 s6, s31;
	_ =	strace $0x80000047  }
0x21: {  	v14 =	vadd.s32 $0xD, v1;
	v15 =	vadd.s32 $0xE, v1;
	v16 =	vadd.s32 $0xF, v1;
	s3 =	sadd.s32 s6, s12;
	s12 =	sadd.s32 s6, s8;
	s8 =	rddreg [dreg:$0xe]  }
0x22: {  	v17 =	vadd.s32 $0x10, v1;
	v18 =	vadd.s32 $0x11, v1;
	v19 =	vadd.s32 $0x12, v1;
	s2 =	sadd.s32 s6, s4;
	[dreg:$0x6] =	wrdreg s9;
	s4 =	smax.u32 s8, $0x1  }
0x23: {  	v20 =	vadd.s32 $0x13, v1;
	v21 =	vor.u32 $0x16800, v22;
	v22 =	vor.u32 $0x16801, v22;
	s0 =	sadd.s32 s6, s0;
	s6 =	simm.s32 $0x0;
	[dreg:$0xc] =	wrdreg s4  }
.LBB2_1:
0x24: {  	s4 =	rddreg [dreg:$0x3];
	s5 =	simm.s32 $0x80;
	s8 =	simm.s32 $0x400  }
0x25: {  	[tilespmem:s1], [sflag:$0x1] =	stream.strided.gather [hbm4b:s4+s5], $0x16800, s8, s5, $0x38;
	[tilespmem:$0x1B000] =	vst v63  }
0x26: {  	s9 =	rddreg [dreg:$0x4];
	s7 =	simm.s32 $0x16800  }
0x27: {  	[tilespmem:s7], [sflag:$0x1] =	stream.strided.gather [hbm4b:s9+s5], $0x2400, s8, s5, $0x38;
	[tilespmem:$0x1B000] =	vst v63  }
0x28: {  	[dreg:$0xd] =	wrdreg s6;
	s7 =	simm.s32 $0x1  }
0x29: {  	_ =	swait.ge [sflag:s7], $0x16800  }
0x2a: {  	[sflag:s7] =	ssyncset.done $0x0  }
0x2b: {  	[sflag:s7] =	ssyncadd.s32 $0xFFFE9800  }
0x2c: {  	v24 =	vld.idx.msk [tilespmem:v1+s1+$0x0], $0xffff  }
0x2d: {  	v23 =	vadd.s32 $0x140, v1;
	_ =	sdelay $0x1  }
0x2e: {  	s8 =	sand.u32 $0x70, s1;
	s9 =	sand.u32 $0x3F00, s1  }
0x2f: {  	s4 =	sor.u32 s8, s9  }
0x30: {  	[tilespmem:s4+$0x18C00] =	vst v24  }
0x31: {  	s6 =	simm.s32 $0x20;
	s5 =	simm.s32 $0x0;
	s4 =	simm.s32 $0x10;
	v24 =	vld.idx.msk [tilespmem:v23+s1+$0x0], $0xffff  }
.LBB2_2:
0x32: {  	p0 =	sne.s32 s6, $0x11F0  }
0x33: {  	v23 =	vadd.s32 $0x140, v23  }
.Ltmp0:
0x34: {  	s5 =	sadd.s32 $0x20, s5;
	(pc) =	sbr.rel @p0 .LBB2_2-.Ltmp0, $4  }
0x35: {  	s7 =	sand.u32 $0x70, s4;
	s4 =	smov.u32 s6;
	s8 =	sand.u32 $0x3F00, s5  }
0x36: {  	s7 =	sor.u32 s7, s8  }
0x37: {  	[tilespmem:s7+$0x18C00] =	vst v24  }
0x38: {  	s6 =	sadd.s32 $0x10, s6;
	v24 =	vld.idx.msk [tilespmem:v23+s1+$0x0], $0xffff  }
0x39: {  	_ = 	snop  }
0x3a: {  	s5 =	sadd.s32 $0x20, s5  }
0x3b: {  	s4 =	sand.u32 $0x70, s4;
	s9 =	rddreg [dreg:$0x5];
	s5 =	sand.u32 $0x3F00, s5  }
0x3c: {  	s7 =	simm.s32 $0x18D00;
	s8 =	sadd.s32 $0x0, s9;
	s6 =	sor.u32 s4, s5  }
0x3d: {  	s4 =	simm.s32 $0x0;
	s5 =	simm.s32 $0x18C00;
	[tilespmem:s6+$0x18C00] =	vst v24;
	s6 =	simm.s32 $0x80  }
.LBB2_4:
0x3e: {  	[hbm4b:s8+s4] =	stream.linear.scatter [tilespmem:s5], [sflag:$0x2], $0x80, $0x38;
	[tilespmem:$0x1B000] =	vst v63  }
0x3f: {  	s8 =	smov.u32 s6;
	s5 =	smov.u32 s7;
	p0 =	sne.s32 s6, $0x1180  }
.Ltmp1:
0x40: {  	s6 =	sadd.s32 $0x80, s6;
	(pc) =	sbr.rel @p0 .LBB2_4-.Ltmp1, $2  }
0x41: {  	_ =	sdelay $0x2  }
0x42: {  	s7 =	sadd.s32 $0x100, s7;
	s8 =	sadd.s32 s8, s9  }
0x43: {  	_ =	sdelay $0x2  }
0x44: {  	[hbm4b:s8+s4] =	stream.linear.scatter [tilespmem:s5], [sflag:$0x2], $0x80, $0x38;
	[tilespmem:$0x1B000] =	vst v63  }
0x45: {  	v24 =	vld.idx.msk [tilespmem:v2+s1+$0x0], $0xffff  }
0x46: {  	v23 =	vadd.s32 $0x140, v2;
	_ =	sdelay $0x1  }
0x47: {  	s9 =	sand.u32 $0x70, s4;
	s6 =	sand.u32 $0x3F00, s4  }
0x48: {  	s5 =	sor.u32 s9, s6  }
0x49: {  	[tilespmem:s5+$0x18C80] =	vst v24  }
0x4a: {  	s6 =	simm.s32 $0x20;
	s5 =	simm.s32 $0x10;
	v24 =	vld.idx.msk [tilespmem:v23+s1+$0x0], $0xffff  }
.LBB2_6:
0x4b: {  	p0 =	sne.s32 s6, $0x11F0  }
0x4c: {  	v23 =	vadd.s32 $0x140, v23  }
.Ltmp2:
0x4d: {  	s4 =	sadd.s32 $0x20, s4;
	(pc) =	sbr.rel @p0 .LBB2_6-.Ltmp2, $4  }
0x4e: {  	s7 =	sand.u32 $0x70, s5;
	s5 =	smov.u32 s6;
	s8 =	sand.u32 $0x3F00, s4  }
0x4f: {  	s7 =	sor.u32 s7, s8  }
0x50: {  	[tilespmem:s7+$0x18C80] =	vst v24  }
0x51: {  	s6 =	sadd.s32 $0x10, s6;
	v24 =	vld.idx.msk [tilespmem:v23+s1+$0x0], $0xffff  }
0x52: {  	_ = 	snop  }
0x53: {  	s4 =	sadd.s32 $0x20, s4  }
0x54: {  	s5 =	sand.u32 $0x70, s5;
	s4 =	sand.u32 $0x3F00, s4  }
0x55: {  	s9 =	rddreg [dreg:$0x6];
	s6 =	simm.s32 $0x18D80;
	s5 =	sor.u32 s5, s4  }
0x56: {  	s7 =	sadd.s32 $0x0, s9;
	s4 =	simm.s32 $0x18C80;
	[tilespmem:s5+$0x18C80] =	vst v24;
	s5 =	simm.s32 $0x80  }
.LBB2_8:
0x57: {  	[hbm4b:s7+s1] =	stream.linear.scatter [tilespmem:s4], [sflag:$0x3], $0x80, $0x38;
	[tilespmem:$0x1B000] =	vst v63  }
0x58: {  	s7 =	smov.u32 s5;
	s4 =	smov.u32 s6;
	p0 =	sne.s32 s5, $0x1180  }
.Ltmp3:
0x59: {  	s5 =	sadd.s32 $0x80, s5;
	(pc) =	sbr.rel @p0 .LBB2_8-.Ltmp3, $2  }
0x5a: {  	_ =	sdelay $0x2  }
0x5b: {  	s6 =	sadd.s32 $0x100, s6;
	s7 =	sadd.s32 s7, s9  }
0x5c: {  	[hbm4b:s7+s1] =	stream.linear.scatter [tilespmem:s4], [sflag:$0x3], $0x80, $0x38;
	[tilespmem:$0x1B000] =	vst v63  }
0x5d: {  	s9 =	simm.s32 $0x2  }
0x5e: {  	_ =	swait.ge [sflag:s9], $0x1200  }
0x5f: {  	[sflag:s9] =	ssyncset.done $0x0  }
0x60: {  	[sflag:s9] =	ssyncadd.s32 $0xFFFFEE00  }
0x61: {  	v24 =	vld.idx.msk [tilespmem:v3+s1+$0x0], $0xffff  }
0x62: {  	v23 =	vadd.s32 $0x140, v3  }
0x63: {  	s4 =	simm.s32 $0x0  }
0x64: {  	s5 =	sand.u32 $0x70, s4;
	s6 =	sand.u32 $0x3F00, s4  }
0x65: {  	s5 =	sor.u32 s5, s6  }
0x66: {  	[tilespmem:s5+$0x18C00] =	vst v24  }
0x67: {  	s6 =	simm.s32 $0x20;
	s5 =	simm.s32 $0x10;
	v24 =	vld.idx.msk [tilespmem:v23+s1+$0x0], $0xffff  }
.LBB2_10:
0x68: {  	p0 =	sne.s32 s6, $0x11F0  }
0x69: {  	v23 =	vadd.s32 $0x140, v23  }
.Ltmp4:
0x6a: {  	s4 =	sadd.s32 $0x20, s4;
	(pc) =	sbr.rel @p0 .LBB2_10-.Ltmp4, $4  }
0x6b: {  	s7 =	sand.u32 $0x70, s5;
	s5 =	smov.u32 s6;
	s8 =	sand.u32 $0x3F00, s4  }
0x6c: {  	s7 =	sor.u32 s7, s8  }
0x6d: {  	[tilespmem:s7+$0x18C00] =	vst v24  }
0x6e: {  	s6 =	sadd.s32 $0x10, s6;
	v24 =	vld.idx.msk [tilespmem:v23+s1+$0x0], $0xffff  }
0x6f: {  	_ = 	snop  }
0x70: {  	s4 =	sadd.s32 $0x20, s4  }
0x71: {  	s5 =	sand.u32 $0x70, s5;
	s4 =	sand.u32 $0x3F00, s4  }
0x72: {  	s8 =	rddreg [dreg:$0x7];
	s6 =	simm.s32 $0x18D00;
	s5 =	sor.u32 s5, s4  }
0x73: {  	s7 =	sadd.s32 $0x0, s8;
	s4 =	simm.s32 $0x18C00;
	[tilespmem:s5+$0x18C00] =	vst v24;
	s5 =	simm.s32 $0x80  }
.LBB2_12:
0x74: {  	[hbm4b:s7+s1] =	stream.linear.scatter [tilespmem:s4], [sflag:$0x2], $0x80, $0x38;
	[tilespmem:$0x1B000] =	vst v63  }
0x75: {  	s7 =	smov.u32 s5;
	s4 =	smov.u32 s6;
	p0 =	sne.s32 s5, $0x1180  }
.Ltmp5:
0x76: {  	s5 =	sadd.s32 $0x80, s5;
	(pc) =	sbr.rel @p0 .LBB2_12-.Ltmp5, $2  }
0x77: {  	_ =	sdelay $0x2  }
0x78: {  	s6 =	sadd.s32 $0x100, s6;
	s7 =	sadd.s32 s7, s8  }
0x79: {  	[hbm4b:s7+s1] =	stream.linear.scatter [tilespmem:s4], [sflag:$0x2], $0x80, $0x38;
	[tilespmem:$0x1B000] =	vst v63  }
0x7a: {  	s9 =	simm.s32 $0x3  }
0x7b: {  	_ =	swait.ge [sflag:s9], $0x1200  }
0x7c: {  	[sflag:s9] =	ssyncset.done $0x0  }
0x7d: {  	[sflag:s9] =	ssyncadd.s32 $0xFFFFEE00  }
0x7e: {  	v24 =	vld.idx.msk [tilespmem:v4+s1+$0x0], $0xffff  }
0x7f: {  	v23 =	vadd.s32 $0x140, v4  }
0x80: {  	s4 =	simm.s32 $0x0  }
0x81: {  	s5 =	sand.u32 $0x70, s4;
	s6 =	sand.u32 $0x3F00, s4  }
0x82: {  	s5 =	sor.u32 s5, s6  }
0x83: {  	[tilespmem:s5+$0x18C80] =	vst v24  }
0x84: {  	s6 =	simm.s32 $0x20;
	s5 =	simm.s32 $0x10;
	v24 =	vld.idx.msk [tilespmem:v23+s1+$0x0], $0xffff  }
.LBB2_14:
0x85: {  	p0 =	sne.s32 s6, $0x11F0  }
0x86: {  	v23 =	vadd.s32 $0x140, v23  }
.Ltmp6:
0x87: {  	s4 =	sadd.s32 $0x20, s4;
	(pc) =	sbr.rel @p0 .LBB2_14-.Ltmp6, $4  }
0x88: {  	s7 =	sand.u32 $0x70, s5;
	s5 =	smov.u32 s6;
	s8 =	sand.u32 $0x3F00, s4  }
0x89: {  	s7 =	sor.u32 s7, s8  }
0x8a: {  	[tilespmem:s7+$0x18C80] =	vst v24  }
0x8b: {  	s6 =	sadd.s32 $0x10, s6;
	v24 =	vld.idx.msk [tilespmem:v23+s1+$0x0], $0xffff  }
0x8c: {  	_ = 	snop  }
0x8d: {  	s4 =	sadd.s32 $0x20, s4  }
0x8e: {  	s5 =	sand.u32 $0x70, s5;
	s4 =	sand.u32 $0x3F00, s4  }
0x8f: {  	s8 =	rddreg [dreg:$0x8];
	s6 =	simm.s32 $0x18D80;
	s5 =	sor.u32 s5, s4  }
0x90: {  	s7 =	sadd.s32 $0x0, s8;
	s4 =	simm.s32 $0x18C80;
	[tilespmem:s5+$0x18C80] =	vst v24;
	s5 =	simm.s32 $0x80  }
.LBB2_16:
0x91: {  	[hbm4b:s7+s1] =	stream.linear.scatter [tilespmem:s4], [sflag:$0x3], $0x80, $0x38;
	[tilespmem:$0x1B000] =	vst v63  }
0x92: {  	s7 =	smov.u32 s5;
	s4 =	smov.u32 s6;
	p0 =	sne.s32 s5, $0x1180  }
.Ltmp7:
0x93: {  	s5 =	sadd.s32 $0x80, s5;
	(pc) =	sbr.rel @p0 .LBB2_16-.Ltmp7, $2  }
0x94: {  	_ =	sdelay $0x2  }
0x95: {  	s6 =	sadd.s32 $0x100, s6;
	s7 =	sadd.s32 s7, s8  }
0x96: {  	[hbm4b:s7+s1] =	stream.linear.scatter [tilespmem:s4], [sflag:$0x3], $0x80, $0x38;
	[tilespmem:$0x1B000] =	vst v63  }
0x97: {  	s9 =	simm.s32 $0x2  }
0x98: {  	_ =	swait.ge [sflag:s9], $0x1200  }
0x99: {  	[sflag:s9] =	ssyncset.done $0x0  }
0x9a: {  	[sflag:s9] =	ssyncadd.s32 $0xFFFFEE00  }
0x9b: {  	v24 =	vld.idx.msk [tilespmem:v5+s1+$0x0], $0xffff  }
0x9c: {  	v23 =	vadd.s32 $0x140, v5  }
0x9d: {  	s4 =	simm.s32 $0x0  }
0x9e: {  	s5 =	sand.u32 $0x70, s4;
	s6 =	sand.u32 $0x3F00, s4  }
0x9f: {  	s5 =	sor.u32 s5, s6  }
0xa0: {  	[tilespmem:s5+$0x18C00] =	vst v24  }
0xa1: {  	s6 =	simm.s32 $0x20;
	s5 =	simm.s32 $0x10;
	v24 =	vld.idx.msk [tilespmem:v23+s1+$0x0], $0xffff  }
.LBB2_18:
0xa2: {  	p0 =	sne.s32 s6, $0x11F0  }
0xa3: {  	v23 =	vadd.s32 $0x140, v23  }
.Ltmp8:
0xa4: {  	s4 =	sadd.s32 $0x20, s4;
	(pc) =	sbr.rel @p0 .LBB2_18-.Ltmp8, $4  }
0xa5: {  	s7 =	sand.u32 $0x70, s5;
	s5 =	smov.u32 s6;
	s8 =	sand.u32 $0x3F00, s4  }
0xa6: {  	s7 =	sor.u32 s7, s8  }
0xa7: {  	[tilespmem:s7+$0x18C00] =	vst v24  }
0xa8: {  	s6 =	sadd.s32 $0x10, s6;
	v24 =	vld.idx.msk [tilespmem:v23+s1+$0x0], $0xffff  }
0xa9: {  	_ = 	snop  }
0xaa: {  	s4 =	sadd.s32 $0x20, s4  }
0xab: {  	s5 =	sand.u32 $0x70, s5;
	s4 =	sand.u32 $0x3F00, s4  }
0xac: {  	s8 =	rddreg [dreg:$0x9];
	s6 =	simm.s32 $0x18D00;
	s5 =	sor.u32 s5, s4  }
0xad: {  	s7 =	sadd.s32 $0x0, s8;
	s4 =	simm.s32 $0x18C00;
	[tilespmem:s5+$0x18C00] =	vst v24;
	s5 =	simm.s32 $0x80  }
.LBB2_20:
0xae: {  	[hbm4b:s7+s1] =	stream.linear.scatter [tilespmem:s4], [sflag:$0x2], $0x80, $0x38;
	[tilespmem:$0x1B000] =	vst v63  }
0xaf: {  	s7 =	smov.u32 s5;
	s4 =	smov.u32 s6;
	p0 =	sne.s32 s5, $0x1180  }
.Ltmp9:
0xb0: {  	s5 =	sadd.s32 $0x80, s5;
	(pc) =	sbr.rel @p0 .LBB2_20-.Ltmp9, $2  }
0xb1: {  	_ =	sdelay $0x2  }
0xb2: {  	s6 =	sadd.s32 $0x100, s6;
	s7 =	sadd.s32 s7, s8  }
0xb3: {  	[hbm4b:s7+s1] =	stream.linear.scatter [tilespmem:s4], [sflag:$0x2], $0x80, $0x38;
	[tilespmem:$0x1B000] =	vst v63  }
0xb4: {  	s9 =	simm.s32 $0x3  }
0xb5: {  	_ =	swait.ge [sflag:s9], $0x1200  }
0xb6: {  	[sflag:s9] =	ssyncset.done $0x0  }
0xb7: {  	[sflag:s9] =	ssyncadd.s32 $0xFFFFEE00  }
0xb8: {  	v24 =	vld.idx.msk [tilespmem:v6+s1+$0x0], $0xffff  }
0xb9: {  	v23 =	vadd.s32 $0x140, v6  }
0xba: {  	s4 =	simm.s32 $0x0  }
0xbb: {  	s5 =	sand.u32 $0x70, s4;
	s6 =	sand.u32 $0x3F00, s4  }
0xbc: {  	s5 =	sor.u32 s5, s6  }
0xbd: {  	[tilespmem:s5+$0x18C80] =	vst v24  }
0xbe: {  	s6 =	simm.s32 $0x20;
	s5 =	simm.s32 $0x10;
	v24 =	vld.idx.msk [tilespmem:v23+s1+$0x0], $0xffff  }
.LBB2_22:
0xbf: {  	p0 =	sne.s32 s6, $0x11F0  }
0xc0: {  	v23 =	vadd.s32 $0x140, v23  }
.Ltmp10:
0xc1: {  	s4 =	sadd.s32 $0x20, s4;
	(pc) =	sbr.rel @p0 .LBB2_22-.Ltmp10, $4  }
0xc2: {  	s7 =	sand.u32 $0x70, s5;
	s5 =	smov.u32 s6;
	s8 =	sand.u32 $0x3F00, s4  }
0xc3: {  	s7 =	sor.u32 s7, s8  }
0xc4: {  	[tilespmem:s7+$0x18C80] =	vst v24  }
0xc5: {  	s6 =	sadd.s32 $0x10, s6;
	v24 =	vld.idx.msk [tilespmem:v23+s1+$0x0], $0xffff  }
0xc6: {  	_ = 	snop  }
0xc7: {  	s4 =	sadd.s32 $0x20, s4  }
0xc8: {  	s5 =	sand.u32 $0x70, s5;
	s4 =	sand.u32 $0x3F00, s4  }
0xc9: {  	s8 =	rddreg [dreg:$0xa];
	s6 =	simm.s32 $0x18D80;
	s5 =	sor.u32 s5, s4  }
0xca: {  	s7 =	sadd.s32 $0x0, s8;
	s4 =	simm.s32 $0x18C80;
	[tilespmem:s5+$0x18C80] =	vst v24;
	s5 =	simm.s32 $0x80  }
.LBB2_24:
0xcb: {  	[hbm4b:s7+s1] =	stream.linear.scatter [tilespmem:s4], [sflag:$0x3], $0x80, $0x38;
	[tilespmem:$0x1B000] =	vst v63  }
0xcc: {  	s7 =	smov.u32 s5;
	s4 =	smov.u32 s6;
	p0 =	sne.s32 s5, $0x1180  }
.Ltmp11:
0xcd: {  	s5 =	sadd.s32 $0x80, s5;
	(pc) =	sbr.rel @p0 .LBB2_24-.Ltmp11, $2  }
0xce: {  	_ =	sdelay $0x2  }
0xcf: {  	s6 =	sadd.s32 $0x100, s6;
	s7 =	sadd.s32 s7, s8  }
0xd0: {  	[hbm4b:s7+s1] =	stream.linear.scatter [tilespmem:s4], [sflag:$0x3], $0x80, $0x38;
	[tilespmem:$0x1B000] =	vst v63  }
0xd1: {  	s9 =	simm.s32 $0x2  }
0xd2: {  	_ =	swait.ge [sflag:s9], $0x1200  }
0xd3: {  	[sflag:s9] =	ssyncset.done $0x0  }
0xd4: {  	[sflag:s9] =	ssyncadd.s32 $0xFFFFEE00  }
0xd5: {  	v24 =	vld.idx.msk [tilespmem:v7+s1+$0x0], $0xffff  }
0xd6: {  	v23 =	vadd.s32 $0x140, v7  }
0xd7: {  	s4 =	simm.s32 $0x0  }
0xd8: {  	s5 =	sand.u32 $0x70, s4;
	s6 =	sand.u32 $0x3F00, s4  }
0xd9: {  	s5 =	sor.u32 s5, s6  }
0xda: {  	[tilespmem:s5+$0x18C00] =	vst v24  }
0xdb: {  	s6 =	simm.s32 $0x20;
	s5 =	simm.s32 $0x10;
	v24 =	vld.idx.msk [tilespmem:v23+s1+$0x0], $0xffff  }
.LBB2_26:
0xdc: {  	p0 =	sne.s32 s6, $0x11F0  }
0xdd: {  	v23 =	vadd.s32 $0x140, v23  }
.Ltmp12:
0xde: {  	s4 =	sadd.s32 $0x20, s4;
	(pc) =	sbr.rel @p0 .LBB2_26-.Ltmp12, $4  }
0xdf: {  	s7 =	sand.u32 $0x70, s5;
	s5 =	smov.u32 s6;
	s8 =	sand.u32 $0x3F00, s4  }
0xe0: {  	s7 =	sor.u32 s7, s8  }
0xe1: {  	[tilespmem:s7+$0x18C00] =	vst v24  }
0xe2: {  	s6 =	sadd.s32 $0x10, s6;
	v24 =	vld.idx.msk [tilespmem:v23+s1+$0x0], $0xffff  }
0xe3: {  	_ = 	snop  }
0xe4: {  	s4 =	sadd.s32 $0x20, s4  }
0xe5: {  	s5 =	sand.u32 $0x70, s5;
	s4 =	sand.u32 $0x3F00, s4  }
0xe6: {  	s7 =	sadd.s32 $0x0, s10;
	s5 =	sor.u32 s5, s4  }
0xe7: {  	s6 =	simm.s32 $0x18D00;
	s4 =	simm.s32 $0x18C00;
	[tilespmem:s5+$0x18C00] =	vst v24;
	s5 =	simm.s32 $0x80  }
.LBB2_28:
0xe8: {  	[hbm4b:s7+s1] =	stream.linear.scatter [tilespmem:s4], [sflag:$0x2], $0x80, $0x38;
	[tilespmem:$0x1B000] =	vst v63  }
0xe9: {  	s7 =	smov.u32 s5;
	s4 =	smov.u32 s6;
	p0 =	sne.s32 s5, $0x1180  }
.Ltmp13:
0xea: {  	s5 =	sadd.s32 $0x80, s5;
	(pc) =	sbr.rel @p0 .LBB2_28-.Ltmp13, $2  }
0xeb: {  	_ =	sdelay $0x2  }
0xec: {  	s6 =	sadd.s32 $0x100, s6;
	s7 =	sadd.s32 s7, s10  }
0xed: {  	[hbm4b:s7+s1] =	stream.linear.scatter [tilespmem:s4], [sflag:$0x2], $0x80, $0x38;
	[tilespmem:$0x1B000] =	vst v63  }
0xee: {  	s9 =	simm.s32 $0x3  }
0xef: {  	_ =	swait.ge [sflag:s9], $0x1200  }
0xf0: {  	[sflag:s9] =	ssyncset.done $0x0  }
0xf1: {  	[sflag:s9] =	ssyncadd.s32 $0xFFFFEE00  }
0xf2: {  	v24 =	vld.idx.msk [tilespmem:v8+s1+$0x0], $0xffff  }
0xf3: {  	v23 =	vadd.s32 $0x140, v8  }
0xf4: {  	s4 =	simm.s32 $0x0  }
0xf5: {  	s5 =	sand.u32 $0x70, s4;
	s6 =	sand.u32 $0x3F00, s4  }
0xf6: {  	s5 =	sor.u32 s5, s6  }
0xf7: {  	[tilespmem:s5+$0x18C80] =	vst v24  }
0xf8: {  	s6 =	simm.s32 $0x20;
	s5 =	simm.s32 $0x10;
	v24 =	vld.idx.msk [tilespmem:v23+s1+$0x0], $0xffff  }
.LBB2_30:
0xf9: {  	p0 =	sne.s32 s6, $0x11F0  }
0xfa: {  	v23 =	vadd.s32 $0x140, v23  }
.Ltmp14:
0xfb: {  	s4 =	sadd.s32 $0x20, s4;
	(pc) =	sbr.rel @p0 .LBB2_30-.Ltmp14, $4  }
0xfc: {  	s7 =	sand.u32 $0x70, s5;
	s5 =	smov.u32 s6;
	s8 =	sand.u32 $0x3F00, s4  }
0xfd: {  	s7 =	sor.u32 s7, s8  }
0xfe: {  	[tilespmem:s7+$0x18C80] =	vst v24  }
0xff: {  	s6 =	sadd.s32 $0x10, s6;
	v24 =	vld.idx.msk [tilespmem:v23+s1+$0x0], $0xffff  }
0x100: {  	_ = 	snop  }
0x101: {  	s4 =	sadd.s32 $0x20, s4  }
0x102: {  	s5 =	sand.u32 $0x70, s5;
	s4 =	sand.u32 $0x3F00, s4  }
0x103: {  	s7 =	sadd.s32 $0x0, s11;
	s5 =	sor.u32 s5, s4  }
0x104: {  	s6 =	simm.s32 $0x18D80;
	s4 =	simm.s32 $0x18C80;
	[tilespmem:s5+$0x18C80] =	vst v24;
	s5 =	simm.s32 $0x80  }
.LBB2_32:
0x105: {  	[hbm4b:s7+s1] =	stream.linear.scatter [tilespmem:s4], [sflag:$0x3], $0x80, $0x38;
	[tilespmem:$0x1B000] =	vst v63  }
0x106: {  	s7 =	smov.u32 s5;
	s4 =	smov.u32 s6;
	p0 =	sne.s32 s5, $0x1180  }
.Ltmp15:
0x107: {  	s5 =	sadd.s32 $0x80, s5;
	(pc) =	sbr.rel @p0 .LBB2_32-.Ltmp15, $2  }
0x108: {  	_ =	sdelay $0x2  }
0x109: {  	s6 =	sadd.s32 $0x100, s6;
	s7 =	sadd.s32 s7, s11  }
0x10a: {  	[hbm4b:s7+s1] =	stream.linear.scatter [tilespmem:s4], [sflag:$0x3], $0x80, $0x38;
	[tilespmem:$0x1B000] =	vst v63  }
0x10b: {  	s9 =	simm.s32 $0x2  }
0x10c: {  	_ =	swait.ge [sflag:s9], $0x1200  }
0x10d: {  	[sflag:s9] =	ssyncset.done $0x0  }
0x10e: {  	[sflag:s9] =	ssyncadd.s32 $0xFFFFEE00  }
0x10f: {  	v24 =	vld.idx.msk [tilespmem:v9+s1+$0x0], $0xffff  }
0x110: {  	v23 =	vadd.s32 $0x140, v9  }
0x111: {  	s4 =	simm.s32 $0x0  }
0x112: {  	s5 =	sand.u32 $0x70, s4;
	s6 =	sand.u32 $0x3F00, s4  }
0x113: {  	s5 =	sor.u32 s5, s6  }
0x114: {  	[tilespmem:s5+$0x18C00] =	vst v24  }
0x115: {  	s6 =	simm.s32 $0x20;
	s5 =	simm.s32 $0x10;
	v24 =	vld.idx.msk [tilespmem:v23+s1+$0x0], $0xffff  }
.LBB2_34:
0x116: {  	p0 =	sne.s32 s6, $0x11F0  }
0x117: {  	v23 =	vadd.s32 $0x140, v23  }
.Ltmp16:
0x118: {  	s4 =	sadd.s32 $0x20, s4;
	(pc) =	sbr.rel @p0 .LBB2_34-.Ltmp16, $4  }
0x119: {  	s7 =	sand.u32 $0x70, s5;
	s5 =	smov.u32 s6;
	s8 =	sand.u32 $0x3F00, s4  }
0x11a: {  	s7 =	sor.u32 s7, s8  }
0x11b: {  	[tilespmem:s7+$0x18C00] =	vst v24  }
0x11c: {  	s6 =	sadd.s32 $0x10, s6;
	v24 =	vld.idx.msk [tilespmem:v23+s1+$0x0], $0xffff  }
0x11d: {  	_ = 	snop  }
0x11e: {  	s4 =	sadd.s32 $0x20, s4  }
0x11f: {  	s5 =	sand.u32 $0x70, s5;
	s4 =	sand.u32 $0x3F00, s4  }
0x120: {  	s7 =	sadd.s32 $0x0, s13;
	s5 =	sor.u32 s5, s4  }
0x121: {  	s6 =	simm.s32 $0x18D00;
	s4 =	simm.s32 $0x18C00;
	[tilespmem:s5+$0x18C00] =	vst v24;
	s5 =	simm.s32 $0x80  }
.LBB2_36:
0x122: {  	[hbm4b:s7+s1] =	stream.linear.scatter [tilespmem:s4], [sflag:$0x2], $0x80, $0x38;
	[tilespmem:$0x1B000] =	vst v63  }
0x123: {  	s7 =	smov.u32 s5;
	s4 =	smov.u32 s6;
	p0 =	sne.s32 s5, $0x1180  }
.Ltmp17:
0x124: {  	s5 =	sadd.s32 $0x80, s5;
	(pc) =	sbr.rel @p0 .LBB2_36-.Ltmp17, $2  }
0x125: {  	_ =	sdelay $0x2  }
0x126: {  	s6 =	sadd.s32 $0x100, s6;
	s7 =	sadd.s32 s7, s13  }
0x127: {  	[hbm4b:s7+s1] =	stream.linear.scatter [tilespmem:s4], [sflag:$0x2], $0x80, $0x38;
	[tilespmem:$0x1B000] =	vst v63  }
0x128: {  	s9 =	simm.s32 $0x3  }
0x129: {  	_ =	swait.ge [sflag:s9], $0x1200  }
0x12a: {  	[sflag:s9] =	ssyncset.done $0x0  }
0x12b: {  	[sflag:s9] =	ssyncadd.s32 $0xFFFFEE00  }
0x12c: {  	v24 =	vld.idx.msk [tilespmem:v10+s1+$0x0], $0xffff  }
0x12d: {  	v23 =	vadd.s32 $0x140, v10  }
0x12e: {  	s4 =	simm.s32 $0x0  }
0x12f: {  	s5 =	sand.u32 $0x70, s4;
	s6 =	sand.u32 $0x3F00, s4  }
0x130: {  	s5 =	sor.u32 s5, s6  }
0x131: {  	[tilespmem:s5+$0x18C80] =	vst v24  }
0x132: {  	s6 =	simm.s32 $0x20;
	s5 =	simm.s32 $0x10;
	v24 =	vld.idx.msk [tilespmem:v23+s1+$0x0], $0xffff  }
.LBB2_38:
0x133: {  	p0 =	sne.s32 s6, $0x11F0  }
0x134: {  	v23 =	vadd.s32 $0x140, v23  }
.Ltmp18:
0x135: {  	s4 =	sadd.s32 $0x20, s4;
	(pc) =	sbr.rel @p0 .LBB2_38-.Ltmp18, $4  }
0x136: {  	s7 =	sand.u32 $0x70, s5;
	s5 =	smov.u32 s6;
	s8 =	sand.u32 $0x3F00, s4  }
0x137: {  	s7 =	sor.u32 s7, s8  }
0x138: {  	[tilespmem:s7+$0x18C80] =	vst v24  }
0x139: {  	s6 =	sadd.s32 $0x10, s6;
	v24 =	vld.idx.msk [tilespmem:v23+s1+$0x0], $0xffff  }
0x13a: {  	_ = 	snop  }
0x13b: {  	s4 =	sadd.s32 $0x20, s4  }
0x13c: {  	s5 =	sand.u32 $0x70, s5;
	s4 =	sand.u32 $0x3F00, s4  }
0x13d: {  	s7 =	sadd.s32 $0x0, s14;
	s5 =	sor.u32 s5, s4  }
0x13e: {  	s6 =	simm.s32 $0x18D80;
	s4 =	simm.s32 $0x18C80;
	[tilespmem:s5+$0x18C80] =	vst v24;
	s5 =	simm.s32 $0x80  }
.LBB2_40:
0x13f: {  	[hbm4b:s7+s1] =	stream.linear.scatter [tilespmem:s4], [sflag:$0x3], $0x80, $0x38;
	[tilespmem:$0x1B000] =	vst v63  }
0x140: {  	s7 =	smov.u32 s5;
	s4 =	smov.u32 s6;
	p0 =	sne.s32 s5, $0x1180  }
.Ltmp19:
0x141: {  	s5 =	sadd.s32 $0x80, s5;
	(pc) =	sbr.rel @p0 .LBB2_40-.Ltmp19, $2  }
0x142: {  	_ =	sdelay $0x2  }
0x143: {  	s6 =	sadd.s32 $0x100, s6;
	s7 =	sadd.s32 s7, s14  }
0x144: {  	[hbm4b:s7+s1] =	stream.linear.scatter [tilespmem:s4], [sflag:$0x3], $0x80, $0x38;
	[tilespmem:$0x1B000] =	vst v63  }
0x145: {  	s9 =	simm.s32 $0x2  }
0x146: {  	_ =	swait.ge [sflag:s9], $0x1200  }
0x147: {  	[sflag:s9] =	ssyncset.done $0x0  }
0x148: {  	[sflag:s9] =	ssyncadd.s32 $0xFFFFEE00  }
0x149: {  	v24 =	vld.idx.msk [tilespmem:v11+s1+$0x0], $0xffff  }
0x14a: {  	v23 =	vadd.s32 $0x140, v11  }
0x14b: {  	s4 =	simm.s32 $0x0  }
0x14c: {  	s5 =	sand.u32 $0x70, s4;
	s6 =	sand.u32 $0x3F00, s4  }
0x14d: {  	s5 =	sor.u32 s5, s6  }
0x14e: {  	[tilespmem:s5+$0x18C00] =	vst v24  }
0x14f: {  	s6 =	simm.s32 $0x20;
	s5 =	simm.s32 $0x10;
	v24 =	vld.idx.msk [tilespmem:v23+s1+$0x0], $0xffff  }
.LBB2_42:
0x150: {  	p0 =	sne.s32 s6, $0x11F0  }
0x151: {  	v23 =	vadd.s32 $0x140, v23  }
.Ltmp20:
0x152: {  	s4 =	sadd.s32 $0x20, s4;
	(pc) =	sbr.rel @p0 .LBB2_42-.Ltmp20, $4  }
0x153: {  	s7 =	sand.u32 $0x70, s5;
	s5 =	smov.u32 s6;
	s8 =	sand.u32 $0x3F00, s4  }
0x154: {  	s7 =	sor.u32 s7, s8  }
0x155: {  	[tilespmem:s7+$0x18C00] =	vst v24  }
0x156: {  	s6 =	sadd.s32 $0x10, s6;
	v24 =	vld.idx.msk [tilespmem:v23+s1+$0x0], $0xffff  }
0x157: {  	_ = 	snop  }
0x158: {  	s4 =	sadd.s32 $0x20, s4  }
0x159: {  	s5 =	sand.u32 $0x70, s5;
	s4 =	sand.u32 $0x3F00, s4  }
0x15a: {  	s7 =	sadd.s32 $0x0, s15;
	s5 =	sor.u32 s5, s4  }
0x15b: {  	s6 =	simm.s32 $0x18D00;
	s4 =	simm.s32 $0x18C00;
	[tilespmem:s5+$0x18C00] =	vst v24;
	s5 =	simm.s32 $0x80  }
.LBB2_44:
0x15c: {  	[hbm4b:s7+s1] =	stream.linear.scatter [tilespmem:s4], [sflag:$0x2], $0x80, $0x38;
	[tilespmem:$0x1B000] =	vst v63  }
0x15d: {  	s7 =	smov.u32 s5;
	s4 =	smov.u32 s6;
	p0 =	sne.s32 s5, $0x1180  }
.Ltmp21:
0x15e: {  	s5 =	sadd.s32 $0x80, s5;
	(pc) =	sbr.rel @p0 .LBB2_44-.Ltmp21, $2  }
0x15f: {  	_ =	sdelay $0x2  }
0x160: {  	s6 =	sadd.s32 $0x100, s6;
	s7 =	sadd.s32 s7, s15  }
0x161: {  	[hbm4b:s7+s1] =	stream.linear.scatter [tilespmem:s4], [sflag:$0x2], $0x80, $0x38;
	[tilespmem:$0x1B000] =	vst v63  }
0x162: {  	s9 =	simm.s32 $0x3  }
0x163: {  	_ =	swait.ge [sflag:s9], $0x1200  }
0x164: {  	[sflag:s9] =	ssyncset.done $0x0  }
0x165: {  	[sflag:s9] =	ssyncadd.s32 $0xFFFFEE00  }
0x166: {  	v24 =	vld.idx.msk [tilespmem:v12+s1+$0x0], $0xffff  }
0x167: {  	v23 =	vadd.s32 $0x140, v12  }
0x168: {  	s4 =	simm.s32 $0x0  }
0x169: {  	s5 =	sand.u32 $0x70, s4;
	s6 =	sand.u32 $0x3F00, s4  }
0x16a: {  	s5 =	sor.u32 s5, s6  }
0x16b: {  	[tilespmem:s5+$0x18C80] =	vst v24  }
0x16c: {  	s6 =	simm.s32 $0x20;
	s5 =	simm.s32 $0x10;
	v24 =	vld.idx.msk [tilespmem:v23+s1+$0x0], $0xffff  }
.LBB2_46:
0x16d: {  	p0 =	sne.s32 s6, $0x11F0  }
0x16e: {  	v23 =	vadd.s32 $0x140, v23  }
.Ltmp22:
0x16f: {  	s4 =	sadd.s32 $0x20, s4;
	(pc) =	sbr.rel @p0 .LBB2_46-.Ltmp22, $4  }
0x170: {  	s7 =	sand.u32 $0x70, s5;
	s5 =	smov.u32 s6;
	s8 =	sand.u32 $0x3F00, s4  }
0x171: {  	s7 =	sor.u32 s7, s8  }
0x172: {  	[tilespmem:s7+$0x18C80] =	vst v24  }
0x173: {  	s6 =	sadd.s32 $0x10, s6;
	v24 =	vld.idx.msk [tilespmem:v23+s1+$0x0], $0xffff  }
0x174: {  	_ = 	snop  }
0x175: {  	s4 =	sadd.s32 $0x20, s4  }
0x176: {  	s5 =	sand.u32 $0x70, s5;
	s4 =	sand.u32 $0x3F00, s4  }
0x177: {  	s7 =	sadd.s32 $0x0, s16;
	s5 =	sor.u32 s5, s4  }
0x178: {  	s6 =	simm.s32 $0x18D80;
	s4 =	simm.s32 $0x18C80;
	[tilespmem:s5+$0x18C80] =	vst v24;
	s5 =	simm.s32 $0x80  }
.LBB2_48:
0x179: {  	[hbm4b:s7+s1] =	stream.linear.scatter [tilespmem:s4], [sflag:$0x3], $0x80, $0x38;
	[tilespmem:$0x1B000] =	vst v63  }
0x17a: {  	s7 =	smov.u32 s5;
	s4 =	smov.u32 s6;
	p0 =	sne.s32 s5, $0x1180  }
.Ltmp23:
0x17b: {  	s5 =	sadd.s32 $0x80, s5;
	(pc) =	sbr.rel @p0 .LBB2_48-.Ltmp23, $2  }
0x17c: {  	_ =	sdelay $0x2  }
0x17d: {  	s6 =	sadd.s32 $0x100, s6;
	s7 =	sadd.s32 s7, s16  }
0x17e: {  	[hbm4b:s7+s1] =	stream.linear.scatter [tilespmem:s4], [sflag:$0x3], $0x80, $0x38;
	[tilespmem:$0x1B000] =	vst v63  }
0x17f: {  	s9 =	simm.s32 $0x2  }
0x180: {  	_ =	swait.ge [sflag:s9], $0x1200  }
0x181: {  	[sflag:s9] =	ssyncset.done $0x0  }
0x182: {  	[sflag:s9] =	ssyncadd.s32 $0xFFFFEE00  }
0x183: {  	v24 =	vld.idx.msk [tilespmem:v13+s1+$0x0], $0xffff  }
0x184: {  	v23 =	vadd.s32 $0x140, v13  }
0x185: {  	s4 =	simm.s32 $0x0  }
0x186: {  	s5 =	sand.u32 $0x70, s4;
	s6 =	sand.u32 $0x3F00, s4  }
0x187: {  	s5 =	sor.u32 s5, s6  }
0x188: {  	[tilespmem:s5+$0x18C00] =	vst v24  }
0x189: {  	s6 =	simm.s32 $0x20;
	s5 =	simm.s32 $0x10;
	v24 =	vld.idx.msk [tilespmem:v23+s1+$0x0], $0xffff  }
.LBB2_50:
0x18a: {  	p0 =	sne.s32 s6, $0x11F0  }
0x18b: {  	v23 =	vadd.s32 $0x140, v23  }
.Ltmp24:
0x18c: {  	s4 =	sadd.s32 $0x20, s4;
	(pc) =	sbr.rel @p0 .LBB2_50-.Ltmp24, $4  }
0x18d: {  	s7 =	sand.u32 $0x70, s5;
	s5 =	smov.u32 s6;
	s8 =	sand.u32 $0x3F00, s4  }
0x18e: {  	s7 =	sor.u32 s7, s8  }
0x18f: {  	[tilespmem:s7+$0x18C00] =	vst v24  }
0x190: {  	s6 =	sadd.s32 $0x10, s6;
	v24 =	vld.idx.msk [tilespmem:v23+s1+$0x0], $0xffff  }
0x191: {  	_ = 	snop  }
0x192: {  	s4 =	sadd.s32 $0x20, s4  }
0x193: {  	s5 =	sand.u32 $0x70, s5;
	s4 =	sand.u32 $0x3F00, s4  }
0x194: {  	s7 =	sadd.s32 $0x0, s17;
	s5 =	sor.u32 s5, s4  }
0x195: {  	s6 =	simm.s32 $0x18D00;
	s4 =	simm.s32 $0x18C00;
	[tilespmem:s5+$0x18C00] =	vst v24;
	s5 =	simm.s32 $0x80  }
.LBB2_52:
0x196: {  	[hbm4b:s7+s1] =	stream.linear.scatter [tilespmem:s4], [sflag:$0x2], $0x80, $0x38;
	[tilespmem:$0x1B000] =	vst v63  }
0x197: {  	s7 =	smov.u32 s5;
	s4 =	smov.u32 s6;
	p0 =	sne.s32 s5, $0x1180  }
.Ltmp25:
0x198: {  	s5 =	sadd.s32 $0x80, s5;
	(pc) =	sbr.rel @p0 .LBB2_52-.Ltmp25, $2  }
0x199: {  	_ =	sdelay $0x2  }
0x19a: {  	s6 =	sadd.s32 $0x100, s6;
	s7 =	sadd.s32 s7, s17  }
0x19b: {  	[hbm4b:s7+s1] =	stream.linear.scatter [tilespmem:s4], [sflag:$0x2], $0x80, $0x38;
	[tilespmem:$0x1B000] =	vst v63  }
0x19c: {  	s9 =	simm.s32 $0x3  }
0x19d: {  	_ =	swait.ge [sflag:s9], $0x1200  }
0x19e: {  	[sflag:s9] =	ssyncset.done $0x0  }
0x19f: {  	[sflag:s9] =	ssyncadd.s32 $0xFFFFEE00  }
0x1a0: {  	v24 =	vld.idx.msk [tilespmem:v14+s1+$0x0], $0xffff  }
0x1a1: {  	v23 =	vadd.s32 $0x140, v14  }
0x1a2: {  	s4 =	simm.s32 $0x0  }
0x1a3: {  	s5 =	sand.u32 $0x70, s4;
	s6 =	sand.u32 $0x3F00, s4  }
0x1a4: {  	s5 =	sor.u32 s5, s6  }
0x1a5: {  	[tilespmem:s5+$0x18C80] =	vst v24  }
0x1a6: {  	s6 =	simm.s32 $0x20;
	s5 =	simm.s32 $0x10;
	v24 =	vld.idx.msk [tilespmem:v23+s1+$0x0], $0xffff  }
.LBB2_54:
0x1a7: {  	p0 =	sne.s32 s6, $0x11F0  }
0x1a8: {  	v23 =	vadd.s32 $0x140, v23  }
.Ltmp26:
0x1a9: {  	s4 =	sadd.s32 $0x20, s4;
	(pc) =	sbr.rel @p0 .LBB2_54-.Ltmp26, $4  }
0x1aa: {  	s7 =	sand.u32 $0x70, s5;
	s5 =	smov.u32 s6;
	s8 =	sand.u32 $0x3F00, s4  }
0x1ab: {  	s7 =	sor.u32 s7, s8  }
0x1ac: {  	[tilespmem:s7+$0x18C80] =	vst v24  }
0x1ad: {  	s6 =	sadd.s32 $0x10, s6;
	v24 =	vld.idx.msk [tilespmem:v23+s1+$0x0], $0xffff  }
0x1ae: {  	_ = 	snop  }
0x1af: {  	s4 =	sadd.s32 $0x20, s4  }
0x1b0: {  	s5 =	sand.u32 $0x70, s5;
	s4 =	sand.u32 $0x3F00, s4  }
0x1b1: {  	s7 =	sadd.s32 $0x0, s18;
	s5 =	sor.u32 s5, s4  }
0x1b2: {  	s6 =	simm.s32 $0x18D80;
	s4 =	simm.s32 $0x18C80;
	[tilespmem:s5+$0x18C80] =	vst v24;
	s5 =	simm.s32 $0x80  }
.LBB2_56:
0x1b3: {  	[hbm4b:s7+s1] =	stream.linear.scatter [tilespmem:s4], [sflag:$0x3], $0x80, $0x38;
	[tilespmem:$0x1B000] =	vst v63  }
0x1b4: {  	s7 =	smov.u32 s5;
	s4 =	smov.u32 s6;
	p0 =	sne.s32 s5, $0x1180  }
.Ltmp27:
0x1b5: {  	s5 =	sadd.s32 $0x80, s5;
	(pc) =	sbr.rel @p0 .LBB2_56-.Ltmp27, $2  }
0x1b6: {  	_ =	sdelay $0x2  }
0x1b7: {  	s6 =	sadd.s32 $0x100, s6;
	s7 =	sadd.s32 s7, s18  }
0x1b8: {  	[hbm4b:s7+s1] =	stream.linear.scatter [tilespmem:s4], [sflag:$0x3], $0x80, $0x38;
	[tilespmem:$0x1B000] =	vst v63  }
0x1b9: {  	s9 =	simm.s32 $0x2  }
0x1ba: {  	_ =	swait.ge [sflag:s9], $0x1200  }
0x1bb: {  	[sflag:s9] =	ssyncset.done $0x0  }
0x1bc: {  	[sflag:s9] =	ssyncadd.s32 $0xFFFFEE00  }
0x1bd: {  	v24 =	vld.idx.msk [tilespmem:v15+s1+$0x0], $0xffff  }
0x1be: {  	v23 =	vadd.s32 $0x140, v15  }
0x1bf: {  	s4 =	simm.s32 $0x0  }
0x1c0: {  	s5 =	sand.u32 $0x70, s4;
	s6 =	sand.u32 $0x3F00, s4  }
0x1c1: {  	s5 =	sor.u32 s5, s6  }
0x1c2: {  	[tilespmem:s5+$0x18C00] =	vst v24  }
0x1c3: {  	s6 =	simm.s32 $0x20;
	s5 =	simm.s32 $0x10;
	v24 =	vld.idx.msk [tilespmem:v23+s1+$0x0], $0xffff  }
.LBB2_58:
0x1c4: {  	p0 =	sne.s32 s6, $0x11F0  }
0x1c5: {  	v23 =	vadd.s32 $0x140, v23  }
.Ltmp28:
0x1c6: {  	s4 =	sadd.s32 $0x20, s4;
	(pc) =	sbr.rel @p0 .LBB2_58-.Ltmp28, $4  }
0x1c7: {  	s7 =	sand.u32 $0x70, s5;
	s5 =	smov.u32 s6;
	s8 =	sand.u32 $0x3F00, s4  }
0x1c8: {  	s7 =	sor.u32 s7, s8  }
0x1c9: {  	[tilespmem:s7+$0x18C00] =	vst v24  }
0x1ca: {  	s6 =	sadd.s32 $0x10, s6;
	v24 =	vld.idx.msk [tilespmem:v23+s1+$0x0], $0xffff  }
0x1cb: {  	_ = 	snop  }
0x1cc: {  	s4 =	sadd.s32 $0x20, s4  }
0x1cd: {  	s5 =	sand.u32 $0x70, s5;
	s4 =	sand.u32 $0x3F00, s4  }
0x1ce: {  	s7 =	sadd.s32 $0x0, s19;
	s5 =	sor.u32 s5, s4  }
0x1cf: {  	s6 =	simm.s32 $0x18D00;
	s4 =	simm.s32 $0x18C00;
	[tilespmem:s5+$0x18C00] =	vst v24;
	s5 =	simm.s32 $0x80  }
.LBB2_60:
0x1d0: {  	[hbm4b:s7+s1] =	stream.linear.scatter [tilespmem:s4], [sflag:$0x2], $0x80, $0x38;
	[tilespmem:$0x1B000] =	vst v63  }
0x1d1: {  	s7 =	smov.u32 s5;
	s4 =	smov.u32 s6;
	p0 =	sne.s32 s5, $0x1180  }
.Ltmp29:
0x1d2: {  	s5 =	sadd.s32 $0x80, s5;
	(pc) =	sbr.rel @p0 .LBB2_60-.Ltmp29, $2  }
0x1d3: {  	_ =	sdelay $0x2  }
0x1d4: {  	s6 =	sadd.s32 $0x100, s6;
	s7 =	sadd.s32 s7, s19  }
0x1d5: {  	[hbm4b:s7+s1] =	stream.linear.scatter [tilespmem:s4], [sflag:$0x2], $0x80, $0x38;
	[tilespmem:$0x1B000] =	vst v63  }
0x1d6: {  	s9 =	simm.s32 $0x3  }
0x1d7: {  	_ =	swait.ge [sflag:s9], $0x1200  }
0x1d8: {  	[sflag:s9] =	ssyncset.done $0x0  }
0x1d9: {  	[sflag:s9] =	ssyncadd.s32 $0xFFFFEE00  }
0x1da: {  	v24 =	vld.idx.msk [tilespmem:v16+s1+$0x0], $0xffff  }
0x1db: {  	v23 =	vadd.s32 $0x140, v16  }
0x1dc: {  	s4 =	simm.s32 $0x0  }
0x1dd: {  	s5 =	sand.u32 $0x70, s4;
	s6 =	sand.u32 $0x3F00, s4  }
0x1de: {  	s5 =	sor.u32 s5, s6  }
0x1df: {  	[tilespmem:s5+$0x18C80] =	vst v24  }
0x1e0: {  	s6 =	simm.s32 $0x20;
	s5 =	simm.s32 $0x10;
	v24 =	vld.idx.msk [tilespmem:v23+s1+$0x0], $0xffff  }
.LBB2_62:
0x1e1: {  	p0 =	sne.s32 s6, $0x11F0  }
0x1e2: {  	v23 =	vadd.s32 $0x140, v23  }
.Ltmp30:
0x1e3: {  	s4 =	sadd.s32 $0x20, s4;
	(pc) =	sbr.rel @p0 .LBB2_62-.Ltmp30, $4  }
0x1e4: {  	s7 =	sand.u32 $0x70, s5;
	s5 =	smov.u32 s6;
	s8 =	sand.u32 $0x3F00, s4  }
0x1e5: {  	s7 =	sor.u32 s7, s8  }
0x1e6: {  	[tilespmem:s7+$0x18C80] =	vst v24  }
0x1e7: {  	s6 =	sadd.s32 $0x10, s6;
	v24 =	vld.idx.msk [tilespmem:v23+s1+$0x0], $0xffff  }
0x1e8: {  	_ = 	snop  }
0x1e9: {  	s4 =	sadd.s32 $0x20, s4  }
0x1ea: {  	s5 =	sand.u32 $0x70, s5;
	s4 =	sand.u32 $0x3F00, s4  }
0x1eb: {  	s7 =	sadd.s32 $0x0, s20;
	s5 =	sor.u32 s5, s4  }
0x1ec: {  	s6 =	simm.s32 $0x18D80;
	s4 =	simm.s32 $0x18C80;
	[tilespmem:s5+$0x18C80] =	vst v24;
	s5 =	simm.s32 $0x80  }
.LBB2_64:
0x1ed: {  	[hbm4b:s7+s1] =	stream.linear.scatter [tilespmem:s4], [sflag:$0x3], $0x80, $0x38;
	[tilespmem:$0x1B000] =	vst v63  }
0x1ee: {  	s7 =	smov.u32 s5;
	s4 =	smov.u32 s6;
	p0 =	sne.s32 s5, $0x1180  }
.Ltmp31:
0x1ef: {  	s5 =	sadd.s32 $0x80, s5;
	(pc) =	sbr.rel @p0 .LBB2_64-.Ltmp31, $2  }
0x1f0: {  	_ =	sdelay $0x2  }
0x1f1: {  	s6 =	sadd.s32 $0x100, s6;
	s7 =	sadd.s32 s7, s20  }
0x1f2: {  	[hbm4b:s7+s1] =	stream.linear.scatter [tilespmem:s4], [sflag:$0x3], $0x80, $0x38;
	[tilespmem:$0x1B000] =	vst v63  }
0x1f3: {  	s9 =	simm.s32 $0x2  }
0x1f4: {  	_ =	swait.ge [sflag:s9], $0x1200  }
0x1f5: {  	[sflag:s9] =	ssyncset.done $0x0  }
0x1f6: {  	[sflag:s9] =	ssyncadd.s32 $0xFFFFEE00  }
0x1f7: {  	v24 =	vld.idx.msk [tilespmem:v17+s1+$0x0], $0xffff  }
0x1f8: {  	v23 =	vadd.s32 $0x140, v17  }
0x1f9: {  	s4 =	simm.s32 $0x0  }
0x1fa: {  	s5 =	sand.u32 $0x70, s4;
	s6 =	sand.u32 $0x3F00, s4  }
0x1fb: {  	s5 =	sor.u32 s5, s6  }
0x1fc: {  	[tilespmem:s5+$0x18C00] =	vst v24  }
0x1fd: {  	s6 =	simm.s32 $0x20;
	s5 =	simm.s32 $0x10;
	v24 =	vld.idx.msk [tilespmem:v23+s1+$0x0], $0xffff  }
.LBB2_66:
0x1fe: {  	p0 =	sne.s32 s6, $0x11F0  }
0x1ff: {  	v23 =	vadd.s32 $0x140, v23  }
.Ltmp32:
0x200: {  	s4 =	sadd.s32 $0x20, s4;
	(pc) =	sbr.rel @p0 .LBB2_66-.Ltmp32, $4  }
0x201: {  	s7 =	sand.u32 $0x70, s5;
	s5 =	smov.u32 s6;
	s8 =	sand.u32 $0x3F00, s4  }
0x202: {  	s7 =	sor.u32 s7, s8  }
0x203: {  	[tilespmem:s7+$0x18C00] =	vst v24  }
0x204: {  	s6 =	sadd.s32 $0x10, s6;
	v24 =	vld.idx.msk [tilespmem:v23+s1+$0x0], $0xffff  }
0x205: {  	_ = 	snop  }
0x206: {  	s4 =	sadd.s32 $0x20, s4  }
0x207: {  	s5 =	sand.u32 $0x70, s5;
	s4 =	sand.u32 $0x3F00, s4  }
0x208: {  	s7 =	sadd.s32 $0x0, s23;
	s5 =	sor.u32 s5, s4  }
0x209: {  	s6 =	simm.s32 $0x18D00;
	s4 =	simm.s32 $0x18C00;
	[tilespmem:s5+$0x18C00] =	vst v24;
	s5 =	simm.s32 $0x80  }
.LBB2_68:
0x20a: {  	[hbm4b:s7+s1] =	stream.linear.scatter [tilespmem:s4], [sflag:$0x2], $0x80, $0x38;
	[tilespmem:$0x1B000] =	vst v63  }
0x20b: {  	s7 =	smov.u32 s5;
	s4 =	smov.u32 s6;
	p0 =	sne.s32 s5, $0x1180  }
.Ltmp33:
0x20c: {  	s5 =	sadd.s32 $0x80, s5;
	(pc) =	sbr.rel @p0 .LBB2_68-.Ltmp33, $2  }
0x20d: {  	_ =	sdelay $0x2  }
0x20e: {  	s6 =	sadd.s32 $0x100, s6;
	s7 =	sadd.s32 s7, s23  }
0x20f: {  	[hbm4b:s7+s1] =	stream.linear.scatter [tilespmem:s4], [sflag:$0x2], $0x80, $0x38;
	[tilespmem:$0x1B000] =	vst v63  }
0x210: {  	s9 =	simm.s32 $0x3  }
0x211: {  	_ =	swait.ge [sflag:s9], $0x1200  }
0x212: {  	[sflag:s9] =	ssyncset.done $0x0  }
0x213: {  	[sflag:s9] =	ssyncadd.s32 $0xFFFFEE00  }
0x214: {  	v24 =	vld.idx.msk [tilespmem:v18+s1+$0x0], $0xffff  }
0x215: {  	v23 =	vadd.s32 $0x140, v18  }
0x216: {  	s4 =	simm.s32 $0x0  }
0x217: {  	s5 =	sand.u32 $0x70, s4;
	s6 =	sand.u32 $0x3F00, s4  }
0x218: {  	s5 =	sor.u32 s5, s6  }
0x219: {  	[tilespmem:s5+$0x18C80] =	vst v24  }
0x21a: {  	s6 =	simm.s32 $0x20;
	s5 =	simm.s32 $0x10;
	v24 =	vld.idx.msk [tilespmem:v23+s1+$0x0], $0xffff  }
.LBB2_70:
0x21b: {  	p0 =	sne.s32 s6, $0x11F0  }
0x21c: {  	v23 =	vadd.s32 $0x140, v23  }
.Ltmp34:
0x21d: {  	s4 =	sadd.s32 $0x20, s4;
	(pc) =	sbr.rel @p0 .LBB2_70-.Ltmp34, $4  }
0x21e: {  	s7 =	sand.u32 $0x70, s5;
	s5 =	smov.u32 s6;
	s8 =	sand.u32 $0x3F00, s4  }
0x21f: {  	s7 =	sor.u32 s7, s8  }
0x220: {  	[tilespmem:s7+$0x18C80] =	vst v24  }
0x221: {  	s6 =	sadd.s32 $0x10, s6;
	v24 =	vld.idx.msk [tilespmem:v23+s1+$0x0], $0xffff  }
0x222: {  	_ = 	snop  }
0x223: {  	s4 =	sadd.s32 $0x20, s4  }
0x224: {  	s5 =	sand.u32 $0x70, s5;
	s4 =	sand.u32 $0x3F00, s4  }
0x225: {  	s7 =	sadd.s32 $0x0, s24;
	s5 =	sor.u32 s5, s4  }
0x226: {  	s6 =	simm.s32 $0x18D80;
	s4 =	simm.s32 $0x18C80;
	[tilespmem:s5+$0x18C80] =	vst v24;
	s5 =	simm.s32 $0x80  }
.LBB2_72:
0x227: {  	[hbm4b:s7+s1] =	stream.linear.scatter [tilespmem:s4], [sflag:$0x3], $0x80, $0x38;
	[tilespmem:$0x1B000] =	vst v63  }
0x228: {  	s7 =	smov.u32 s5;
	s4 =	smov.u32 s6;
	p0 =	sne.s32 s5, $0x1180  }
.Ltmp35:
0x229: {  	s5 =	sadd.s32 $0x80, s5;
	(pc) =	sbr.rel @p0 .LBB2_72-.Ltmp35, $2  }
0x22a: {  	_ =	sdelay $0x2  }
0x22b: {  	s6 =	sadd.s32 $0x100, s6;
	s7 =	sadd.s32 s7, s24  }
0x22c: {  	[hbm4b:s7+s1] =	stream.linear.scatter [tilespmem:s4], [sflag:$0x3], $0x80, $0x38;
	[tilespmem:$0x1B000] =	vst v63  }
0x22d: {  	s9 =	simm.s32 $0x2  }
0x22e: {  	_ =	swait.ge [sflag:s9], $0x1200  }
0x22f: {  	[sflag:s9] =	ssyncset.done $0x0  }
0x230: {  	[sflag:s9] =	ssyncadd.s32 $0xFFFFEE00  }
0x231: {  	v24 =	vld.idx.msk [tilespmem:v19+s1+$0x0], $0xffff  }
0x232: {  	v23 =	vadd.s32 $0x140, v19  }
0x233: {  	s4 =	simm.s32 $0x0  }
0x234: {  	s5 =	sand.u32 $0x70, s4;
	s6 =	sand.u32 $0x3F00, s4  }
0x235: {  	s5 =	sor.u32 s5, s6  }
0x236: {  	[tilespmem:s5+$0x18C00] =	vst v24  }
0x237: {  	s6 =	simm.s32 $0x20;
	s5 =	simm.s32 $0x10;
	v24 =	vld.idx.msk [tilespmem:v23+s1+$0x0], $0xffff  }
.LBB2_74:
0x238: {  	p0 =	sne.s32 s6, $0x11F0  }
0x239: {  	v23 =	vadd.s32 $0x140, v23  }
.Ltmp36:
0x23a: {  	s4 =	sadd.s32 $0x20, s4;
	(pc) =	sbr.rel @p0 .LBB2_74-.Ltmp36, $4  }
0x23b: {  	s7 =	sand.u32 $0x70, s5;
	s5 =	smov.u32 s6;
	s8 =	sand.u32 $0x3F00, s4  }
0x23c: {  	s7 =	sor.u32 s7, s8  }
0x23d: {  	[tilespmem:s7+$0x18C00] =	vst v24  }
0x23e: {  	s6 =	sadd.s32 $0x10, s6;
	v24 =	vld.idx.msk [tilespmem:v23+s1+$0x0], $0xffff  }
0x23f: {  	_ = 	snop  }
0x240: {  	s4 =	sadd.s32 $0x20, s4  }
0x241: {  	s5 =	sand.u32 $0x70, s5;
	s4 =	sand.u32 $0x3F00, s4  }
0x242: {  	s7 =	sadd.s32 $0x0, s25;
	s5 =	sor.u32 s5, s4  }
0x243: {  	s6 =	simm.s32 $0x18D00;
	s4 =	simm.s32 $0x18C00;
	[tilespmem:s5+$0x18C00] =	vst v24;
	s5 =	simm.s32 $0x80  }
.LBB2_76:
0x244: {  	[hbm4b:s7+s1] =	stream.linear.scatter [tilespmem:s4], [sflag:$0x2], $0x80, $0x38;
	[tilespmem:$0x1B000] =	vst v63  }
0x245: {  	s7 =	smov.u32 s5;
	s4 =	smov.u32 s6;
	p0 =	sne.s32 s5, $0x1180  }
.Ltmp37:
0x246: {  	s5 =	sadd.s32 $0x80, s5;
	(pc) =	sbr.rel @p0 .LBB2_76-.Ltmp37, $2  }
0x247: {  	_ =	sdelay $0x2  }
0x248: {  	s6 =	sadd.s32 $0x100, s6;
	s7 =	sadd.s32 s7, s25  }
0x249: {  	[hbm4b:s7+s1] =	stream.linear.scatter [tilespmem:s4], [sflag:$0x2], $0x80, $0x38;
	[tilespmem:$0x1B000] =	vst v63  }
0x24a: {  	s9 =	simm.s32 $0x3  }
0x24b: {  	_ =	swait.ge [sflag:s9], $0x1200  }
0x24c: {  	[sflag:s9] =	ssyncset.done $0x0  }
0x24d: {  	[sflag:s9] =	ssyncadd.s32 $0xFFFFEE00  }
0x24e: {  	v24 =	vld.idx.msk [tilespmem:v20+s1+$0x0], $0xffff  }
0x24f: {  	v23 =	vadd.s32 $0x140, v20  }
0x250: {  	s4 =	simm.s32 $0x0  }
0x251: {  	s5 =	sand.u32 $0x70, s4;
	s6 =	sand.u32 $0x3F00, s4  }
0x252: {  	s5 =	sor.u32 s5, s6  }
0x253: {  	[tilespmem:s5+$0x18C80] =	vst v24  }
0x254: {  	s6 =	simm.s32 $0x20;
	s5 =	simm.s32 $0x10;
	v24 =	vld.idx.msk [tilespmem:v23+s1+$0x0], $0xffff  }
.LBB2_78:
0x255: {  	p0 =	sne.s32 s6, $0x11F0  }
0x256: {  	v23 =	vadd.s32 $0x140, v23  }
.Ltmp38:
0x257: {  	s4 =	sadd.s32 $0x20, s4;
	(pc) =	sbr.rel @p0 .LBB2_78-.Ltmp38, $4  }
0x258: {  	s7 =	sand.u32 $0x70, s5;
	s5 =	smov.u32 s6;
	s8 =	sand.u32 $0x3F00, s4  }
0x259: {  	s7 =	sor.u32 s7, s8  }
0x25a: {  	[tilespmem:s7+$0x18C80] =	vst v24  }
0x25b: {  	s6 =	sadd.s32 $0x10, s6;
	v24 =	vld.idx.msk [tilespmem:v23+s1+$0x0], $0xffff  }
0x25c: {  	_ = 	snop  }
0x25d: {  	s4 =	sadd.s32 $0x20, s4  }
0x25e: {  	s5 =	sand.u32 $0x70, s5;
	s4 =	sand.u32 $0x3F00, s4  }
0x25f: {  	s7 =	sadd.s32 $0x0, s26;
	s5 =	sor.u32 s5, s4  }
0x260: {  	s6 =	simm.s32 $0x18D80;
	s4 =	simm.s32 $0x18C80;
	[tilespmem:s5+$0x18C80] =	vst v24;
	s5 =	simm.s32 $0x80  }
.LBB2_80:
0x261: {  	[hbm4b:s7+s1] =	stream.linear.scatter [tilespmem:s4], [sflag:$0x3], $0x80, $0x38;
	[tilespmem:$0x1B000] =	vst v63  }
0x262: {  	s7 =	smov.u32 s5;
	s4 =	smov.u32 s6;
	p0 =	sne.s32 s5, $0x1180  }
.Ltmp39:
0x263: {  	s5 =	sadd.s32 $0x80, s5;
	(pc) =	sbr.rel @p0 .LBB2_80-.Ltmp39, $2  }
0x264: {  	_ =	sdelay $0x2  }
0x265: {  	s6 =	sadd.s32 $0x100, s6;
	s7 =	sadd.s32 s7, s26  }
0x266: {  	[hbm4b:s7+s1] =	stream.linear.scatter [tilespmem:s4], [sflag:$0x3], $0x80, $0x38;
	[tilespmem:$0x1B000] =	vst v63  }
0x267: {  	s4 =	simm.s32 $0x0  }
0x268: {  	s5 =	rddreg [dreg:$0xb];
	s6 =	simm.s32 $0x80;
	s9 =	simm.s32 $0x400  }
0x269: {  	[tilespmem:s4], [sflag:$0x1] =	stream.strided.gather [hbm4b:s5+s6], $0x9000, s9, s6, $0x38;
	[tilespmem:$0x1B000] =	vst v63  }
0x26a: {  	s6 =	simm.s32 $0x1  }
0x26b: {  	_ =	swait.ge [sflag:s6], $0x2400  }
0x26c: {  	[sflag:s6] =	ssyncset.done $0x0  }
0x26d: {  	s7 =	simm.s32 $0x2;
	[sflag:s6] =	ssyncadd.s32 $0xFFFFDC00  }
0x26e: {  	_ =	swait.ge [sflag:s7], $0x1200  }
0x26f: {  	[sflag:s7] =	ssyncset.done $0x0  }
0x270: {  	[sflag:s7] =	ssyncadd.s32 $0xFFFFEE00  }
0x271: {  	v24 =	vld.idx.msk [tilespmem:v21+s1+$0x0], $0xffff  }
0x272: {  	v23 =	vadd.s32 $0x20, v21;
	_ =	sdelay $0x1  }
0x273: {  	s8 =	sand.u32 $0x70, s4;
	s9 =	sand.u32 $0x3F00, s4  }
0x274: {  	s5 =	sor.u32 s8, s9  }
0x275: {  	[tilespmem:s5+$0x18C00] =	vst v24  }
0x276: {  	s6 =	simm.s32 $0x20;
	s5 =	simm.s32 $0x10;
	v24 =	vld.idx.msk [tilespmem:v23+s1+$0x0], $0xffff  }
.LBB2_82:
0x277: {  	p0 =	sne.s32 s6, $0x11F0  }
0x278: {  	v23 =	vadd.s32 $0x20, v23  }
.Ltmp40:
0x279: {  	s4 =	sadd.s32 $0x20, s4;
	(pc) =	sbr.rel @p0 .LBB2_82-.Ltmp40, $4  }
0x27a: {  	s7 =	sand.u32 $0x70, s5;
	s5 =	smov.u32 s6;
	s8 =	sand.u32 $0x3F00, s4  }
0x27b: {  	s7 =	sor.u32 s7, s8  }
0x27c: {  	[tilespmem:s7+$0x18C00] =	vst v24  }
0x27d: {  	s6 =	sadd.s32 $0x10, s6;
	v24 =	vld.idx.msk [tilespmem:v23+s1+$0x0], $0xffff  }
0x27e: {  	_ = 	snop  }
0x27f: {  	s4 =	sadd.s32 $0x20, s4  }
0x280: {  	s5 =	sand.u32 $0x70, s5;
	s4 =	sand.u32 $0x3F00, s4  }
0x281: {  	s7 =	sadd.s32 $0x0, s28;
	s5 =	sor.u32 s5, s4  }
0x282: {  	s6 =	simm.s32 $0x18D00;
	s4 =	simm.s32 $0x18C00;
	[tilespmem:s5+$0x18C00] =	vst v24;
	s5 =	simm.s32 $0x80  }
.LBB2_84:
0x283: {  	[hbm4b:s7+s1] =	stream.linear.scatter [tilespmem:s4], [sflag:$0x2], $0x80, $0x38;
	[tilespmem:$0x1B000] =	vst v63  }
0x284: {  	s7 =	smov.u32 s5;
	s4 =	smov.u32 s6;
	p0 =	sne.s32 s5, $0x1180  }
.Ltmp41:
0x285: {  	s5 =	sadd.s32 $0x80, s5;
	(pc) =	sbr.rel @p0 .LBB2_84-.Ltmp41, $2  }
0x286: {  	_ =	sdelay $0x2  }
0x287: {  	s6 =	sadd.s32 $0x100, s6;
	s7 =	sadd.s32 s7, s28  }
0x288: {  	[hbm4b:s7+s1] =	stream.linear.scatter [tilespmem:s4], [sflag:$0x2], $0x80, $0x38;
	[tilespmem:$0x1B000] =	vst v63  }
0x289: {  	s9 =	simm.s32 $0x3  }
0x28a: {  	_ =	swait.ge [sflag:s9], $0x1200  }
0x28b: {  	[sflag:s9] =	ssyncset.done $0x0  }
0x28c: {  	[sflag:s9] =	ssyncadd.s32 $0xFFFFEE00  }
0x28d: {  	v24 =	vld.idx.msk [tilespmem:v22+s1+$0x0], $0xffff  }
0x28e: {  	v23 =	vadd.s32 $0x20, v22  }
0x28f: {  	s4 =	simm.s32 $0x0  }
0x290: {  	s5 =	sand.u32 $0x70, s4;
	s6 =	sand.u32 $0x3F00, s4  }
0x291: {  	s5 =	sor.u32 s5, s6  }
0x292: {  	[tilespmem:s5+$0x18C80] =	vst v24  }
0x293: {  	s6 =	simm.s32 $0x20;
	s5 =	simm.s32 $0x10;
	v24 =	vld.idx.msk [tilespmem:v23+s1+$0x0], $0xffff  }
.LBB2_86:
0x294: {  	p0 =	sne.s32 s6, $0x11F0  }
0x295: {  	v23 =	vadd.s32 $0x20, v23  }
.Ltmp42:
0x296: {  	s4 =	sadd.s32 $0x20, s4;
	(pc) =	sbr.rel @p0 .LBB2_86-.Ltmp42, $4  }
0x297: {  	s7 =	sand.u32 $0x70, s5;
	s5 =	smov.u32 s6;
	s8 =	sand.u32 $0x3F00, s4  }
0x298: {  	s7 =	sor.u32 s7, s8  }
0x299: {  	[tilespmem:s7+$0x18C80] =	vst v24  }
0x29a: {  	s6 =	sadd.s32 $0x10, s6;
	v24 =	vld.idx.msk [tilespmem:v23+s1+$0x0], $0xffff  }
0x29b: {  	_ = 	snop  }
0x29c: {  	s4 =	sadd.s32 $0x20, s4  }
0x29d: {  	s5 =	sand.u32 $0x70, s5;
	s4 =	sand.u32 $0x3F00, s4  }
0x29e: {  	s7 =	sadd.s32 $0x0, s29;
	s5 =	sor.u32 s5, s4  }
0x29f: {  	s6 =	simm.s32 $0x18D80;
	s4 =	simm.s32 $0x18C80;
	[tilespmem:s5+$0x18C80] =	vst v24;
	s5 =	simm.s32 $0x80  }
.LBB2_88:
0x2a0: {  	[hbm4b:s7+s1] =	stream.linear.scatter [tilespmem:s4], [sflag:$0x3], $0x80, $0x38;
	[tilespmem:$0x1B000] =	vst v63  }
0x2a1: {  	s7 =	smov.u32 s5;
	s4 =	smov.u32 s6;
	p0 =	sne.s32 s5, $0x1180  }
.Ltmp43:
0x2a2: {  	s5 =	sadd.s32 $0x80, s5;
	(pc) =	sbr.rel @p0 .LBB2_88-.Ltmp43, $2  }
0x2a3: {  	_ =	sdelay $0x2  }
0x2a4: {  	s6 =	sadd.s32 $0x100, s6;
	s7 =	sadd.s32 s7, s29  }
0x2a5: {  	[hbm4b:s7+s1] =	stream.linear.scatter [tilespmem:s4], [sflag:$0x3], $0x80, $0x38;
	[tilespmem:$0x1B000] =	vst v63  }
0x2a6: {  	s8 =	simm.s32 $0x1  }
0x2a7: {  	v23 =	vmul.u32 $0x8, v0;
	_ =	swait.ge [sflag:s8], $0x9000  }
0x2a8: {  	[sflag:s8] =	ssyncset.done $0x0  }
0x2a9: {  	s9 =	simm.s32 $0x2;
	[sflag:s8] =	ssyncadd.s32 $0xFFFF7000  }
0x2aa: {  	_ =	swait.ge [sflag:s9], $0x1200  }
0x2ab: {  	[sflag:s9] =	ssyncset.done $0x0  }
0x2ac: {  	[sflag:s9] =	ssyncadd.s32 $0xFFFFEE00  }
0x2ad: {  	v25 =	vld.idx.msk [tilespmem:v23+s1+$0x0], $0xffff  }
0x2ae: {  	v24 =	vadd.s32 $0x80, v23  }
0x2af: {  	s4 =	simm.s32 $0x0  }
0x2b0: {  	s5 =	sand.u32 $0x70, s4;
	s6 =	sand.u32 $0x3F00, s4  }
0x2b1: {  	s5 =	sor.u32 s5, s6  }
0x2b2: {  	[tilespmem:s5+$0x18C00] =	vst v25  }
0x2b3: {  	s6 =	simm.s32 $0x20;
	s5 =	simm.s32 $0x10;
	v25 =	vld.idx.msk [tilespmem:v24+s1+$0x0], $0xffff  }
.LBB2_90:
0x2b4: {  	p0 =	sne.s32 s6, $0x11F0  }
0x2b5: {  	v24 =	vadd.s32 $0x80, v24  }
.Ltmp44:
0x2b6: {  	s4 =	sadd.s32 $0x20, s4;
	(pc) =	sbr.rel @p0 .LBB2_90-.Ltmp44, $4  }
0x2b7: {  	s7 =	sand.u32 $0x70, s5;
	s5 =	smov.u32 s6;
	s8 =	sand.u32 $0x3F00, s4  }
0x2b8: {  	s7 =	sor.u32 s7, s8  }
0x2b9: {  	[tilespmem:s7+$0x18C00] =	vst v25  }
0x2ba: {  	s6 =	sadd.s32 $0x10, s6;
	v25 =	vld.idx.msk [tilespmem:v24+s1+$0x0], $0xffff  }
0x2bb: {  	_ = 	snop  }
0x2bc: {  	s4 =	sadd.s32 $0x20, s4  }
0x2bd: {  	s5 =	sand.u32 $0x70, s5;
	s4 =	sand.u32 $0x3F00, s4  }
0x2be: {  	s7 =	sadd.s32 $0x0, s21;
	s5 =	sor.u32 s5, s4  }
0x2bf: {  	s6 =	simm.s32 $0x18D00;
	s4 =	simm.s32 $0x18C00;
	[tilespmem:s5+$0x18C00] =	vst v25;
	s5 =	simm.s32 $0x80  }
.LBB2_92:
0x2c0: {  	[hbm4b:s7+s1] =	stream.linear.scatter [tilespmem:s4], [sflag:$0x2], $0x80, $0x38;
	[tilespmem:$0x1B000] =	vst v63  }
0x2c1: {  	s7 =	smov.u32 s5;
	s4 =	smov.u32 s6;
	p0 =	sne.s32 s5, $0x1180  }
.Ltmp45:
0x2c2: {  	s5 =	sadd.s32 $0x80, s5;
	(pc) =	sbr.rel @p0 .LBB2_92-.Ltmp45, $2  }
0x2c3: {  	_ =	sdelay $0x2  }
0x2c4: {  	s6 =	sadd.s32 $0x100, s6;
	s7 =	sadd.s32 s7, s21  }
0x2c5: {  	v24 =	vor.u32 $0x1, v23;
	[hbm4b:s7+s1] =	stream.linear.scatter [tilespmem:s4], [sflag:$0x2], $0x80, $0x38;
	[tilespmem:$0x1B000] =	vst v63  }
0x2c6: {  	s9 =	simm.s32 $0x3  }
0x2c7: {  	_ =	swait.ge [sflag:s9], $0x1200  }
0x2c8: {  	[sflag:s9] =	ssyncset.done $0x0  }
0x2c9: {  	[sflag:s9] =	ssyncadd.s32 $0xFFFFEE00  }
0x2ca: {  	v25 =	vld.idx.msk [tilespmem:v24+s1+$0x0], $0xffff  }
0x2cb: {  	v24 =	vadd.s32 $0x80, v24  }
0x2cc: {  	s4 =	simm.s32 $0x0  }
0x2cd: {  	s5 =	sand.u32 $0x70, s4;
	s6 =	sand.u32 $0x3F00, s4  }
0x2ce: {  	s5 =	sor.u32 s5, s6  }
0x2cf: {  	[tilespmem:s5+$0x18C80] =	vst v25  }
0x2d0: {  	s6 =	simm.s32 $0x20;
	s5 =	simm.s32 $0x10;
	v25 =	vld.idx.msk [tilespmem:v24+s1+$0x0], $0xffff  }
.LBB2_94:
0x2d1: {  	p0 =	sne.s32 s6, $0x11F0  }
0x2d2: {  	v24 =	vadd.s32 $0x80, v24  }
.Ltmp46:
0x2d3: {  	s4 =	sadd.s32 $0x20, s4;
	(pc) =	sbr.rel @p0 .LBB2_94-.Ltmp46, $4  }
0x2d4: {  	s7 =	sand.u32 $0x70, s5;
	s5 =	smov.u32 s6;
	s8 =	sand.u32 $0x3F00, s4  }
0x2d5: {  	s7 =	sor.u32 s7, s8  }
0x2d6: {  	[tilespmem:s7+$0x18C80] =	vst v25  }
0x2d7: {  	s6 =	sadd.s32 $0x10, s6;
	v25 =	vld.idx.msk [tilespmem:v24+s1+$0x0], $0xffff  }
0x2d8: {  	_ = 	snop  }
0x2d9: {  	s4 =	sadd.s32 $0x20, s4  }
0x2da: {  	s5 =	sand.u32 $0x70, s5;
	s4 =	sand.u32 $0x3F00, s4  }
0x2db: {  	s7 =	sadd.s32 $0x0, s22;
	s5 =	sor.u32 s5, s4  }
0x2dc: {  	s6 =	simm.s32 $0x18D80;
	s4 =	simm.s32 $0x18C80;
	[tilespmem:s5+$0x18C80] =	vst v25;
	s5 =	simm.s32 $0x80  }
.LBB2_96:
0x2dd: {  	[hbm4b:s7+s1] =	stream.linear.scatter [tilespmem:s4], [sflag:$0x3], $0x80, $0x38;
	[tilespmem:$0x1B000] =	vst v63  }
0x2de: {  	s7 =	smov.u32 s5;
	s4 =	smov.u32 s6;
	p0 =	sne.s32 s5, $0x1180  }
.Ltmp47:
0x2df: {  	s5 =	sadd.s32 $0x80, s5;
	(pc) =	sbr.rel @p0 .LBB2_96-.Ltmp47, $2  }
0x2e0: {  	_ =	sdelay $0x2  }
0x2e1: {  	s6 =	sadd.s32 $0x100, s6;
	s7 =	sadd.s32 s7, s22  }
0x2e2: {  	v24 =	vor.u32 $0x2, v23;
	[hbm4b:s7+s1] =	stream.linear.scatter [tilespmem:s4], [sflag:$0x3], $0x80, $0x38;
	[tilespmem:$0x1B000] =	vst v63  }
0x2e3: {  	s9 =	simm.s32 $0x2  }
0x2e4: {  	_ =	swait.ge [sflag:s9], $0x1200  }
0x2e5: {  	[sflag:s9] =	ssyncset.done $0x0  }
0x2e6: {  	[sflag:s9] =	ssyncadd.s32 $0xFFFFEE00  }
0x2e7: {  	v25 =	vld.idx.msk [tilespmem:v24+s1+$0x0], $0xffff  }
0x2e8: {  	v24 =	vadd.s32 $0x80, v24  }
0x2e9: {  	s4 =	simm.s32 $0x0  }
0x2ea: {  	s5 =	sand.u32 $0x70, s4;
	s6 =	sand.u32 $0x3F00, s4  }
0x2eb: {  	s5 =	sor.u32 s5, s6  }
0x2ec: {  	[tilespmem:s5+$0x18C00] =	vst v25  }
0x2ed: {  	s6 =	simm.s32 $0x20;
	s5 =	simm.s32 $0x10;
	v25 =	vld.idx.msk [tilespmem:v24+s1+$0x0], $0xffff  }
.LBB2_98:
0x2ee: {  	p0 =	sne.s32 s6, $0x11F0  }
0x2ef: {  	v24 =	vadd.s32 $0x80, v24  }
.Ltmp48:
0x2f0: {  	s4 =	sadd.s32 $0x20, s4;
	(pc) =	sbr.rel @p0 .LBB2_98-.Ltmp48, $4  }
0x2f1: {  	s7 =	sand.u32 $0x70, s5;
	s5 =	smov.u32 s6;
	s8 =	sand.u32 $0x3F00, s4  }
0x2f2: {  	s7 =	sor.u32 s7, s8  }
0x2f3: {  	[tilespmem:s7+$0x18C00] =	vst v25  }
0x2f4: {  	s6 =	sadd.s32 $0x10, s6;
	v25 =	vld.idx.msk [tilespmem:v24+s1+$0x0], $0xffff  }
0x2f5: {  	_ = 	snop  }
0x2f6: {  	s4 =	sadd.s32 $0x20, s4  }
0x2f7: {  	s5 =	sand.u32 $0x70, s5;
	s4 =	sand.u32 $0x3F00, s4  }
0x2f8: {  	s7 =	sadd.s32 $0x0, s30;
	s5 =	sor.u32 s5, s4  }
0x2f9: {  	s6 =	simm.s32 $0x18D00;
	s4 =	simm.s32 $0x18C00;
	[tilespmem:s5+$0x18C00] =	vst v25;
	s5 =	simm.s32 $0x80  }
.LBB2_100:
0x2fa: {  	[hbm4b:s7+s1] =	stream.linear.scatter [tilespmem:s4], [sflag:$0x2], $0x80, $0x38;
	[tilespmem:$0x1B000] =	vst v63  }
0x2fb: {  	s7 =	smov.u32 s5;
	s4 =	smov.u32 s6;
	p0 =	sne.s32 s5, $0x1180  }
.Ltmp49:
0x2fc: {  	s5 =	sadd.s32 $0x80, s5;
	(pc) =	sbr.rel @p0 .LBB2_100-.Ltmp49, $2  }
0x2fd: {  	_ =	sdelay $0x2  }
0x2fe: {  	s6 =	sadd.s32 $0x100, s6;
	s7 =	sadd.s32 s7, s30  }
0x2ff: {  	v24 =	vor.u32 $0x3, v23;
	[hbm4b:s7+s1] =	stream.linear.scatter [tilespmem:s4], [sflag:$0x2], $0x80, $0x38;
	[tilespmem:$0x1B000] =	vst v63  }
0x300: {  	s9 =	simm.s32 $0x3  }
0x301: {  	_ =	swait.ge [sflag:s9], $0x1200  }
0x302: {  	[sflag:s9] =	ssyncset.done $0x0  }
0x303: {  	[sflag:s9] =	ssyncadd.s32 $0xFFFFEE00  }
0x304: {  	v25 =	vld.idx.msk [tilespmem:v24+s1+$0x0], $0xffff  }
0x305: {  	v24 =	vadd.s32 $0x80, v24  }
0x306: {  	s4 =	simm.s32 $0x0  }
0x307: {  	s5 =	sand.u32 $0x70, s4;
	s6 =	sand.u32 $0x3F00, s4  }
0x308: {  	s5 =	sor.u32 s5, s6  }
0x309: {  	[tilespmem:s5+$0x18C80] =	vst v25  }
0x30a: {  	s6 =	simm.s32 $0x20;
	s5 =	simm.s32 $0x10;
	v25 =	vld.idx.msk [tilespmem:v24+s1+$0x0], $0xffff  }
.LBB2_102:
0x30b: {  	p0 =	sne.s32 s6, $0x11F0  }
0x30c: {  	v24 =	vadd.s32 $0x80, v24  }
.Ltmp50:
0x30d: {  	s4 =	sadd.s32 $0x20, s4;
	(pc) =	sbr.rel @p0 .LBB2_102-.Ltmp50, $4  }
0x30e: {  	s7 =	sand.u32 $0x70, s5;
	s5 =	smov.u32 s6;
	s8 =	sand.u32 $0x3F00, s4  }
0x30f: {  	s7 =	sor.u32 s7, s8  }
0x310: {  	[tilespmem:s7+$0x18C80] =	vst v25  }
0x311: {  	s6 =	sadd.s32 $0x10, s6;
	v25 =	vld.idx.msk [tilespmem:v24+s1+$0x0], $0xffff  }
0x312: {  	_ = 	snop  }
0x313: {  	s4 =	sadd.s32 $0x20, s4  }
0x314: {  	s5 =	sand.u32 $0x70, s5;
	s4 =	sand.u32 $0x3F00, s4  }
0x315: {  	s7 =	sadd.s32 $0x0, s31;
	s5 =	sor.u32 s5, s4  }
0x316: {  	s6 =	simm.s32 $0x18D80;
	s4 =	simm.s32 $0x18C80;
	[tilespmem:s5+$0x18C80] =	vst v25;
	s5 =	simm.s32 $0x80  }
.LBB2_104:
0x317: {  	[hbm4b:s7+s1] =	stream.linear.scatter [tilespmem:s4], [sflag:$0x3], $0x80, $0x38;
	[tilespmem:$0x1B000] =	vst v63  }
0x318: {  	s7 =	smov.u32 s5;
	s4 =	smov.u32 s6;
	p0 =	sne.s32 s5, $0x1180  }
.Ltmp51:
0x319: {  	s5 =	sadd.s32 $0x80, s5;
	(pc) =	sbr.rel @p0 .LBB2_104-.Ltmp51, $2  }
0x31a: {  	_ =	sdelay $0x2  }
0x31b: {  	s6 =	sadd.s32 $0x100, s6;
	s7 =	sadd.s32 s7, s31  }
0x31c: {  	v24 =	vor.u32 $0x4, v23;
	[hbm4b:s7+s1] =	stream.linear.scatter [tilespmem:s4], [sflag:$0x3], $0x80, $0x38;
	[tilespmem:$0x1B000] =	vst v63  }
0x31d: {  	s9 =	simm.s32 $0x2  }
0x31e: {  	_ =	swait.ge [sflag:s9], $0x1200  }
0x31f: {  	[sflag:s9] =	ssyncset.done $0x0  }
0x320: {  	[sflag:s9] =	ssyncadd.s32 $0xFFFFEE00  }
0x321: {  	v25 =	vld.idx.msk [tilespmem:v24+s1+$0x0], $0xffff  }
0x322: {  	v24 =	vadd.s32 $0x80, v24  }
0x323: {  	s4 =	simm.s32 $0x0  }
0x324: {  	s5 =	sand.u32 $0x70, s4;
	s6 =	sand.u32 $0x3F00, s4  }
0x325: {  	s5 =	sor.u32 s5, s6  }
0x326: {  	[tilespmem:s5+$0x18C00] =	vst v25  }
0x327: {  	s6 =	simm.s32 $0x20;
	s5 =	simm.s32 $0x10;
	v25 =	vld.idx.msk [tilespmem:v24+s1+$0x0], $0xffff  }
.LBB2_106:
0x328: {  	p0 =	sne.s32 s6, $0x11F0  }
0x329: {  	v24 =	vadd.s32 $0x80, v24  }
.Ltmp52:
0x32a: {  	s4 =	sadd.s32 $0x20, s4;
	(pc) =	sbr.rel @p0 .LBB2_106-.Ltmp52, $4  }
0x32b: {  	s7 =	sand.u32 $0x70, s5;
	s5 =	smov.u32 s6;
	s8 =	sand.u32 $0x3F00, s4  }
0x32c: {  	s7 =	sor.u32 s7, s8  }
0x32d: {  	[tilespmem:s7+$0x18C00] =	vst v25  }
0x32e: {  	s6 =	sadd.s32 $0x10, s6;
	v25 =	vld.idx.msk [tilespmem:v24+s1+$0x0], $0xffff  }
0x32f: {  	_ = 	snop  }
0x330: {  	s4 =	sadd.s32 $0x20, s4  }
0x331: {  	s5 =	sand.u32 $0x70, s5;
	s4 =	sand.u32 $0x3F00, s4  }
0x332: {  	s7 =	sadd.s32 $0x0, s0;
	s5 =	sor.u32 s5, s4  }
0x333: {  	s6 =	simm.s32 $0x18D00;
	s4 =	simm.s32 $0x18C00;
	[tilespmem:s5+$0x18C00] =	vst v25;
	s5 =	simm.s32 $0x80  }
.LBB2_108:
0x334: {  	[hbm4b:s7+s1] =	stream.linear.scatter [tilespmem:s4], [sflag:$0x2], $0x80, $0x38;
	[tilespmem:$0x1B000] =	vst v63  }
0x335: {  	s7 =	smov.u32 s5;
	s4 =	smov.u32 s6;
	p0 =	sne.s32 s5, $0x1180  }
.Ltmp53:
0x336: {  	s5 =	sadd.s32 $0x80, s5;
	(pc) =	sbr.rel @p0 .LBB2_108-.Ltmp53, $2  }
0x337: {  	_ =	sdelay $0x2  }
0x338: {  	s6 =	sadd.s32 $0x100, s6;
	s7 =	sadd.s32 s7, s0  }
0x339: {  	v24 =	vor.u32 $0x5, v23;
	[hbm4b:s7+s1] =	stream.linear.scatter [tilespmem:s4], [sflag:$0x2], $0x80, $0x38;
	[tilespmem:$0x1B000] =	vst v63  }
0x33a: {  	s9 =	simm.s32 $0x3  }
0x33b: {  	_ =	swait.ge [sflag:s9], $0x1200  }
0x33c: {  	[sflag:s9] =	ssyncset.done $0x0  }
0x33d: {  	[sflag:s9] =	ssyncadd.s32 $0xFFFFEE00  }
0x33e: {  	v25 =	vld.idx.msk [tilespmem:v24+s1+$0x0], $0xffff  }
0x33f: {  	v24 =	vadd.s32 $0x80, v24  }
0x340: {  	s4 =	simm.s32 $0x0  }
0x341: {  	s5 =	sand.u32 $0x70, s4;
	s6 =	sand.u32 $0x3F00, s4  }
0x342: {  	s5 =	sor.u32 s5, s6  }
0x343: {  	[tilespmem:s5+$0x18C80] =	vst v25  }
0x344: {  	s6 =	simm.s32 $0x20;
	s5 =	simm.s32 $0x10;
	v25 =	vld.idx.msk [tilespmem:v24+s1+$0x0], $0xffff  }
.LBB2_110:
0x345: {  	p0 =	sne.s32 s6, $0x11F0  }
0x346: {  	v24 =	vadd.s32 $0x80, v24  }
.Ltmp54:
0x347: {  	s4 =	sadd.s32 $0x20, s4;
	(pc) =	sbr.rel @p0 .LBB2_110-.Ltmp54, $4  }
0x348: {  	s7 =	sand.u32 $0x70, s5;
	s5 =	smov.u32 s6;
	s8 =	sand.u32 $0x3F00, s4  }
0x349: {  	s7 =	sor.u32 s7, s8  }
0x34a: {  	[tilespmem:s7+$0x18C80] =	vst v25  }
0x34b: {  	s6 =	sadd.s32 $0x10, s6;
	v25 =	vld.idx.msk [tilespmem:v24+s1+$0x0], $0xffff  }
0x34c: {  	_ = 	snop  }
0x34d: {  	s4 =	sadd.s32 $0x20, s4  }
0x34e: {  	s5 =	sand.u32 $0x70, s5;
	s4 =	sand.u32 $0x3F00, s4  }
0x34f: {  	s7 =	sadd.s32 $0x0, s2;
	s5 =	sor.u32 s5, s4  }
0x350: {  	s6 =	simm.s32 $0x18D80;
	s4 =	simm.s32 $0x18C80;
	[tilespmem:s5+$0x18C80] =	vst v25;
	s5 =	simm.s32 $0x80  }
.LBB2_112:
0x351: {  	[hbm4b:s7+s1] =	stream.linear.scatter [tilespmem:s4], [sflag:$0x3], $0x80, $0x38;
	[tilespmem:$0x1B000] =	vst v63  }
0x352: {  	s7 =	smov.u32 s5;
	s4 =	smov.u32 s6;
	p0 =	sne.s32 s5, $0x1180  }
.Ltmp55:
0x353: {  	s5 =	sadd.s32 $0x80, s5;
	(pc) =	sbr.rel @p0 .LBB2_112-.Ltmp55, $2  }
0x354: {  	_ =	sdelay $0x2  }
0x355: {  	s6 =	sadd.s32 $0x100, s6;
	s7 =	sadd.s32 s7, s2  }
0x356: {  	v24 =	vor.u32 $0x6, v23;
	[hbm4b:s7+s1] =	stream.linear.scatter [tilespmem:s4], [sflag:$0x3], $0x80, $0x38;
	[tilespmem:$0x1B000] =	vst v63  }
0x357: {  	s9 =	simm.s32 $0x2  }
0x358: {  	_ =	swait.ge [sflag:s9], $0x1200  }
0x359: {  	[sflag:s9] =	ssyncset.done $0x0  }
0x35a: {  	[sflag:s9] =	ssyncadd.s32 $0xFFFFEE00  }
0x35b: {  	v25 =	vld.idx.msk [tilespmem:v24+s1+$0x0], $0xffff  }
0x35c: {  	v24 =	vadd.s32 $0x80, v24  }
0x35d: {  	s4 =	simm.s32 $0x0  }
0x35e: {  	s5 =	sand.u32 $0x70, s4;
	s6 =	sand.u32 $0x3F00, s4  }
0x35f: {  	s5 =	sor.u32 s5, s6  }
0x360: {  	[tilespmem:s5+$0x18C00] =	vst v25  }
0x361: {  	s6 =	simm.s32 $0x20;
	s5 =	simm.s32 $0x10;
	v25 =	vld.idx.msk [tilespmem:v24+s1+$0x0], $0xffff  }
.LBB2_114:
0x362: {  	p0 =	sne.s32 s6, $0x11F0  }
0x363: {  	v24 =	vadd.s32 $0x80, v24  }
.Ltmp56:
0x364: {  	s4 =	sadd.s32 $0x20, s4;
	(pc) =	sbr.rel @p0 .LBB2_114-.Ltmp56, $4  }
0x365: {  	s7 =	sand.u32 $0x70, s5;
	s5 =	smov.u32 s6;
	s8 =	sand.u32 $0x3F00, s4  }
0x366: {  	s7 =	sor.u32 s7, s8  }
0x367: {  	[tilespmem:s7+$0x18C00] =	vst v25  }
0x368: {  	s6 =	sadd.s32 $0x10, s6;
	v25 =	vld.idx.msk [tilespmem:v24+s1+$0x0], $0xffff  }
0x369: {  	_ = 	snop  }
0x36a: {  	s4 =	sadd.s32 $0x20, s4  }
0x36b: {  	s5 =	sand.u32 $0x70, s5;
	s4 =	sand.u32 $0x3F00, s4  }
0x36c: {  	s7 =	sadd.s32 $0x0, s3;
	s5 =	sor.u32 s5, s4  }
0x36d: {  	s6 =	simm.s32 $0x18D00;
	s4 =	simm.s32 $0x18C00;
	[tilespmem:s5+$0x18C00] =	vst v25;
	s5 =	simm.s32 $0x80  }
.LBB2_116:
0x36e: {  	[hbm4b:s7+s1] =	stream.linear.scatter [tilespmem:s4], [sflag:$0x2], $0x80, $0x38;
	[tilespmem:$0x1B000] =	vst v63  }
0x36f: {  	s7 =	smov.u32 s5;
	s4 =	smov.u32 s6;
	p0 =	sne.s32 s5, $0x1180  }
.Ltmp57:
0x370: {  	s5 =	sadd.s32 $0x80, s5;
	(pc) =	sbr.rel @p0 .LBB2_116-.Ltmp57, $2  }
0x371: {  	_ =	sdelay $0x2  }
0x372: {  	s6 =	sadd.s32 $0x100, s6;
	s7 =	sadd.s32 s7, s3  }
0x373: {  	v23 =	vor.u32 $0x7, v23;
	[hbm4b:s7+s1] =	stream.linear.scatter [tilespmem:s4], [sflag:$0x2], $0x80, $0x38;
	[tilespmem:$0x1B000] =	vst v63  }
0x374: {  	s9 =	simm.s32 $0x3  }
0x375: {  	_ =	swait.ge [sflag:s9], $0x1200  }
0x376: {  	[sflag:s9] =	ssyncset.done $0x0  }
0x377: {  	[sflag:s9] =	ssyncadd.s32 $0xFFFFEE00  }
0x378: {  	v24 =	vld.idx.msk [tilespmem:v23+s1+$0x0], $0xffff  }
0x379: {  	v23 =	vadd.s32 $0x80, v23  }
0x37a: {  	s4 =	simm.s32 $0x0  }
0x37b: {  	s5 =	sand.u32 $0x70, s4;
	s6 =	sand.u32 $0x3F00, s4  }
0x37c: {  	s5 =	sor.u32 s5, s6  }
0x37d: {  	[tilespmem:s5+$0x18C80] =	vst v24  }
0x37e: {  	s6 =	simm.s32 $0x20;
	s5 =	simm.s32 $0x10;
	v24 =	vld.idx.msk [tilespmem:v23+s1+$0x0], $0xffff  }
.LBB2_118:
0x37f: {  	p0 =	sne.s32 s6, $0x11F0  }
0x380: {  	v23 =	vadd.s32 $0x80, v23  }
.Ltmp58:
0x381: {  	s4 =	sadd.s32 $0x20, s4;
	(pc) =	sbr.rel @p0 .LBB2_118-.Ltmp58, $4  }
0x382: {  	s7 =	sand.u32 $0x70, s5;
	s5 =	smov.u32 s6;
	s8 =	sand.u32 $0x3F00, s4  }
0x383: {  	s7 =	sor.u32 s7, s8  }
0x384: {  	[tilespmem:s7+$0x18C80] =	vst v24  }
0x385: {  	s6 =	sadd.s32 $0x10, s6;
	v24 =	vld.idx.msk [tilespmem:v23+s1+$0x0], $0xffff  }
0x386: {  	_ = 	snop  }
0x387: {  	s4 =	sadd.s32 $0x20, s4  }
0x388: {  	s5 =	sand.u32 $0x70, s5;
	s4 =	sand.u32 $0x3F00, s4  }
0x389: {  	s7 =	sadd.s32 $0x0, s12;
	s5 =	sor.u32 s5, s4  }
0x38a: {  	s6 =	simm.s32 $0x18D80;
	s4 =	simm.s32 $0x18C80;
	[tilespmem:s5+$0x18C80] =	vst v24;
	s5 =	simm.s32 $0x80  }
.LBB2_120:
0x38b: {  	[hbm4b:s7+s1] =	stream.linear.scatter [tilespmem:s4], [sflag:$0x3], $0x80, $0x38;
	[tilespmem:$0x1B000] =	vst v63  }
0x38c: {  	s7 =	smov.u32 s5;
	s4 =	smov.u32 s6;
	p0 =	sne.s32 s5, $0x1180  }
.Ltmp59:
0x38d: {  	s5 =	sadd.s32 $0x80, s5;
	(pc) =	sbr.rel @p0 .LBB2_120-.Ltmp59, $2  }
0x38e: {  	_ =	sdelay $0x2  }
0x38f: {  	s6 =	sadd.s32 $0x100, s6;
	s7 =	sadd.s32 s7, s12  }
0x390: {  	[hbm4b:s7+s1] =	stream.linear.scatter [tilespmem:s4], [sflag:$0x3], $0x80, $0x38;
	[tilespmem:$0x1B000] =	vst v63  }
0x391: {  	s8 =	simm.s32 $0x2  }
0x392: {  	_ =	swait.ge [sflag:s8], $0x1200  }
0x393: {  	[sflag:s8] =	ssyncset.done $0x0  }
0x394: {  	s5 =	simm.s32 $0x3;
	[sflag:s8] =	ssyncadd.s32 $0xFFFFEE00  }
0x395: {  	_ =	swait.ge [sflag:s5], $0x1200  }
0x396: {  	s6 =	rddreg [dreg:$0xd]  }
0x397: {  	s9 =	rddreg [dreg:$0xc];
	s6 =	sadd.s32 $0x1, s6  }
0x398: {  	p0 =	sne.s32 s6, s9  }
.Ltmp60:
0x399: {  	_ = 	snop;
	(pc) =	sbr.rel @p0 .LBB2_1-.Ltmp60, $3  }
0x39a: {  	_ =	sdelay $0x1  }
0x39b: {  	[sflag:s5] =	ssyncset.done $0x0  }
0x39c: {  	[sflag:s5] =	ssyncadd.s32 $0xFFFFEE00  }
0x39d: {  	_ =	sfence.sel $0x180000  }
0x39e: {  	[bflag:$0x0] =	sbarrier.arrive $0xFFFF  }
0x39f: {  	_ =	strace $0x90000047  }
0x3a0: {  	s0 =	stileid.u32;
	[bflag:$0x2] =	sbarrier.arrive $0xFFFF  }
0x3a1: {  	p0 =	sne.s32 s0, $0x0;
	s0 =	rddreg [dreg:$0x2]  }
0x3a2: {  	s0 =	sadd.s32 @!p0 $0x100000, s0  }
0x3a3: {  	[sflag:s0] =	ssyncadd.tile.s32 @!p0 $0x1;
	_ =	shalt  }
.Lfunc_end2:
_tile_overlayer_lowered:
.L_overlay_start_2:
0x3a4: {  	(tag) =	ssettag $0x2  }
0x3a5: {  	s0 =	rddreg [dreg:$0x0];
	s2 =	stileid.u32  }
0x3a6: {  	s1 =	rddreg [dreg:$0x1];
	p0 =	sne.s32 s2, $0x0  }
0x3a7: {  	s3 =	rddreg [dreg:$0x2];
	[bflag:$0x3] =	sbarrier.arrive $0xFFFF;
	s2 =	simm.s32 @!p0 $0x1C04  }
0x3a8: {  	[timem:s3], [sflag:s2] =	dma.local @!p0 [hbm:s0], s1  }
0x3a9: {  	s0 =	simm.s32 @!p0 $0x4  }
0x3aa: {  	_ =	swait.ge @!p0 [sflag:s0], s1  }
0x3ab: {  	s1 =	ssub.s32 @!p0 $0x0, s1;
	[sflag:s0] =	ssyncset.done @!p0 $0x0  }
0x3ac: {  	[sflag:s0] =	ssyncadd.s32 @!p0 s1  }
0x3ad: {  	[bflag:$0x3] =	sbarrier.arrive $0xFFFF  }
0x3ae: {  	_ =	shalt  }

</sc_bundles>
